<compile_context>
chip_gen: v7x
topology: tpu7x:2x2x1
jax: 0.10.2.dev20260603
libtpu: 0.0.44.dev20260713+nightly
codegen_flags: <defaults>
</compile_context>

<pallas_src>
import functools

import jax
import jax.numpy as jnp
from jax import lax
from jax.experimental import pallas as pl
from jax.experimental.pallas import tpu as pltpu
from jax.experimental.pallas import tpu_sc as plsc

N = 320000
C = 128
H = 256
B = 10000

NC = 2
NS = 16
CH = C // NC
ROWS_PER_SUB = N // NS
TROWS = 125
NTILES = ROWS_PER_SUB // TROWS
SEG_PER_SUB = B // NS
SEG_SLICES = [(g0, min(TROWS, SEG_PER_SUB - g0))
              for g0 in range(0, SEG_PER_SUB, TROWS)]
KV = CH // 16
RING = 3
GROUPS = NTILES // RING + 1


def _sc_pool(mask, prediction, idx3):
    mesh = plsc.VectorSubcoreMesh(core_axis_name="c", subcore_axis_name="s")

    @functools.partial(
        pl.kernel,
        mesh=mesh,
        compiler_params=pltpu.CompilerParams(use_tc_tiling_on_sc=False),
        out_type=jax.ShapeDtypeStruct((B, C), jnp.float32),
        scratch_types=(
            [pltpu.VMEM((TROWS, C), jnp.float32)] * RING
            + [pltpu.VMEM((1, TROWS), jnp.int32)] * RING
            + [pltpu.SemaphoreType.DMA] * (2 * RING)
            + [pltpu.VMEM_SHARED((B, C), jnp.float32)]
        ),
    )
    def pool(mask_hbm, pred_hbm, idx_hbm, gp_hbm, *refs):
        ews = refs[:RING]
        ixs = refs[RING:2 * RING]
        ins = refs[2 * RING:3 * RING]
        scs = refs[3 * RING:4 * RING]
        acc_sh = refs[4 * RING]
        ew0 = ews[0]
        c = lax.axis_index("c")
        s = lax.axis_index("s")
        col0 = c * CH
        row_base = s * ROWS_PER_SUB
        seg_base = s * SEG_PER_SUB

        def start_in(j, p):
            r0 = row_base + j * TROWS
            pltpu.async_copy(mask_hbm.at[pl.ds(r0, TROWS), pl.ds(col0, CH)],
                             ews[p].at[pl.ds(0, TROWS), pl.ds(0, CH)], ins[p])
            pltpu.async_copy(pred_hbm.at[pl.ds(r0, TROWS), pl.ds(col0, CH)],
                             ews[p].at[pl.ds(0, TROWS), pl.ds(CH, CH)], ins[p])
            pltpu.async_copy(idx_hbm.at[s, pl.ds(j, 1), :], ixs[p], ins[p])

        def wait_in(p):
            pltpu.make_async_copy(
                mask_hbm.at[pl.ds(0, TROWS), pl.ds(0, CH)],
                ews[p].at[pl.ds(0, TROWS), pl.ds(0, CH)], ins[p]).wait()
            pltpu.make_async_copy(
                mask_hbm.at[pl.ds(0, TROWS), pl.ds(0, CH)],
                ews[p].at[pl.ds(0, TROWS), pl.ds(CH, CH)], ins[p]).wait()
            pltpu.make_async_copy(idx_hbm.at[0, pl.ds(0, 1), :],
                                  ixs[p], ins[p]).wait()

        def compute(p):
            buf = ews[p]

            @plsc.parallel_loop(0, TROWS, unroll=5)
            def _(r):
                for k in range(KV):
                    sl = pl.ds(k * 16, 16)
                    sw = pl.ds(CH + k * 16, 16)
                    e = jnp.exp(buf[r, sl])
                    buf[r, sl] = e
                    buf[r, sw] = e * buf[r, sw]

        def wait_scatter(p):
            pltpu.make_async_copy(ews[p], acc_sh.at[ixs[p].at[0]],
                                  scs[p]).wait()

        def zrow(r, carry):
            for k in range(C // 16):
                ew0[r, pl.ds(k * 16, 16)] = jnp.zeros((16,), jnp.float32)
            return carry
        lax.fori_loop(0, TROWS, zrow, 0)
        for g0r, sz in SEG_SLICES:
            pltpu.sync_copy(ew0.at[pl.ds(0, sz), :],
                            acc_sh.at[pl.ds(seg_base + g0r, sz), :])
        plsc.subcore_barrier()

        start_in(0, 0)
        start_in(1, 1)

        def group(jt, carry):
            for p in range(RING):
                j = jt * RING + p

                @pl.when(j < NTILES)
                def _():
                    wait_in(p)
                    compute(p)
                    pltpu.async_copy(ews[p], acc_sh.at[ixs[p].at[0]],
                                     scs[p], add=True)

                @pl.when(jnp.logical_and(j >= 1, j <= NTILES))
                def _():
                    wait_scatter((p + RING - 1) % RING)

                @pl.when(j + 2 < NTILES)
                def _():
                    start_in(j + 2, (p + 2) % RING)
            return carry
        lax.fori_loop(0, GROUPS, group, 0)

        plsc.subcore_barrier()

        for g0r, sz in SEG_SLICES:
            g0 = seg_base + g0r
            pltpu.sync_copy(acc_sh.at[pl.ds(g0, sz), :],
                            ew0.at[pl.ds(0, sz), :])

            @plsc.parallel_loop(0, sz, unroll=5)
            def _(r):
                for k in range(KV):
                    sl = pl.ds(k * 16, 16)
                    sw = pl.ds(CH + k * 16, 16)
                    d = ew0[r, sl]
                    nu = ew0[r, sw]
                    ew0[r, sl] = jnp.where(d > 0.0, nu / d,
                                           jnp.zeros((16,), jnp.float32))
            pltpu.sync_copy(ew0.at[pl.ds(0, sz), pl.ds(0, CH)],
                            gp_hbm.at[pl.ds(g0, sz), pl.ds(col0, CH)])

    return pool(mask, prediction, idx3)


def _tc_heads(gp, w1t, b1r, wqt, bqtr):
    BLK = 2000

    def body(gp_ref, w1t_ref, b1_ref, wqt_ref, bqt_ref, out_ref):
        h = jnp.dot(gp_ref[...], w1t_ref[...],
                    preferred_element_type=jnp.float32) + b1_ref[...]
        qt = jnp.dot(h, wqt_ref[...],
                     preferred_element_type=jnp.float32) + bqt_ref[...]
        lane = lax.broadcasted_iota(jnp.int32, (BLK, C), 1)
        qm = lane < 4
        s2 = jnp.sum(jnp.where(qm, qt * qt, 0.0), axis=1, keepdims=True)
        norm = jnp.sqrt(s2 + 1e-10) + 1e-10
        out_ref[...] = jnp.where(qm, qt / norm, qt)

    return pl.pallas_call(
        body,
        grid=(B // BLK,),
        in_specs=[
            pl.BlockSpec((BLK, C), lambda i: (i, 0)),
            pl.BlockSpec((C, H), lambda i: (0, 0)),
            pl.BlockSpec((1, H), lambda i: (0, 0)),
            pl.BlockSpec((H, C), lambda i: (0, 0)),
            pl.BlockSpec((1, C), lambda i: (0, 0)),
        ],
        out_specs=pl.BlockSpec((BLK, C), lambda i: (i, 0)),
        out_shape=jax.ShapeDtypeStruct((B, C), jnp.float32),
    )(gp, w1t, b1r, wqt, bqtr)


def kernel(prediction, mask, batch_info, W1, b1, Wq, bq, Wt, bt):
    idx3 = batch_info.astype(jnp.int32).reshape(NS, NTILES, TROWS)
    gp = _sc_pool(mask, prediction, idx3)
    wqt = (jnp.zeros((H, C), jnp.float32)
           .at[:, :4].set(Wq.T).at[:, 4:7].set(Wt.T))
    bqt = jnp.zeros((C,), jnp.float32).at[:4].set(bq).at[4:7].set(bt)
    out = _tc_heads(gp, W1.T, b1.reshape(1, H), wqt, bqt.reshape(1, C))
    return out[:, :4], out[:, 4:7]

# --- scband reference (transcript-rebuilt; emitter-appended) ---
"""Pipeline reference for scband-pose-head-42219528520129 (READ-ONLY COPY).

The authoritative reference and input builder live on the scoring server;
editing this copy changes nothing except your own understanding.
"""

import jax, jax.numpy as jnp
import numpy as np

N = 320000
C = 128
H = 256
B = 10000
Q_DIM = 4
T_DIM = 3


def setup_inputs(seed: int = 0) -> dict:
    key = jax.random.key(seed)
    ks = jax.random.split(key, 9)
    prediction = jax.random.normal(ks[0], (N, C), dtype=jnp.float32)
    mask = jax.random.normal(ks[1], (N, C), dtype=jnp.float32)
    batch_info = jnp.sort(jax.random.randint(ks[2], (N,), 0, B)).astype(jnp.int32)
    # hidden_layer: MLP1d(bn=False) -> Linear(C, H, bias=True), Identity bn/relu
    W1 = jax.random.normal(ks[3], (H, C), dtype=jnp.float32) * 0.05
    b1 = jax.random.normal(ks[4], (H,), dtype=jnp.float32) * 0.01
    # quat_head: Linear(H, 4, bias=True)
    Wq = jax.random.normal(ks[5], (Q_DIM, H), dtype=jnp.float32) * 0.05
    bq = jax.random.normal(ks[6], (Q_DIM,), dtype=jnp.float32) * 0.01
    # trans_head: Linear(H, 3, bias=True)
    Wt = jax.random.normal(ks[7], (T_DIM, H), dtype=jnp.float32) * 0.05
    bt = jax.random.normal(ks[8], (T_DIM,), dtype=jnp.float32) * 0.01
    return {
        'prediction': prediction,
        'mask': mask,
        'batch_info': batch_info,
        'W1': W1, 'b1': b1,
        'Wq': Wq, 'bq': bq,
        'Wt': Wt, 'bt': bt,
    }


def reference(prediction, mask, batch_info, W1, b1, Wq, bq, Wt, bt):
    seg = batch_info.astype(jnp.int32)
    # scatter_softmax along dim 0 per segment (max-subtraction for stability; max detached as in torch_scatter)
    seg_max = jax.ops.segment_max(mask, seg, num_segments=B)
    seg_max = jax.lax.stop_gradient(seg_max)
    e = jnp.exp(mask - seg_max[seg])
    denom = jax.ops.segment_sum(e, seg, num_segments=B)
    soft = e / denom[seg]
    # scatter_sum of (softmax_mask * prediction)
    global_prediction = jax.ops.segment_sum(soft * prediction, seg, num_segments=B)
    # MLP heads (Dropout is Identity at inference; MLP1d(bn=False) is pure Linear)
    hidden_feature = global_prediction @ W1.T + b1
    q = hidden_feature @ Wq.T + bq
    t = hidden_feature @ Wt.T + bt
    q = q / (jnp.sqrt(jnp.sum(q * q, axis=-1, keepdims=True) + 1e-10) + 1e-10)
    return (q, t)

if __name__ == "__main__":
    import jax
    _d = setup_inputs()
    print(jax.jit(kernel)(*tuple(_d.values())))

</pallas_src>

<mosaic_0001>
#map = affine_map<(d0, d1) -> (0, 0)>
#map1 = affine_map<(d0, d1) -> (0, 0, 0)>
module attributes {stable_mosaic.version = 14 : i64} {
  func.func @pool(%arg0: i32, %arg1: i32, %arg2: memref<320000x128xf32, #tpu.memory_space<hbm>>, %arg3: memref<320000x128xf32, #tpu.memory_space<hbm>>, %arg4: memref<16x160x125xi32, #tpu.memory_space<hbm>>, %arg5: memref<10000x128xf32, #tpu.memory_space<hbm>>, %arg6: memref<125x128xf32, #tpu.memory_space<vmem>>, %arg7: memref<125x128xf32, #tpu.memory_space<vmem>>, %arg8: memref<125x128xf32, #tpu.memory_space<vmem>>, %arg9: memref<1x125xi32, #tpu.memory_space<vmem>>, %arg10: memref<1x125xi32, #tpu.memory_space<vmem>>, %arg11: memref<1x125xi32, #tpu.memory_space<vmem>>, %arg12: memref<!tpu.dma_semaphore, #tpu.memory_space<semaphore_mem>>, %arg13: memref<!tpu.dma_semaphore, #tpu.memory_space<semaphore_mem>>, %arg14: memref<!tpu.dma_semaphore, #tpu.memory_space<semaphore_mem>>, %arg15: memref<!tpu.dma_semaphore, #tpu.memory_space<semaphore_mem>>, %arg16: memref<!tpu.dma_semaphore, #tpu.memory_space<semaphore_mem>>, %arg17: memref<!tpu.dma_semaphore, #tpu.memory_space<semaphore_mem>>, %arg18: memref<10000x128xf32, #tpu.memory_space<vmem_shared>>) attributes {dimension_semantics = [#tpu.dimension_semantics<core_parallel>, #tpu.dimension_semantics<subcore_parallel>], iteration_bounds = array<i64: 2, 16>, scalar_prefetch = 0 : i64, scratch_operands = 13 : i64, tpu.core_type = #tpu.core_type<sc_vector_subcore>, window_params = [{transform_indices = #map}, {transform_indices = #map}, {transform_indices = #map1}, {transform_indices = #map}]} {
    %mul3A = arith.constant 64 : i32
    %mul3A_0 = arith.muli %arg0, %mul3A : i32
    %mul3A_1 = arith.constant 20000 : i32
    %mul3A_2 = arith.muli %arg1, %mul3A_1 : i32
    %mul3A_3 = arith.constant 625 : i32
    %mul3A_4 = arith.muli %arg1, %mul3A_3 : i32
    %scan3A = arith.constant 0 : i32
    %scan3A_5 = arith.constant 0 : i32
    %scan3A_6 = arith.constant 125 : i32
    %scan3A_7 = arith.addi %scan3A_5, %scan3A_6 : i32
    %scan3A_8 = arith.constant 1 : i32
    scf.for %scan3A_101 = %scan3A_5 to %scan3A_7 step %scan3A_8  : i32 {
      %broadcast_in_dim3A = arith.constant 0.000000e+00 : f32
      %broadcast_in_dim3A_102 = vector.broadcast %broadcast_in_dim3A : f32 to vector<16xf32>
      %swap3A = arith.index_cast %scan3A_101 : i32 to index
      %swap3A_103 = arith.constant 0 : index
      %swap3A_104 = tpu.vector_load %arg6[%swap3A, %swap3A_103] {strides = array<i32>} : memref<125x128xf32, #tpu.memory_space<vmem>>, vector<1x16xf32>,
      %swap3A_105 = vector.shape_cast %swap3A_104 : vector<1x16xf32> to vector<16xf32>
      %swap3A_106 = vector.shape_cast %broadcast_in_dim3A_102 : vector<16xf32> to vector<1x16xf32>
      tpu.vector_store %arg6[%swap3A, %swap3A_103], %swap3A_106 {strides = array<i32>} : memref<125x128xf32, #tpu.memory_space<vmem>>, vector<1x16xf32>,
      %broadcast_in_dim3A_107 = arith.constant 0.000000e+00 : f32
      %broadcast_in_dim3A_108 = vector.broadcast %broadcast_in_dim3A_107 : f32 to vector<16xf32>
      %swap3A_109 = arith.index_cast %scan3A_101 : i32 to index
      %swap3A_110 = arith.constant 16 : index
      %swap3A_111 = tpu.vector_load %arg6[%swap3A_109, %swap3A_110] {strides = array<i32>} : memref<125x128xf32, #tpu.memory_space<vmem>>, vector<1x16xf32>,
      %swap3A_112 = vector.shape_cast %swap3A_111 : vector<1x16xf32> to vector<16xf32>
      %swap3A_113 = vector.shape_cast %broadcast_in_dim3A_108 : vector<16xf32> to vector<1x16xf32>
      tpu.vector_store %arg6[%swap3A_109, %swap3A_110], %swap3A_113 {strides = array<i32>} : memref<125x128xf32, #tpu.memory_space<vmem>>, vector<1x16xf32>,
      %broadcast_in_dim3A_114 = arith.constant 0.000000e+00 : f32
      %broadcast_in_dim3A_115 = vector.broadcast %broadcast_in_dim3A_114 : f32 to vector<16xf32>
      %swap3A_116 = arith.index_cast %scan3A_101 : i32 to index
      %swap3A_117 = arith.constant 32 : index
      %swap3A_118 = tpu.vector_load %arg6[%swap3A_116, %swap3A_117] {strides = array<i32>} : memref<125x128xf32, #tpu.memory_space<vmem>>, vector<1x16xf32>,
      %swap3A_119 = vector.shape_cast %swap3A_118 : vector<1x16xf32> to vector<16xf32>
      %swap3A_120 = vector.shape_cast %broadcast_in_dim3A_115 : vector<16xf32> to vector<1x16xf32>
      tpu.vector_store %arg6[%swap3A_116, %swap3A_117], %swap3A_120 {strides = array<i32>} : memref<125x128xf32, #tpu.memory_space<vmem>>, vector<1x16xf32>,
      %broadcast_in_dim3A_121 = arith.constant 0.000000e+00 : f32
      %broadcast_in_dim3A_122 = vector.broadcast %broadcast_in_dim3A_121 : f32 to vector<16xf32>
      %swap3A_123 = arith.index_cast %scan3A_101 : i32 to index
      %swap3A_124 = arith.constant 48 : index
      %swap3A_125 = tpu.vector_load %arg6[%swap3A_123, %swap3A_124] {strides = array<i32>} : memref<125x128xf32, #tpu.memory_space<vmem>>, vector<1x16xf32>,
      %swap3A_126 = vector.shape_cast %swap3A_125 : vector<1x16xf32> to vector<16xf32>
      %swap3A_127 = vector.shape_cast %broadcast_in_dim3A_122 : vector<16xf32> to vector<1x16xf32>
      tpu.vector_store %arg6[%swap3A_123, %swap3A_124], %swap3A_127 {strides = array<i32>} : memref<125x128xf32, #tpu.memory_space<vmem>>, vector<1x16xf32>,
      %broadcast_in_dim3A_128 = arith.constant 0.000000e+00 : f32
      %broadcast_in_dim3A_129 = vector.broadcast %broadcast_in_dim3A_128 : f32 to vector<16xf32>
      %swap3A_130 = arith.index_cast %scan3A_101 : i32 to index
      %swap3A_131 = arith.constant 64 : index
      %swap3A_132 = tpu.vector_load %arg6[%swap3A_130, %swap3A_131] {strides = array<i32>} : memref<125x128xf32, #tpu.memory_space<vmem>>, vector<1x16xf32>,
      %swap3A_133 = vector.shape_cast %swap3A_132 : vector<1x16xf32> to vector<16xf32>
      %swap3A_134 = vector.shape_cast %broadcast_in_dim3A_129 : vector<16xf32> to vector<1x16xf32>
      tpu.vector_store %arg6[%swap3A_130, %swap3A_131], %swap3A_134 {strides = array<i32>} : memref<125x128xf32, #tpu.memory_space<vmem>>, vector<1x16xf32>,
      %broadcast_in_dim3A_135 = arith.constant 0.000000e+00 : f32
      %broadcast_in_dim3A_136 = vector.broadcast %broadcast_in_dim3A_135 : f32 to vector<16xf32>
      %swap3A_137 = arith.index_cast %scan3A_101 : i32 to index
      %swap3A_138 = arith.constant 80 : index
      %swap3A_139 = tpu.vector_load %arg6[%swap3A_137, %swap3A_138] {strides = array<i32>} : memref<125x128xf32, #tpu.memory_space<vmem>>, vector<1x16xf32>,
      %swap3A_140 = vector.shape_cast %swap3A_139 : vector<1x16xf32> to vector<16xf32>
      %swap3A_141 = vector.shape_cast %broadcast_in_dim3A_136 : vector<16xf32> to vector<1x16xf32>
      tpu.vector_store %arg6[%swap3A_137, %swap3A_138], %swap3A_141 {strides = array<i32>} : memref<125x128xf32, #tpu.memory_space<vmem>>, vector<1x16xf32>,
      %broadcast_in_dim3A_142 = arith.constant 0.000000e+00 : f32
      %broadcast_in_dim3A_143 = vector.broadcast %broadcast_in_dim3A_142 : f32 to vector<16xf32>
      %swap3A_144 = arith.index_cast %scan3A_101 : i32 to index
      %swap3A_145 = arith.constant 96 : index
      %swap3A_146 = tpu.vector_load %arg6[%swap3A_144, %swap3A_145] {strides = array<i32>} : memref<125x128xf32, #tpu.memory_space<vmem>>, vector<1x16xf32>,
      %swap3A_147 = vector.shape_cast %swap3A_146 : vector<1x16xf32> to vector<16xf32>
      %swap3A_148 = vector.shape_cast %broadcast_in_dim3A_143 : vector<16xf32> to vector<1x16xf32>
      tpu.vector_store %arg6[%swap3A_144, %swap3A_145], %swap3A_148 {strides = array<i32>} : memref<125x128xf32, #tpu.memory_space<vmem>>, vector<1x16xf32>,
      %broadcast_in_dim3A_149 = arith.constant 0.000000e+00 : f32
      %broadcast_in_dim3A_150 = vector.broadcast %broadcast_in_dim3A_149 : f32 to vector<16xf32>
      %swap3A_151 = arith.index_cast %scan3A_101 : i32 to index
      %swap3A_152 = arith.constant 112 : index
      %swap3A_153 = tpu.vector_load %arg6[%swap3A_151, %swap3A_152] {strides = array<i32>} : memref<125x128xf32, #tpu.memory_space<vmem>>, vector<1x16xf32>,
      %swap3A_154 = vector.shape_cast %swap3A_153 : vector<1x16xf32> to vector<16xf32>
      %swap3A_155 = vector.shape_cast %broadcast_in_dim3A_150 : vector<16xf32> to vector<1x16xf32>
      tpu.vector_store %arg6[%swap3A_151, %swap3A_152], %swap3A_155 {strides = array<i32>} : memref<125x128xf32, #tpu.memory_space<vmem>>, vector<1x16xf32>,
    }
    %scan3A_9 = arith.constant 125 : i32
    %add3A = arith.constant 0 : i32
    %add3A_10 = arith.addi %mul3A_4, %add3A : i32
    "tpu.region"() ({
      %run_scoped3A = tpu.sem_alloc : memref<!tpu.dma_semaphore, #tpu.memory_space<semaphore_mem>>
      %dma_start3A_101 = arith.constant 0 : i32
      %dma_start3A_102 = arith.constant 0 : i32
      %dma_start3A_103 = tpu.memref_slice %arg6[%dma_start3A_101, %dma_start3A_102] : memref<125x128xf32, #tpu.memory_space<vmem>> -> memref<125x128xf32, #tpu.memory_space<vmem>>
      %dma_start3A_104 = arith.constant 0 : i32
      %dma_start3A_105 = tpu.memref_slice %arg18[%add3A_10, %dma_start3A_104] : memref<10000x128xf32, #tpu.memory_space<vmem_shared>> -> memref<125x128xf32, #tpu.memory_space<vmem_shared>>
      %dma_start3A_106 = arith.constant 0 : i32
      %dma_start3A_107 = tpu.memref_slice %arg18[%add3A_10, %dma_start3A_106] : memref<10000x128xf32, #tpu.memory_space<vmem_shared>> -> memref<125x128xf32, #tpu.memory_space<vmem_shared>>
      %dma_start3A_108 = arith.constant 0 : i32
      %dma_start3A_109 = arith.constant 0 : i32
      %dma_start3A_110 = tpu.memref_slice %arg6[%dma_start3A_108, %dma_start3A_109] : memref<125x128xf32, #tpu.memory_space<vmem>> -> memref<125x128xf32, #tpu.memory_space<vmem>>
      tpu.enqueue_dma source(%dma_start3A_110 : memref<125x128xf32, #tpu.memory_space<vmem>>) target(%dma_start3A_107 : memref<125x128xf32, #tpu.memory_space<vmem_shared>>) target_semaphore(%run_scoped3A : memref<!tpu.dma_semaphore, #tpu.memory_space<semaphore_mem>>)
      %dma_wait3A = arith.constant 0 : i32
      %dma_wait3A_111 = arith.constant 0 : i32
      %dma_wait3A_112 = tpu.memref_slice %arg6[%dma_wait3A, %dma_wait3A_111] : memref<125x128xf32, #tpu.memory_space<vmem>> -> memref<125x128xf32, #tpu.memory_space<vmem>>
      %dma_wait3A_113 = arith.constant 0 : i32
      %dma_wait3A_114 = tpu.memref_slice %arg18[%add3A_10, %dma_wait3A_113] : memref<10000x128xf32, #tpu.memory_space<vmem_shared>> -> memref<125x128xf32, #tpu.memory_space<vmem_shared>>
      %dma_wait3A_115 = arith.constant 0 : i32
      %dma_wait3A_116 = tpu.memref_slice %arg18[%add3A_10, %dma_wait3A_115] : memref<10000x128xf32, #tpu.memory_space<vmem_shared>> -> memref<125x128xf32, #tpu.memory_space<vmem_shared>>
      %dma_wait3A_117 = arith.constant 0 : i32
      %dma_wait3A_118 = arith.constant 0 : i32
      %dma_wait3A_119 = tpu.memref_slice %arg6[%dma_wait3A_117, %dma_wait3A_118] : memref<125x128xf32, #tpu.memory_space<vmem>> -> memref<125x128xf32, #tpu.memory_space<vmem>>
      tpu.wait_dma2 semaphore(%run_scoped3A : memref<!tpu.dma_semaphore, #tpu.memory_space<semaphore_mem>>) src(%dma_wait3A_119 : memref<125x128xf32, #tpu.memory_space<vmem>>) dst(%dma_wait3A_116 : memref<125x128xf32, #tpu.memory_space<vmem_shared>>)
      tpu.yield
    }) : () -> ()
    %add3A_11 = arith.constant 125 : i32
    %add3A_12 = arith.addi %mul3A_4, %add3A_11 : i32
    "tpu.region"() ({
      %run_scoped3A = tpu.sem_alloc : memref<!tpu.dma_semaphore, #tpu.memory_space<semaphore_mem>>
      %dma_start3A_101 = arith.constant 0 : i32
      %dma_start3A_102 = arith.constant 0 : i32
      %dma_start3A_103 = tpu.memref_slice %arg6[%dma_start3A_101, %dma_start3A_102] : memref<125x128xf32, #tpu.memory_space<vmem>> -> memref<125x128xf32, #tpu.memory_space<vmem>>
      %dma_start3A_104 = arith.constant 0 : i32
      %dma_start3A_105 = tpu.memref_slice %arg18[%add3A_12, %dma_start3A_104] : memref<10000x128xf32, #tpu.memory_space<vmem_shared>> -> memref<125x128xf32, #tpu.memory_space<vmem_shared>>
      %dma_start3A_106 = arith.constant 0 : i32
      %dma_start3A_107 = tpu.memref_slice %arg18[%add3A_12, %dma_start3A_106] : memref<10000x128xf32, #tpu.memory_space<vmem_shared>> -> memref<125x128xf32, #tpu.memory_space<vmem_shared>>
      %dma_start3A_108 = arith.constant 0 : i32
      %dma_start3A_109 = arith.constant 0 : i32
      %dma_start3A_110 = tpu.memref_slice %arg6[%dma_start3A_108, %dma_start3A_109] : memref<125x128xf32, #tpu.memory_space<vmem>> -> memref<125x128xf32, #tpu.memory_space<vmem>>
      tpu.enqueue_dma source(%dma_start3A_110 : memref<125x128xf32, #tpu.memory_space<vmem>>) target(%dma_start3A_107 : memref<125x128xf32, #tpu.memory_space<vmem_shared>>) target_semaphore(%run_scoped3A : memref<!tpu.dma_semaphore, #tpu.memory_space<semaphore_mem>>)
      %dma_wait3A = arith.constant 0 : i32
      %dma_wait3A_111 = arith.constant 0 : i32
      %dma_wait3A_112 = tpu.memref_slice %arg6[%dma_wait3A, %dma_wait3A_111] : memref<125x128xf32, #tpu.memory_space<vmem>> -> memref<125x128xf32, #tpu.memory_space<vmem>>
      %dma_wait3A_113 = arith.constant 0 : i32
      %dma_wait3A_114 = tpu.memref_slice %arg18[%add3A_12, %dma_wait3A_113] : memref<10000x128xf32, #tpu.memory_space<vmem_shared>> -> memref<125x128xf32, #tpu.memory_space<vmem_shared>>
      %dma_wait3A_115 = arith.constant 0 : i32
      %dma_wait3A_116 = tpu.memref_slice %arg18[%add3A_12, %dma_wait3A_115] : memref<10000x128xf32, #tpu.memory_space<vmem_shared>> -> memref<125x128xf32, #tpu.memory_space<vmem_shared>>
      %dma_wait3A_117 = arith.constant 0 : i32
      %dma_wait3A_118 = arith.constant 0 : i32
      %dma_wait3A_119 = tpu.memref_slice %arg6[%dma_wait3A_117, %dma_wait3A_118] : memref<125x128xf32, #tpu.memory_space<vmem>> -> memref<125x128xf32, #tpu.memory_space<vmem>>
      tpu.wait_dma2 semaphore(%run_scoped3A : memref<!tpu.dma_semaphore, #tpu.memory_space<semaphore_mem>>) src(%dma_wait3A_119 : memref<125x128xf32, #tpu.memory_space<vmem>>) dst(%dma_wait3A_116 : memref<125x128xf32, #tpu.memory_space<vmem_shared>>)
      tpu.yield
    }) : () -> ()
    %add3A_13 = arith.constant 250 : i32
    %add3A_14 = arith.addi %mul3A_4, %add3A_13 : i32
    "tpu.region"() ({
      %run_scoped3A = tpu.sem_alloc : memref<!tpu.dma_semaphore, #tpu.memory_space<semaphore_mem>>
      %dma_start3A_101 = arith.constant 0 : i32
      %dma_start3A_102 = arith.constant 0 : i32
      %dma_start3A_103 = tpu.memref_slice %arg6[%dma_start3A_101, %dma_start3A_102] : memref<125x128xf32, #tpu.memory_space<vmem>> -> memref<125x128xf32, #tpu.memory_space<vmem>>
      %dma_start3A_104 = arith.constant 0 : i32
      %dma_start3A_105 = tpu.memref_slice %arg18[%add3A_14, %dma_start3A_104] : memref<10000x128xf32, #tpu.memory_space<vmem_shared>> -> memref<125x128xf32, #tpu.memory_space<vmem_shared>>
      %dma_start3A_106 = arith.constant 0 : i32
      %dma_start3A_107 = tpu.memref_slice %arg18[%add3A_14, %dma_start3A_106] : memref<10000x128xf32, #tpu.memory_space<vmem_shared>> -> memref<125x128xf32, #tpu.memory_space<vmem_shared>>
      %dma_start3A_108 = arith.constant 0 : i32
      %dma_start3A_109 = arith.constant 0 : i32
      %dma_start3A_110 = tpu.memref_slice %arg6[%dma_start3A_108, %dma_start3A_109] : memref<125x128xf32, #tpu.memory_space<vmem>> -> memref<125x128xf32, #tpu.memory_space<vmem>>
      tpu.enqueue_dma source(%dma_start3A_110 : memref<125x128xf32, #tpu.memory_space<vmem>>) target(%dma_start3A_107 : memref<125x128xf32, #tpu.memory_space<vmem_shared>>) target_semaphore(%run_scoped3A : memref<!tpu.dma_semaphore, #tpu.memory_space<semaphore_mem>>)
      %dma_wait3A = arith.constant 0 : i32
      %dma_wait3A_111 = arith.constant 0 : i32
      %dma_wait3A_112 = tpu.memref_slice %arg6[%dma_wait3A, %dma_wait3A_111] : memref<125x128xf32, #tpu.memory_space<vmem>> -> memref<125x128xf32, #tpu.memory_space<vmem>>
      %dma_wait3A_113 = arith.constant 0 : i32
      %dma_wait3A_114 = tpu.memref_slice %arg18[%add3A_14, %dma_wait3A_113] : memref<10000x128xf32, #tpu.memory_space<vmem_shared>> -> memref<125x128xf32, #tpu.memory_space<vmem_shared>>
      %dma_wait3A_115 = arith.constant 0 : i32
      %dma_wait3A_116 = tpu.memref_slice %arg18[%add3A_14, %dma_wait3A_115] : memref<10000x128xf32, #tpu.memory_space<vmem_shared>> -> memref<125x128xf32, #tpu.memory_space<vmem_shared>>
      %dma_wait3A_117 = arith.constant 0 : i32
      %dma_wait3A_118 = arith.constant 0 : i32
      %dma_wait3A_119 = tpu.memref_slice %arg6[%dma_wait3A_117, %dma_wait3A_118] : memref<125x128xf32, #tpu.memory_space<vmem>> -> memref<125x128xf32, #tpu.memory_space<vmem>>
      tpu.wait_dma2 semaphore(%run_scoped3A : memref<!tpu.dma_semaphore, #tpu.memory_space<semaphore_mem>>) src(%dma_wait3A_119 : memref<125x128xf32, #tpu.memory_space<vmem>>) dst(%dma_wait3A_116 : memref<125x128xf32, #tpu.memory_space<vmem_shared>>)
      tpu.yield
    }) : () -> ()
    %add3A_15 = arith.constant 375 : i32
    %add3A_16 = arith.addi %mul3A_4, %add3A_15 : i32
    "tpu.region"() ({
      %run_scoped3A = tpu.sem_alloc : memref<!tpu.dma_semaphore, #tpu.memory_space<semaphore_mem>>
      %dma_start3A_101 = arith.constant 0 : i32
      %dma_start3A_102 = arith.constant 0 : i32
      %dma_start3A_103 = tpu.memref_slice %arg6[%dma_start3A_101, %dma_start3A_102] : memref<125x128xf32, #tpu.memory_space<vmem>> -> memref<125x128xf32, #tpu.memory_space<vmem>>
      %dma_start3A_104 = arith.constant 0 : i32
      %dma_start3A_105 = tpu.memref_slice %arg18[%add3A_16, %dma_start3A_104] : memref<10000x128xf32, #tpu.memory_space<vmem_shared>> -> memref<125x128xf32, #tpu.memory_space<vmem_shared>>
      %dma_start3A_106 = arith.constant 0 : i32
      %dma_start3A_107 = tpu.memref_slice %arg18[%add3A_16, %dma_start3A_106] : memref<10000x128xf32, #tpu.memory_space<vmem_shared>> -> memref<125x128xf32, #tpu.memory_space<vmem_shared>>
      %dma_start3A_108 = arith.constant 0 : i32
      %dma_start3A_109 = arith.constant 0 : i32
      %dma_start3A_110 = tpu.memref_slice %arg6[%dma_start3A_108, %dma_start3A_109] : memref<125x128xf32, #tpu.memory_space<vmem>> -> memref<125x128xf32, #tpu.memory_space<vmem>>
      tpu.enqueue_dma source(%dma_start3A_110 : memref<125x128xf32, #tpu.memory_space<vmem>>) target(%dma_start3A_107 : memref<125x128xf32, #tpu.memory_space<vmem_shared>>) target_semaphore(%run_scoped3A : memref<!tpu.dma_semaphore, #tpu.memory_space<semaphore_mem>>)
      %dma_wait3A = arith.constant 0 : i32
      %dma_wait3A_111 = arith.constant 0 : i32
      %dma_wait3A_112 = tpu.memref_slice %arg6[%dma_wait3A, %dma_wait3A_111] : memref<125x128xf32, #tpu.memory_space<vmem>> -> memref<125x128xf32, #tpu.memory_space<vmem>>
      %dma_wait3A_113 = arith.constant 0 : i32
      %dma_wait3A_114 = tpu.memref_slice %arg18[%add3A_16, %dma_wait3A_113] : memref<10000x128xf32, #tpu.memory_space<vmem_shared>> -> memref<125x128xf32, #tpu.memory_space<vmem_shared>>
      %dma_wait3A_115 = arith.constant 0 : i32
      %dma_wait3A_116 = tpu.memref_slice %arg18[%add3A_16, %dma_wait3A_115] : memref<10000x128xf32, #tpu.memory_space<vmem_shared>> -> memref<125x128xf32, #tpu.memory_space<vmem_shared>>
      %dma_wait3A_117 = arith.constant 0 : i32
      %dma_wait3A_118 = arith.constant 0 : i32
      %dma_wait3A_119 = tpu.memref_slice %arg6[%dma_wait3A_117, %dma_wait3A_118] : memref<125x128xf32, #tpu.memory_space<vmem>> -> memref<125x128xf32, #tpu.memory_space<vmem>>
      tpu.wait_dma2 semaphore(%run_scoped3A : memref<!tpu.dma_semaphore, #tpu.memory_space<semaphore_mem>>) src(%dma_wait3A_119 : memref<125x128xf32, #tpu.memory_space<vmem>>) dst(%dma_wait3A_116 : memref<125x128xf32, #tpu.memory_space<vmem_shared>>)
      tpu.yield
    }) : () -> ()
    %add3A_17 = arith.constant 500 : i32
    %add3A_18 = arith.addi %mul3A_4, %add3A_17 : i32
    "tpu.region"() ({
      %run_scoped3A = tpu.sem_alloc : memref<!tpu.dma_semaphore, #tpu.memory_space<semaphore_mem>>
      %dma_start3A_101 = arith.constant 0 : i32
      %dma_start3A_102 = arith.constant 0 : i32
      %dma_start3A_103 = tpu.memref_slice %arg6[%dma_start3A_101, %dma_start3A_102] : memref<125x128xf32, #tpu.memory_space<vmem>> -> memref<125x128xf32, #tpu.memory_space<vmem>>
      %dma_start3A_104 = arith.constant 0 : i32
      %dma_start3A_105 = tpu.memref_slice %arg18[%add3A_18, %dma_start3A_104] : memref<10000x128xf32, #tpu.memory_space<vmem_shared>> -> memref<125x128xf32, #tpu.memory_space<vmem_shared>>
      %dma_start3A_106 = arith.constant 0 : i32
      %dma_start3A_107 = tpu.memref_slice %arg18[%add3A_18, %dma_start3A_106] : memref<10000x128xf32, #tpu.memory_space<vmem_shared>> -> memref<125x128xf32, #tpu.memory_space<vmem_shared>>
      %dma_start3A_108 = arith.constant 0 : i32
      %dma_start3A_109 = arith.constant 0 : i32
      %dma_start3A_110 = tpu.memref_slice %arg6[%dma_start3A_108, %dma_start3A_109] : memref<125x128xf32, #tpu.memory_space<vmem>> -> memref<125x128xf32, #tpu.memory_space<vmem>>
      tpu.enqueue_dma source(%dma_start3A_110 : memref<125x128xf32, #tpu.memory_space<vmem>>) target(%dma_start3A_107 : memref<125x128xf32, #tpu.memory_space<vmem_shared>>) target_semaphore(%run_scoped3A : memref<!tpu.dma_semaphore, #tpu.memory_space<semaphore_mem>>)
      %dma_wait3A = arith.constant 0 : i32
      %dma_wait3A_111 = arith.constant 0 : i32
      %dma_wait3A_112 = tpu.memref_slice %arg6[%dma_wait3A, %dma_wait3A_111] : memref<125x128xf32, #tpu.memory_space<vmem>> -> memref<125x128xf32, #tpu.memory_space<vmem>>
      %dma_wait3A_113 = arith.constant 0 : i32
      %dma_wait3A_114 = tpu.memref_slice %arg18[%add3A_18, %dma_wait3A_113] : memref<10000x128xf32, #tpu.memory_space<vmem_shared>> -> memref<125x128xf32, #tpu.memory_space<vmem_shared>>
      %dma_wait3A_115 = arith.constant 0 : i32
      %dma_wait3A_116 = tpu.memref_slice %arg18[%add3A_18, %dma_wait3A_115] : memref<10000x128xf32, #tpu.memory_space<vmem_shared>> -> memref<125x128xf32, #tpu.memory_space<vmem_shared>>
      %dma_wait3A_117 = arith.constant 0 : i32
      %dma_wait3A_118 = arith.constant 0 : i32
      %dma_wait3A_119 = tpu.memref_slice %arg6[%dma_wait3A_117, %dma_wait3A_118] : memref<125x128xf32, #tpu.memory_space<vmem>> -> memref<125x128xf32, #tpu.memory_space<vmem>>
      tpu.wait_dma2 semaphore(%run_scoped3A : memref<!tpu.dma_semaphore, #tpu.memory_space<semaphore_mem>>) src(%dma_wait3A_119 : memref<125x128xf32, #tpu.memory_space<vmem>>) dst(%dma_wait3A_116 : memref<125x128xf32, #tpu.memory_space<vmem_shared>>)
      tpu.yield
    }) : () -> ()
    %barrier3A = arith.constant 0 : index
    tpu.barrier barrier_id(%barrier3A)
    %add3A_19 = arith.constant 0 : i32
    %add3A_20 = arith.addi %mul3A_2, %add3A_19 : i32
    %dma_start3A = arith.constant 0 : i32
    %dma_start3A_21 = arith.constant 0 : i32
    %dma_start3A_22 = tpu.memref_slice %arg6[%dma_start3A, %dma_start3A_21] : memref<125x128xf32, #tpu.memory_space<vmem>> -> memref<125x64xf32, #tpu.memory_space<vmem>>
    %dma_start3A_23 = tpu.memref_slice %arg2[%add3A_20, %mul3A_0] : memref<320000x128xf32, #tpu.memory_space<hbm>> -> memref<125x64xf32, #tpu.memory_space<hbm>>
    %dma_start3A_24 = arith.constant 0 : i32
    %dma_start3A_25 = arith.constant 0 : i32
    %dma_start3A_26 = tpu.memref_slice %arg6[%dma_start3A_24, %dma_start3A_25] : memref<125x128xf32, #tpu.memory_space<vmem>> -> memref<125x64xf32, #tpu.memory_space<vmem>>
    %dma_start3A_27 = tpu.memref_slice %arg2[%add3A_20, %mul3A_0] : memref<320000x128xf32, #tpu.memory_space<hbm>> -> memref<125x64xf32, #tpu.memory_space<hbm>>
    tpu.enqueue_dma source(%dma_start3A_27 : memref<125x64xf32, #tpu.memory_space<hbm>>) target(%dma_start3A_26 : memref<125x64xf32, #tpu.memory_space<vmem>>) target_semaphore(%arg12 : memref<!tpu.dma_semaphore, #tpu.memory_space<semaphore_mem>>)
    %dma_start3A_28 = arith.constant 0 : i32
    %dma_start3A_29 = arith.constant 64 : i32
    %dma_start3A_30 = tpu.memref_slice %arg6[%dma_start3A_28, %dma_start3A_29] : memref<125x128xf32, #tpu.memory_space<vmem>> -> memref<125x64xf32, #tpu.memory_space<vmem>>
    %dma_start3A_31 = tpu.memref_slice %arg3[%add3A_20, %mul3A_0] : memref<320000x128xf32, #tpu.memory_space<hbm>> -> memref<125x64xf32, #tpu.memory_space<hbm>>
    %dma_start3A_32 = arith.constant 0 : i32
    %dma_start3A_33 = arith.constant 64 : i32
    %dma_start3A_34 = tpu.memref_slice %arg6[%dma_start3A_32, %dma_start3A_33] : memref<125x128xf32, #tpu.memory_space<vmem>> -> memref<125x64xf32, #tpu.memory_space<vmem>>
    %dma_start3A_35 = tpu.memref_slice %arg3[%add3A_20, %mul3A_0] : memref<320000x128xf32, #tpu.memory_space<hbm>> -> memref<125x64xf32, #tpu.memory_space<hbm>>
    tpu.enqueue_dma source(%dma_start3A_35 : memref<125x64xf32, #tpu.memory_space<hbm>>) target(%dma_start3A_34 : memref<125x64xf32, #tpu.memory_space<vmem>>) target_semaphore(%arg12 : memref<!tpu.dma_semaphore, #tpu.memory_space<semaphore_mem>>)
    %dma_start3A_36 = arith.constant 0 : i32
    %dma_start3A_37 = arith.constant 0 : i32
    %dma_start3A_38 = tpu.memref_slice %arg4[%arg1, %dma_start3A_36, %dma_start3A_37] : memref<16x160x125xi32, #tpu.memory_space<hbm>> -> memref<1x1x125xi32, #tpu.memory_space<hbm>>
    %dma_start3A_39 = tpu.memref_squeeze %dma_start3A_38 : memref<1x1x125xi32, #tpu.memory_space<hbm>> -> memref<1x125xi32, #tpu.memory_space<hbm>>
    %dma_start3A_40 = arith.constant 0 : i32
    %dma_start3A_41 = arith.constant 0 : i32
    %dma_start3A_42 = tpu.memref_slice %arg4[%arg1, %dma_start3A_40, %dma_start3A_41] : memref<16x160x125xi32, #tpu.memory_space<hbm>> -> memref<1x1x125xi32, #tpu.memory_space<hbm>>
    %dma_start3A_43 = tpu.memref_squeeze %dma_start3A_42 : memref<1x1x125xi32, #tpu.memory_space<hbm>> -> memref<1x125xi32, #tpu.memory_space<hbm>>
    tpu.enqueue_dma source(%dma_start3A_43 : memref<1x125xi32, #tpu.memory_space<hbm>>) target(%arg9 : memref<1x125xi32, #tpu.memory_space<vmem>>) target_semaphore(%arg12 : memref<!tpu.dma_semaphore, #tpu.memory_space<semaphore_mem>>)
    %add3A_44 = arith.constant 125 : i32
    %add3A_45 = arith.addi %mul3A_2, %add3A_44 : i32
    %dma_start3A_46 = arith.constant 0 : i32
    %dma_start3A_47 = arith.constant 0 : i32
    %dma_start3A_48 = tpu.memref_slice %arg7[%dma_start3A_46, %dma_start3A_47] : memref<125x128xf32, #tpu.memory_space<vmem>> -> memref<125x64xf32, #tpu.memory_space<vmem>>
    %dma_start3A_49 = tpu.memref_slice %arg2[%add3A_45, %mul3A_0] : memref<320000x128xf32, #tpu.memory_space<hbm>> -> memref<125x64xf32, #tpu.memory_space<hbm>>
    %dma_start3A_50 = arith.constant 0 : i32
    %dma_start3A_51 = arith.constant 0 : i32
    %dma_start3A_52 = tpu.memref_slice %arg7[%dma_start3A_50, %dma_start3A_51] : memref<125x128xf32, #tpu.memory_space<vmem>> -> memref<125x64xf32, #tpu.memory_space<vmem>>
    %dma_start3A_53 = tpu.memref_slice %arg2[%add3A_45, %mul3A_0] : memref<320000x128xf32, #tpu.memory_space<hbm>> -> memref<125x64xf32, #tpu.memory_space<hbm>>
    tpu.enqueue_dma source(%dma_start3A_53 : memref<125x64xf32, #tpu.memory_space<hbm>>) target(%dma_start3A_52 : memref<125x64xf32, #tpu.memory_space<vmem>>) target_semaphore(%arg13 : memref<!tpu.dma_semaphore, #tpu.memory_space<semaphore_mem>>)
    %dma_start3A_54 = arith.constant 0 : i32
    %dma_start3A_55 = arith.constant 64 : i32
    %dma_start3A_56 = tpu.memref_slice %arg7[%dma_start3A_54, %dma_start3A_55] : memref<125x128xf32, #tpu.memory_space<vmem>> -> memref<125x64xf32, #tpu.memory_space<vmem>>
    %dma_start3A_57 = tpu.memref_slice %arg3[%add3A_45, %mul3A_0] : memref<320000x128xf32, #tpu.memory_space<hbm>> -> memref<125x64xf32, #tpu.memory_space<hbm>>
    %dma_start3A_58 = arith.constant 0 : i32
    %dma_start3A_59 = arith.constant 64 : i32
    %dma_start3A_60 = tpu.memref_slice %arg7[%dma_start3A_58, %dma_start3A_59] : memref<125x128xf32, #tpu.memory_space<vmem>> -> memref<125x64xf32, #tpu.memory_space<vmem>>
    %dma_start3A_61 = tpu.memref_slice %arg3[%add3A_45, %mul3A_0] : memref<320000x128xf32, #tpu.memory_space<hbm>> -> memref<125x64xf32, #tpu.memory_space<hbm>>
    tpu.enqueue_dma source(%dma_start3A_61 : memref<125x64xf32, #tpu.memory_space<hbm>>) target(%dma_start3A_60 : memref<125x64xf32, #tpu.memory_space<vmem>>) target_semaphore(%arg13 : memref<!tpu.dma_semaphore, #tpu.memory_space<semaphore_mem>>)
    %dma_start3A_62 = arith.constant 1 : i32
    %dma_start3A_63 = arith.constant 0 : i32
    %dma_start3A_64 = tpu.memref_slice %arg4[%arg1, %dma_start3A_62, %dma_start3A_63] : memref<16x160x125xi32, #tpu.memory_space<hbm>> -> memref<1x1x125xi32, #tpu.memory_space<hbm>>
    %dma_start3A_65 = tpu.memref_squeeze %dma_start3A_64 : memref<1x1x125xi32, #tpu.memory_space<hbm>> -> memref<1x125xi32, #tpu.memory_space<hbm>>
    %dma_start3A_66 = arith.constant 1 : i32
    %dma_start3A_67 = arith.constant 0 : i32
    %dma_start3A_68 = tpu.memref_slice %arg4[%arg1, %dma_start3A_66, %dma_start3A_67] : memref<16x160x125xi32, #tpu.memory_space<hbm>> -> memref<1x1x125xi32, #tpu.memory_space<hbm>>
    %dma_start3A_69 = tpu.memref_squeeze %dma_start3A_68 : memref<1x1x125xi32, #tpu.memory_space<hbm>> -> memref<1x125xi32, #tpu.memory_space<hbm>>
    tpu.enqueue_dma source(%dma_start3A_69 : memref<1x125xi32, #tpu.memory_space<hbm>>) target(%arg10 : memref<1x125xi32, #tpu.memory_space<vmem>>) target_semaphore(%arg13 : memref<!tpu.dma_semaphore, #tpu.memory_space<semaphore_mem>>)
    %scan3A_70 = arith.constant 0 : i32
    %scan3A_71 = arith.constant 0 : i32
    %scan3A_72 = arith.constant 54 : i32
    %scan3A_73 = arith.addi %scan3A_71, %scan3A_72 : i32
    %scan3A_74 = arith.constant 1 : i32
    scf.for %scan3A_101 = %scan3A_71 to %scan3A_73 step %scan3A_74  : i32 {
      %mul3A_102 = arith.constant 3 : i32
      %mul3A_103 = arith.muli %scan3A_101, %mul3A_102 : i32
      %add3A_104 = arith.constant 0 : i32
      %add3A_105 = arith.addi %mul3A_103, %add3A_104 : i32
      %lt3A = arith.constant 160 : i32
      %lt3A_106 = arith.cmpi slt, %add3A_105, %lt3A : i32
      %convert_element_type3A = arith.extui %lt3A_106 : i1 to i32
      %cond3A = arith.constant 0 : i32
      %cond3A_107 = arith.cmpi ne, %convert_element_type3A, %cond3A : i32
      scf.if %cond3A_107 {
        %dma_wait3A = arith.constant 0 : i32
        %dma_wait3A_168 = arith.constant 0 : i32
        %dma_wait3A_169 = tpu.memref_slice %arg6[%dma_wait3A, %dma_wait3A_168] : memref<125x128xf32, #tpu.memory_space<vmem>> -> memref<125x64xf32, #tpu.memory_space<vmem>>
        %dma_wait3A_170 = arith.constant 0 : i32
        %dma_wait3A_171 = arith.constant 0 : i32
        %dma_wait3A_172 = tpu.memref_slice %arg2[%dma_wait3A_170, %dma_wait3A_171] : memref<320000x128xf32, #tpu.memory_space<hbm>> -> memref<125x64xf32, #tpu.memory_space<hbm>>
        %dma_wait3A_173 = arith.constant 0 : i32
        %dma_wait3A_174 = arith.constant 0 : i32
        %dma_wait3A_175 = tpu.memref_slice %arg6[%dma_wait3A_173, %dma_wait3A_174] : memref<125x128xf32, #tpu.memory_space<vmem>> -> memref<125x64xf32, #tpu.memory_space<vmem>>
        %dma_wait3A_176 = arith.constant 0 : i32
        %dma_wait3A_177 = arith.constant 0 : i32
        %dma_wait3A_178 = tpu.memref_slice %arg2[%dma_wait3A_176, %dma_wait3A_177] : memref<320000x128xf32, #tpu.memory_space<hbm>> -> memref<125x64xf32, #tpu.memory_space<hbm>>
        tpu.wait_dma2 semaphore(%arg12 : memref<!tpu.dma_semaphore, #tpu.memory_space<semaphore_mem>>) src(%dma_wait3A_178 : memref<125x64xf32, #tpu.memory_space<hbm>>) dst(%dma_wait3A_175 : memref<125x64xf32, #tpu.memory_space<vmem>>)
        %dma_wait3A_179 = arith.constant 0 : i32
        %dma_wait3A_180 = arith.constant 64 : i32
        %dma_wait3A_181 = tpu.memref_slice %arg6[%dma_wait3A_179, %dma_wait3A_180] : memref<125x128xf32, #tpu.memory_space<vmem>> -> memref<125x64xf32, #tpu.memory_space<vmem>>
        %dma_wait3A_182 = arith.constant 0 : i32
        %dma_wait3A_183 = arith.constant 0 : i32
        %dma_wait3A_184 = tpu.memref_slice %arg2[%dma_wait3A_182, %dma_wait3A_183] : memref<320000x128xf32, #tpu.memory_space<hbm>> -> memref<125x64xf32, #tpu.memory_space<hbm>>
        %dma_wait3A_185 = arith.constant 0 : i32
        %dma_wait3A_186 = arith.constant 64 : i32
        %dma_wait3A_187 = tpu.memref_slice %arg6[%dma_wait3A_185, %dma_wait3A_186] : memref<125x128xf32, #tpu.memory_space<vmem>> -> memref<125x64xf32, #tpu.memory_space<vmem>>
        %dma_wait3A_188 = arith.constant 0 : i32
        %dma_wait3A_189 = arith.constant 0 : i32
        %dma_wait3A_190 = tpu.memref_slice %arg2[%dma_wait3A_188, %dma_wait3A_189] : memref<320000x128xf32, #tpu.memory_space<hbm>> -> memref<125x64xf32, #tpu.memory_space<hbm>>
        tpu.wait_dma2 semaphore(%arg12 : memref<!tpu.dma_semaphore, #tpu.memory_space<semaphore_mem>>) src(%dma_wait3A_190 : memref<125x64xf32, #tpu.memory_space<hbm>>) dst(%dma_wait3A_187 : memref<125x64xf32, #tpu.memory_space<vmem>>)
        %dma_wait3A_191 = arith.constant 0 : i32
        %dma_wait3A_192 = arith.constant 0 : i32
        %dma_wait3A_193 = arith.constant 0 : i32
        %dma_wait3A_194 = tpu.memref_slice %arg4[%dma_wait3A_191, %dma_wait3A_192, %dma_wait3A_193] : memref<16x160x125xi32, #tpu.memory_space<hbm>> -> memref<1x1x125xi32, #tpu.memory_space<hbm>>
        %dma_wait3A_195 = tpu.memref_squeeze %dma_wait3A_194 : memref<1x1x125xi32, #tpu.memory_space<hbm>> -> memref<1x125xi32, #tpu.memory_space<hbm>>
        %dma_wait3A_196 = arith.constant 0 : i32
        %dma_wait3A_197 = arith.constant 0 : i32
        %dma_wait3A_198 = tpu.memref_slice %arg4[%dma_wait3A_191, %dma_wait3A_196, %dma_wait3A_197] : memref<16x160x125xi32, #tpu.memory_space<hbm>> -> memref<1x1x125xi32, #tpu.memory_space<hbm>>
        %dma_wait3A_199 = tpu.memref_squeeze %dma_wait3A_198 : memref<1x1x125xi32, #tpu.memory_space<hbm>> -> memref<1x125xi32, #tpu.memory_space<hbm>>
        tpu.wait_dma2 semaphore(%arg12 : memref<!tpu.dma_semaphore, #tpu.memory_space<semaphore_mem>>) src(%dma_wait3A_199 : memref<1x125xi32, #tpu.memory_space<hbm>>) dst(%arg9 : memref<1x125xi32, #tpu.memory_space<vmem>>)
        %parallel_loop3A_200 = arith.constant 0 : i32
        %parallel_loop3A_201 = arith.constant 125 : i32
        %parallel_loop3A_202 = arith.constant 1 : i32
        scf.for %parallel_loop3A_210 = %parallel_loop3A_200 to %parallel_loop3A_201 step %parallel_loop3A_202  : i32 {
          %parallel_loop3A_211 = arith.index_cast %parallel_loop3A_210 : i32 to index
          %parallel_loop3A_212 = arith.constant 0 : index
          %parallel_loop3A_213 = tpu.vector_load %arg6[%parallel_loop3A_211, %parallel_loop3A_212] {strides = array<i32>} : memref<125x128xf32, #tpu.memory_space<vmem>>, vector<1x16xf32>,
          %parallel_loop3A_214 = vector.shape_cast %parallel_loop3A_213 : vector<1x16xf32> to vector<16xf32>
          %parallel_loop3A_215 = math.exp %parallel_loop3A_214 : vector<16xf32>
          %parallel_loop3A_216 = arith.index_cast %parallel_loop3A_210 : i32 to index
          %parallel_loop3A_217 = arith.constant 0 : index
          %parallel_loop3A_218 = tpu.vector_load %arg6[%parallel_loop3A_216, %parallel_loop3A_217] {strides = array<i32>} : memref<125x128xf32, #tpu.memory_space<vmem>>, vector<1x16xf32>,
          %parallel_loop3A_219 = vector.shape_cast %parallel_loop3A_218 : vector<1x16xf32> to vector<16xf32>
          %parallel_loop3A_220 = vector.shape_cast %parallel_loop3A_215 : vector<16xf32> to vector<1x16xf32>
          tpu.vector_store %arg6[%parallel_loop3A_216, %parallel_loop3A_217], %parallel_loop3A_220 {strides = array<i32>} : memref<125x128xf32, #tpu.memory_space<vmem>>, vector<1x16xf32>,
          %parallel_loop3A_221 = arith.index_cast %parallel_loop3A_210 : i32 to index
          %parallel_loop3A_222 = arith.constant 64 : index
          %parallel_loop3A_223 = tpu.vector_load %arg6[%parallel_loop3A_221, %parallel_loop3A_222] {strides = array<i32>} : memref<125x128xf32, #tpu.memory_space<vmem>>, vector<1x16xf32>,
          %parallel_loop3A_224 = vector.shape_cast %parallel_loop3A_223 : vector<1x16xf32> to vector<16xf32>
          %parallel_loop3A_225 = arith.mulf %parallel_loop3A_215, %parallel_loop3A_224 : vector<16xf32>
          %parallel_loop3A_226 = arith.index_cast %parallel_loop3A_210 : i32 to index
          %parallel_loop3A_227 = arith.constant 64 : index
          %parallel_loop3A_228 = tpu.vector_load %arg6[%parallel_loop3A_226, %parallel_loop3A_227] {strides = array<i32>} : memref<125x128xf32, #tpu.memory_space<vmem>>, vector<1x16xf32>,
          %parallel_loop3A_229 = vector.shape_cast %parallel_loop3A_228 : vector<1x16xf32> to vector<16xf32>
          %parallel_loop3A_230 = vector.shape_cast %parallel_loop3A_225 : vector<16xf32> to vector<1x16xf32>
          tpu.vector_store %arg6[%parallel_loop3A_226, %parallel_loop3A_227], %parallel_loop3A_230 {strides = array<i32>} : memref<125x128xf32, #tpu.memory_space<vmem>>, vector<1x16xf32>,
          %parallel_loop3A_231 = arith.index_cast %parallel_loop3A_210 : i32 to index
          %parallel_loop3A_232 = arith.constant 16 : index
          %parallel_loop3A_233 = tpu.vector_load %arg6[%parallel_loop3A_231, %parallel_loop3A_232] {strides = array<i32>} : memref<125x128xf32, #tpu.memory_space<vmem>>, vector<1x16xf32>,
          %parallel_loop3A_234 = vector.shape_cast %parallel_loop3A_233 : vector<1x16xf32> to vector<16xf32>
          %parallel_loop3A_235 = math.exp %parallel_loop3A_234 : vector<16xf32>
          %parallel_loop3A_236 = arith.index_cast %parallel_loop3A_210 : i32 to index
          %parallel_loop3A_237 = arith.constant 16 : index
          %parallel_loop3A_238 = tpu.vector_load %arg6[%parallel_loop3A_236, %parallel_loop3A_237] {strides = array<i32>} : memref<125x128xf32, #tpu.memory_space<vmem>>, vector<1x16xf32>,
          %parallel_loop3A_239 = vector.shape_cast %parallel_loop3A_238 : vector<1x16xf32> to vector<16xf32>
          %parallel_loop3A_240 = vector.shape_cast %parallel_loop3A_235 : vector<16xf32> to vector<1x16xf32>
          tpu.vector_store %arg6[%parallel_loop3A_236, %parallel_loop3A_237], %parallel_loop3A_240 {strides = array<i32>} : memref<125x128xf32, #tpu.memory_space<vmem>>, vector<1x16xf32>,
          %parallel_loop3A_241 = arith.index_cast %parallel_loop3A_210 : i32 to index
          %parallel_loop3A_242 = arith.constant 80 : index
          %parallel_loop3A_243 = tpu.vector_load %arg6[%parallel_loop3A_241, %parallel_loop3A_242] {strides = array<i32>} : memref<125x128xf32, #tpu.memory_space<vmem>>, vector<1x16xf32>,
          %parallel_loop3A_244 = vector.shape_cast %parallel_loop3A_243 : vector<1x16xf32> to vector<16xf32>
          %parallel_loop3A_245 = arith.mulf %parallel_loop3A_235, %parallel_loop3A_244 : vector<16xf32>
          %parallel_loop3A_246 = arith.index_cast %parallel_loop3A_210 : i32 to index
          %parallel_loop3A_247 = arith.constant 80 : index
          %parallel_loop3A_248 = tpu.vector_load %arg6[%parallel_loop3A_246, %parallel_loop3A_247] {strides = array<i32>} : memref<125x128xf32, #tpu.memory_space<vmem>>, vector<1x16xf32>,
          %parallel_loop3A_249 = vector.shape_cast %parallel_loop3A_248 : vector<1x16xf32> to vector<16xf32>
          %parallel_loop3A_250 = vector.shape_cast %parallel_loop3A_245 : vector<16xf32> to vector<1x16xf32>
          tpu.vector_store %arg6[%parallel_loop3A_246, %parallel_loop3A_247], %parallel_loop3A_250 {strides = array<i32>} : memref<125x128xf32, #tpu.memory_space<vmem>>, vector<1x16xf32>,
          %parallel_loop3A_251 = arith.index_cast %parallel_loop3A_210 : i32 to index
          %parallel_loop3A_252 = arith.constant 32 : index
          %parallel_loop3A_253 = tpu.vector_load %arg6[%parallel_loop3A_251, %parallel_loop3A_252] {strides = array<i32>} : memref<125x128xf32, #tpu.memory_space<vmem>>, vector<1x16xf32>,
          %parallel_loop3A_254 = vector.shape_cast %parallel_loop3A_253 : vector<1x16xf32> to vector<16xf32>
          %parallel_loop3A_255 = math.exp %parallel_loop3A_254 : vector<16xf32>
          %parallel_loop3A_256 = arith.index_cast %parallel_loop3A_210 : i32 to index
          %parallel_loop3A_257 = arith.constant 32 : index
          %parallel_loop3A_258 = tpu.vector_load %arg6[%parallel_loop3A_256, %parallel_loop3A_257] {strides = array<i32>} : memref<125x128xf32, #tpu.memory_space<vmem>>, vector<1x16xf32>,
          %parallel_loop3A_259 = vector.shape_cast %parallel_loop3A_258 : vector<1x16xf32> to vector<16xf32>
          %parallel_loop3A_260 = vector.shape_cast %parallel_loop3A_255 : vector<16xf32> to vector<1x16xf32>
          tpu.vector_store %arg6[%parallel_loop3A_256, %parallel_loop3A_257], %parallel_loop3A_260 {strides = array<i32>} : memref<125x128xf32, #tpu.memory_space<vmem>>, vector<1x16xf32>,
          %parallel_loop3A_261 = arith.index_cast %parallel_loop3A_210 : i32 to index
          %parallel_loop3A_262 = arith.constant 96 : index
          %parallel_loop3A_263 = tpu.vector_load %arg6[%parallel_loop3A_261, %parallel_loop3A_262] {strides = array<i32>} : memref<125x128xf32, #tpu.memory_space<vmem>>, vector<1x16xf32>,
          %parallel_loop3A_264 = vector.shape_cast %parallel_loop3A_263 : vector<1x16xf32> to vector<16xf32>
          %parallel_loop3A_265 = arith.mulf %parallel_loop3A_255, %parallel_loop3A_264 : vector<16xf32>
          %parallel_loop3A_266 = arith.index_cast %parallel_loop3A_210 : i32 to index
          %parallel_loop3A_267 = arith.constant 96 : index
          %parallel_loop3A_268 = tpu.vector_load %arg6[%parallel_loop3A_266, %parallel_loop3A_267] {strides = array<i32>} : memref<125x128xf32, #tpu.memory_space<vmem>>, vector<1x16xf32>,
          %parallel_loop3A_269 = vector.shape_cast %parallel_loop3A_268 : vector<1x16xf32> to vector<16xf32>
          %parallel_loop3A_270 = vector.shape_cast %parallel_loop3A_265 : vector<16xf32> to vector<1x16xf32>
          tpu.vector_store %arg6[%parallel_loop3A_266, %parallel_loop3A_267], %parallel_loop3A_270 {strides = array<i32>} : memref<125x128xf32, #tpu.memory_space<vmem>>, vector<1x16xf32>,
          %parallel_loop3A_271 = arith.index_cast %parallel_loop3A_210 : i32 to index
          %parallel_loop3A_272 = arith.constant 48 : index
          %parallel_loop3A_273 = tpu.vector_load %arg6[%parallel_loop3A_271, %parallel_loop3A_272] {strides = array<i32>} : memref<125x128xf32, #tpu.memory_space<vmem>>, vector<1x16xf32>,
          %parallel_loop3A_274 = vector.shape_cast %parallel_loop3A_273 : vector<1x16xf32> to vector<16xf32>
          %parallel_loop3A_275 = math.exp %parallel_loop3A_274 : vector<16xf32>
          %parallel_loop3A_276 = arith.index_cast %parallel_loop3A_210 : i32 to index
          %parallel_loop3A_277 = arith.constant 48 : index
          %parallel_loop3A_278 = tpu.vector_load %arg6[%parallel_loop3A_276, %parallel_loop3A_277] {strides = array<i32>} : memref<125x128xf32, #tpu.memory_space<vmem>>, vector<1x16xf32>,
          %parallel_loop3A_279 = vector.shape_cast %parallel_loop3A_278 : vector<1x16xf32> to vector<16xf32>
          %parallel_loop3A_280 = vector.shape_cast %parallel_loop3A_275 : vector<16xf32> to vector<1x16xf32>
          tpu.vector_store %arg6[%parallel_loop3A_276, %parallel_loop3A_277], %parallel_loop3A_280 {strides = array<i32>} : memref<125x128xf32, #tpu.memory_space<vmem>>, vector<1x16xf32>,
          %parallel_loop3A_281 = arith.index_cast %parallel_loop3A_210 : i32 to index
          %parallel_loop3A_282 = arith.constant 112 : index
          %parallel_loop3A_283 = tpu.vector_load %arg6[%parallel_loop3A_281, %parallel_loop3A_282] {strides = array<i32>} : memref<125x128xf32, #tpu.memory_space<vmem>>, vector<1x16xf32>,
          %parallel_loop3A_284 = vector.shape_cast %parallel_loop3A_283 : vector<1x16xf32> to vector<16xf32>
          %parallel_loop3A_285 = arith.mulf %parallel_loop3A_275, %parallel_loop3A_284 : vector<16xf32>
          %parallel_loop3A_286 = arith.index_cast %parallel_loop3A_210 : i32 to index
          %parallel_loop3A_287 = arith.constant 112 : index
          %parallel_loop3A_288 = tpu.vector_load %arg6[%parallel_loop3A_286, %parallel_loop3A_287] {strides = array<i32>} : memref<125x128xf32, #tpu.memory_space<vmem>>, vector<1x16xf32>,
          %parallel_loop3A_289 = vector.shape_cast %parallel_loop3A_288 : vector<1x16xf32> to vector<16xf32>
          %parallel_loop3A_290 = vector.shape_cast %parallel_loop3A_285 : vector<16xf32> to vector<1x16xf32>
          tpu.vector_store %arg6[%parallel_loop3A_286, %parallel_loop3A_287], %parallel_loop3A_290 {strides = array<i32>} : memref<125x128xf32, #tpu.memory_space<vmem>>, vector<1x16xf32>,
        } {sc.loop_unroll_factor = 5 : i64, sc.parallel_access}
        %dma_start3A_203 = arith.constant 0 : i32
        %dma_start3A_204 = arith.constant 0 : i32
        %dma_start3A_205 = tpu.memref_slice %arg9[%dma_start3A_203, %dma_start3A_204] : memref<1x125xi32, #tpu.memory_space<vmem>> -> memref<1x125xi32, #tpu.memory_space<vmem>>
        %dma_start3A_206 = tpu.memref_squeeze %dma_start3A_205 : memref<1x125xi32, #tpu.memory_space<vmem>> -> memref<125xi32, #tpu.memory_space<vmem>>
        %dma_start3A_207 = arith.constant 0 : i32
        %dma_start3A_208 = arith.constant 0 : i32
        %dma_start3A_209 = tpu.memref_slice %arg18[%dma_start3A_207, %dma_start3A_208] : memref<10000x128xf32, #tpu.memory_space<vmem_shared>> -> memref<10000x128xf32, #tpu.memory_space<vmem_shared>>
        tpu.enqueue_indirect_dma source(%arg6 : memref<125x128xf32, #tpu.memory_space<vmem>>) target(%dma_start3A_209 : memref<10000x128xf32, #tpu.memory_space<vmem_shared>>) offsets(%dma_start3A_206 : memref<125xi32, #tpu.memory_space<vmem>>) semaphore(%arg15 : memref<!tpu.dma_semaphore, #tpu.memory_space<semaphore_mem>>) {add = true}
      } else {
      }
      %ge3A = arith.constant 1 : i32
      %ge3A_108 = arith.cmpi sge, %add3A_105, %ge3A : i32
      %le3A = arith.constant 160 : i32
      %le3A_109 = arith.cmpi sle, %add3A_105, %le3A : i32
      %and3A = arith.andi %ge3A_108, %le3A_109 : i1
      %convert_element_type3A_110 = arith.extui %and3A : i1 to i32
      %cond3A_111 = arith.constant 0 : i32
      %cond3A_112 = arith.cmpi ne, %convert_element_type3A_110, %cond3A_111 : i32
      scf.if %cond3A_112 {
        %dma_wait3A = arith.constant 0 : i32
        %dma_wait3A_168 = arith.constant 0 : i32
        %dma_wait3A_169 = tpu.memref_slice %arg11[%dma_wait3A, %dma_wait3A_168] : memref<1x125xi32, #tpu.memory_space<vmem>> -> memref<1x125xi32, #tpu.memory_space<vmem>>
        %dma_wait3A_170 = tpu.memref_squeeze %dma_wait3A_169 : memref<1x125xi32, #tpu.memory_space<vmem>> -> memref<125xi32, #tpu.memory_space<vmem>>
        %dma_wait3A_171 = arith.constant 0 : i32
        %dma_wait3A_172 = arith.constant 0 : i32
        %dma_wait3A_173 = tpu.memref_slice %arg18[%dma_wait3A_171, %dma_wait3A_172] : memref<10000x128xf32, #tpu.memory_space<vmem_shared>> -> memref<10000x128xf32, #tpu.memory_space<vmem_shared>>
        tpu.wait_indirect_dma semaphore(%arg17 : memref<!tpu.dma_semaphore, #tpu.memory_space<semaphore_mem>>) src(%arg8 : memref<125x128xf32, #tpu.memory_space<vmem>>) dst(%dma_wait3A_173 : memref<10000x128xf32, #tpu.memory_space<vmem_shared>>)
      } else {
      }
      %add3A_113 = arith.constant 2 : i32
      %add3A_114 = arith.addi %add3A_105, %add3A_113 : i32
      %lt3A_115 = arith.constant 160 : i32
      %lt3A_116 = arith.cmpi slt, %add3A_114, %lt3A_115 : i32
      %convert_element_type3A_117 = arith.extui %lt3A_116 : i1 to i32
      %cond3A_118 = arith.constant 0 : i32
      %cond3A_119 = arith.cmpi ne, %convert_element_type3A_117, %cond3A_118 : i32
      scf.if %cond3A_119 {
        %add3A_168 = arith.constant 2 : i32
        %add3A_169 = arith.addi %add3A_105, %add3A_168 : i32
        %mul3A_170 = arith.constant 125 : i32
        %mul3A_171 = arith.muli %add3A_169, %mul3A_170 : i32
        %add3A_172 = arith.addi %mul3A_2, %mul3A_171 : i32
        %dma_start3A_173 = arith.constant 0 : i32
        %dma_start3A_174 = arith.constant 0 : i32
        %dma_start3A_175 = tpu.memref_slice %arg8[%dma_start3A_173, %dma_start3A_174] : memref<125x128xf32, #tpu.memory_space<vmem>> -> memref<125x64xf32, #tpu.memory_space<vmem>>
        %dma_start3A_176 = tpu.memref_slice %arg2[%add3A_172, %mul3A_0] : memref<320000x128xf32, #tpu.memory_space<hbm>> -> memref<125x64xf32, #tpu.memory_space<hbm>>
        %dma_start3A_177 = arith.constant 0 : i32
        %dma_start3A_178 = arith.constant 0 : i32
        %dma_start3A_179 = tpu.memref_slice %arg8[%dma_start3A_177, %dma_start3A_178] : memref<125x128xf32, #tpu.memory_space<vmem>> -> memref<125x64xf32, #tpu.memory_space<vmem>>
        %dma_start3A_180 = tpu.memref_slice %arg2[%add3A_172, %mul3A_0] : memref<320000x128xf32, #tpu.memory_space<hbm>> -> memref<125x64xf32, #tpu.memory_space<hbm>>
        tpu.enqueue_dma source(%dma_start3A_180 : memref<125x64xf32, #tpu.memory_space<hbm>>) target(%dma_start3A_179 : memref<125x64xf32, #tpu.memory_space<vmem>>) target_semaphore(%arg14 : memref<!tpu.dma_semaphore, #tpu.memory_space<semaphore_mem>>)
        %dma_start3A_181 = arith.constant 0 : i32
        %dma_start3A_182 = arith.constant 64 : i32
        %dma_start3A_183 = tpu.memref_slice %arg8[%dma_start3A_181, %dma_start3A_182] : memref<125x128xf32, #tpu.memory_space<vmem>> -> memref<125x64xf32, #tpu.memory_space<vmem>>
        %dma_start3A_184 = tpu.memref_slice %arg3[%add3A_172, %mul3A_0] : memref<320000x128xf32, #tpu.memory_space<hbm>> -> memref<125x64xf32, #tpu.memory_space<hbm>>
        %dma_start3A_185 = arith.constant 0 : i32
        %dma_start3A_186 = arith.constant 64 : i32
        %dma_start3A_187 = tpu.memref_slice %arg8[%dma_start3A_185, %dma_start3A_186] : memref<125x128xf32, #tpu.memory_space<vmem>> -> memref<125x64xf32, #tpu.memory_space<vmem>>
        %dma_start3A_188 = tpu.memref_slice %arg3[%add3A_172, %mul3A_0] : memref<320000x128xf32, #tpu.memory_space<hbm>> -> memref<125x64xf32, #tpu.memory_space<hbm>>
        tpu.enqueue_dma source(%dma_start3A_188 : memref<125x64xf32, #tpu.memory_space<hbm>>) target(%dma_start3A_187 : memref<125x64xf32, #tpu.memory_space<vmem>>) target_semaphore(%arg14 : memref<!tpu.dma_semaphore, #tpu.memory_space<semaphore_mem>>)
        %dma_start3A_189 = arith.constant 0 : i32
        %dma_start3A_190 = tpu.memref_slice %arg4[%arg1, %add3A_169, %dma_start3A_189] : memref<16x160x125xi32, #tpu.memory_space<hbm>> -> memref<1x1x125xi32, #tpu.memory_space<hbm>>
        %dma_start3A_191 = tpu.memref_squeeze %dma_start3A_190 : memref<1x1x125xi32, #tpu.memory_space<hbm>> -> memref<1x125xi32, #tpu.memory_space<hbm>>
        %dma_start3A_192 = arith.constant 0 : i32
        %dma_start3A_193 = tpu.memref_slice %arg4[%arg1, %add3A_169, %dma_start3A_192] : memref<16x160x125xi32, #tpu.memory_space<hbm>> -> memref<1x1x125xi32, #tpu.memory_space<hbm>>
        %dma_start3A_194 = tpu.memref_squeeze %dma_start3A_193 : memref<1x1x125xi32, #tpu.memory_space<hbm>> -> memref<1x125xi32, #tpu.memory_space<hbm>>
        tpu.enqueue_dma source(%dma_start3A_194 : memref<1x125xi32, #tpu.memory_space<hbm>>) target(%arg11 : memref<1x125xi32, #tpu.memory_space<vmem>>) target_semaphore(%arg14 : memref<!tpu.dma_semaphore, #tpu.memory_space<semaphore_mem>>)
      } else {
      }
      %mul3A_120 = arith.constant 3 : i32
      %mul3A_121 = arith.muli %scan3A_101, %mul3A_120 : i32
      %add3A_122 = arith.constant 1 : i32
      %add3A_123 = arith.addi %mul3A_121, %add3A_122 : i32
      %lt3A_124 = arith.constant 160 : i32
      %lt3A_125 = arith.cmpi slt, %add3A_123, %lt3A_124 : i32
      %convert_element_type3A_126 = arith.extui %lt3A_125 : i1 to i32
      %cond3A_127 = arith.constant 0 : i32
      %cond3A_128 = arith.cmpi ne, %convert_element_type3A_126, %cond3A_127 : i32
      scf.if %cond3A_128 {
        %dma_wait3A = arith.constant 0 : i32
        %dma_wait3A_168 = arith.constant 0 : i32
        %dma_wait3A_169 = tpu.memref_slice %arg7[%dma_wait3A, %dma_wait3A_168] : memref<125x128xf32, #tpu.memory_space<vmem>> -> memref<125x64xf32, #tpu.memory_space<vmem>>
        %dma_wait3A_170 = arith.constant 0 : i32
        %dma_wait3A_171 = arith.constant 0 : i32
        %dma_wait3A_172 = tpu.memref_slice %arg2[%dma_wait3A_170, %dma_wait3A_171] : memref<320000x128xf32, #tpu.memory_space<hbm>> -> memref<125x64xf32, #tpu.memory_space<hbm>>
        %dma_wait3A_173 = arith.constant 0 : i32
        %dma_wait3A_174 = arith.constant 0 : i32
        %dma_wait3A_175 = tpu.memref_slice %arg7[%dma_wait3A_173, %dma_wait3A_174] : memref<125x128xf32, #tpu.memory_space<vmem>> -> memref<125x64xf32, #tpu.memory_space<vmem>>
        %dma_wait3A_176 = arith.constant 0 : i32
        %dma_wait3A_177 = arith.constant 0 : i32
        %dma_wait3A_178 = tpu.memref_slice %arg2[%dma_wait3A_176, %dma_wait3A_177] : memref<320000x128xf32, #tpu.memory_space<hbm>> -> memref<125x64xf32, #tpu.memory_space<hbm>>
        tpu.wait_dma2 semaphore(%arg13 : memref<!tpu.dma_semaphore, #tpu.memory_space<semaphore_mem>>) src(%dma_wait3A_178 : memref<125x64xf32, #tpu.memory_space<hbm>>) dst(%dma_wait3A_175 : memref<125x64xf32, #tpu.memory_space<vmem>>)
        %dma_wait3A_179 = arith.constant 0 : i32
        %dma_wait3A_180 = arith.constant 64 : i32
        %dma_wait3A_181 = tpu.memref_slice %arg7[%dma_wait3A_179, %dma_wait3A_180] : memref<125x128xf32, #tpu.memory_space<vmem>> -> memref<125x64xf32, #tpu.memory_space<vmem>>
        %dma_wait3A_182 = arith.constant 0 : i32
        %dma_wait3A_183 = arith.constant 0 : i32
        %dma_wait3A_184 = tpu.memref_slice %arg2[%dma_wait3A_182, %dma_wait3A_183] : memref<320000x128xf32, #tpu.memory_space<hbm>> -> memref<125x64xf32, #tpu.memory_space<hbm>>
        %dma_wait3A_185 = arith.constant 0 : i32
        %dma_wait3A_186 = arith.constant 64 : i32
        %dma_wait3A_187 = tpu.memref_slice %arg7[%dma_wait3A_185, %dma_wait3A_186] : memref<125x128xf32, #tpu.memory_space<vmem>> -> memref<125x64xf32, #tpu.memory_space<vmem>>
        %dma_wait3A_188 = arith.constant 0 : i32
        %dma_wait3A_189 = arith.constant 0 : i32
        %dma_wait3A_190 = tpu.memref_slice %arg2[%dma_wait3A_188, %dma_wait3A_189] : memref<320000x128xf32, #tpu.memory_space<hbm>> -> memref<125x64xf32, #tpu.memory_space<hbm>>
        tpu.wait_dma2 semaphore(%arg13 : memref<!tpu.dma_semaphore, #tpu.memory_space<semaphore_mem>>) src(%dma_wait3A_190 : memref<125x64xf32, #tpu.memory_space<hbm>>) dst(%dma_wait3A_187 : memref<125x64xf32, #tpu.memory_space<vmem>>)
        %dma_wait3A_191 = arith.constant 0 : i32
        %dma_wait3A_192 = arith.constant 0 : i32
        %dma_wait3A_193 = arith.constant 0 : i32
        %dma_wait3A_194 = tpu.memref_slice %arg4[%dma_wait3A_191, %dma_wait3A_192, %dma_wait3A_193] : memref<16x160x125xi32, #tpu.memory_space<hbm>> -> memref<1x1x125xi32, #tpu.memory_space<hbm>>
        %dma_wait3A_195 = tpu.memref_squeeze %dma_wait3A_194 : memref<1x1x125xi32, #tpu.memory_space<hbm>> -> memref<1x125xi32, #tpu.memory_space<hbm>>
        %dma_wait3A_196 = arith.constant 0 : i32
        %dma_wait3A_197 = arith.constant 0 : i32
        %dma_wait3A_198 = tpu.memref_slice %arg4[%dma_wait3A_191, %dma_wait3A_196, %dma_wait3A_197] : memref<16x160x125xi32, #tpu.memory_space<hbm>> -> memref<1x1x125xi32, #tpu.memory_space<hbm>>
        %dma_wait3A_199 = tpu.memref_squeeze %dma_wait3A_198 : memref<1x1x125xi32, #tpu.memory_space<hbm>> -> memref<1x125xi32, #tpu.memory_space<hbm>>
        tpu.wait_dma2 semaphore(%arg13 : memref<!tpu.dma_semaphore, #tpu.memory_space<semaphore_mem>>) src(%dma_wait3A_199 : memref<1x125xi32, #tpu.memory_space<hbm>>) dst(%arg10 : memref<1x125xi32, #tpu.memory_space<vmem>>)
        %parallel_loop3A_200 = arith.constant 0 : i32
        %parallel_loop3A_201 = arith.constant 125 : i32
        %parallel_loop3A_202 = arith.constant 1 : i32
        scf.for %parallel_loop3A_210 = %parallel_loop3A_200 to %parallel_loop3A_201 step %parallel_loop3A_202  : i32 {
          %parallel_loop3A_211 = arith.index_cast %parallel_loop3A_210 : i32 to index
          %parallel_loop3A_212 = arith.constant 0 : index
          %parallel_loop3A_213 = tpu.vector_load %arg7[%parallel_loop3A_211, %parallel_loop3A_212] {strides = array<i32>} : memref<125x128xf32, #tpu.memory_space<vmem>>, vector<1x16xf32>,
          %parallel_loop3A_214 = vector.shape_cast %parallel_loop3A_213 : vector<1x16xf32> to vector<16xf32>
          %parallel_loop3A_215 = math.exp %parallel_loop3A_214 : vector<16xf32>
          %parallel_loop3A_216 = arith.index_cast %parallel_loop3A_210 : i32 to index
          %parallel_loop3A_217 = arith.constant 0 : index
          %parallel_loop3A_218 = tpu.vector_load %arg7[%parallel_loop3A_216, %parallel_loop3A_217] {strides = array<i32>} : memref<125x128xf32, #tpu.memory_space<vmem>>, vector<1x16xf32>,
          %parallel_loop3A_219 = vector.shape_cast %parallel_loop3A_218 : vector<1x16xf32> to vector<16xf32>
          %parallel_loop3A_220 = vector.shape_cast %parallel_loop3A_215 : vector<16xf32> to vector<1x16xf32>
          tpu.vector_store %arg7[%parallel_loop3A_216, %parallel_loop3A_217], %parallel_loop3A_220 {strides = array<i32>} : memref<125x128xf32, #tpu.memory_space<vmem>>, vector<1x16xf32>,
          %parallel_loop3A_221 = arith.index_cast %parallel_loop3A_210 : i32 to index
          %parallel_loop3A_222 = arith.constant 64 : index
          %parallel_loop3A_223 = tpu.vector_load %arg7[%parallel_loop3A_221, %parallel_loop3A_222] {strides = array<i32>} : memref<125x128xf32, #tpu.memory_space<vmem>>, vector<1x16xf32>,
          %parallel_loop3A_224 = vector.shape_cast %parallel_loop3A_223 : vector<1x16xf32> to vector<16xf32>
          %parallel_loop3A_225 = arith.mulf %parallel_loop3A_215, %parallel_loop3A_224 : vector<16xf32>
          %parallel_loop3A_226 = arith.index_cast %parallel_loop3A_210 : i32 to index
          %parallel_loop3A_227 = arith.constant 64 : index
          %parallel_loop3A_228 = tpu.vector_load %arg7[%parallel_loop3A_226, %parallel_loop3A_227] {strides = array<i32>} : memref<125x128xf32, #tpu.memory_space<vmem>>, vector<1x16xf32>,
          %parallel_loop3A_229 = vector.shape_cast %parallel_loop3A_228 : vector<1x16xf32> to vector<16xf32>
          %parallel_loop3A_230 = vector.shape_cast %parallel_loop3A_225 : vector<16xf32> to vector<1x16xf32>
          tpu.vector_store %arg7[%parallel_loop3A_226, %parallel_loop3A_227], %parallel_loop3A_230 {strides = array<i32>} : memref<125x128xf32, #tpu.memory_space<vmem>>, vector<1x16xf32>,
          %parallel_loop3A_231 = arith.index_cast %parallel_loop3A_210 : i32 to index
          %parallel_loop3A_232 = arith.constant 16 : index
          %parallel_loop3A_233 = tpu.vector_load %arg7[%parallel_loop3A_231, %parallel_loop3A_232] {strides = array<i32>} : memref<125x128xf32, #tpu.memory_space<vmem>>, vector<1x16xf32>,
          %parallel_loop3A_234 = vector.shape_cast %parallel_loop3A_233 : vector<1x16xf32> to vector<16xf32>
          %parallel_loop3A_235 = math.exp %parallel_loop3A_234 : vector<16xf32>
          %parallel_loop3A_236 = arith.index_cast %parallel_loop3A_210 : i32 to index
          %parallel_loop3A_237 = arith.constant 16 : index
          %parallel_loop3A_238 = tpu.vector_load %arg7[%parallel_loop3A_236, %parallel_loop3A_237] {strides = array<i32>} : memref<125x128xf32, #tpu.memory_space<vmem>>, vector<1x16xf32>,
          %parallel_loop3A_239 = vector.shape_cast %parallel_loop3A_238 : vector<1x16xf32> to vector<16xf32>
          %parallel_loop3A_240 = vector.shape_cast %parallel_loop3A_235 : vector<16xf32> to vector<1x16xf32>
          tpu.vector_store %arg7[%parallel_loop3A_236, %parallel_loop3A_237], %parallel_loop3A_240 {strides = array<i32>} : memref<125x128xf32, #tpu.memory_space<vmem>>, vector<1x16xf32>,
          %parallel_loop3A_241 = arith.index_cast %parallel_loop3A_210 : i32 to index
          %parallel_loop3A_242 = arith.constant 80 : index
          %parallel_loop3A_243 = tpu.vector_load %arg7[%parallel_loop3A_241, %parallel_loop3A_242] {strides = array<i32>} : memref<125x128xf32, #tpu.memory_space<vmem>>, vector<1x16xf32>,
          %parallel_loop3A_244 = vector.shape_cast %parallel_loop3A_243 : vector<1x16xf32> to vector<16xf32>
          %parallel_loop3A_245 = arith.mulf %parallel_loop3A_235, %parallel_loop3A_244 : vector<16xf32>
          %parallel_loop3A_246 = arith.index_cast %parallel_loop3A_210 : i32 to index
          %parallel_loop3A_247 = arith.constant 80 : index
          %parallel_loop3A_248 = tpu.vector_load %arg7[%parallel_loop3A_246, %parallel_loop3A_247] {strides = array<i32>} : memref<125x128xf32, #tpu.memory_space<vmem>>, vector<1x16xf32>,
          %parallel_loop3A_249 = vector.shape_cast %parallel_loop3A_248 : vector<1x16xf32> to vector<16xf32>
          %parallel_loop3A_250 = vector.shape_cast %parallel_loop3A_245 : vector<16xf32> to vector<1x16xf32>
          tpu.vector_store %arg7[%parallel_loop3A_246, %parallel_loop3A_247], %parallel_loop3A_250 {strides = array<i32>} : memref<125x128xf32, #tpu.memory_space<vmem>>, vector<1x16xf32>,
          %parallel_loop3A_251 = arith.index_cast %parallel_loop3A_210 : i32 to index
          %parallel_loop3A_252 = arith.constant 32 : index
          %parallel_loop3A_253 = tpu.vector_load %arg7[%parallel_loop3A_251, %parallel_loop3A_252] {strides = array<i32>} : memref<125x128xf32, #tpu.memory_space<vmem>>, vector<1x16xf32>,
          %parallel_loop3A_254 = vector.shape_cast %parallel_loop3A_253 : vector<1x16xf32> to vector<16xf32>
          %parallel_loop3A_255 = math.exp %parallel_loop3A_254 : vector<16xf32>
          %parallel_loop3A_256 = arith.index_cast %parallel_loop3A_210 : i32 to index
          %parallel_loop3A_257 = arith.constant 32 : index
          %parallel_loop3A_258 = tpu.vector_load %arg7[%parallel_loop3A_256, %parallel_loop3A_257] {strides = array<i32>} : memref<125x128xf32, #tpu.memory_space<vmem>>, vector<1x16xf32>,
          %parallel_loop3A_259 = vector.shape_cast %parallel_loop3A_258 : vector<1x16xf32> to vector<16xf32>
          %parallel_loop3A_260 = vector.shape_cast %parallel_loop3A_255 : vector<16xf32> to vector<1x16xf32>
          tpu.vector_store %arg7[%parallel_loop3A_256, %parallel_loop3A_257], %parallel_loop3A_260 {strides = array<i32>} : memref<125x128xf32, #tpu.memory_space<vmem>>, vector<1x16xf32>,
          %parallel_loop3A_261 = arith.index_cast %parallel_loop3A_210 : i32 to index
          %parallel_loop3A_262 = arith.constant 96 : index
          %parallel_loop3A_263 = tpu.vector_load %arg7[%parallel_loop3A_261, %parallel_loop3A_262] {strides = array<i32>} : memref<125x128xf32, #tpu.memory_space<vmem>>, vector<1x16xf32>,
          %parallel_loop3A_264 = vector.shape_cast %parallel_loop3A_263 : vector<1x16xf32> to vector<16xf32>
          %parallel_loop3A_265 = arith.mulf %parallel_loop3A_255, %parallel_loop3A_264 : vector<16xf32>
          %parallel_loop3A_266 = arith.index_cast %parallel_loop3A_210 : i32 to index
          %parallel_loop3A_267 = arith.constant 96 : index
          %parallel_loop3A_268 = tpu.vector_load %arg7[%parallel_loop3A_266, %parallel_loop3A_267] {strides = array<i32>} : memref<125x128xf32, #tpu.memory_space<vmem>>, vector<1x16xf32>,
          %parallel_loop3A_269 = vector.shape_cast %parallel_loop3A_268 : vector<1x16xf32> to vector<16xf32>
          %parallel_loop3A_270 = vector.shape_cast %parallel_loop3A_265 : vector<16xf32> to vector<1x16xf32>
          tpu.vector_store %arg7[%parallel_loop3A_266, %parallel_loop3A_267], %parallel_loop3A_270 {strides = array<i32>} : memref<125x128xf32, #tpu.memory_space<vmem>>, vector<1x16xf32>,
          %parallel_loop3A_271 = arith.index_cast %parallel_loop3A_210 : i32 to index
          %parallel_loop3A_272 = arith.constant 48 : index
          %parallel_loop3A_273 = tpu.vector_load %arg7[%parallel_loop3A_271, %parallel_loop3A_272] {strides = array<i32>} : memref<125x128xf32, #tpu.memory_space<vmem>>, vector<1x16xf32>,
          %parallel_loop3A_274 = vector.shape_cast %parallel_loop3A_273 : vector<1x16xf32> to vector<16xf32>
          %parallel_loop3A_275 = math.exp %parallel_loop3A_274 : vector<16xf32>
          %parallel_loop3A_276 = arith.index_cast %parallel_loop3A_210 : i32 to index
          %parallel_loop3A_277 = arith.constant 48 : index
          %parallel_loop3A_278 = tpu.vector_load %arg7[%parallel_loop3A_276, %parallel_loop3A_277] {strides = array<i32>} : memref<125x128xf32, #tpu.memory_space<vmem>>, vector<1x16xf32>,
          %parallel_loop3A_279 = vector.shape_cast %parallel_loop3A_278 : vector<1x16xf32> to vector<16xf32>
          %parallel_loop3A_280 = vector.shape_cast %parallel_loop3A_275 : vector<16xf32> to vector<1x16xf32>
          tpu.vector_store %arg7[%parallel_loop3A_276, %parallel_loop3A_277], %parallel_loop3A_280 {strides = array<i32>} : memref<125x128xf32, #tpu.memory_space<vmem>>, vector<1x16xf32>,
          %parallel_loop3A_281 = arith.index_cast %parallel_loop3A_210 : i32 to index
          %parallel_loop3A_282 = arith.constant 112 : index
          %parallel_loop3A_283 = tpu.vector_load %arg7[%parallel_loop3A_281, %parallel_loop3A_282] {strides = array<i32>} : memref<125x128xf32, #tpu.memory_space<vmem>>, vector<1x16xf32>,
          %parallel_loop3A_284 = vector.shape_cast %parallel_loop3A_283 : vector<1x16xf32> to vector<16xf32>
          %parallel_loop3A_285 = arith.mulf %parallel_loop3A_275, %parallel_loop3A_284 : vector<16xf32>
          %parallel_loop3A_286 = arith.index_cast %parallel_loop3A_210 : i32 to index
          %parallel_loop3A_287 = arith.constant 112 : index
          %parallel_loop3A_288 = tpu.vector_load %arg7[%parallel_loop3A_286, %parallel_loop3A_287] {strides = array<i32>} : memref<125x128xf32, #tpu.memory_space<vmem>>, vector<1x16xf32>,
          %parallel_loop3A_289 = vector.shape_cast %parallel_loop3A_288 : vector<1x16xf32> to vector<16xf32>
          %parallel_loop3A_290 = vector.shape_cast %parallel_loop3A_285 : vector<16xf32> to vector<1x16xf32>
          tpu.vector_store %arg7[%parallel_loop3A_286, %parallel_loop3A_287], %parallel_loop3A_290 {strides = array<i32>} : memref<125x128xf32, #tpu.memory_space<vmem>>, vector<1x16xf32>,
        } {sc.loop_unroll_factor = 5 : i64, sc.parallel_access}
        %dma_start3A_203 = arith.constant 0 : i32
        %dma_start3A_204 = arith.constant 0 : i32
        %dma_start3A_205 = tpu.memref_slice %arg10[%dma_start3A_203, %dma_start3A_204] : memref<1x125xi32, #tpu.memory_space<vmem>> -> memref<1x125xi32, #tpu.memory_space<vmem>>
        %dma_start3A_206 = tpu.memref_squeeze %dma_start3A_205 : memref<1x125xi32, #tpu.memory_space<vmem>> -> memref<125xi32, #tpu.memory_space<vmem>>
        %dma_start3A_207 = arith.constant 0 : i32
        %dma_start3A_208 = arith.constant 0 : i32
        %dma_start3A_209 = tpu.memref_slice %arg18[%dma_start3A_207, %dma_start3A_208] : memref<10000x128xf32, #tpu.memory_space<vmem_shared>> -> memref<10000x128xf32, #tpu.memory_space<vmem_shared>>
        tpu.enqueue_indirect_dma source(%arg7 : memref<125x128xf32, #tpu.memory_space<vmem>>) target(%dma_start3A_209 : memref<10000x128xf32, #tpu.memory_space<vmem_shared>>) offsets(%dma_start3A_206 : memref<125xi32, #tpu.memory_space<vmem>>) semaphore(%arg16 : memref<!tpu.dma_semaphore, #tpu.memory_space<semaphore_mem>>) {add = true}
      } else {
      }
      %ge3A_129 = arith.constant 1 : i32
      %ge3A_130 = arith.cmpi sge, %add3A_123, %ge3A_129 : i32
      %le3A_131 = arith.constant 160 : i32
      %le3A_132 = arith.cmpi sle, %add3A_123, %le3A_131 : i32
      %and3A_133 = arith.andi %ge3A_130, %le3A_132 : i1
      %convert_element_type3A_134 = arith.extui %and3A_133 : i1 to i32
      %cond3A_135 = arith.constant 0 : i32
      %cond3A_136 = arith.cmpi ne, %convert_element_type3A_134, %cond3A_135 : i32
      scf.if %cond3A_136 {
        %dma_wait3A = arith.constant 0 : i32
        %dma_wait3A_168 = arith.constant 0 : i32
        %dma_wait3A_169 = tpu.memref_slice %arg9[%dma_wait3A, %dma_wait3A_168] : memref<1x125xi32, #tpu.memory_space<vmem>> -> memref<1x125xi32, #tpu.memory_space<vmem>>
        %dma_wait3A_170 = tpu.memref_squeeze %dma_wait3A_169 : memref<1x125xi32, #tpu.memory_space<vmem>> -> memref<125xi32, #tpu.memory_space<vmem>>
        %dma_wait3A_171 = arith.constant 0 : i32
        %dma_wait3A_172 = arith.constant 0 : i32
        %dma_wait3A_173 = tpu.memref_slice %arg18[%dma_wait3A_171, %dma_wait3A_172] : memref<10000x128xf32, #tpu.memory_space<vmem_shared>> -> memref<10000x128xf32, #tpu.memory_space<vmem_shared>>
        tpu.wait_indirect_dma semaphore(%arg15 : memref<!tpu.dma_semaphore, #tpu.memory_space<semaphore_mem>>) src(%arg6 : memref<125x128xf32, #tpu.memory_space<vmem>>) dst(%dma_wait3A_173 : memref<10000x128xf32, #tpu.memory_space<vmem_shared>>)
      } else {
      }
      %add3A_137 = arith.constant 2 : i32
      %add3A_138 = arith.addi %add3A_123, %add3A_137 : i32
      %lt3A_139 = arith.constant 160 : i32
      %lt3A_140 = arith.cmpi slt, %add3A_138, %lt3A_139 : i32
      %convert_element_type3A_141 = arith.extui %lt3A_140 : i1 to i32
      %cond3A_142 = arith.constant 0 : i32
      %cond3A_143 = arith.cmpi ne, %convert_element_type3A_141, %cond3A_142 : i32
      scf.if %cond3A_143 {
        %add3A_168 = arith.constant 2 : i32
        %add3A_169 = arith.addi %add3A_123, %add3A_168 : i32
        %mul3A_170 = arith.constant 125 : i32
        %mul3A_171 = arith.muli %add3A_169, %mul3A_170 : i32
        %add3A_172 = arith.addi %mul3A_2, %mul3A_171 : i32
        %dma_start3A_173 = arith.constant 0 : i32
        %dma_start3A_174 = arith.constant 0 : i32
        %dma_start3A_175 = tpu.memref_slice %arg6[%dma_start3A_173, %dma_start3A_174] : memref<125x128xf32, #tpu.memory_space<vmem>> -> memref<125x64xf32, #tpu.memory_space<vmem>>
        %dma_start3A_176 = tpu.memref_slice %arg2[%add3A_172, %mul3A_0] : memref<320000x128xf32, #tpu.memory_space<hbm>> -> memref<125x64xf32, #tpu.memory_space<hbm>>
        %dma_start3A_177 = arith.constant 0 : i32
        %dma_start3A_178 = arith.constant 0 : i32
        %dma_start3A_179 = tpu.memref_slice %arg6[%dma_start3A_177, %dma_start3A_178] : memref<125x128xf32, #tpu.memory_space<vmem>> -> memref<125x64xf32, #tpu.memory_space<vmem>>
        %dma_start3A_180 = tpu.memref_slice %arg2[%add3A_172, %mul3A_0] : memref<320000x128xf32, #tpu.memory_space<hbm>> -> memref<125x64xf32, #tpu.memory_space<hbm>>
        tpu.enqueue_dma source(%dma_start3A_180 : memref<125x64xf32, #tpu.memory_space<hbm>>) target(%dma_start3A_179 : memref<125x64xf32, #tpu.memory_space<vmem>>) target_semaphore(%arg12 : memref<!tpu.dma_semaphore, #tpu.memory_space<semaphore_mem>>)
        %dma_start3A_181 = arith.constant 0 : i32
        %dma_start3A_182 = arith.constant 64 : i32
        %dma_start3A_183 = tpu.memref_slice %arg6[%dma_start3A_181, %dma_start3A_182] : memref<125x128xf32, #tpu.memory_space<vmem>> -> memref<125x64xf32, #tpu.memory_space<vmem>>
        %dma_start3A_184 = tpu.memref_slice %arg3[%add3A_172, %mul3A_0] : memref<320000x128xf32, #tpu.memory_space<hbm>> -> memref<125x64xf32, #tpu.memory_space<hbm>>
        %dma_start3A_185 = arith.constant 0 : i32
        %dma_start3A_186 = arith.constant 64 : i32
        %dma_start3A_187 = tpu.memref_slice %arg6[%dma_start3A_185, %dma_start3A_186] : memref<125x128xf32, #tpu.memory_space<vmem>> -> memref<125x64xf32, #tpu.memory_space<vmem>>
        %dma_start3A_188 = tpu.memref_slice %arg3[%add3A_172, %mul3A_0] : memref<320000x128xf32, #tpu.memory_space<hbm>> -> memref<125x64xf32, #tpu.memory_space<hbm>>
        tpu.enqueue_dma source(%dma_start3A_188 : memref<125x64xf32, #tpu.memory_space<hbm>>) target(%dma_start3A_187 : memref<125x64xf32, #tpu.memory_space<vmem>>) target_semaphore(%arg12 : memref<!tpu.dma_semaphore, #tpu.memory_space<semaphore_mem>>)
        %dma_start3A_189 = arith.constant 0 : i32
        %dma_start3A_190 = tpu.memref_slice %arg4[%arg1, %add3A_169, %dma_start3A_189] : memref<16x160x125xi32, #tpu.memory_space<hbm>> -> memref<1x1x125xi32, #tpu.memory_space<hbm>>
        %dma_start3A_191 = tpu.memref_squeeze %dma_start3A_190 : memref<1x1x125xi32, #tpu.memory_space<hbm>> -> memref<1x125xi32, #tpu.memory_space<hbm>>
        %dma_start3A_192 = arith.constant 0 : i32
        %dma_start3A_193 = tpu.memref_slice %arg4[%arg1, %add3A_169, %dma_start3A_192] : memref<16x160x125xi32, #tpu.memory_space<hbm>> -> memref<1x1x125xi32, #tpu.memory_space<hbm>>
        %dma_start3A_194 = tpu.memref_squeeze %dma_start3A_193 : memref<1x1x125xi32, #tpu.memory_space<hbm>> -> memref<1x125xi32, #tpu.memory_space<hbm>>
        tpu.enqueue_dma source(%dma_start3A_194 : memref<1x125xi32, #tpu.memory_space<hbm>>) target(%arg9 : memref<1x125xi32, #tpu.memory_space<vmem>>) target_semaphore(%arg12 : memref<!tpu.dma_semaphore, #tpu.memory_space<semaphore_mem>>)
      } else {
      }
      %mul3A_144 = arith.constant 3 : i32
      %mul3A_145 = arith.muli %scan3A_101, %mul3A_144 : i32
      %add3A_146 = arith.constant 2 : i32
      %add3A_147 = arith.addi %mul3A_145, %add3A_146 : i32
      %lt3A_148 = arith.constant 160 : i32
      %lt3A_149 = arith.cmpi slt, %add3A_147, %lt3A_148 : i32
      %convert_element_type3A_150 = arith.extui %lt3A_149 : i1 to i32
      %cond3A_151 = arith.constant 0 : i32
      %cond3A_152 = arith.cmpi ne, %convert_element_type3A_150, %cond3A_151 : i32
      scf.if %cond3A_152 {
        %dma_wait3A = arith.constant 0 : i32
        %dma_wait3A_168 = arith.constant 0 : i32
        %dma_wait3A_169 = tpu.memref_slice %arg8[%dma_wait3A, %dma_wait3A_168] : memref<125x128xf32, #tpu.memory_space<vmem>> -> memref<125x64xf32, #tpu.memory_space<vmem>>
        %dma_wait3A_170 = arith.constant 0 : i32
        %dma_wait3A_171 = arith.constant 0 : i32
        %dma_wait3A_172 = tpu.memref_slice %arg2[%dma_wait3A_170, %dma_wait3A_171] : memref<320000x128xf32, #tpu.memory_space<hbm>> -> memref<125x64xf32, #tpu.memory_space<hbm>>
        %dma_wait3A_173 = arith.constant 0 : i32
        %dma_wait3A_174 = arith.constant 0 : i32
        %dma_wait3A_175 = tpu.memref_slice %arg8[%dma_wait3A_173, %dma_wait3A_174] : memref<125x128xf32, #tpu.memory_space<vmem>> -> memref<125x64xf32, #tpu.memory_space<vmem>>
        %dma_wait3A_176 = arith.constant 0 : i32
        %dma_wait3A_177 = arith.constant 0 : i32
        %dma_wait3A_178 = tpu.memref_slice %arg2[%dma_wait3A_176, %dma_wait3A_177] : memref<320000x128xf32, #tpu.memory_space<hbm>> -> memref<125x64xf32, #tpu.memory_space<hbm>>
        tpu.wait_dma2 semaphore(%arg14 : memref<!tpu.dma_semaphore, #tpu.memory_space<semaphore_mem>>) src(%dma_wait3A_178 : memref<125x64xf32, #tpu.memory_space<hbm>>) dst(%dma_wait3A_175 : memref<125x64xf32, #tpu.memory_space<vmem>>)
        %dma_wait3A_179 = arith.constant 0 : i32
        %dma_wait3A_180 = arith.constant 64 : i32
        %dma_wait3A_181 = tpu.memref_slice %arg8[%dma_wait3A_179, %dma_wait3A_180] : memref<125x128xf32, #tpu.memory_space<vmem>> -> memref<125x64xf32, #tpu.memory_space<vmem>>
        %dma_wait3A_182 = arith.constant 0 : i32
        %dma_wait3A_183 = arith.constant 0 : i32
        %dma_wait3A_184 = tpu.memref_slice %arg2[%dma_wait3A_182, %dma_wait3A_183] : memref<320000x128xf32, #tpu.memory_space<hbm>> -> memref<125x64xf32, #tpu.memory_space<hbm>>
        %dma_wait3A_185 = arith.constant 0 : i32
        %dma_wait3A_186 = arith.constant 64 : i32
        %dma_wait3A_187 = tpu.memref_slice %arg8[%dma_wait3A_185, %dma_wait3A_186] : memref<125x128xf32, #tpu.memory_space<vmem>> -> memref<125x64xf32, #tpu.memory_space<vmem>>
        %dma_wait3A_188 = arith.constant 0 : i32
        %dma_wait3A_189 = arith.constant 0 : i32
        %dma_wait3A_190 = tpu.memref_slice %arg2[%dma_wait3A_188, %dma_wait3A_189] : memref<320000x128xf32, #tpu.memory_space<hbm>> -> memref<125x64xf32, #tpu.memory_space<hbm>>
        tpu.wait_dma2 semaphore(%arg14 : memref<!tpu.dma_semaphore, #tpu.memory_space<semaphore_mem>>) src(%dma_wait3A_190 : memref<125x64xf32, #tpu.memory_space<hbm>>) dst(%dma_wait3A_187 : memref<125x64xf32, #tpu.memory_space<vmem>>)
        %dma_wait3A_191 = arith.constant 0 : i32
        %dma_wait3A_192 = arith.constant 0 : i32
        %dma_wait3A_193 = arith.constant 0 : i32
        %dma_wait3A_194 = tpu.memref_slice %arg4[%dma_wait3A_191, %dma_wait3A_192, %dma_wait3A_193] : memref<16x160x125xi32, #tpu.memory_space<hbm>> -> memref<1x1x125xi32, #tpu.memory_space<hbm>>
        %dma_wait3A_195 = tpu.memref_squeeze %dma_wait3A_194 : memref<1x1x125xi32, #tpu.memory_space<hbm>> -> memref<1x125xi32, #tpu.memory_space<hbm>>
        %dma_wait3A_196 = arith.constant 0 : i32
        %dma_wait3A_197 = arith.constant 0 : i32
        %dma_wait3A_198 = tpu.memref_slice %arg4[%dma_wait3A_191, %dma_wait3A_196, %dma_wait3A_197] : memref<16x160x125xi32, #tpu.memory_space<hbm>> -> memref<1x1x125xi32, #tpu.memory_space<hbm>>
        %dma_wait3A_199 = tpu.memref_squeeze %dma_wait3A_198 : memref<1x1x125xi32, #tpu.memory_space<hbm>> -> memref<1x125xi32, #tpu.memory_space<hbm>>
        tpu.wait_dma2 semaphore(%arg14 : memref<!tpu.dma_semaphore, #tpu.memory_space<semaphore_mem>>) src(%dma_wait3A_199 : memref<1x125xi32, #tpu.memory_space<hbm>>) dst(%arg11 : memref<1x125xi32, #tpu.memory_space<vmem>>)
        %parallel_loop3A_200 = arith.constant 0 : i32
        %parallel_loop3A_201 = arith.constant 125 : i32
        %parallel_loop3A_202 = arith.constant 1 : i32
        scf.for %parallel_loop3A_210 = %parallel_loop3A_200 to %parallel_loop3A_201 step %parallel_loop3A_202  : i32 {
          %parallel_loop3A_211 = arith.index_cast %parallel_loop3A_210 : i32 to index
          %parallel_loop3A_212 = arith.constant 0 : index
          %parallel_loop3A_213 = tpu.vector_load %arg8[%parallel_loop3A_211, %parallel_loop3A_212] {strides = array<i32>} : memref<125x128xf32, #tpu.memory_space<vmem>>, vector<1x16xf32>,
          %parallel_loop3A_214 = vector.shape_cast %parallel_loop3A_213 : vector<1x16xf32> to vector<16xf32>
          %parallel_loop3A_215 = math.exp %parallel_loop3A_214 : vector<16xf32>
          %parallel_loop3A_216 = arith.index_cast %parallel_loop3A_210 : i32 to index
          %parallel_loop3A_217 = arith.constant 0 : index
          %parallel_loop3A_218 = tpu.vector_load %arg8[%parallel_loop3A_216, %parallel_loop3A_217] {strides = array<i32>} : memref<125x128xf32, #tpu.memory_space<vmem>>, vector<1x16xf32>,
          %parallel_loop3A_219 = vector.shape_cast %parallel_loop3A_218 : vector<1x16xf32> to vector<16xf32>
          %parallel_loop3A_220 = vector.shape_cast %parallel_loop3A_215 : vector<16xf32> to vector<1x16xf32>
          tpu.vector_store %arg8[%parallel_loop3A_216, %parallel_loop3A_217], %parallel_loop3A_220 {strides = array<i32>} : memref<125x128xf32, #tpu.memory_space<vmem>>, vector<1x16xf32>,
          %parallel_loop3A_221 = arith.index_cast %parallel_loop3A_210 : i32 to index
          %parallel_loop3A_222 = arith.constant 64 : index
          %parallel_loop3A_223 = tpu.vector_load %arg8[%parallel_loop3A_221, %parallel_loop3A_222] {strides = array<i32>} : memref<125x128xf32, #tpu.memory_space<vmem>>, vector<1x16xf32>,
          %parallel_loop3A_224 = vector.shape_cast %parallel_loop3A_223 : vector<1x16xf32> to vector<16xf32>
          %parallel_loop3A_225 = arith.mulf %parallel_loop3A_215, %parallel_loop3A_224 : vector<16xf32>
          %parallel_loop3A_226 = arith.index_cast %parallel_loop3A_210 : i32 to index
          %parallel_loop3A_227 = arith.constant 64 : index
          %parallel_loop3A_228 = tpu.vector_load %arg8[%parallel_loop3A_226, %parallel_loop3A_227] {strides = array<i32>} : memref<125x128xf32, #tpu.memory_space<vmem>>, vector<1x16xf32>,
          %parallel_loop3A_229 = vector.shape_cast %parallel_loop3A_228 : vector<1x16xf32> to vector<16xf32>
          %parallel_loop3A_230 = vector.shape_cast %parallel_loop3A_225 : vector<16xf32> to vector<1x16xf32>
          tpu.vector_store %arg8[%parallel_loop3A_226, %parallel_loop3A_227], %parallel_loop3A_230 {strides = array<i32>} : memref<125x128xf32, #tpu.memory_space<vmem>>, vector<1x16xf32>,
          %parallel_loop3A_231 = arith.index_cast %parallel_loop3A_210 : i32 to index
          %parallel_loop3A_232 = arith.constant 16 : index
          %parallel_loop3A_233 = tpu.vector_load %arg8[%parallel_loop3A_231, %parallel_loop3A_232] {strides = array<i32>} : memref<125x128xf32, #tpu.memory_space<vmem>>, vector<1x16xf32>,
          %parallel_loop3A_234 = vector.shape_cast %parallel_loop3A_233 : vector<1x16xf32> to vector<16xf32>
          %parallel_loop3A_235 = math.exp %parallel_loop3A_234 : vector<16xf32>
          %parallel_loop3A_236 = arith.index_cast %parallel_loop3A_210 : i32 to index
          %parallel_loop3A_237 = arith.constant 16 : index
          %parallel_loop3A_238 = tpu.vector_load %arg8[%parallel_loop3A_236, %parallel_loop3A_237] {strides = array<i32>} : memref<125x128xf32, #tpu.memory_space<vmem>>, vector<1x16xf32>,
          %parallel_loop3A_239 = vector.shape_cast %parallel_loop3A_238 : vector<1x16xf32> to vector<16xf32>
          %parallel_loop3A_240 = vector.shape_cast %parallel_loop3A_235 : vector<16xf32> to vector<1x16xf32>
          tpu.vector_store %arg8[%parallel_loop3A_236, %parallel_loop3A_237], %parallel_loop3A_240 {strides = array<i32>} : memref<125x128xf32, #tpu.memory_space<vmem>>, vector<1x16xf32>,
          %parallel_loop3A_241 = arith.index_cast %parallel_loop3A_210 : i32 to index
          %parallel_loop3A_242 = arith.constant 80 : index
          %parallel_loop3A_243 = tpu.vector_load %arg8[%parallel_loop3A_241, %parallel_loop3A_242] {strides = array<i32>} : memref<125x128xf32, #tpu.memory_space<vmem>>, vector<1x16xf32>,
          %parallel_loop3A_244 = vector.shape_cast %parallel_loop3A_243 : vector<1x16xf32> to vector<16xf32>
          %parallel_loop3A_245 = arith.mulf %parallel_loop3A_235, %parallel_loop3A_244 : vector<16xf32>
          %parallel_loop3A_246 = arith.index_cast %parallel_loop3A_210 : i32 to index
          %parallel_loop3A_247 = arith.constant 80 : index
          %parallel_loop3A_248 = tpu.vector_load %arg8[%parallel_loop3A_246, %parallel_loop3A_247] {strides = array<i32>} : memref<125x128xf32, #tpu.memory_space<vmem>>, vector<1x16xf32>,
          %parallel_loop3A_249 = vector.shape_cast %parallel_loop3A_248 : vector<1x16xf32> to vector<16xf32>
          %parallel_loop3A_250 = vector.shape_cast %parallel_loop3A_245 : vector<16xf32> to vector<1x16xf32>
          tpu.vector_store %arg8[%parallel_loop3A_246, %parallel_loop3A_247], %parallel_loop3A_250 {strides = array<i32>} : memref<125x128xf32, #tpu.memory_space<vmem>>, vector<1x16xf32>,
          %parallel_loop3A_251 = arith.index_cast %parallel_loop3A_210 : i32 to index
          %parallel_loop3A_252 = arith.constant 32 : index
          %parallel_loop3A_253 = tpu.vector_load %arg8[%parallel_loop3A_251, %parallel_loop3A_252] {strides = array<i32>} : memref<125x128xf32, #tpu.memory_space<vmem>>, vector<1x16xf32>,
          %parallel_loop3A_254 = vector.shape_cast %parallel_loop3A_253 : vector<1x16xf32> to vector<16xf32>
          %parallel_loop3A_255 = math.exp %parallel_loop3A_254 : vector<16xf32>
          %parallel_loop3A_256 = arith.index_cast %parallel_loop3A_210 : i32 to index
          %parallel_loop3A_257 = arith.constant 32 : index
          %parallel_loop3A_258 = tpu.vector_load %arg8[%parallel_loop3A_256, %parallel_loop3A_257] {strides = array<i32>} : memref<125x128xf32, #tpu.memory_space<vmem>>, vector<1x16xf32>,
          %parallel_loop3A_259 = vector.shape_cast %parallel_loop3A_258 : vector<1x16xf32> to vector<16xf32>
          %parallel_loop3A_260 = vector.shape_cast %parallel_loop3A_255 : vector<16xf32> to vector<1x16xf32>
          tpu.vector_store %arg8[%parallel_loop3A_256, %parallel_loop3A_257], %parallel_loop3A_260 {strides = array<i32>} : memref<125x128xf32, #tpu.memory_space<vmem>>, vector<1x16xf32>,
          %parallel_loop3A_261 = arith.index_cast %parallel_loop3A_210 : i32 to index
          %parallel_loop3A_262 = arith.constant 96 : index
          %parallel_loop3A_263 = tpu.vector_load %arg8[%parallel_loop3A_261, %parallel_loop3A_262] {strides = array<i32>} : memref<125x128xf32, #tpu.memory_space<vmem>>, vector<1x16xf32>,
          %parallel_loop3A_264 = vector.shape_cast %parallel_loop3A_263 : vector<1x16xf32> to vector<16xf32>
          %parallel_loop3A_265 = arith.mulf %parallel_loop3A_255, %parallel_loop3A_264 : vector<16xf32>
          %parallel_loop3A_266 = arith.index_cast %parallel_loop3A_210 : i32 to index
          %parallel_loop3A_267 = arith.constant 96 : index
          %parallel_loop3A_268 = tpu.vector_load %arg8[%parallel_loop3A_266, %parallel_loop3A_267] {strides = array<i32>} : memref<125x128xf32, #tpu.memory_space<vmem>>, vector<1x16xf32>,
          %parallel_loop3A_269 = vector.shape_cast %parallel_loop3A_268 : vector<1x16xf32> to vector<16xf32>
          %parallel_loop3A_270 = vector.shape_cast %parallel_loop3A_265 : vector<16xf32> to vector<1x16xf32>
          tpu.vector_store %arg8[%parallel_loop3A_266, %parallel_loop3A_267], %parallel_loop3A_270 {strides = array<i32>} : memref<125x128xf32, #tpu.memory_space<vmem>>, vector<1x16xf32>,
          %parallel_loop3A_271 = arith.index_cast %parallel_loop3A_210 : i32 to index
          %parallel_loop3A_272 = arith.constant 48 : index
          %parallel_loop3A_273 = tpu.vector_load %arg8[%parallel_loop3A_271, %parallel_loop3A_272] {strides = array<i32>} : memref<125x128xf32, #tpu.memory_space<vmem>>, vector<1x16xf32>,
          %parallel_loop3A_274 = vector.shape_cast %parallel_loop3A_273 : vector<1x16xf32> to vector<16xf32>
          %parallel_loop3A_275 = math.exp %parallel_loop3A_274 : vector<16xf32>
          %parallel_loop3A_276 = arith.index_cast %parallel_loop3A_210 : i32 to index
          %parallel_loop3A_277 = arith.constant 48 : index
          %parallel_loop3A_278 = tpu.vector_load %arg8[%parallel_loop3A_276, %parallel_loop3A_277] {strides = array<i32>} : memref<125x128xf32, #tpu.memory_space<vmem>>, vector<1x16xf32>,
          %parallel_loop3A_279 = vector.shape_cast %parallel_loop3A_278 : vector<1x16xf32> to vector<16xf32>
          %parallel_loop3A_280 = vector.shape_cast %parallel_loop3A_275 : vector<16xf32> to vector<1x16xf32>
          tpu.vector_store %arg8[%parallel_loop3A_276, %parallel_loop3A_277], %parallel_loop3A_280 {strides = array<i32>} : memref<125x128xf32, #tpu.memory_space<vmem>>, vector<1x16xf32>,
          %parallel_loop3A_281 = arith.index_cast %parallel_loop3A_210 : i32 to index
          %parallel_loop3A_282 = arith.constant 112 : index
          %parallel_loop3A_283 = tpu.vector_load %arg8[%parallel_loop3A_281, %parallel_loop3A_282] {strides = array<i32>} : memref<125x128xf32, #tpu.memory_space<vmem>>, vector<1x16xf32>,
          %parallel_loop3A_284 = vector.shape_cast %parallel_loop3A_283 : vector<1x16xf32> to vector<16xf32>
          %parallel_loop3A_285 = arith.mulf %parallel_loop3A_275, %parallel_loop3A_284 : vector<16xf32>
          %parallel_loop3A_286 = arith.index_cast %parallel_loop3A_210 : i32 to index
          %parallel_loop3A_287 = arith.constant 112 : index
          %parallel_loop3A_288 = tpu.vector_load %arg8[%parallel_loop3A_286, %parallel_loop3A_287] {strides = array<i32>} : memref<125x128xf32, #tpu.memory_space<vmem>>, vector<1x16xf32>,
          %parallel_loop3A_289 = vector.shape_cast %parallel_loop3A_288 : vector<1x16xf32> to vector<16xf32>
          %parallel_loop3A_290 = vector.shape_cast %parallel_loop3A_285 : vector<16xf32> to vector<1x16xf32>
          tpu.vector_store %arg8[%parallel_loop3A_286, %parallel_loop3A_287], %parallel_loop3A_290 {strides = array<i32>} : memref<125x128xf32, #tpu.memory_space<vmem>>, vector<1x16xf32>,
        } {sc.loop_unroll_factor = 5 : i64, sc.parallel_access}
        %dma_start3A_203 = arith.constant 0 : i32
        %dma_start3A_204 = arith.constant 0 : i32
        %dma_start3A_205 = tpu.memref_slice %arg11[%dma_start3A_203, %dma_start3A_204] : memref<1x125xi32, #tpu.memory_space<vmem>> -> memref<1x125xi32, #tpu.memory_space<vmem>>
        %dma_start3A_206 = tpu.memref_squeeze %dma_start3A_205 : memref<1x125xi32, #tpu.memory_space<vmem>> -> memref<125xi32, #tpu.memory_space<vmem>>
        %dma_start3A_207 = arith.constant 0 : i32
        %dma_start3A_208 = arith.constant 0 : i32
        %dma_start3A_209 = tpu.memref_slice %arg18[%dma_start3A_207, %dma_start3A_208] : memref<10000x128xf32, #tpu.memory_space<vmem_shared>> -> memref<10000x128xf32, #tpu.memory_space<vmem_shared>>
        tpu.enqueue_indirect_dma source(%arg8 : memref<125x128xf32, #tpu.memory_space<vmem>>) target(%dma_start3A_209 : memref<10000x128xf32, #tpu.memory_space<vmem_shared>>) offsets(%dma_start3A_206 : memref<125xi32, #tpu.memory_space<vmem>>) semaphore(%arg17 : memref<!tpu.dma_semaphore, #tpu.memory_space<semaphore_mem>>) {add = true}
      } else {
      }
      %ge3A_153 = arith.constant 1 : i32
      %ge3A_154 = arith.cmpi sge, %add3A_147, %ge3A_153 : i32
      %le3A_155 = arith.constant 160 : i32
      %le3A_156 = arith.cmpi sle, %add3A_147, %le3A_155 : i32
      %and3A_157 = arith.andi %ge3A_154, %le3A_156 : i1
      %convert_element_type3A_158 = arith.extui %and3A_157 : i1 to i32
      %cond3A_159 = arith.constant 0 : i32
      %cond3A_160 = arith.cmpi ne, %convert_element_type3A_158, %cond3A_159 : i32
      scf.if %cond3A_160 {
        %dma_wait3A = arith.constant 0 : i32
        %dma_wait3A_168 = arith.constant 0 : i32
        %dma_wait3A_169 = tpu.memref_slice %arg10[%dma_wait3A, %dma_wait3A_168] : memref<1x125xi32, #tpu.memory_space<vmem>> -> memref<1x125xi32, #tpu.memory_space<vmem>>
        %dma_wait3A_170 = tpu.memref_squeeze %dma_wait3A_169 : memref<1x125xi32, #tpu.memory_space<vmem>> -> memref<125xi32, #tpu.memory_space<vmem>>
        %dma_wait3A_171 = arith.constant 0 : i32
        %dma_wait3A_172 = arith.constant 0 : i32
        %dma_wait3A_173 = tpu.memref_slice %arg18[%dma_wait3A_171, %dma_wait3A_172] : memref<10000x128xf32, #tpu.memory_space<vmem_shared>> -> memref<10000x128xf32, #tpu.memory_space<vmem_shared>>
        tpu.wait_indirect_dma semaphore(%arg16 : memref<!tpu.dma_semaphore, #tpu.memory_space<semaphore_mem>>) src(%arg7 : memref<125x128xf32, #tpu.memory_space<vmem>>) dst(%dma_wait3A_173 : memref<10000x128xf32, #tpu.memory_space<vmem_shared>>)
      } else {
      }
      %add3A_161 = arith.constant 2 : i32
      %add3A_162 = arith.addi %add3A_147, %add3A_161 : i32
      %lt3A_163 = arith.constant 160 : i32
      %lt3A_164 = arith.cmpi slt, %add3A_162, %lt3A_163 : i32
      %convert_element_type3A_165 = arith.extui %lt3A_164 : i1 to i32
      %cond3A_166 = arith.constant 0 : i32
      %cond3A_167 = arith.cmpi ne, %convert_element_type3A_165, %cond3A_166 : i32
      scf.if %cond3A_167 {
        %add3A_168 = arith.constant 2 : i32
        %add3A_169 = arith.addi %add3A_147, %add3A_168 : i32
        %mul3A_170 = arith.constant 125 : i32
        %mul3A_171 = arith.muli %add3A_169, %mul3A_170 : i32
        %add3A_172 = arith.addi %mul3A_2, %mul3A_171 : i32
        %dma_start3A_173 = arith.constant 0 : i32
        %dma_start3A_174 = arith.constant 0 : i32
        %dma_start3A_175 = tpu.memref_slice %arg7[%dma_start3A_173, %dma_start3A_174] : memref<125x128xf32, #tpu.memory_space<vmem>> -> memref<125x64xf32, #tpu.memory_space<vmem>>
        %dma_start3A_176 = tpu.memref_slice %arg2[%add3A_172, %mul3A_0] : memref<320000x128xf32, #tpu.memory_space<hbm>> -> memref<125x64xf32, #tpu.memory_space<hbm>>
        %dma_start3A_177 = arith.constant 0 : i32
        %dma_start3A_178 = arith.constant 0 : i32
        %dma_start3A_179 = tpu.memref_slice %arg7[%dma_start3A_177, %dma_start3A_178] : memref<125x128xf32, #tpu.memory_space<vmem>> -> memref<125x64xf32, #tpu.memory_space<vmem>>
        %dma_start3A_180 = tpu.memref_slice %arg2[%add3A_172, %mul3A_0] : memref<320000x128xf32, #tpu.memory_space<hbm>> -> memref<125x64xf32, #tpu.memory_space<hbm>>
        tpu.enqueue_dma source(%dma_start3A_180 : memref<125x64xf32, #tpu.memory_space<hbm>>) target(%dma_start3A_179 : memref<125x64xf32, #tpu.memory_space<vmem>>) target_semaphore(%arg13 : memref<!tpu.dma_semaphore, #tpu.memory_space<semaphore_mem>>)
        %dma_start3A_181 = arith.constant 0 : i32
        %dma_start3A_182 = arith.constant 64 : i32
        %dma_start3A_183 = tpu.memref_slice %arg7[%dma_start3A_181, %dma_start3A_182] : memref<125x128xf32, #tpu.memory_space<vmem>> -> memref<125x64xf32, #tpu.memory_space<vmem>>
        %dma_start3A_184 = tpu.memref_slice %arg3[%add3A_172, %mul3A_0] : memref<320000x128xf32, #tpu.memory_space<hbm>> -> memref<125x64xf32, #tpu.memory_space<hbm>>
        %dma_start3A_185 = arith.constant 0 : i32
        %dma_start3A_186 = arith.constant 64 : i32
        %dma_start3A_187 = tpu.memref_slice %arg7[%dma_start3A_185, %dma_start3A_186] : memref<125x128xf32, #tpu.memory_space<vmem>> -> memref<125x64xf32, #tpu.memory_space<vmem>>
        %dma_start3A_188 = tpu.memref_slice %arg3[%add3A_172, %mul3A_0] : memref<320000x128xf32, #tpu.memory_space<hbm>> -> memref<125x64xf32, #tpu.memory_space<hbm>>
        tpu.enqueue_dma source(%dma_start3A_188 : memref<125x64xf32, #tpu.memory_space<hbm>>) target(%dma_start3A_187 : memref<125x64xf32, #tpu.memory_space<vmem>>) target_semaphore(%arg13 : memref<!tpu.dma_semaphore, #tpu.memory_space<semaphore_mem>>)
        %dma_start3A_189 = arith.constant 0 : i32
        %dma_start3A_190 = tpu.memref_slice %arg4[%arg1, %add3A_169, %dma_start3A_189] : memref<16x160x125xi32, #tpu.memory_space<hbm>> -> memref<1x1x125xi32, #tpu.memory_space<hbm>>
        %dma_start3A_191 = tpu.memref_squeeze %dma_start3A_190 : memref<1x1x125xi32, #tpu.memory_space<hbm>> -> memref<1x125xi32, #tpu.memory_space<hbm>>
        %dma_start3A_192 = arith.constant 0 : i32
        %dma_start3A_193 = tpu.memref_slice %arg4[%arg1, %add3A_169, %dma_start3A_192] : memref<16x160x125xi32, #tpu.memory_space<hbm>> -> memref<1x1x125xi32, #tpu.memory_space<hbm>>
        %dma_start3A_194 = tpu.memref_squeeze %dma_start3A_193 : memref<1x1x125xi32, #tpu.memory_space<hbm>> -> memref<1x125xi32, #tpu.memory_space<hbm>>
        tpu.enqueue_dma source(%dma_start3A_194 : memref<1x125xi32, #tpu.memory_space<hbm>>) target(%arg10 : memref<1x125xi32, #tpu.memory_space<vmem>>) target_semaphore(%arg13 : memref<!tpu.dma_semaphore, #tpu.memory_space<semaphore_mem>>)
      } else {
      }
    }
    %scan3A_75 = arith.constant 54 : i32
    %barrier3A_76 = arith.constant 0 : index
    tpu.barrier barrier_id(%barrier3A_76)
    %add3A_77 = arith.constant 0 : i32
    %add3A_78 = arith.addi %mul3A_4, %add3A_77 : i32
    "tpu.region"() ({
      %run_scoped3A = tpu.sem_alloc : memref<!tpu.dma_semaphore, #tpu.memory_space<semaphore_mem>>
      %dma_start3A_101 = arith.constant 0 : i32
      %dma_start3A_102 = arith.constant 0 : i32
      %dma_start3A_103 = tpu.memref_slice %arg6[%dma_start3A_101, %dma_start3A_102] : memref<125x128xf32, #tpu.memory_space<vmem>> -> memref<125x128xf32, #tpu.memory_space<vmem>>
      %dma_start3A_104 = arith.constant 0 : i32
      %dma_start3A_105 = tpu.memref_slice %arg18[%add3A_78, %dma_start3A_104] : memref<10000x128xf32, #tpu.memory_space<vmem_shared>> -> memref<125x128xf32, #tpu.memory_space<vmem_shared>>
      %dma_start3A_106 = arith.constant 0 : i32
      %dma_start3A_107 = arith.constant 0 : i32
      %dma_start3A_108 = tpu.memref_slice %arg6[%dma_start3A_106, %dma_start3A_107] : memref<125x128xf32, #tpu.memory_space<vmem>> -> memref<125x128xf32, #tpu.memory_space<vmem>>
      %dma_start3A_109 = arith.constant 0 : i32
      %dma_start3A_110 = tpu.memref_slice %arg18[%add3A_78, %dma_start3A_109] : memref<10000x128xf32, #tpu.memory_space<vmem_shared>> -> memref<125x128xf32, #tpu.memory_space<vmem_shared>>
      tpu.enqueue_dma source(%dma_start3A_110 : memref<125x128xf32, #tpu.memory_space<vmem_shared>>) target(%dma_start3A_108 : memref<125x128xf32, #tpu.memory_space<vmem>>) target_semaphore(%run_scoped3A : memref<!tpu.dma_semaphore, #tpu.memory_space<semaphore_mem>>)
      %dma_wait3A = arith.constant 0 : i32
      %dma_wait3A_111 = arith.constant 0 : i32
      %dma_wait3A_112 = tpu.memref_slice %arg6[%dma_wait3A, %dma_wait3A_111] : memref<125x128xf32, #tpu.memory_space<vmem>> -> memref<125x128xf32, #tpu.memory_space<vmem>>
      %dma_wait3A_113 = arith.constant 0 : i32
      %dma_wait3A_114 = tpu.memref_slice %arg18[%add3A_78, %dma_wait3A_113] : memref<10000x128xf32, #tpu.memory_space<vmem_shared>> -> memref<125x128xf32, #tpu.memory_space<vmem_shared>>
      %dma_wait3A_115 = arith.constant 0 : i32
      %dma_wait3A_116 = arith.constant 0 : i32
      %dma_wait3A_117 = tpu.memref_slice %arg6[%dma_wait3A_115, %dma_wait3A_116] : memref<125x128xf32, #tpu.memory_space<vmem>> -> memref<125x128xf32, #tpu.memory_space<vmem>>
      %dma_wait3A_118 = arith.constant 0 : i32
      %dma_wait3A_119 = tpu.memref_slice %arg18[%add3A_78, %dma_wait3A_118] : memref<10000x128xf32, #tpu.memory_space<vmem_shared>> -> memref<125x128xf32, #tpu.memory_space<vmem_shared>>
      tpu.wait_dma2 semaphore(%run_scoped3A : memref<!tpu.dma_semaphore, #tpu.memory_space<semaphore_mem>>) src(%dma_wait3A_119 : memref<125x128xf32, #tpu.memory_space<vmem_shared>>) dst(%dma_wait3A_117 : memref<125x128xf32, #tpu.memory_space<vmem>>)
      tpu.yield
    }) : () -> ()
    %parallel_loop3A = arith.constant 0 : i32
    %parallel_loop3A_79 = arith.constant 125 : i32
    %parallel_loop3A_80 = arith.constant 1 : i32
    scf.for %parallel_loop3A_101 = %parallel_loop3A to %parallel_loop3A_79 step %parallel_loop3A_80  : i32 {
      %parallel_loop3A_102 = arith.index_cast %parallel_loop3A_101 : i32 to index
      %parallel_loop3A_103 = arith.constant 0 : index
      %parallel_loop3A_104 = tpu.vector_load %arg6[%parallel_loop3A_102, %parallel_loop3A_103] {strides = array<i32>} : memref<125x128xf32, #tpu.memory_space<vmem>>, vector<1x16xf32>,
      %parallel_loop3A_105 = vector.shape_cast %parallel_loop3A_104 : vector<1x16xf32> to vector<16xf32>
      %parallel_loop3A_106 = arith.index_cast %parallel_loop3A_101 : i32 to index
      %parallel_loop3A_107 = arith.constant 64 : index
      %parallel_loop3A_108 = tpu.vector_load %arg6[%parallel_loop3A_106, %parallel_loop3A_107] {strides = array<i32>} : memref<125x128xf32, #tpu.memory_space<vmem>>, vector<1x16xf32>,
      %parallel_loop3A_109 = vector.shape_cast %parallel_loop3A_108 : vector<1x16xf32> to vector<16xf32>
      %parallel_loop3A_110 = arith.constant 0.000000e+00 : f32
      %parallel_loop3A_111 = vector.broadcast %parallel_loop3A_110 : f32 to vector<16xf32>
      %parallel_loop3A_112 = arith.cmpf ogt, %parallel_loop3A_105, %parallel_loop3A_111 : vector<16xf32>
      %parallel_loop3A_113 = arith.divf %parallel_loop3A_109, %parallel_loop3A_105 : vector<16xf32>
      %parallel_loop3A_114 = arith.constant 0.000000e+00 : f32
      %parallel_loop3A_115 = vector.broadcast %parallel_loop3A_114 : f32 to vector<16xf32>
      %parallel_loop3A_116 = arith.select %parallel_loop3A_112, %parallel_loop3A_113, %parallel_loop3A_115 : vector<16xi1>, vector<16xf32>
      %parallel_loop3A_117 = arith.index_cast %parallel_loop3A_101 : i32 to index
      %parallel_loop3A_118 = arith.constant 0 : index
      %parallel_loop3A_119 = tpu.vector_load %arg6[%parallel_loop3A_117, %parallel_loop3A_118] {strides = array<i32>} : memref<125x128xf32, #tpu.memory_space<vmem>>, vector<1x16xf32>,
      %parallel_loop3A_120 = vector.shape_cast %parallel_loop3A_119 : vector<1x16xf32> to vector<16xf32>
      %parallel_loop3A_121 = vector.shape_cast %parallel_loop3A_116 : vector<16xf32> to vector<1x16xf32>
      tpu.vector_store %arg6[%parallel_loop3A_117, %parallel_loop3A_118], %parallel_loop3A_121 {strides = array<i32>} : memref<125x128xf32, #tpu.memory_space<vmem>>, vector<1x16xf32>,
      %parallel_loop3A_122 = arith.index_cast %parallel_loop3A_101 : i32 to index
      %parallel_loop3A_123 = arith.constant 16 : index
      %parallel_loop3A_124 = tpu.vector_load %arg6[%parallel_loop3A_122, %parallel_loop3A_123] {strides = array<i32>} : memref<125x128xf32, #tpu.memory_space<vmem>>, vector<1x16xf32>,
      %parallel_loop3A_125 = vector.shape_cast %parallel_loop3A_124 : vector<1x16xf32> to vector<16xf32>
      %parallel_loop3A_126 = arith.index_cast %parallel_loop3A_101 : i32 to index
      %parallel_loop3A_127 = arith.constant 80 : index
      %parallel_loop3A_128 = tpu.vector_load %arg6[%parallel_loop3A_126, %parallel_loop3A_127] {strides = array<i32>} : memref<125x128xf32, #tpu.memory_space<vmem>>, vector<1x16xf32>,
      %parallel_loop3A_129 = vector.shape_cast %parallel_loop3A_128 : vector<1x16xf32> to vector<16xf32>
      %parallel_loop3A_130 = arith.constant 0.000000e+00 : f32
      %parallel_loop3A_131 = vector.broadcast %parallel_loop3A_130 : f32 to vector<16xf32>
      %parallel_loop3A_132 = arith.cmpf ogt, %parallel_loop3A_125, %parallel_loop3A_131 : vector<16xf32>
      %parallel_loop3A_133 = arith.divf %parallel_loop3A_129, %parallel_loop3A_125 : vector<16xf32>
      %parallel_loop3A_134 = arith.constant 0.000000e+00 : f32
      %parallel_loop3A_135 = vector.broadcast %parallel_loop3A_134 : f32 to vector<16xf32>
      %parallel_loop3A_136 = arith.select %parallel_loop3A_132, %parallel_loop3A_133, %parallel_loop3A_135 : vector<16xi1>, vector<16xf32>
      %parallel_loop3A_137 = arith.index_cast %parallel_loop3A_101 : i32 to index
      %parallel_loop3A_138 = arith.constant 16 : index
      %parallel_loop3A_139 = tpu.vector_load %arg6[%parallel_loop3A_137, %parallel_loop3A_138] {strides = array<i32>} : memref<125x128xf32, #tpu.memory_space<vmem>>, vector<1x16xf32>,
      %parallel_loop3A_140 = vector.shape_cast %parallel_loop3A_139 : vector<1x16xf32> to vector<16xf32>
      %parallel_loop3A_141 = vector.shape_cast %parallel_loop3A_136 : vector<16xf32> to vector<1x16xf32>
      tpu.vector_store %arg6[%parallel_loop3A_137, %parallel_loop3A_138], %parallel_loop3A_141 {strides = array<i32>} : memref<125x128xf32, #tpu.memory_space<vmem>>, vector<1x16xf32>,
      %parallel_loop3A_142 = arith.index_cast %parallel_loop3A_101 : i32 to index
      %parallel_loop3A_143 = arith.constant 32 : index
      %parallel_loop3A_144 = tpu.vector_load %arg6[%parallel_loop3A_142, %parallel_loop3A_143] {strides = array<i32>} : memref<125x128xf32, #tpu.memory_space<vmem>>, vector<1x16xf32>,
      %parallel_loop3A_145 = vector.shape_cast %parallel_loop3A_144 : vector<1x16xf32> to vector<16xf32>
      %parallel_loop3A_146 = arith.index_cast %parallel_loop3A_101 : i32 to index
      %parallel_loop3A_147 = arith.constant 96 : index
      %parallel_loop3A_148 = tpu.vector_load %arg6[%parallel_loop3A_146, %parallel_loop3A_147] {strides = array<i32>} : memref<125x128xf32, #tpu.memory_space<vmem>>, vector<1x16xf32>,
      %parallel_loop3A_149 = vector.shape_cast %parallel_loop3A_148 : vector<1x16xf32> to vector<16xf32>
      %parallel_loop3A_150 = arith.constant 0.000000e+00 : f32
      %parallel_loop3A_151 = vector.broadcast %parallel_loop3A_150 : f32 to vector<16xf32>
      %parallel_loop3A_152 = arith.cmpf ogt, %parallel_loop3A_145, %parallel_loop3A_151 : vector<16xf32>
      %parallel_loop3A_153 = arith.divf %parallel_loop3A_149, %parallel_loop3A_145 : vector<16xf32>
      %parallel_loop3A_154 = arith.constant 0.000000e+00 : f32
      %parallel_loop3A_155 = vector.broadcast %parallel_loop3A_154 : f32 to vector<16xf32>
      %parallel_loop3A_156 = arith.select %parallel_loop3A_152, %parallel_loop3A_153, %parallel_loop3A_155 : vector<16xi1>, vector<16xf32>
      %parallel_loop3A_157 = arith.index_cast %parallel_loop3A_101 : i32 to index
      %parallel_loop3A_158 = arith.constant 32 : index
      %parallel_loop3A_159 = tpu.vector_load %arg6[%parallel_loop3A_157, %parallel_loop3A_158] {strides = array<i32>} : memref<125x128xf32, #tpu.memory_space<vmem>>, vector<1x16xf32>,
      %parallel_loop3A_160 = vector.shape_cast %parallel_loop3A_159 : vector<1x16xf32> to vector<16xf32>
      %parallel_loop3A_161 = vector.shape_cast %parallel_loop3A_156 : vector<16xf32> to vector<1x16xf32>
      tpu.vector_store %arg6[%parallel_loop3A_157, %parallel_loop3A_158], %parallel_loop3A_161 {strides = array<i32>} : memref<125x128xf32, #tpu.memory_space<vmem>>, vector<1x16xf32>,
      %parallel_loop3A_162 = arith.index_cast %parallel_loop3A_101 : i32 to index
      %parallel_loop3A_163 = arith.constant 48 : index
      %parallel_loop3A_164 = tpu.vector_load %arg6[%parallel_loop3A_162, %parallel_loop3A_163] {strides = array<i32>} : memref<125x128xf32, #tpu.memory_space<vmem>>, vector<1x16xf32>,
      %parallel_loop3A_165 = vector.shape_cast %parallel_loop3A_164 : vector<1x16xf32> to vector<16xf32>
      %parallel_loop3A_166 = arith.index_cast %parallel_loop3A_101 : i32 to index
      %parallel_loop3A_167 = arith.constant 112 : index
      %parallel_loop3A_168 = tpu.vector_load %arg6[%parallel_loop3A_166, %parallel_loop3A_167] {strides = array<i32>} : memref<125x128xf32, #tpu.memory_space<vmem>>, vector<1x16xf32>,
      %parallel_loop3A_169 = vector.shape_cast %parallel_loop3A_168 : vector<1x16xf32> to vector<16xf32>
      %parallel_loop3A_170 = arith.constant 0.000000e+00 : f32
      %parallel_loop3A_171 = vector.broadcast %parallel_loop3A_170 : f32 to vector<16xf32>
      %parallel_loop3A_172 = arith.cmpf ogt, %parallel_loop3A_165, %parallel_loop3A_171 : vector<16xf32>
      %parallel_loop3A_173 = arith.divf %parallel_loop3A_169, %parallel_loop3A_165 : vector<16xf32>
      %parallel_loop3A_174 = arith.constant 0.000000e+00 : f32
      %parallel_loop3A_175 = vector.broadcast %parallel_loop3A_174 : f32 to vector<16xf32>
      %parallel_loop3A_176 = arith.select %parallel_loop3A_172, %parallel_loop3A_173, %parallel_loop3A_175 : vector<16xi1>, vector<16xf32>
      %parallel_loop3A_177 = arith.index_cast %parallel_loop3A_101 : i32 to index
      %parallel_loop3A_178 = arith.constant 48 : index
      %parallel_loop3A_179 = tpu.vector_load %arg6[%parallel_loop3A_177, %parallel_loop3A_178] {strides = array<i32>} : memref<125x128xf32, #tpu.memory_space<vmem>>, vector<1x16xf32>,
      %parallel_loop3A_180 = vector.shape_cast %parallel_loop3A_179 : vector<1x16xf32> to vector<16xf32>
      %parallel_loop3A_181 = vector.shape_cast %parallel_loop3A_176 : vector<16xf32> to vector<1x16xf32>
      tpu.vector_store %arg6[%parallel_loop3A_177, %parallel_loop3A_178], %parallel_loop3A_181 {strides = array<i32>} : memref<125x128xf32, #tpu.memory_space<vmem>>, vector<1x16xf32>,
    } {sc.loop_unroll_factor = 5 : i64, sc.parallel_access}
    "tpu.region"() ({
      %run_scoped3A = tpu.sem_alloc : memref<!tpu.dma_semaphore, #tpu.memory_space<semaphore_mem>>
      %dma_start3A_101 = arith.constant 0 : i32
      %dma_start3A_102 = arith.constant 0 : i32
      %dma_start3A_103 = tpu.memref_slice %arg6[%dma_start3A_101, %dma_start3A_102] : memref<125x128xf32, #tpu.memory_space<vmem>> -> memref<125x64xf32, #tpu.memory_space<vmem>>
      %dma_start3A_104 = tpu.memref_slice %arg5[%add3A_78, %mul3A_0] : memref<10000x128xf32, #tpu.memory_space<hbm>> -> memref<125x64xf32, #tpu.memory_space<hbm>>
      %dma_start3A_105 = tpu.memref_slice %arg5[%add3A_78, %mul3A_0] : memref<10000x128xf32, #tpu.memory_space<hbm>> -> memref<125x64xf32, #tpu.memory_space<hbm>>
      %dma_start3A_106 = arith.constant 0 : i32
      %dma_start3A_107 = arith.constant 0 : i32
      %dma_start3A_108 = tpu.memref_slice %arg6[%dma_start3A_106, %dma_start3A_107] : memref<125x128xf32, #tpu.memory_space<vmem>> -> memref<125x64xf32, #tpu.memory_space<vmem>>
      tpu.enqueue_dma source(%dma_start3A_108 : memref<125x64xf32, #tpu.memory_space<vmem>>) target(%dma_start3A_105 : memref<125x64xf32, #tpu.memory_space<hbm>>) target_semaphore(%run_scoped3A : memref<!tpu.dma_semaphore, #tpu.memory_space<semaphore_mem>>)
      %dma_wait3A = arith.constant 0 : i32
      %dma_wait3A_109 = arith.constant 0 : i32
      %dma_wait3A_110 = tpu.memref_slice %arg6[%dma_wait3A, %dma_wait3A_109] : memref<125x128xf32, #tpu.memory_space<vmem>> -> memref<125x64xf32, #tpu.memory_space<vmem>>
      %dma_wait3A_111 = tpu.memref_slice %arg5[%add3A_78, %mul3A_0] : memref<10000x128xf32, #tpu.memory_space<hbm>> -> memref<125x64xf32, #tpu.memory_space<hbm>>
      %dma_wait3A_112 = tpu.memref_slice %arg5[%add3A_78, %mul3A_0] : memref<10000x128xf32, #tpu.memory_space<hbm>> -> memref<125x64xf32, #tpu.memory_space<hbm>>
      %dma_wait3A_113 = arith.constant 0 : i32
      %dma_wait3A_114 = arith.constant 0 : i32
      %dma_wait3A_115 = tpu.memref_slice %arg6[%dma_wait3A_113, %dma_wait3A_114] : memref<125x128xf32, #tpu.memory_space<vmem>> -> memref<125x64xf32, #tpu.memory_space<vmem>>
      tpu.wait_dma2 semaphore(%run_scoped3A : memref<!tpu.dma_semaphore, #tpu.memory_space<semaphore_mem>>) src(%dma_wait3A_115 : memref<125x64xf32, #tpu.memory_space<vmem>>) dst(%dma_wait3A_112 : memref<125x64xf32, #tpu.memory_space<hbm>>)
      tpu.yield
    }) : () -> ()
    %add3A_81 = arith.constant 125 : i32
    %add3A_82 = arith.addi %mul3A_4, %add3A_81 : i32
    "tpu.region"() ({
      %run_scoped3A = tpu.sem_alloc : memref<!tpu.dma_semaphore, #tpu.memory_space<semaphore_mem>>
      %dma_start3A_101 = arith.constant 0 : i32
      %dma_start3A_102 = arith.constant 0 : i32
      %dma_start3A_103 = tpu.memref_slice %arg6[%dma_start3A_101, %dma_start3A_102] : memref<125x128xf32, #tpu.memory_space<vmem>> -> memref<125x128xf32, #tpu.memory_space<vmem>>
      %dma_start3A_104 = arith.constant 0 : i32
      %dma_start3A_105 = tpu.memref_slice %arg18[%add3A_82, %dma_start3A_104] : memref<10000x128xf32, #tpu.memory_space<vmem_shared>> -> memref<125x128xf32, #tpu.memory_space<vmem_shared>>
      %dma_start3A_106 = arith.constant 0 : i32
      %dma_start3A_107 = arith.constant 0 : i32
      %dma_start3A_108 = tpu.memref_slice %arg6[%dma_start3A_106, %dma_start3A_107] : memref<125x128xf32, #tpu.memory_space<vmem>> -> memref<125x128xf32, #tpu.memory_space<vmem>>
      %dma_start3A_109 = arith.constant 0 : i32
      %dma_start3A_110 = tpu.memref_slice %arg18[%add3A_82, %dma_start3A_109] : memref<10000x128xf32, #tpu.memory_space<vmem_shared>> -> memref<125x128xf32, #tpu.memory_space<vmem_shared>>
      tpu.enqueue_dma source(%dma_start3A_110 : memref<125x128xf32, #tpu.memory_space<vmem_shared>>) target(%dma_start3A_108 : memref<125x128xf32, #tpu.memory_space<vmem>>) target_semaphore(%run_scoped3A : memref<!tpu.dma_semaphore, #tpu.memory_space<semaphore_mem>>)
      %dma_wait3A = arith.constant 0 : i32
      %dma_wait3A_111 = arith.constant 0 : i32
      %dma_wait3A_112 = tpu.memref_slice %arg6[%dma_wait3A, %dma_wait3A_111] : memref<125x128xf32, #tpu.memory_space<vmem>> -> memref<125x128xf32, #tpu.memory_space<vmem>>
      %dma_wait3A_113 = arith.constant 0 : i32
      %dma_wait3A_114 = tpu.memref_slice %arg18[%add3A_82, %dma_wait3A_113] : memref<10000x128xf32, #tpu.memory_space<vmem_shared>> -> memref<125x128xf32, #tpu.memory_space<vmem_shared>>
      %dma_wait3A_115 = arith.constant 0 : i32
      %dma_wait3A_116 = arith.constant 0 : i32
      %dma_wait3A_117 = tpu.memref_slice %arg6[%dma_wait3A_115, %dma_wait3A_116] : memref<125x128xf32, #tpu.memory_space<vmem>> -> memref<125x128xf32, #tpu.memory_space<vmem>>
      %dma_wait3A_118 = arith.constant 0 : i32
      %dma_wait3A_119 = tpu.memref_slice %arg18[%add3A_82, %dma_wait3A_118] : memref<10000x128xf32, #tpu.memory_space<vmem_shared>> -> memref<125x128xf32, #tpu.memory_space<vmem_shared>>
      tpu.wait_dma2 semaphore(%run_scoped3A : memref<!tpu.dma_semaphore, #tpu.memory_space<semaphore_mem>>) src(%dma_wait3A_119 : memref<125x128xf32, #tpu.memory_space<vmem_shared>>) dst(%dma_wait3A_117 : memref<125x128xf32, #tpu.memory_space<vmem>>)
      tpu.yield
    }) : () -> ()
    %parallel_loop3A_83 = arith.constant 0 : i32
    %parallel_loop3A_84 = arith.constant 125 : i32
    %parallel_loop3A_85 = arith.constant 1 : i32
    scf.for %parallel_loop3A_101 = %parallel_loop3A_83 to %parallel_loop3A_84 step %parallel_loop3A_85  : i32 {
      %parallel_loop3A_102 = arith.index_cast %parallel_loop3A_101 : i32 to index
      %parallel_loop3A_103 = arith.constant 0 : index
      %parallel_loop3A_104 = tpu.vector_load %arg6[%parallel_loop3A_102, %parallel_loop3A_103] {strides = array<i32>} : memref<125x128xf32, #tpu.memory_space<vmem>>, vector<1x16xf32>,
      %parallel_loop3A_105 = vector.shape_cast %parallel_loop3A_104 : vector<1x16xf32> to vector<16xf32>
      %parallel_loop3A_106 = arith.index_cast %parallel_loop3A_101 : i32 to index
      %parallel_loop3A_107 = arith.constant 64 : index
      %parallel_loop3A_108 = tpu.vector_load %arg6[%parallel_loop3A_106, %parallel_loop3A_107] {strides = array<i32>} : memref<125x128xf32, #tpu.memory_space<vmem>>, vector<1x16xf32>,
      %parallel_loop3A_109 = vector.shape_cast %parallel_loop3A_108 : vector<1x16xf32> to vector<16xf32>
      %parallel_loop3A_110 = arith.constant 0.000000e+00 : f32
      %parallel_loop3A_111 = vector.broadcast %parallel_loop3A_110 : f32 to vector<16xf32>
      %parallel_loop3A_112 = arith.cmpf ogt, %parallel_loop3A_105, %parallel_loop3A_111 : vector<16xf32>
      %parallel_loop3A_113 = arith.divf %parallel_loop3A_109, %parallel_loop3A_105 : vector<16xf32>
      %parallel_loop3A_114 = arith.constant 0.000000e+00 : f32
      %parallel_loop3A_115 = vector.broadcast %parallel_loop3A_114 : f32 to vector<16xf32>
      %parallel_loop3A_116 = arith.select %parallel_loop3A_112, %parallel_loop3A_113, %parallel_loop3A_115 : vector<16xi1>, vector<16xf32>
      %parallel_loop3A_117 = arith.index_cast %parallel_loop3A_101 : i32 to index
      %parallel_loop3A_118 = arith.constant 0 : index
      %parallel_loop3A_119 = tpu.vector_load %arg6[%parallel_loop3A_117, %parallel_loop3A_118] {strides = array<i32>} : memref<125x128xf32, #tpu.memory_space<vmem>>, vector<1x16xf32>,
      %parallel_loop3A_120 = vector.shape_cast %parallel_loop3A_119 : vector<1x16xf32> to vector<16xf32>
      %parallel_loop3A_121 = vector.shape_cast %parallel_loop3A_116 : vector<16xf32> to vector<1x16xf32>
      tpu.vector_store %arg6[%parallel_loop3A_117, %parallel_loop3A_118], %parallel_loop3A_121 {strides = array<i32>} : memref<125x128xf32, #tpu.memory_space<vmem>>, vector<1x16xf32>,
      %parallel_loop3A_122 = arith.index_cast %parallel_loop3A_101 : i32 to index
      %parallel_loop3A_123 = arith.constant 16 : index
      %parallel_loop3A_124 = tpu.vector_load %arg6[%parallel_loop3A_122, %parallel_loop3A_123] {strides = array<i32>} : memref<125x128xf32, #tpu.memory_space<vmem>>, vector<1x16xf32>,
      %parallel_loop3A_125 = vector.shape_cast %parallel_loop3A_124 : vector<1x16xf32> to vector<16xf32>
      %parallel_loop3A_126 = arith.index_cast %parallel_loop3A_101 : i32 to index
      %parallel_loop3A_127 = arith.constant 80 : index
      %parallel_loop3A_128 = tpu.vector_load %arg6[%parallel_loop3A_126, %parallel_loop3A_127] {strides = array<i32>} : memref<125x128xf32, #tpu.memory_space<vmem>>, vector<1x16xf32>,
      %parallel_loop3A_129 = vector.shape_cast %parallel_loop3A_128 : vector<1x16xf32> to vector<16xf32>
      %parallel_loop3A_130 = arith.constant 0.000000e+00 : f32
      %parallel_loop3A_131 = vector.broadcast %parallel_loop3A_130 : f32 to vector<16xf32>
      %parallel_loop3A_132 = arith.cmpf ogt, %parallel_loop3A_125, %parallel_loop3A_131 : vector<16xf32>
      %parallel_loop3A_133 = arith.divf %parallel_loop3A_129, %parallel_loop3A_125 : vector<16xf32>
      %parallel_loop3A_134 = arith.constant 0.000000e+00 : f32
      %parallel_loop3A_135 = vector.broadcast %parallel_loop3A_134 : f32 to vector<16xf32>
      %parallel_loop3A_136 = arith.select %parallel_loop3A_132, %parallel_loop3A_133, %parallel_loop3A_135 : vector<16xi1>, vector<16xf32>
      %parallel_loop3A_137 = arith.index_cast %parallel_loop3A_101 : i32 to index
      %parallel_loop3A_138 = arith.constant 16 : index
      %parallel_loop3A_139 = tpu.vector_load %arg6[%parallel_loop3A_137, %parallel_loop3A_138] {strides = array<i32>} : memref<125x128xf32, #tpu.memory_space<vmem>>, vector<1x16xf32>,
      %parallel_loop3A_140 = vector.shape_cast %parallel_loop3A_139 : vector<1x16xf32> to vector<16xf32>
      %parallel_loop3A_141 = vector.shape_cast %parallel_loop3A_136 : vector<16xf32> to vector<1x16xf32>
      tpu.vector_store %arg6[%parallel_loop3A_137, %parallel_loop3A_138], %parallel_loop3A_141 {strides = array<i32>} : memref<125x128xf32, #tpu.memory_space<vmem>>, vector<1x16xf32>,
      %parallel_loop3A_142 = arith.index_cast %parallel_loop3A_101 : i32 to index
      %parallel_loop3A_143 = arith.constant 32 : index
      %parallel_loop3A_144 = tpu.vector_load %arg6[%parallel_loop3A_142, %parallel_loop3A_143] {strides = array<i32>} : memref<125x128xf32, #tpu.memory_space<vmem>>, vector<1x16xf32>,
      %parallel_loop3A_145 = vector.shape_cast %parallel_loop3A_144 : vector<1x16xf32> to vector<16xf32>
      %parallel_loop3A_146 = arith.index_cast %parallel_loop3A_101 : i32 to index
      %parallel_loop3A_147 = arith.constant 96 : index
      %parallel_loop3A_148 = tpu.vector_load %arg6[%parallel_loop3A_146, %parallel_loop3A_147] {strides = array<i32>} : memref<125x128xf32, #tpu.memory_space<vmem>>, vector<1x16xf32>,
      %parallel_loop3A_149 = vector.shape_cast %parallel_loop3A_148 : vector<1x16xf32> to vector<16xf32>
      %parallel_loop3A_150 = arith.constant 0.000000e+00 : f32
      %parallel_loop3A_151 = vector.broadcast %parallel_loop3A_150 : f32 to vector<16xf32>
      %parallel_loop3A_152 = arith.cmpf ogt, %parallel_loop3A_145, %parallel_loop3A_151 : vector<16xf32>
      %parallel_loop3A_153 = arith.divf %parallel_loop3A_149, %parallel_loop3A_145 : vector<16xf32>
      %parallel_loop3A_154 = arith.constant 0.000000e+00 : f32
      %parallel_loop3A_155 = vector.broadcast %parallel_loop3A_154 : f32 to vector<16xf32>
      %parallel_loop3A_156 = arith.select %parallel_loop3A_152, %parallel_loop3A_153, %parallel_loop3A_155 : vector<16xi1>, vector<16xf32>
      %parallel_loop3A_157 = arith.index_cast %parallel_loop3A_101 : i32 to index
      %parallel_loop3A_158 = arith.constant 32 : index
      %parallel_loop3A_159 = tpu.vector_load %arg6[%parallel_loop3A_157, %parallel_loop3A_158] {strides = array<i32>} : memref<125x128xf32, #tpu.memory_space<vmem>>, vector<1x16xf32>,
      %parallel_loop3A_160 = vector.shape_cast %parallel_loop3A_159 : vector<1x16xf32> to vector<16xf32>
      %parallel_loop3A_161 = vector.shape_cast %parallel_loop3A_156 : vector<16xf32> to vector<1x16xf32>
      tpu.vector_store %arg6[%parallel_loop3A_157, %parallel_loop3A_158], %parallel_loop3A_161 {strides = array<i32>} : memref<125x128xf32, #tpu.memory_space<vmem>>, vector<1x16xf32>,
      %parallel_loop3A_162 = arith.index_cast %parallel_loop3A_101 : i32 to index
      %parallel_loop3A_163 = arith.constant 48 : index
      %parallel_loop3A_164 = tpu.vector_load %arg6[%parallel_loop3A_162, %parallel_loop3A_163] {strides = array<i32>} : memref<125x128xf32, #tpu.memory_space<vmem>>, vector<1x16xf32>,
      %parallel_loop3A_165 = vector.shape_cast %parallel_loop3A_164 : vector<1x16xf32> to vector<16xf32>
      %parallel_loop3A_166 = arith.index_cast %parallel_loop3A_101 : i32 to index
      %parallel_loop3A_167 = arith.constant 112 : index
      %parallel_loop3A_168 = tpu.vector_load %arg6[%parallel_loop3A_166, %parallel_loop3A_167] {strides = array<i32>} : memref<125x128xf32, #tpu.memory_space<vmem>>, vector<1x16xf32>,
      %parallel_loop3A_169 = vector.shape_cast %parallel_loop3A_168 : vector<1x16xf32> to vector<16xf32>
      %parallel_loop3A_170 = arith.constant 0.000000e+00 : f32
      %parallel_loop3A_171 = vector.broadcast %parallel_loop3A_170 : f32 to vector<16xf32>
      %parallel_loop3A_172 = arith.cmpf ogt, %parallel_loop3A_165, %parallel_loop3A_171 : vector<16xf32>
      %parallel_loop3A_173 = arith.divf %parallel_loop3A_169, %parallel_loop3A_165 : vector<16xf32>
      %parallel_loop3A_174 = arith.constant 0.000000e+00 : f32
      %parallel_loop3A_175 = vector.broadcast %parallel_loop3A_174 : f32 to vector<16xf32>
      %parallel_loop3A_176 = arith.select %parallel_loop3A_172, %parallel_loop3A_173, %parallel_loop3A_175 : vector<16xi1>, vector<16xf32>
      %parallel_loop3A_177 = arith.index_cast %parallel_loop3A_101 : i32 to index
      %parallel_loop3A_178 = arith.constant 48 : index
      %parallel_loop3A_179 = tpu.vector_load %arg6[%parallel_loop3A_177, %parallel_loop3A_178] {strides = array<i32>} : memref<125x128xf32, #tpu.memory_space<vmem>>, vector<1x16xf32>,
      %parallel_loop3A_180 = vector.shape_cast %parallel_loop3A_179 : vector<1x16xf32> to vector<16xf32>
      %parallel_loop3A_181 = vector.shape_cast %parallel_loop3A_176 : vector<16xf32> to vector<1x16xf32>
      tpu.vector_store %arg6[%parallel_loop3A_177, %parallel_loop3A_178], %parallel_loop3A_181 {strides = array<i32>} : memref<125x128xf32, #tpu.memory_space<vmem>>, vector<1x16xf32>,
    } {sc.loop_unroll_factor = 5 : i64, sc.parallel_access}
    "tpu.region"() ({
      %run_scoped3A = tpu.sem_alloc : memref<!tpu.dma_semaphore, #tpu.memory_space<semaphore_mem>>
      %dma_start3A_101 = arith.constant 0 : i32
      %dma_start3A_102 = arith.constant 0 : i32
      %dma_start3A_103 = tpu.memref_slice %arg6[%dma_start3A_101, %dma_start3A_102] : memref<125x128xf32, #tpu.memory_space<vmem>> -> memref<125x64xf32, #tpu.memory_space<vmem>>
      %dma_start3A_104 = tpu.memref_slice %arg5[%add3A_82, %mul3A_0] : memref<10000x128xf32, #tpu.memory_space<hbm>> -> memref<125x64xf32, #tpu.memory_space<hbm>>
      %dma_start3A_105 = tpu.memref_slice %arg5[%add3A_82, %mul3A_0] : memref<10000x128xf32, #tpu.memory_space<hbm>> -> memref<125x64xf32, #tpu.memory_space<hbm>>
      %dma_start3A_106 = arith.constant 0 : i32
      %dma_start3A_107 = arith.constant 0 : i32
      %dma_start3A_108 = tpu.memref_slice %arg6[%dma_start3A_106, %dma_start3A_107] : memref<125x128xf32, #tpu.memory_space<vmem>> -> memref<125x64xf32, #tpu.memory_space<vmem>>
      tpu.enqueue_dma source(%dma_start3A_108 : memref<125x64xf32, #tpu.memory_space<vmem>>) target(%dma_start3A_105 : memref<125x64xf32, #tpu.memory_space<hbm>>) target_semaphore(%run_scoped3A : memref<!tpu.dma_semaphore, #tpu.memory_space<semaphore_mem>>)
      %dma_wait3A = arith.constant 0 : i32
      %dma_wait3A_109 = arith.constant 0 : i32
      %dma_wait3A_110 = tpu.memref_slice %arg6[%dma_wait3A, %dma_wait3A_109] : memref<125x128xf32, #tpu.memory_space<vmem>> -> memref<125x64xf32, #tpu.memory_space<vmem>>
      %dma_wait3A_111 = tpu.memref_slice %arg5[%add3A_82, %mul3A_0] : memref<10000x128xf32, #tpu.memory_space<hbm>> -> memref<125x64xf32, #tpu.memory_space<hbm>>
      %dma_wait3A_112 = tpu.memref_slice %arg5[%add3A_82, %mul3A_0] : memref<10000x128xf32, #tpu.memory_space<hbm>> -> memref<125x64xf32, #tpu.memory_space<hbm>>
      %dma_wait3A_113 = arith.constant 0 : i32
      %dma_wait3A_114 = arith.constant 0 : i32
      %dma_wait3A_115 = tpu.memref_slice %arg6[%dma_wait3A_113, %dma_wait3A_114] : memref<125x128xf32, #tpu.memory_space<vmem>> -> memref<125x64xf32, #tpu.memory_space<vmem>>
      tpu.wait_dma2 semaphore(%run_scoped3A : memref<!tpu.dma_semaphore, #tpu.memory_space<semaphore_mem>>) src(%dma_wait3A_115 : memref<125x64xf32, #tpu.memory_space<vmem>>) dst(%dma_wait3A_112 : memref<125x64xf32, #tpu.memory_space<hbm>>)
      tpu.yield
    }) : () -> ()
    %add3A_86 = arith.constant 250 : i32
    %add3A_87 = arith.addi %mul3A_4, %add3A_86 : i32
    "tpu.region"() ({
      %run_scoped3A = tpu.sem_alloc : memref<!tpu.dma_semaphore, #tpu.memory_space<semaphore_mem>>
      %dma_start3A_101 = arith.constant 0 : i32
      %dma_start3A_102 = arith.constant 0 : i32
      %dma_start3A_103 = tpu.memref_slice %arg6[%dma_start3A_101, %dma_start3A_102] : memref<125x128xf32, #tpu.memory_space<vmem>> -> memref<125x128xf32, #tpu.memory_space<vmem>>
      %dma_start3A_104 = arith.constant 0 : i32
      %dma_start3A_105 = tpu.memref_slice %arg18[%add3A_87, %dma_start3A_104] : memref<10000x128xf32, #tpu.memory_space<vmem_shared>> -> memref<125x128xf32, #tpu.memory_space<vmem_shared>>
      %dma_start3A_106 = arith.constant 0 : i32
      %dma_start3A_107 = arith.constant 0 : i32
      %dma_start3A_108 = tpu.memref_slice %arg6[%dma_start3A_106, %dma_start3A_107] : memref<125x128xf32, #tpu.memory_space<vmem>> -> memref<125x128xf32, #tpu.memory_space<vmem>>
      %dma_start3A_109 = arith.constant 0 : i32
      %dma_start3A_110 = tpu.memref_slice %arg18[%add3A_87, %dma_start3A_109] : memref<10000x128xf32, #tpu.memory_space<vmem_shared>> -> memref<125x128xf32, #tpu.memory_space<vmem_shared>>
      tpu.enqueue_dma source(%dma_start3A_110 : memref<125x128xf32, #tpu.memory_space<vmem_shared>>) target(%dma_start3A_108 : memref<125x128xf32, #tpu.memory_space<vmem>>) target_semaphore(%run_scoped3A : memref<!tpu.dma_semaphore, #tpu.memory_space<semaphore_mem>>)
      %dma_wait3A = arith.constant 0 : i32
      %dma_wait3A_111 = arith.constant 0 : i32
      %dma_wait3A_112 = tpu.memref_slice %arg6[%dma_wait3A, %dma_wait3A_111] : memref<125x128xf32, #tpu.memory_space<vmem>> -> memref<125x128xf32, #tpu.memory_space<vmem>>
      %dma_wait3A_113 = arith.constant 0 : i32
      %dma_wait3A_114 = tpu.memref_slice %arg18[%add3A_87, %dma_wait3A_113] : memref<10000x128xf32, #tpu.memory_space<vmem_shared>> -> memref<125x128xf32, #tpu.memory_space<vmem_shared>>
      %dma_wait3A_115 = arith.constant 0 : i32
      %dma_wait3A_116 = arith.constant 0 : i32
      %dma_wait3A_117 = tpu.memref_slice %arg6[%dma_wait3A_115, %dma_wait3A_116] : memref<125x128xf32, #tpu.memory_space<vmem>> -> memref<125x128xf32, #tpu.memory_space<vmem>>
      %dma_wait3A_118 = arith.constant 0 : i32
      %dma_wait3A_119 = tpu.memref_slice %arg18[%add3A_87, %dma_wait3A_118] : memref<10000x128xf32, #tpu.memory_space<vmem_shared>> -> memref<125x128xf32, #tpu.memory_space<vmem_shared>>
      tpu.wait_dma2 semaphore(%run_scoped3A : memref<!tpu.dma_semaphore, #tpu.memory_space<semaphore_mem>>) src(%dma_wait3A_119 : memref<125x128xf32, #tpu.memory_space<vmem_shared>>) dst(%dma_wait3A_117 : memref<125x128xf32, #tpu.memory_space<vmem>>)
      tpu.yield
    }) : () -> ()
    %parallel_loop3A_88 = arith.constant 0 : i32
    %parallel_loop3A_89 = arith.constant 125 : i32
    %parallel_loop3A_90 = arith.constant 1 : i32
    scf.for %parallel_loop3A_101 = %parallel_loop3A_88 to %parallel_loop3A_89 step %parallel_loop3A_90  : i32 {
      %parallel_loop3A_102 = arith.index_cast %parallel_loop3A_101 : i32 to index
      %parallel_loop3A_103 = arith.constant 0 : index
      %parallel_loop3A_104 = tpu.vector_load %arg6[%parallel_loop3A_102, %parallel_loop3A_103] {strides = array<i32>} : memref<125x128xf32, #tpu.memory_space<vmem>>, vector<1x16xf32>,
      %parallel_loop3A_105 = vector.shape_cast %parallel_loop3A_104 : vector<1x16xf32> to vector<16xf32>
      %parallel_loop3A_106 = arith.index_cast %parallel_loop3A_101 : i32 to index
      %parallel_loop3A_107 = arith.constant 64 : index
      %parallel_loop3A_108 = tpu.vector_load %arg6[%parallel_loop3A_106, %parallel_loop3A_107] {strides = array<i32>} : memref<125x128xf32, #tpu.memory_space<vmem>>, vector<1x16xf32>,
      %parallel_loop3A_109 = vector.shape_cast %parallel_loop3A_108 : vector<1x16xf32> to vector<16xf32>
      %parallel_loop3A_110 = arith.constant 0.000000e+00 : f32
      %parallel_loop3A_111 = vector.broadcast %parallel_loop3A_110 : f32 to vector<16xf32>
      %parallel_loop3A_112 = arith.cmpf ogt, %parallel_loop3A_105, %parallel_loop3A_111 : vector<16xf32>
      %parallel_loop3A_113 = arith.divf %parallel_loop3A_109, %parallel_loop3A_105 : vector<16xf32>
      %parallel_loop3A_114 = arith.constant 0.000000e+00 : f32
      %parallel_loop3A_115 = vector.broadcast %parallel_loop3A_114 : f32 to vector<16xf32>
      %parallel_loop3A_116 = arith.select %parallel_loop3A_112, %parallel_loop3A_113, %parallel_loop3A_115 : vector<16xi1>, vector<16xf32>
      %parallel_loop3A_117 = arith.index_cast %parallel_loop3A_101 : i32 to index
      %parallel_loop3A_118 = arith.constant 0 : index
      %parallel_loop3A_119 = tpu.vector_load %arg6[%parallel_loop3A_117, %parallel_loop3A_118] {strides = array<i32>} : memref<125x128xf32, #tpu.memory_space<vmem>>, vector<1x16xf32>,
      %parallel_loop3A_120 = vector.shape_cast %parallel_loop3A_119 : vector<1x16xf32> to vector<16xf32>
      %parallel_loop3A_121 = vector.shape_cast %parallel_loop3A_116 : vector<16xf32> to vector<1x16xf32>
      tpu.vector_store %arg6[%parallel_loop3A_117, %parallel_loop3A_118], %parallel_loop3A_121 {strides = array<i32>} : memref<125x128xf32, #tpu.memory_space<vmem>>, vector<1x16xf32>,
      %parallel_loop3A_122 = arith.index_cast %parallel_loop3A_101 : i32 to index
      %parallel_loop3A_123 = arith.constant 16 : index
      %parallel_loop3A_124 = tpu.vector_load %arg6[%parallel_loop3A_122, %parallel_loop3A_123] {strides = array<i32>} : memref<125x128xf32, #tpu.memory_space<vmem>>, vector<1x16xf32>,
      %parallel_loop3A_125 = vector.shape_cast %parallel_loop3A_124 : vector<1x16xf32> to vector<16xf32>
      %parallel_loop3A_126 = arith.index_cast %parallel_loop3A_101 : i32 to index
      %parallel_loop3A_127 = arith.constant 80 : index
      %parallel_loop3A_128 = tpu.vector_load %arg6[%parallel_loop3A_126, %parallel_loop3A_127] {strides = array<i32>} : memref<125x128xf32, #tpu.memory_space<vmem>>, vector<1x16xf32>,
      %parallel_loop3A_129 = vector.shape_cast %parallel_loop3A_128 : vector<1x16xf32> to vector<16xf32>
      %parallel_loop3A_130 = arith.constant 0.000000e+00 : f32
      %parallel_loop3A_131 = vector.broadcast %parallel_loop3A_130 : f32 to vector<16xf32>
      %parallel_loop3A_132 = arith.cmpf ogt, %parallel_loop3A_125, %parallel_loop3A_131 : vector<16xf32>
      %parallel_loop3A_133 = arith.divf %parallel_loop3A_129, %parallel_loop3A_125 : vector<16xf32>
      %parallel_loop3A_134 = arith.constant 0.000000e+00 : f32
      %parallel_loop3A_135 = vector.broadcast %parallel_loop3A_134 : f32 to vector<16xf32>
      %parallel_loop3A_136 = arith.select %parallel_loop3A_132, %parallel_loop3A_133, %parallel_loop3A_135 : vector<16xi1>, vector<16xf32>
      %parallel_loop3A_137 = arith.index_cast %parallel_loop3A_101 : i32 to index
      %parallel_loop3A_138 = arith.constant 16 : index
      %parallel_loop3A_139 = tpu.vector_load %arg6[%parallel_loop3A_137, %parallel_loop3A_138] {strides = array<i32>} : memref<125x128xf32, #tpu.memory_space<vmem>>, vector<1x16xf32>,
      %parallel_loop3A_140 = vector.shape_cast %parallel_loop3A_139 : vector<1x16xf32> to vector<16xf32>
      %parallel_loop3A_141 = vector.shape_cast %parallel_loop3A_136 : vector<16xf32> to vector<1x16xf32>
      tpu.vector_store %arg6[%parallel_loop3A_137, %parallel_loop3A_138], %parallel_loop3A_141 {strides = array<i32>} : memref<125x128xf32, #tpu.memory_space<vmem>>, vector<1x16xf32>,
      %parallel_loop3A_142 = arith.index_cast %parallel_loop3A_101 : i32 to index
      %parallel_loop3A_143 = arith.constant 32 : index
      %parallel_loop3A_144 = tpu.vector_load %arg6[%parallel_loop3A_142, %parallel_loop3A_143] {strides = array<i32>} : memref<125x128xf32, #tpu.memory_space<vmem>>, vector<1x16xf32>,
      %parallel_loop3A_145 = vector.shape_cast %parallel_loop3A_144 : vector<1x16xf32> to vector<16xf32>
      %parallel_loop3A_146 = arith.index_cast %parallel_loop3A_101 : i32 to index
      %parallel_loop3A_147 = arith.constant 96 : index
      %parallel_loop3A_148 = tpu.vector_load %arg6[%parallel_loop3A_146, %parallel_loop3A_147] {strides = array<i32>} : memref<125x128xf32, #tpu.memory_space<vmem>>, vector<1x16xf32>,
      %parallel_loop3A_149 = vector.shape_cast %parallel_loop3A_148 : vector<1x16xf32> to vector<16xf32>
      %parallel_loop3A_150 = arith.constant 0.000000e+00 : f32
      %parallel_loop3A_151 = vector.broadcast %parallel_loop3A_150 : f32 to vector<16xf32>
      %parallel_loop3A_152 = arith.cmpf ogt, %parallel_loop3A_145, %parallel_loop3A_151 : vector<16xf32>
      %parallel_loop3A_153 = arith.divf %parallel_loop3A_149, %parallel_loop3A_145 : vector<16xf32>
      %parallel_loop3A_154 = arith.constant 0.000000e+00 : f32
      %parallel_loop3A_155 = vector.broadcast %parallel_loop3A_154 : f32 to vector<16xf32>
      %parallel_loop3A_156 = arith.select %parallel_loop3A_152, %parallel_loop3A_153, %parallel_loop3A_155 : vector<16xi1>, vector<16xf32>
      %parallel_loop3A_157 = arith.index_cast %parallel_loop3A_101 : i32 to index
      %parallel_loop3A_158 = arith.constant 32 : index
      %parallel_loop3A_159 = tpu.vector_load %arg6[%parallel_loop3A_157, %parallel_loop3A_158] {strides = array<i32>} : memref<125x128xf32, #tpu.memory_space<vmem>>, vector<1x16xf32>,
      %parallel_loop3A_160 = vector.shape_cast %parallel_loop3A_159 : vector<1x16xf32> to vector<16xf32>
      %parallel_loop3A_161 = vector.shape_cast %parallel_loop3A_156 : vector<16xf32> to vector<1x16xf32>
      tpu.vector_store %arg6[%parallel_loop3A_157, %parallel_loop3A_158], %parallel_loop3A_161 {strides = array<i32>} : memref<125x128xf32, #tpu.memory_space<vmem>>, vector<1x16xf32>,
      %parallel_loop3A_162 = arith.index_cast %parallel_loop3A_101 : i32 to index
      %parallel_loop3A_163 = arith.constant 48 : index
      %parallel_loop3A_164 = tpu.vector_load %arg6[%parallel_loop3A_162, %parallel_loop3A_163] {strides = array<i32>} : memref<125x128xf32, #tpu.memory_space<vmem>>, vector<1x16xf32>,
      %parallel_loop3A_165 = vector.shape_cast %parallel_loop3A_164 : vector<1x16xf32> to vector<16xf32>
      %parallel_loop3A_166 = arith.index_cast %parallel_loop3A_101 : i32 to index
      %parallel_loop3A_167 = arith.constant 112 : index
      %parallel_loop3A_168 = tpu.vector_load %arg6[%parallel_loop3A_166, %parallel_loop3A_167] {strides = array<i32>} : memref<125x128xf32, #tpu.memory_space<vmem>>, vector<1x16xf32>,
      %parallel_loop3A_169 = vector.shape_cast %parallel_loop3A_168 : vector<1x16xf32> to vector<16xf32>
      %parallel_loop3A_170 = arith.constant 0.000000e+00 : f32
      %parallel_loop3A_171 = vector.broadcast %parallel_loop3A_170 : f32 to vector<16xf32>
      %parallel_loop3A_172 = arith.cmpf ogt, %parallel_loop3A_165, %parallel_loop3A_171 : vector<16xf32>
      %parallel_loop3A_173 = arith.divf %parallel_loop3A_169, %parallel_loop3A_165 : vector<16xf32>
      %parallel_loop3A_174 = arith.constant 0.000000e+00 : f32
      %parallel_loop3A_175 = vector.broadcast %parallel_loop3A_174 : f32 to vector<16xf32>
      %parallel_loop3A_176 = arith.select %parallel_loop3A_172, %parallel_loop3A_173, %parallel_loop3A_175 : vector<16xi1>, vector<16xf32>
      %parallel_loop3A_177 = arith.index_cast %parallel_loop3A_101 : i32 to index
      %parallel_loop3A_178 = arith.constant 48 : index
      %parallel_loop3A_179 = tpu.vector_load %arg6[%parallel_loop3A_177, %parallel_loop3A_178] {strides = array<i32>} : memref<125x128xf32, #tpu.memory_space<vmem>>, vector<1x16xf32>,
      %parallel_loop3A_180 = vector.shape_cast %parallel_loop3A_179 : vector<1x16xf32> to vector<16xf32>
      %parallel_loop3A_181 = vector.shape_cast %parallel_loop3A_176 : vector<16xf32> to vector<1x16xf32>
      tpu.vector_store %arg6[%parallel_loop3A_177, %parallel_loop3A_178], %parallel_loop3A_181 {strides = array<i32>} : memref<125x128xf32, #tpu.memory_space<vmem>>, vector<1x16xf32>,
    } {sc.loop_unroll_factor = 5 : i64, sc.parallel_access}
    "tpu.region"() ({
      %run_scoped3A = tpu.sem_alloc : memref<!tpu.dma_semaphore, #tpu.memory_space<semaphore_mem>>
      %dma_start3A_101 = arith.constant 0 : i32
      %dma_start3A_102 = arith.constant 0 : i32
      %dma_start3A_103 = tpu.memref_slice %arg6[%dma_start3A_101, %dma_start3A_102] : memref<125x128xf32, #tpu.memory_space<vmem>> -> memref<125x64xf32, #tpu.memory_space<vmem>>
      %dma_start3A_104 = tpu.memref_slice %arg5[%add3A_87, %mul3A_0] : memref<10000x128xf32, #tpu.memory_space<hbm>> -> memref<125x64xf32, #tpu.memory_space<hbm>>
      %dma_start3A_105 = tpu.memref_slice %arg5[%add3A_87, %mul3A_0] : memref<10000x128xf32, #tpu.memory_space<hbm>> -> memref<125x64xf32, #tpu.memory_space<hbm>>
      %dma_start3A_106 = arith.constant 0 : i32
      %dma_start3A_107 = arith.constant 0 : i32
      %dma_start3A_108 = tpu.memref_slice %arg6[%dma_start3A_106, %dma_start3A_107] : memref<125x128xf32, #tpu.memory_space<vmem>> -> memref<125x64xf32, #tpu.memory_space<vmem>>
      tpu.enqueue_dma source(%dma_start3A_108 : memref<125x64xf32, #tpu.memory_space<vmem>>) target(%dma_start3A_105 : memref<125x64xf32, #tpu.memory_space<hbm>>) target_semaphore(%run_scoped3A : memref<!tpu.dma_semaphore, #tpu.memory_space<semaphore_mem>>)
      %dma_wait3A = arith.constant 0 : i32
      %dma_wait3A_109 = arith.constant 0 : i32
      %dma_wait3A_110 = tpu.memref_slice %arg6[%dma_wait3A, %dma_wait3A_109] : memref<125x128xf32, #tpu.memory_space<vmem>> -> memref<125x64xf32, #tpu.memory_space<vmem>>
      %dma_wait3A_111 = tpu.memref_slice %arg5[%add3A_87, %mul3A_0] : memref<10000x128xf32, #tpu.memory_space<hbm>> -> memref<125x64xf32, #tpu.memory_space<hbm>>
      %dma_wait3A_112 = tpu.memref_slice %arg5[%add3A_87, %mul3A_0] : memref<10000x128xf32, #tpu.memory_space<hbm>> -> memref<125x64xf32, #tpu.memory_space<hbm>>
      %dma_wait3A_113 = arith.constant 0 : i32
      %dma_wait3A_114 = arith.constant 0 : i32
      %dma_wait3A_115 = tpu.memref_slice %arg6[%dma_wait3A_113, %dma_wait3A_114] : memref<125x128xf32, #tpu.memory_space<vmem>> -> memref<125x64xf32, #tpu.memory_space<vmem>>
      tpu.wait_dma2 semaphore(%run_scoped3A : memref<!tpu.dma_semaphore, #tpu.memory_space<semaphore_mem>>) src(%dma_wait3A_115 : memref<125x64xf32, #tpu.memory_space<vmem>>) dst(%dma_wait3A_112 : memref<125x64xf32, #tpu.memory_space<hbm>>)
      tpu.yield
    }) : () -> ()
    %add3A_91 = arith.constant 375 : i32
    %add3A_92 = arith.addi %mul3A_4, %add3A_91 : i32
    "tpu.region"() ({
      %run_scoped3A = tpu.sem_alloc : memref<!tpu.dma_semaphore, #tpu.memory_space<semaphore_mem>>
      %dma_start3A_101 = arith.constant 0 : i32
      %dma_start3A_102 = arith.constant 0 : i32
      %dma_start3A_103 = tpu.memref_slice %arg6[%dma_start3A_101, %dma_start3A_102] : memref<125x128xf32, #tpu.memory_space<vmem>> -> memref<125x128xf32, #tpu.memory_space<vmem>>
      %dma_start3A_104 = arith.constant 0 : i32
      %dma_start3A_105 = tpu.memref_slice %arg18[%add3A_92, %dma_start3A_104] : memref<10000x128xf32, #tpu.memory_space<vmem_shared>> -> memref<125x128xf32, #tpu.memory_space<vmem_shared>>
      %dma_start3A_106 = arith.constant 0 : i32
      %dma_start3A_107 = arith.constant 0 : i32
      %dma_start3A_108 = tpu.memref_slice %arg6[%dma_start3A_106, %dma_start3A_107] : memref<125x128xf32, #tpu.memory_space<vmem>> -> memref<125x128xf32, #tpu.memory_space<vmem>>
      %dma_start3A_109 = arith.constant 0 : i32
      %dma_start3A_110 = tpu.memref_slice %arg18[%add3A_92, %dma_start3A_109] : memref<10000x128xf32, #tpu.memory_space<vmem_shared>> -> memref<125x128xf32, #tpu.memory_space<vmem_shared>>
      tpu.enqueue_dma source(%dma_start3A_110 : memref<125x128xf32, #tpu.memory_space<vmem_shared>>) target(%dma_start3A_108 : memref<125x128xf32, #tpu.memory_space<vmem>>) target_semaphore(%run_scoped3A : memref<!tpu.dma_semaphore, #tpu.memory_space<semaphore_mem>>)
      %dma_wait3A = arith.constant 0 : i32
      %dma_wait3A_111 = arith.constant 0 : i32
      %dma_wait3A_112 = tpu.memref_slice %arg6[%dma_wait3A, %dma_wait3A_111] : memref<125x128xf32, #tpu.memory_space<vmem>> -> memref<125x128xf32, #tpu.memory_space<vmem>>
      %dma_wait3A_113 = arith.constant 0 : i32
      %dma_wait3A_114 = tpu.memref_slice %arg18[%add3A_92, %dma_wait3A_113] : memref<10000x128xf32, #tpu.memory_space<vmem_shared>> -> memref<125x128xf32, #tpu.memory_space<vmem_shared>>
      %dma_wait3A_115 = arith.constant 0 : i32
      %dma_wait3A_116 = arith.constant 0 : i32
      %dma_wait3A_117 = tpu.memref_slice %arg6[%dma_wait3A_115, %dma_wait3A_116] : memref<125x128xf32, #tpu.memory_space<vmem>> -> memref<125x128xf32, #tpu.memory_space<vmem>>
      %dma_wait3A_118 = arith.constant 0 : i32
      %dma_wait3A_119 = tpu.memref_slice %arg18[%add3A_92, %dma_wait3A_118] : memref<10000x128xf32, #tpu.memory_space<vmem_shared>> -> memref<125x128xf32, #tpu.memory_space<vmem_shared>>
      tpu.wait_dma2 semaphore(%run_scoped3A : memref<!tpu.dma_semaphore, #tpu.memory_space<semaphore_mem>>) src(%dma_wait3A_119 : memref<125x128xf32, #tpu.memory_space<vmem_shared>>) dst(%dma_wait3A_117 : memref<125x128xf32, #tpu.memory_space<vmem>>)
      tpu.yield
    }) : () -> ()
    %parallel_loop3A_93 = arith.constant 0 : i32
    %parallel_loop3A_94 = arith.constant 125 : i32
    %parallel_loop3A_95 = arith.constant 1 : i32
    scf.for %parallel_loop3A_101 = %parallel_loop3A_93 to %parallel_loop3A_94 step %parallel_loop3A_95  : i32 {
      %parallel_loop3A_102 = arith.index_cast %parallel_loop3A_101 : i32 to index
      %parallel_loop3A_103 = arith.constant 0 : index
      %parallel_loop3A_104 = tpu.vector_load %arg6[%parallel_loop3A_102, %parallel_loop3A_103] {strides = array<i32>} : memref<125x128xf32, #tpu.memory_space<vmem>>, vector<1x16xf32>,
      %parallel_loop3A_105 = vector.shape_cast %parallel_loop3A_104 : vector<1x16xf32> to vector<16xf32>
      %parallel_loop3A_106 = arith.index_cast %parallel_loop3A_101 : i32 to index
      %parallel_loop3A_107 = arith.constant 64 : index
      %parallel_loop3A_108 = tpu.vector_load %arg6[%parallel_loop3A_106, %parallel_loop3A_107] {strides = array<i32>} : memref<125x128xf32, #tpu.memory_space<vmem>>, vector<1x16xf32>,
      %parallel_loop3A_109 = vector.shape_cast %parallel_loop3A_108 : vector<1x16xf32> to vector<16xf32>
      %parallel_loop3A_110 = arith.constant 0.000000e+00 : f32
      %parallel_loop3A_111 = vector.broadcast %parallel_loop3A_110 : f32 to vector<16xf32>
      %parallel_loop3A_112 = arith.cmpf ogt, %parallel_loop3A_105, %parallel_loop3A_111 : vector<16xf32>
      %parallel_loop3A_113 = arith.divf %parallel_loop3A_109, %parallel_loop3A_105 : vector<16xf32>
      %parallel_loop3A_114 = arith.constant 0.000000e+00 : f32
      %parallel_loop3A_115 = vector.broadcast %parallel_loop3A_114 : f32 to vector<16xf32>
      %parallel_loop3A_116 = arith.select %parallel_loop3A_112, %parallel_loop3A_113, %parallel_loop3A_115 : vector<16xi1>, vector<16xf32>
      %parallel_loop3A_117 = arith.index_cast %parallel_loop3A_101 : i32 to index
      %parallel_loop3A_118 = arith.constant 0 : index
      %parallel_loop3A_119 = tpu.vector_load %arg6[%parallel_loop3A_117, %parallel_loop3A_118] {strides = array<i32>} : memref<125x128xf32, #tpu.memory_space<vmem>>, vector<1x16xf32>,
      %parallel_loop3A_120 = vector.shape_cast %parallel_loop3A_119 : vector<1x16xf32> to vector<16xf32>
      %parallel_loop3A_121 = vector.shape_cast %parallel_loop3A_116 : vector<16xf32> to vector<1x16xf32>
      tpu.vector_store %arg6[%parallel_loop3A_117, %parallel_loop3A_118], %parallel_loop3A_121 {strides = array<i32>} : memref<125x128xf32, #tpu.memory_space<vmem>>, vector<1x16xf32>,
      %parallel_loop3A_122 = arith.index_cast %parallel_loop3A_101 : i32 to index
      %parallel_loop3A_123 = arith.constant 16 : index
      %parallel_loop3A_124 = tpu.vector_load %arg6[%parallel_loop3A_122, %parallel_loop3A_123] {strides = array<i32>} : memref<125x128xf32, #tpu.memory_space<vmem>>, vector<1x16xf32>,
      %parallel_loop3A_125 = vector.shape_cast %parallel_loop3A_124 : vector<1x16xf32> to vector<16xf32>
      %parallel_loop3A_126 = arith.index_cast %parallel_loop3A_101 : i32 to index
      %parallel_loop3A_127 = arith.constant 80 : index
      %parallel_loop3A_128 = tpu.vector_load %arg6[%parallel_loop3A_126, %parallel_loop3A_127] {strides = array<i32>} : memref<125x128xf32, #tpu.memory_space<vmem>>, vector<1x16xf32>,
      %parallel_loop3A_129 = vector.shape_cast %parallel_loop3A_128 : vector<1x16xf32> to vector<16xf32>
      %parallel_loop3A_130 = arith.constant 0.000000e+00 : f32
      %parallel_loop3A_131 = vector.broadcast %parallel_loop3A_130 : f32 to vector<16xf32>
      %parallel_loop3A_132 = arith.cmpf ogt, %parallel_loop3A_125, %parallel_loop3A_131 : vector<16xf32>
      %parallel_loop3A_133 = arith.divf %parallel_loop3A_129, %parallel_loop3A_125 : vector<16xf32>
      %parallel_loop3A_134 = arith.constant 0.000000e+00 : f32
      %parallel_loop3A_135 = vector.broadcast %parallel_loop3A_134 : f32 to vector<16xf32>
      %parallel_loop3A_136 = arith.select %parallel_loop3A_132, %parallel_loop3A_133, %parallel_loop3A_135 : vector<16xi1>, vector<16xf32>
      %parallel_loop3A_137 = arith.index_cast %parallel_loop3A_101 : i32 to index
      %parallel_loop3A_138 = arith.constant 16 : index
      %parallel_loop3A_139 = tpu.vector_load %arg6[%parallel_loop3A_137, %parallel_loop3A_138] {strides = array<i32>} : memref<125x128xf32, #tpu.memory_space<vmem>>, vector<1x16xf32>,
      %parallel_loop3A_140 = vector.shape_cast %parallel_loop3A_139 : vector<1x16xf32> to vector<16xf32>
      %parallel_loop3A_141 = vector.shape_cast %parallel_loop3A_136 : vector<16xf32> to vector<1x16xf32>
      tpu.vector_store %arg6[%parallel_loop3A_137, %parallel_loop3A_138], %parallel_loop3A_141 {strides = array<i32>} : memref<125x128xf32, #tpu.memory_space<vmem>>, vector<1x16xf32>,
      %parallel_loop3A_142 = arith.index_cast %parallel_loop3A_101 : i32 to index
      %parallel_loop3A_143 = arith.constant 32 : index
      %parallel_loop3A_144 = tpu.vector_load %arg6[%parallel_loop3A_142, %parallel_loop3A_143] {strides = array<i32>} : memref<125x128xf32, #tpu.memory_space<vmem>>, vector<1x16xf32>,
      %parallel_loop3A_145 = vector.shape_cast %parallel_loop3A_144 : vector<1x16xf32> to vector<16xf32>
      %parallel_loop3A_146 = arith.index_cast %parallel_loop3A_101 : i32 to index
      %parallel_loop3A_147 = arith.constant 96 : index
      %parallel_loop3A_148 = tpu.vector_load %arg6[%parallel_loop3A_146, %parallel_loop3A_147] {strides = array<i32>} : memref<125x128xf32, #tpu.memory_space<vmem>>, vector<1x16xf32>,
      %parallel_loop3A_149 = vector.shape_cast %parallel_loop3A_148 : vector<1x16xf32> to vector<16xf32>
      %parallel_loop3A_150 = arith.constant 0.000000e+00 : f32
      %parallel_loop3A_151 = vector.broadcast %parallel_loop3A_150 : f32 to vector<16xf32>
      %parallel_loop3A_152 = arith.cmpf ogt, %parallel_loop3A_145, %parallel_loop3A_151 : vector<16xf32>
      %parallel_loop3A_153 = arith.divf %parallel_loop3A_149, %parallel_loop3A_145 : vector<16xf32>
      %parallel_loop3A_154 = arith.constant 0.000000e+00 : f32
      %parallel_loop3A_155 = vector.broadcast %parallel_loop3A_154 : f32 to vector<16xf32>
      %parallel_loop3A_156 = arith.select %parallel_loop3A_152, %parallel_loop3A_153, %parallel_loop3A_155 : vector<16xi1>, vector<16xf32>
      %parallel_loop3A_157 = arith.index_cast %parallel_loop3A_101 : i32 to index
      %parallel_loop3A_158 = arith.constant 32 : index
      %parallel_loop3A_159 = tpu.vector_load %arg6[%parallel_loop3A_157, %parallel_loop3A_158] {strides = array<i32>} : memref<125x128xf32, #tpu.memory_space<vmem>>, vector<1x16xf32>,
      %parallel_loop3A_160 = vector.shape_cast %parallel_loop3A_159 : vector<1x16xf32> to vector<16xf32>
      %parallel_loop3A_161 = vector.shape_cast %parallel_loop3A_156 : vector<16xf32> to vector<1x16xf32>
      tpu.vector_store %arg6[%parallel_loop3A_157, %parallel_loop3A_158], %parallel_loop3A_161 {strides = array<i32>} : memref<125x128xf32, #tpu.memory_space<vmem>>, vector<1x16xf32>,
      %parallel_loop3A_162 = arith.index_cast %parallel_loop3A_101 : i32 to index
      %parallel_loop3A_163 = arith.constant 48 : index
      %parallel_loop3A_164 = tpu.vector_load %arg6[%parallel_loop3A_162, %parallel_loop3A_163] {strides = array<i32>} : memref<125x128xf32, #tpu.memory_space<vmem>>, vector<1x16xf32>,
      %parallel_loop3A_165 = vector.shape_cast %parallel_loop3A_164 : vector<1x16xf32> to vector<16xf32>
      %parallel_loop3A_166 = arith.index_cast %parallel_loop3A_101 : i32 to index
      %parallel_loop3A_167 = arith.constant 112 : index
      %parallel_loop3A_168 = tpu.vector_load %arg6[%parallel_loop3A_166, %parallel_loop3A_167] {strides = array<i32>} : memref<125x128xf32, #tpu.memory_space<vmem>>, vector<1x16xf32>,
      %parallel_loop3A_169 = vector.shape_cast %parallel_loop3A_168 : vector<1x16xf32> to vector<16xf32>
      %parallel_loop3A_170 = arith.constant 0.000000e+00 : f32
      %parallel_loop3A_171 = vector.broadcast %parallel_loop3A_170 : f32 to vector<16xf32>
      %parallel_loop3A_172 = arith.cmpf ogt, %parallel_loop3A_165, %parallel_loop3A_171 : vector<16xf32>
      %parallel_loop3A_173 = arith.divf %parallel_loop3A_169, %parallel_loop3A_165 : vector<16xf32>
      %parallel_loop3A_174 = arith.constant 0.000000e+00 : f32
      %parallel_loop3A_175 = vector.broadcast %parallel_loop3A_174 : f32 to vector<16xf32>
      %parallel_loop3A_176 = arith.select %parallel_loop3A_172, %parallel_loop3A_173, %parallel_loop3A_175 : vector<16xi1>, vector<16xf32>
      %parallel_loop3A_177 = arith.index_cast %parallel_loop3A_101 : i32 to index
      %parallel_loop3A_178 = arith.constant 48 : index
      %parallel_loop3A_179 = tpu.vector_load %arg6[%parallel_loop3A_177, %parallel_loop3A_178] {strides = array<i32>} : memref<125x128xf32, #tpu.memory_space<vmem>>, vector<1x16xf32>,
      %parallel_loop3A_180 = vector.shape_cast %parallel_loop3A_179 : vector<1x16xf32> to vector<16xf32>
      %parallel_loop3A_181 = vector.shape_cast %parallel_loop3A_176 : vector<16xf32> to vector<1x16xf32>
      tpu.vector_store %arg6[%parallel_loop3A_177, %parallel_loop3A_178], %parallel_loop3A_181 {strides = array<i32>} : memref<125x128xf32, #tpu.memory_space<vmem>>, vector<1x16xf32>,
    } {sc.loop_unroll_factor = 5 : i64, sc.parallel_access}
    "tpu.region"() ({
      %run_scoped3A = tpu.sem_alloc : memref<!tpu.dma_semaphore, #tpu.memory_space<semaphore_mem>>
      %dma_start3A_101 = arith.constant 0 : i32
      %dma_start3A_102 = arith.constant 0 : i32
      %dma_start3A_103 = tpu.memref_slice %arg6[%dma_start3A_101, %dma_start3A_102] : memref<125x128xf32, #tpu.memory_space<vmem>> -> memref<125x64xf32, #tpu.memory_space<vmem>>
      %dma_start3A_104 = tpu.memref_slice %arg5[%add3A_92, %mul3A_0] : memref<10000x128xf32, #tpu.memory_space<hbm>> -> memref<125x64xf32, #tpu.memory_space<hbm>>
      %dma_start3A_105 = tpu.memref_slice %arg5[%add3A_92, %mul3A_0] : memref<10000x128xf32, #tpu.memory_space<hbm>> -> memref<125x64xf32, #tpu.memory_space<hbm>>
      %dma_start3A_106 = arith.constant 0 : i32
      %dma_start3A_107 = arith.constant 0 : i32
      %dma_start3A_108 = tpu.memref_slice %arg6[%dma_start3A_106, %dma_start3A_107] : memref<125x128xf32, #tpu.memory_space<vmem>> -> memref<125x64xf32, #tpu.memory_space<vmem>>
      tpu.enqueue_dma source(%dma_start3A_108 : memref<125x64xf32, #tpu.memory_space<vmem>>) target(%dma_start3A_105 : memref<125x64xf32, #tpu.memory_space<hbm>>) target_semaphore(%run_scoped3A : memref<!tpu.dma_semaphore, #tpu.memory_space<semaphore_mem>>)
      %dma_wait3A = arith.constant 0 : i32
      %dma_wait3A_109 = arith.constant 0 : i32
      %dma_wait3A_110 = tpu.memref_slice %arg6[%dma_wait3A, %dma_wait3A_109] : memref<125x128xf32, #tpu.memory_space<vmem>> -> memref<125x64xf32, #tpu.memory_space<vmem>>
      %dma_wait3A_111 = tpu.memref_slice %arg5[%add3A_92, %mul3A_0] : memref<10000x128xf32, #tpu.memory_space<hbm>> -> memref<125x64xf32, #tpu.memory_space<hbm>>
      %dma_wait3A_112 = tpu.memref_slice %arg5[%add3A_92, %mul3A_0] : memref<10000x128xf32, #tpu.memory_space<hbm>> -> memref<125x64xf32, #tpu.memory_space<hbm>>
      %dma_wait3A_113 = arith.constant 0 : i32
      %dma_wait3A_114 = arith.constant 0 : i32
      %dma_wait3A_115 = tpu.memref_slice %arg6[%dma_wait3A_113, %dma_wait3A_114] : memref<125x128xf32, #tpu.memory_space<vmem>> -> memref<125x64xf32, #tpu.memory_space<vmem>>
      tpu.wait_dma2 semaphore(%run_scoped3A : memref<!tpu.dma_semaphore, #tpu.memory_space<semaphore_mem>>) src(%dma_wait3A_115 : memref<125x64xf32, #tpu.memory_space<vmem>>) dst(%dma_wait3A_112 : memref<125x64xf32, #tpu.memory_space<hbm>>)
      tpu.yield
    }) : () -> ()
    %add3A_96 = arith.constant 500 : i32
    %add3A_97 = arith.addi %mul3A_4, %add3A_96 : i32
    "tpu.region"() ({
      %run_scoped3A = tpu.sem_alloc : memref<!tpu.dma_semaphore, #tpu.memory_space<semaphore_mem>>
      %dma_start3A_101 = arith.constant 0 : i32
      %dma_start3A_102 = arith.constant 0 : i32
      %dma_start3A_103 = tpu.memref_slice %arg6[%dma_start3A_101, %dma_start3A_102] : memref<125x128xf32, #tpu.memory_space<vmem>> -> memref<125x128xf32, #tpu.memory_space<vmem>>
      %dma_start3A_104 = arith.constant 0 : i32
      %dma_start3A_105 = tpu.memref_slice %arg18[%add3A_97, %dma_start3A_104] : memref<10000x128xf32, #tpu.memory_space<vmem_shared>> -> memref<125x128xf32, #tpu.memory_space<vmem_shared>>
      %dma_start3A_106 = arith.constant 0 : i32
      %dma_start3A_107 = arith.constant 0 : i32
      %dma_start3A_108 = tpu.memref_slice %arg6[%dma_start3A_106, %dma_start3A_107] : memref<125x128xf32, #tpu.memory_space<vmem>> -> memref<125x128xf32, #tpu.memory_space<vmem>>
      %dma_start3A_109 = arith.constant 0 : i32
      %dma_start3A_110 = tpu.memref_slice %arg18[%add3A_97, %dma_start3A_109] : memref<10000x128xf32, #tpu.memory_space<vmem_shared>> -> memref<125x128xf32, #tpu.memory_space<vmem_shared>>
      tpu.enqueue_dma source(%dma_start3A_110 : memref<125x128xf32, #tpu.memory_space<vmem_shared>>) target(%dma_start3A_108 : memref<125x128xf32, #tpu.memory_space<vmem>>) target_semaphore(%run_scoped3A : memref<!tpu.dma_semaphore, #tpu.memory_space<semaphore_mem>>)
      %dma_wait3A = arith.constant 0 : i32
      %dma_wait3A_111 = arith.constant 0 : i32
      %dma_wait3A_112 = tpu.memref_slice %arg6[%dma_wait3A, %dma_wait3A_111] : memref<125x128xf32, #tpu.memory_space<vmem>> -> memref<125x128xf32, #tpu.memory_space<vmem>>
      %dma_wait3A_113 = arith.constant 0 : i32
      %dma_wait3A_114 = tpu.memref_slice %arg18[%add3A_97, %dma_wait3A_113] : memref<10000x128xf32, #tpu.memory_space<vmem_shared>> -> memref<125x128xf32, #tpu.memory_space<vmem_shared>>
      %dma_wait3A_115 = arith.constant 0 : i32
      %dma_wait3A_116 = arith.constant 0 : i32
      %dma_wait3A_117 = tpu.memref_slice %arg6[%dma_wait3A_115, %dma_wait3A_116] : memref<125x128xf32, #tpu.memory_space<vmem>> -> memref<125x128xf32, #tpu.memory_space<vmem>>
      %dma_wait3A_118 = arith.constant 0 : i32
      %dma_wait3A_119 = tpu.memref_slice %arg18[%add3A_97, %dma_wait3A_118] : memref<10000x128xf32, #tpu.memory_space<vmem_shared>> -> memref<125x128xf32, #tpu.memory_space<vmem_shared>>
      tpu.wait_dma2 semaphore(%run_scoped3A : memref<!tpu.dma_semaphore, #tpu.memory_space<semaphore_mem>>) src(%dma_wait3A_119 : memref<125x128xf32, #tpu.memory_space<vmem_shared>>) dst(%dma_wait3A_117 : memref<125x128xf32, #tpu.memory_space<vmem>>)
      tpu.yield
    }) : () -> ()
    %parallel_loop3A_98 = arith.constant 0 : i32
    %parallel_loop3A_99 = arith.constant 125 : i32
    %parallel_loop3A_100 = arith.constant 1 : i32
    scf.for %parallel_loop3A_101 = %parallel_loop3A_98 to %parallel_loop3A_99 step %parallel_loop3A_100  : i32 {
      %parallel_loop3A_102 = arith.index_cast %parallel_loop3A_101 : i32 to index
      %parallel_loop3A_103 = arith.constant 0 : index
      %parallel_loop3A_104 = tpu.vector_load %arg6[%parallel_loop3A_102, %parallel_loop3A_103] {strides = array<i32>} : memref<125x128xf32, #tpu.memory_space<vmem>>, vector<1x16xf32>,
      %parallel_loop3A_105 = vector.shape_cast %parallel_loop3A_104 : vector<1x16xf32> to vector<16xf32>
      %parallel_loop3A_106 = arith.index_cast %parallel_loop3A_101 : i32 to index
      %parallel_loop3A_107 = arith.constant 64 : index
      %parallel_loop3A_108 = tpu.vector_load %arg6[%parallel_loop3A_106, %parallel_loop3A_107] {strides = array<i32>} : memref<125x128xf32, #tpu.memory_space<vmem>>, vector<1x16xf32>,
      %parallel_loop3A_109 = vector.shape_cast %parallel_loop3A_108 : vector<1x16xf32> to vector<16xf32>
      %parallel_loop3A_110 = arith.constant 0.000000e+00 : f32
      %parallel_loop3A_111 = vector.broadcast %parallel_loop3A_110 : f32 to vector<16xf32>
      %parallel_loop3A_112 = arith.cmpf ogt, %parallel_loop3A_105, %parallel_loop3A_111 : vector<16xf32>
      %parallel_loop3A_113 = arith.divf %parallel_loop3A_109, %parallel_loop3A_105 : vector<16xf32>
      %parallel_loop3A_114 = arith.constant 0.000000e+00 : f32
      %parallel_loop3A_115 = vector.broadcast %parallel_loop3A_114 : f32 to vector<16xf32>
      %parallel_loop3A_116 = arith.select %parallel_loop3A_112, %parallel_loop3A_113, %parallel_loop3A_115 : vector<16xi1>, vector<16xf32>
      %parallel_loop3A_117 = arith.index_cast %parallel_loop3A_101 : i32 to index
      %parallel_loop3A_118 = arith.constant 0 : index
      %parallel_loop3A_119 = tpu.vector_load %arg6[%parallel_loop3A_117, %parallel_loop3A_118] {strides = array<i32>} : memref<125x128xf32, #tpu.memory_space<vmem>>, vector<1x16xf32>,
      %parallel_loop3A_120 = vector.shape_cast %parallel_loop3A_119 : vector<1x16xf32> to vector<16xf32>
      %parallel_loop3A_121 = vector.shape_cast %parallel_loop3A_116 : vector<16xf32> to vector<1x16xf32>
      tpu.vector_store %arg6[%parallel_loop3A_117, %parallel_loop3A_118], %parallel_loop3A_121 {strides = array<i32>} : memref<125x128xf32, #tpu.memory_space<vmem>>, vector<1x16xf32>,
      %parallel_loop3A_122 = arith.index_cast %parallel_loop3A_101 : i32 to index
      %parallel_loop3A_123 = arith.constant 16 : index
      %parallel_loop3A_124 = tpu.vector_load %arg6[%parallel_loop3A_122, %parallel_loop3A_123] {strides = array<i32>} : memref<125x128xf32, #tpu.memory_space<vmem>>, vector<1x16xf32>,
      %parallel_loop3A_125 = vector.shape_cast %parallel_loop3A_124 : vector<1x16xf32> to vector<16xf32>
      %parallel_loop3A_126 = arith.index_cast %parallel_loop3A_101 : i32 to index
      %parallel_loop3A_127 = arith.constant 80 : index
      %parallel_loop3A_128 = tpu.vector_load %arg6[%parallel_loop3A_126, %parallel_loop3A_127] {strides = array<i32>} : memref<125x128xf32, #tpu.memory_space<vmem>>, vector<1x16xf32>,
      %parallel_loop3A_129 = vector.shape_cast %parallel_loop3A_128 : vector<1x16xf32> to vector<16xf32>
      %parallel_loop3A_130 = arith.constant 0.000000e+00 : f32
      %parallel_loop3A_131 = vector.broadcast %parallel_loop3A_130 : f32 to vector<16xf32>
      %parallel_loop3A_132 = arith.cmpf ogt, %parallel_loop3A_125, %parallel_loop3A_131 : vector<16xf32>
      %parallel_loop3A_133 = arith.divf %parallel_loop3A_129, %parallel_loop3A_125 : vector<16xf32>
      %parallel_loop3A_134 = arith.constant 0.000000e+00 : f32
      %parallel_loop3A_135 = vector.broadcast %parallel_loop3A_134 : f32 to vector<16xf32>
      %parallel_loop3A_136 = arith.select %parallel_loop3A_132, %parallel_loop3A_133, %parallel_loop3A_135 : vector<16xi1>, vector<16xf32>
      %parallel_loop3A_137 = arith.index_cast %parallel_loop3A_101 : i32 to index
      %parallel_loop3A_138 = arith.constant 16 : index
      %parallel_loop3A_139 = tpu.vector_load %arg6[%parallel_loop3A_137, %parallel_loop3A_138] {strides = array<i32>} : memref<125x128xf32, #tpu.memory_space<vmem>>, vector<1x16xf32>,
      %parallel_loop3A_140 = vector.shape_cast %parallel_loop3A_139 : vector<1x16xf32> to vector<16xf32>
      %parallel_loop3A_141 = vector.shape_cast %parallel_loop3A_136 : vector<16xf32> to vector<1x16xf32>
      tpu.vector_store %arg6[%parallel_loop3A_137, %parallel_loop3A_138], %parallel_loop3A_141 {strides = array<i32>} : memref<125x128xf32, #tpu.memory_space<vmem>>, vector<1x16xf32>,
      %parallel_loop3A_142 = arith.index_cast %parallel_loop3A_101 : i32 to index
      %parallel_loop3A_143 = arith.constant 32 : index
      %parallel_loop3A_144 = tpu.vector_load %arg6[%parallel_loop3A_142, %parallel_loop3A_143] {strides = array<i32>} : memref<125x128xf32, #tpu.memory_space<vmem>>, vector<1x16xf32>,
      %parallel_loop3A_145 = vector.shape_cast %parallel_loop3A_144 : vector<1x16xf32> to vector<16xf32>
      %parallel_loop3A_146 = arith.index_cast %parallel_loop3A_101 : i32 to index
      %parallel_loop3A_147 = arith.constant 96 : index
      %parallel_loop3A_148 = tpu.vector_load %arg6[%parallel_loop3A_146, %parallel_loop3A_147] {strides = array<i32>} : memref<125x128xf32, #tpu.memory_space<vmem>>, vector<1x16xf32>,
      %parallel_loop3A_149 = vector.shape_cast %parallel_loop3A_148 : vector<1x16xf32> to vector<16xf32>
      %parallel_loop3A_150 = arith.constant 0.000000e+00 : f32
      %parallel_loop3A_151 = vector.broadcast %parallel_loop3A_150 : f32 to vector<16xf32>
      %parallel_loop3A_152 = arith.cmpf ogt, %parallel_loop3A_145, %parallel_loop3A_151 : vector<16xf32>
      %parallel_loop3A_153 = arith.divf %parallel_loop3A_149, %parallel_loop3A_145 : vector<16xf32>
      %parallel_loop3A_154 = arith.constant 0.000000e+00 : f32
      %parallel_loop3A_155 = vector.broadcast %parallel_loop3A_154 : f32 to vector<16xf32>
      %parallel_loop3A_156 = arith.select %parallel_loop3A_152, %parallel_loop3A_153, %parallel_loop3A_155 : vector<16xi1>, vector<16xf32>
      %parallel_loop3A_157 = arith.index_cast %parallel_loop3A_101 : i32 to index
      %parallel_loop3A_158 = arith.constant 32 : index
      %parallel_loop3A_159 = tpu.vector_load %arg6[%parallel_loop3A_157, %parallel_loop3A_158] {strides = array<i32>} : memref<125x128xf32, #tpu.memory_space<vmem>>, vector<1x16xf32>,
      %parallel_loop3A_160 = vector.shape_cast %parallel_loop3A_159 : vector<1x16xf32> to vector<16xf32>
      %parallel_loop3A_161 = vector.shape_cast %parallel_loop3A_156 : vector<16xf32> to vector<1x16xf32>
      tpu.vector_store %arg6[%parallel_loop3A_157, %parallel_loop3A_158], %parallel_loop3A_161 {strides = array<i32>} : memref<125x128xf32, #tpu.memory_space<vmem>>, vector<1x16xf32>,
      %parallel_loop3A_162 = arith.index_cast %parallel_loop3A_101 : i32 to index
      %parallel_loop3A_163 = arith.constant 48 : index
      %parallel_loop3A_164 = tpu.vector_load %arg6[%parallel_loop3A_162, %parallel_loop3A_163] {strides = array<i32>} : memref<125x128xf32, #tpu.memory_space<vmem>>, vector<1x16xf32>,
      %parallel_loop3A_165 = vector.shape_cast %parallel_loop3A_164 : vector<1x16xf32> to vector<16xf32>
      %parallel_loop3A_166 = arith.index_cast %parallel_loop3A_101 : i32 to index
      %parallel_loop3A_167 = arith.constant 112 : index
      %parallel_loop3A_168 = tpu.vector_load %arg6[%parallel_loop3A_166, %parallel_loop3A_167] {strides = array<i32>} : memref<125x128xf32, #tpu.memory_space<vmem>>, vector<1x16xf32>,
      %parallel_loop3A_169 = vector.shape_cast %parallel_loop3A_168 : vector<1x16xf32> to vector<16xf32>
      %parallel_loop3A_170 = arith.constant 0.000000e+00 : f32
      %parallel_loop3A_171 = vector.broadcast %parallel_loop3A_170 : f32 to vector<16xf32>
      %parallel_loop3A_172 = arith.cmpf ogt, %parallel_loop3A_165, %parallel_loop3A_171 : vector<16xf32>
      %parallel_loop3A_173 = arith.divf %parallel_loop3A_169, %parallel_loop3A_165 : vector<16xf32>
      %parallel_loop3A_174 = arith.constant 0.000000e+00 : f32
      %parallel_loop3A_175 = vector.broadcast %parallel_loop3A_174 : f32 to vector<16xf32>
      %parallel_loop3A_176 = arith.select %parallel_loop3A_172, %parallel_loop3A_173, %parallel_loop3A_175 : vector<16xi1>, vector<16xf32>
      %parallel_loop3A_177 = arith.index_cast %parallel_loop3A_101 : i32 to index
      %parallel_loop3A_178 = arith.constant 48 : index
      %parallel_loop3A_179 = tpu.vector_load %arg6[%parallel_loop3A_177, %parallel_loop3A_178] {strides = array<i32>} : memref<125x128xf32, #tpu.memory_space<vmem>>, vector<1x16xf32>,
      %parallel_loop3A_180 = vector.shape_cast %parallel_loop3A_179 : vector<1x16xf32> to vector<16xf32>
      %parallel_loop3A_181 = vector.shape_cast %parallel_loop3A_176 : vector<16xf32> to vector<1x16xf32>
      tpu.vector_store %arg6[%parallel_loop3A_177, %parallel_loop3A_178], %parallel_loop3A_181 {strides = array<i32>} : memref<125x128xf32, #tpu.memory_space<vmem>>, vector<1x16xf32>,
    } {sc.loop_unroll_factor = 5 : i64, sc.parallel_access}
    "tpu.region"() ({
      %run_scoped3A = tpu.sem_alloc : memref<!tpu.dma_semaphore, #tpu.memory_space<semaphore_mem>>
      %dma_start3A_101 = arith.constant 0 : i32
      %dma_start3A_102 = arith.constant 0 : i32
      %dma_start3A_103 = tpu.memref_slice %arg6[%dma_start3A_101, %dma_start3A_102] : memref<125x128xf32, #tpu.memory_space<vmem>> -> memref<125x64xf32, #tpu.memory_space<vmem>>
      %dma_start3A_104 = tpu.memref_slice %arg5[%add3A_97, %mul3A_0] : memref<10000x128xf32, #tpu.memory_space<hbm>> -> memref<125x64xf32, #tpu.memory_space<hbm>>
      %dma_start3A_105 = tpu.memref_slice %arg5[%add3A_97, %mul3A_0] : memref<10000x128xf32, #tpu.memory_space<hbm>> -> memref<125x64xf32, #tpu.memory_space<hbm>>
      %dma_start3A_106 = arith.constant 0 : i32
      %dma_start3A_107 = arith.constant 0 : i32
      %dma_start3A_108 = tpu.memref_slice %arg6[%dma_start3A_106, %dma_start3A_107] : memref<125x128xf32, #tpu.memory_space<vmem>> -> memref<125x64xf32, #tpu.memory_space<vmem>>
      tpu.enqueue_dma source(%dma_start3A_108 : memref<125x64xf32, #tpu.memory_space<vmem>>) target(%dma_start3A_105 : memref<125x64xf32, #tpu.memory_space<hbm>>) target_semaphore(%run_scoped3A : memref<!tpu.dma_semaphore, #tpu.memory_space<semaphore_mem>>)
      %dma_wait3A = arith.constant 0 : i32
      %dma_wait3A_109 = arith.constant 0 : i32
      %dma_wait3A_110 = tpu.memref_slice %arg6[%dma_wait3A, %dma_wait3A_109] : memref<125x128xf32, #tpu.memory_space<vmem>> -> memref<125x64xf32, #tpu.memory_space<vmem>>
      %dma_wait3A_111 = tpu.memref_slice %arg5[%add3A_97, %mul3A_0] : memref<10000x128xf32, #tpu.memory_space<hbm>> -> memref<125x64xf32, #tpu.memory_space<hbm>>
      %dma_wait3A_112 = tpu.memref_slice %arg5[%add3A_97, %mul3A_0] : memref<10000x128xf32, #tpu.memory_space<hbm>> -> memref<125x64xf32, #tpu.memory_space<hbm>>
      %dma_wait3A_113 = arith.constant 0 : i32
      %dma_wait3A_114 = arith.constant 0 : i32
      %dma_wait3A_115 = tpu.memref_slice %arg6[%dma_wait3A_113, %dma_wait3A_114] : memref<125x128xf32, #tpu.memory_space<vmem>> -> memref<125x64xf32, #tpu.memory_space<vmem>>
      tpu.wait_dma2 semaphore(%run_scoped3A : memref<!tpu.dma_semaphore, #tpu.memory_space<semaphore_mem>>) src(%dma_wait3A_115 : memref<125x64xf32, #tpu.memory_space<vmem>>) dst(%dma_wait3A_112 : memref<125x64xf32, #tpu.memory_space<hbm>>)
      tpu.yield
    }) : () -> ()
    return
  }
}

module attributes {stable_mosaic.version = 14 : i64} {
  func.func @body(%arg0: i32, %arg1: memref<2000x128xf32, #tpu.memory_space<vmem>>, %arg2: memref<128x256xf32, #tpu.memory_space<vmem>>, %arg3: memref<1x256xf32, #tpu.memory_space<vmem>>, %arg4: memref<256x128xf32, #tpu.memory_space<vmem>>, %arg5: memref<1x128xf32, #tpu.memory_space<vmem>>, %arg6: memref<2000x128xf32, #tpu.memory_space<vmem>>) attributes {dimension_semantics = [#tpu.dimension_semantics<arbitrary>], iteration_bounds = array<i64: 5>, scalar_prefetch = 0 : i64, scratch_operands = 0 : i64, tpu.core_type = #tpu.core_type<tc>, window_params = [{transform_indices = @transform_0, window_bounds = array<i64: 2000, 128>}, {pipeline_mode = #tpu.pipeline_mode<synchronous>, transform_indices = @transform_1, window_bounds = array<i64: 128, 256>}, {pipeline_mode = #tpu.pipeline_mode<synchronous>, transform_indices = @transform_2, window_bounds = array<i64: 1, 256>}, {pipeline_mode = #tpu.pipeline_mode<synchronous>, transform_indices = @transform_3, window_bounds = array<i64: 256, 128>}, {pipeline_mode = #tpu.pipeline_mode<synchronous>, transform_indices = @transform_4, window_bounds = array<i64: 1, 128>}, {transform_indices = @transform_5, window_bounds = array<i64: 2000, 128>}]} {
    %get3A = arith.constant 0 : index
    %get3A_0 = arith.constant 0 : index
    %get3A_1 = vector.load %arg1[%get3A, %get3A_0] : memref<2000x128xf32, #tpu.memory_space<vmem>>, vector<2000x128xf32>
    %get3A_2 = arith.constant 0 : index
    %get3A_3 = arith.constant 0 : index
    %get3A_4 = vector.load %arg2[%get3A_2, %get3A_3] : memref<128x256xf32, #tpu.memory_space<vmem>>, vector<128x256xf32>
    %dot_general3A = arith.constant dense<0.000000e+00> : vector<2000x256xf32>
    %dot_general3A_5 = tpu.matmul %get3A_1, %get3A_4, %dot_general3A {dimension_numbers = #tpu.dot_dimension_numbers<[1], [0], [0], [1], [0, 0, 1, 1], [], []>, transpose_lhs_hint = false} : vector<2000x128xf32>, vector<128x256xf32>, vector<2000x256xf32> -> vector<2000x256xf32>
    %get3A_6 = arith.constant 0 : index
    %get3A_7 = arith.constant 0 : index
    %get3A_8 = vector.load %arg3[%get3A_6, %get3A_7] : memref<1x256xf32, #tpu.memory_space<vmem>>, vector<1x256xf32>
    %add3A = vector.broadcast %get3A_8 : vector<1x256xf32> to vector<2000x256xf32>
    %add3A_9 = arith.addf %dot_general3A_5, %add3A : vector<2000x256xf32>
    %get3A_10 = arith.constant 0 : index
    %get3A_11 = arith.constant 0 : index
    %get3A_12 = vector.load %arg4[%get3A_10, %get3A_11] : memref<256x128xf32, #tpu.memory_space<vmem>>, vector<256x128xf32>
    %dot_general3A_13 = arith.constant dense<0.000000e+00> : vector<2000x128xf32>
    %dot_general3A_14 = tpu.matmul %add3A_9, %get3A_12, %dot_general3A_13 {dimension_numbers = #tpu.dot_dimension_numbers<[1], [0], [0], [1], [0, 0, 1, 1], [], []>, transpose_lhs_hint = false} : vector<2000x256xf32>, vector<256x128xf32>, vector<2000x128xf32> -> vector<2000x128xf32>
    %get3A_15 = arith.constant 0 : index
    %get3A_16 = arith.constant 0 : index
    %get3A_17 = vector.load %arg5[%get3A_15, %get3A_16] : memref<1x128xf32, #tpu.memory_space<vmem>>, vector<1x128xf32>
    %add3A_18 = vector.broadcast %get3A_17 : vector<1x128xf32> to vector<2000x128xf32>
    %add3A_19 = arith.addf %dot_general3A_14, %add3A_18 : vector<2000x128xf32>
    %iota3A = tpu.iota {dimensions = array<i32: 1>} : vector<2000x128xi32>
    %lt3A = arith.constant 4 : i32
    %lt3A_20 = vector.broadcast %lt3A : i32 to vector<2000x128xi32>
    %lt3A_21 = arith.cmpi slt, %iota3A, %lt3A_20 : vector<2000x128xi32>
    %mul3A = arith.mulf %add3A_19, %add3A_19 : vector<2000x128xf32>
    %jit3A = arith.constant 0.000000e+00 : f32
    %broadcast_in_dim3A = vector.broadcast %jit3A : f32 to vector<2000x128xf32>
    %select_n3A = arith.select %lt3A_21, %mul3A, %broadcast_in_dim3A : vector<2000x128xi1>, vector<2000x128xf32>
    %reduce_sum3A = arith.constant dense<0.000000e+00> : vector<2000xf32>
    %reduce_sum3A_22 = vector.multi_reduction <add>, %select_n3A, %reduce_sum3A [1] : vector<2000x128xf32> to vector<2000xf32>
    %broadcast_in_dim3A_23 = vector.shape_cast %reduce_sum3A_22 : vector<2000xf32> to vector<2000x1xf32>
    %add3A_24 = arith.constant 1.000000e-10 : f32
    %add3A_25 = vector.broadcast %add3A_24 : f32 to vector<2000x1xf32>
    %add3A_26 = arith.addf %broadcast_in_dim3A_23, %add3A_25 : vector<2000x1xf32>
    %sqrt3A = math.sqrt %add3A_26 : vector<2000x1xf32>
    %add3A_27 = arith.constant 1.000000e-10 : f32
    %add3A_28 = vector.broadcast %add3A_27 : f32 to vector<2000x1xf32>
    %add3A_29 = arith.addf %sqrt3A, %add3A_28 : vector<2000x1xf32>
    %div3A = vector.broadcast %add3A_29 : vector<2000x1xf32> to vector<2000x128xf32>
    %div3A_30 = arith.divf %add3A_19, %div3A : vector<2000x128xf32>
    %select_n3A_31 = arith.select %lt3A_21, %div3A_30, %add3A_19 : vector<2000x128xi1>, vector<2000x128xf32>
    %swap3A = arith.constant 0 : index
    %swap3A_32 = arith.constant 0 : index
    %swap3A_33 = vector.load %arg6[%swap3A, %swap3A_32] : memref<2000x128xf32, #tpu.memory_space<vmem>>, vector<2000x128xf32>
    tpu.vector_store %arg6[%swap3A, %swap3A_32], %select_n3A_31 {strides = array<i32>} : memref<2000x128xf32, #tpu.memory_space<vmem>>, vector<2000x128xf32>,
    return
  }
  func.func @transform_0(%arg0: i32) -> (i32, i32) {
    %c0_i32 = arith.constant 0 : i32
    %c0_i32_0 = arith.constant 0 : i32
    return %arg0, %c0_i32 : i32, i32
  }
  func.func @transform_1(%arg0: i32) -> (i32, i32) {
    %c0_i32 = arith.constant 0 : i32
    %c0_i32_0 = arith.constant 0 : i32
    %c0_i32_1 = arith.constant 0 : i32
    return %c0_i32, %c0_i32_0 : i32, i32
  }
  func.func @transform_2(%arg0: i32) -> (i32, i32) {
    %c0_i32 = arith.constant 0 : i32
    %c0_i32_0 = arith.constant 0 : i32
    %c0_i32_1 = arith.constant 0 : i32
    return %c0_i32, %c0_i32_0 : i32, i32
  }
  func.func @transform_3(%arg0: i32) -> (i32, i32) {
    %c0_i32 = arith.constant 0 : i32
    %c0_i32_0 = arith.constant 0 : i32
    %c0_i32_1 = arith.constant 0 : i32
    return %c0_i32, %c0_i32_0 : i32, i32
  }
  func.func @transform_4(%arg0: i32) -> (i32, i32) {
    %c0_i32 = arith.constant 0 : i32
    %c0_i32_0 = arith.constant 0 : i32
    %c0_i32_1 = arith.constant 0 : i32
    return %c0_i32, %c0_i32_0 : i32, i32
  }
  func.func @transform_5(%arg0: i32) -> (i32, i32) {
    %c0_i32 = arith.constant 0 : i32
    %c0_i32_0 = arith.constant 0 : i32
    return %arg0, %c0_i32 : i32, i32
  }
}

</mosaic_0001>

<sc_bundles>
// kernel: kernel.4.cloned.1.call-start
scs
__scs_entry_jumppad:
0x0: {  	(pc) =	sbr.rel $0x88, $3  }
0x1: {  	(tag) =	ssettag $0x0;
	lr =	simm.s32 $0x1  }
0x2: {  	[smem:$0x3F98] =	sst lr;
	_ =	strace $0xD0000000  }
0x3: {  	_ = 	snop  }
0x4: {  	_ = 	snop  }
0x5: {  	_ = 	snop  }
0x6: {  	_ = 	snop  }
0x7: {  	_ = 	snop  }
__scs_overlays_trampoline_lowered:
0x8: {  	[smem:$0x3FA7] =	sst s0  }
0x9: {  	[smem:$0x3FA8] =	sst s1  }
0xa: {  	[smem:$0x3FA9] =	sst s2  }
0xb: {  	[smem:$0x3FAA] =	sst s3  }
0xc: {  	[smem:$0x3FAB] =	sst s4  }
0xd: {  	[smem:$0x3FAC] =	sst s5  }
0xe: {  	[smem:$0x3FAD] =	sst s6  }
0xf: {  	[smem:$0x3FAE] =	sst s7  }
0x10: {  	[smem:$0x3FAF] =	sst s8  }
0x11: {  	[smem:$0x3FB0] =	sst s9;
	s0 =	simm.s32 @!p0 $0x0  }
0x12: {  	s1 =	sld [smem:$0x3F96];
	s0 =	simm.s32 @p0 $0x1  }
0x13: {  	[smem:$0x3FB1] =	sst s0;
	s0 =	simm.s32 @!p1 $0x0  }
0x14: {  	s2 =	sld [smem:$0x3F95];
	s0 =	simm.s32 @p1 $0x1  }
0x15: {  	[smem:$0x3FB2] =	sst s0;
	s0 =	simm.s32 @!p2 $0x0  }
0x16: {  	s3 =	sld [smem:$0x3FDB];
	s0 =	simm.s32 @p2 $0x1  }
0x17: {  	s4 =	simm.s32 $0x1BF5;
	[smem:$0x3FB4] =	sst s0  }
0x18: {  	s0 =	sld [smem:$0x3F97];
	_ =	swait.ge [sflag:s4], $0x0  }
0x19: {  	s7 =	sld [smem:$0x3F98]  }
0x1a: {  	s8 =	sadd.s32 $0xFFFFE003, lr  }
0x1b: {  	s9 =	sadd.s32 $0xFFFFFEF7, lr;
	s5 =	simm.s32 $0xFFFFFFFF;
	p2 =	slt.u32 s8, $0xFFFFF086  }
0x1c: {  	p1 =	slt.u32 s9, $0xF7A;
	s5 =	simm.s32 @!p2 $0x0  }
0x1d: {  	s5 =	simm.s32 @p1 $0x1;
	p0 =	seq.s32 s7, s2  }
0x1e: {  	s7 =	smul.u32 @!p0 $0xF7A, s2;
	p2 =	seq.s32 @!p0 s5, $0x0  }
0x1f: {  	s9 =	smul.u32 $0xF7A, s1;
	s8 =	simm.s32 @!p0 $0x1BF5;
	p2 =	por !p2, p0  }
0x20: {  	[sflag:s8] =	ssyncset.s32 @!p0 $0xFFFFF086;
	s6 =	sadd.s32 @!p0 s3, s7;
	s7 =	simm.s32 @!p0 $0x108  }
0x21: {  	s3 =	sadd.s32 s3, s9;
	s6 =	sadd.s32 @!p0 $0x88, s6;
	s7 =	simm.s32 @p2 $0x1082  }
0x22: {  	[simem:s7], [sflag:s8] =	dma.local @!p0 [hbm:s6], $0xF7A  }
0x23: {  	s9 =	sor.u32 $0xD0000000, s2;
	s6 =	simm.s32 $0x108;
	_ =	swait.ge @!p0 [sflag:s8], $0x0  }
0x24: {  	s3 =	sadd.s32 $0x88, s3;
	s6 =	simm.s32 @!p1 $0x1082;
	[sflag:s4] =	ssyncset.s32 $0xFFFFF086  }
0x25: {  	[simem:s6], [sflag:s4] =	dma.local [hbm:s3], $0xF7A  }
0x26: {  	[smem:$0x3F98] =	sst s1;
	(tag) =	ssettag s2;
	_ =	strace s9  }
0x27: {  	s1 =	sld [smem:$0x3FA8]  }
0x28: {  	s2 =	sld [smem:$0x3FA9]  }
0x29: {  	s4 =	sld [smem:$0x3FAB]  }
0x2a: {  	p0 =	seq.s32 s5, $0x0;
	s5 =	sld [smem:$0x3FAC]  }
0x2b: {  	s6 =	sld [smem:$0x3FAD]  }
0x2c: {  	s7 =	sld [smem:$0x3FAE]  }
0x2d: {  	s3 =	simm.s32 $0x108;
	s8 =	sld [smem:$0x3FAF]  }
0x2e: {  	s3 =	simm.s32 @!p0 $0x1082;
	s9 =	sld [smem:$0x3FB0]  }
0x2f: {  	lr =	sadd.s32 s0, s3;
	s0 =	sld [smem:$0x3FA7]  }
0x30: {  	s3 =	sld [smem:$0x3FAA]  }
0x31: {  	[smem:$0x3FB3] =	sst s10  }
0x32: {  	s10 =	sld [smem:$0x3FB1];
	_ =	sdelay $0x3  }
0x33: {  	p0 =	seq.s32 s10, $0x1;
	s10 =	sld [smem:$0x3FB3];
	_ =	sdelay $0x3  }
0x34: {  	[smem:$0x3FB3] =	sst s10  }
0x35: {  	s10 =	sld [smem:$0x3FB2];
	_ =	sdelay $0x3  }
0x36: {  	p1 =	seq.s32 s10, $0x1;
	s10 =	sld [smem:$0x3FB3];
	_ =	sdelay $0x3  }
0x37: {  	[smem:$0x3FB3] =	sst s10  }
0x38: {  	s10 =	sld [smem:$0x3FB4]  }
0x39: {  	_ = 	snop;
	(pc) =	sbr.ind lr, $3  }
0x3a: {  	_ = 	snop  }
0x3b: {  	_ = 	snop  }
0x3c: {  	p2 =	seq.s32 s10, $0x1;
	s10 =	sld [smem:$0x3FB3]  }
0x3d: {  	_ =	shalt  }
0x3e: {  	_ =	shalt  }
0x3f: {  	_ =	shalt  }
0x40: {  	_ =	shalt  }
0x41: {  	_ =	shalt  }
0x42: {  	_ =	shalt  }
0x43: {  	_ =	shalt  }
0x44: {  	_ =	shalt  }
0x45: {  	_ =	shalt  }
0x46: {  	_ =	shalt  }
0x47: {  	_ =	shalt  }
0x48: {  	_ =	shalt  }
0x49: {  	_ =	shalt  }
0x4a: {  	_ =	shalt  }
0x4b: {  	_ =	shalt  }
0x4c: {  	_ =	shalt  }
0x4d: {  	_ =	shalt  }
0x4e: {  	_ =	shalt  }
0x4f: {  	_ =	shalt  }
0x50: {  	_ =	shalt  }
0x51: {  	_ =	shalt  }
0x52: {  	_ =	shalt  }
0x53: {  	_ =	shalt  }
0x54: {  	_ =	shalt  }
0x55: {  	_ =	shalt  }
0x56: {  	_ =	shalt  }
0x57: {  	_ =	shalt  }
0x58: {  	_ =	shalt  }
0x59: {  	_ =	shalt  }
0x5a: {  	_ =	shalt  }
0x5b: {  	_ =	shalt  }
0x5c: {  	_ =	shalt  }
0x5d: {  	_ =	shalt  }
0x5e: {  	_ =	shalt  }
0x5f: {  	_ =	shalt  }
0x60: {  	_ =	shalt  }
0x61: {  	_ =	shalt  }
0x62: {  	_ =	shalt  }
0x63: {  	_ =	shalt  }
0x64: {  	_ =	shalt  }
0x65: {  	_ =	shalt  }
0x66: {  	_ =	shalt  }
0x67: {  	_ =	shalt  }
0x68: {  	_ =	shalt  }
0x69: {  	_ =	shalt  }
0x6a: {  	_ =	shalt  }
0x6b: {  	_ =	shalt  }
0x6c: {  	_ =	shalt  }
0x6d: {  	_ =	shalt  }
0x6e: {  	_ =	shalt  }
0x6f: {  	_ =	shalt  }
0x70: {  	_ =	shalt  }
0x71: {  	_ =	shalt  }
0x72: {  	_ =	shalt  }
0x73: {  	_ =	shalt  }
0x74: {  	_ =	shalt  }
0x75: {  	_ =	shalt  }
0x76: {  	_ =	shalt  }
0x77: {  	_ =	shalt  }
0x78: {  	_ =	shalt  }
0x79: {  	_ =	shalt  }
0x7a: {  	_ =	shalt  }
0x7b: {  	_ =	shalt  }
0x7c: {  	_ =	shalt  }
0x7d: {  	_ =	shalt  }
0x7e: {  	_ =	shalt  }
0x7f: {  	_ =	shalt  }
0x80: {  	_ =	shalt  }
0x81: {  	_ =	shalt  }
0x82: {  	_ =	shalt  }
0x83: {  	_ =	shalt  }
0x84: {  	_ =	shalt  }
0x85: {  	_ =	shalt  }
0x86: {  	_ =	shalt  }
0x87: {  	_ =	shalt  }
.Lfunc_end0:
.L_simem_size_0:
called_computation_lowered:
.L_overlay_start_0:
0x88: {  	s2 =	sld [smem:$0x3FD9]  }
0x89: {  	s3 =	sld [smem:$0x3FFE];
	_ =	sdelay $0x1  }
0x8a: {  	s1 =	srdreg.scid  }
0x8b: {  	s0 =	sand.u32 $0x1, s1  }
0x8c: {  	s17 =	sshll.u32 s0, $0xA;
	s2 =	sadd.s32 s3, s2  }
0x8d: {  	s2 =	sadd.s32 s2, s17  }
0x8e: {  	[smem:$0x3FBF] =	sst s2  }
0x8f: {  	_ = 	snop  }
0x90: {  	s2 =	sld [smem:$0x3FC9]  }
0x91: {  	s18 =	sld [smem:$0x3FC8];
	(tm) =	ssettm $0x1  }
0x92: {  	s4 =	sld [smem:$0x3FFB];
	_ =	sdelay $0x3  }
0x93: {  	_ =	strace s4  }
0x94: {  	s4 =	sld [smem:$0x3FFC];
	_ =	sdelay $0x3  }
0x95: {  	_ =	strace s4  }
0x96: {  	s4 =	sld [smem:$0x3FFD];
	_ =	sdelay $0x3  }
0x97: {  	_ =	strace s4  }
0x98: {  	_ =	strace $0x8FFFFFFF  }
0x99: {  	s19 =	sld [smem:$0x3FDB];
	_ =	sdelay $0x1  }
0x9a: {  	s5 =	simm.s32 $_scs_section_size  }
0x9b: {  	s6 =	simm.s32 $_size__tile_overlayer_lowered;
	s7 =	simm.s32 $_tile_overlayer_lowered  }
0x9c: {  	s22 =	simm.s32 $0x1BFF;
	s21 =	sshll.u32 s7, $0x1;
	s4 =	sadd.s32 s5, s19  }
0x9d: {  	s8 =	simm.s32 $0x0;
	s20 =	sshll.u32 s6, $0x1;
	s6 =	sadd.s32 s21, s4  }
0x9e: {  	[timem:s8], [sflag:s22] =	dma.local [hbm:s6], s20  }
0x9f: {  	_ =	swait.ge [sflag:s22], s20  }
0xa0: {  	s5 =	ssub.s32 $0x0, s20;
	[sflag:s22] =	ssyncset.done $0x0  }
0xa1: {  	[sflag:s22] =	ssyncadd.s32 s5;
	_ =	sdelay $0x1  }
0xa2: {  	s23 =	simm.s32 $0x1B8B  }
0xa3: {  	_ =	swait.ge [sflag:s23], $0x1  }
0xa4: {  	[sflag:s23] =	ssyncset.done $0x0  }
0xa5: {  	s25 =	simm.s32 $0x1B8E;
	s24 =	sld [smem:$0x3FFE];
	[sflag:s23] =	ssyncadd.s32 $0xFFFFFFFF  }
0xa6: {  	s26 =	simm.s32 $execute0_lowered;
	[smem:$0x3FD2] =	sst s25  }
0xa7: {  	s6 =	sshll.u32 s26, $0x1;
	_ =	strace $0x80000046;
	[dreg:$0x1] =	wrdreg $0xFFFFFFFF  }
0xa8: {  	s28 =	simm.s32 $_size_execute0_lowered;
	s4 =	sadd.s32 s4, s6;
	[dreg:$0x0] =	wrdreg $0x0  }
0xa9: {  	s6 =	sshll.u32 s28, $0x1;
	[dreg:$0x2] =	wrdreg s4  }
0xaa: {  	[dreg:$0x3] =	wrdreg s6  }
0xab: {  	[dreg:$0x4] =	wrdreg $0xC0  }
0xac: {  	_ =	task [dreg:s8], $0x5FFFF  }
0xad: {  	[dreg:$0x1] =	wrdreg $0xFFFFFFFF  }
0xae: {  	[dreg:$0x0] =	wrdreg $0x60  }
0xaf: {  	[dreg:$0x2] =	wrdreg s18  }
0xb0: {  	[dreg:$0x3] =	wrdreg s2  }
0xb1: {  	[dreg:$0x4] =	wrdreg s24  }
0xb2: {  	[dreg:$0x5] =	wrdreg $0xBD000  }
0xb3: {  	[dreg:$0x6] =	wrdreg $0x9  }
0xb4: {  	_ =	task.clear_ibuf [dreg:s8], $0x7FFFF;
	_ =	strace $0x90000046  }
0xb5: {  	s29 =	simm.s32 $0x9;
	_ =	strace $0x80000048  }
0xb6: {  	_ =	swait.ge [sflag:s29], $0x1  }
0xb7: {  	[sflag:s29] =	ssyncadd.s32 $0xFFFFFFFF  }
0xb8: {  	_ =	strace $0x90000048  }
0xb9: {  	_ =	sfence  }
0xba: {  	s30 =	sld [smem:$0x0];
	_ =	sdelay $0x2  }
0xbb: {  	s31 =	sshll.u32 s1, $0xD;
	s1 =	sshrl.u32 s1, $0x2  }
0xbc: {  	s3 =	sand.u32 $0x4000, s31;
	s1 =	sadd.s32 s1, s30  }
0xbd: {  	s0 =	sor.u32 s3, s0;
	s1 =	sshll.u32 s1, $0x11  }
0xbe: {  	s0 =	sor.u32 s1, s0  }
0xbf: {  	s0 =	sadd.s32 $0x8F2B, s0  }
0xc0: {  	[sflag:s0] =	ssyncadd.remote.s32 $0x1  }
0xc1: {  	_ =	sfence.sel $0xFFFF  }
0xc2: {  	[dreg:$0x0] =	wrdreg $0xFFFFFFFF;
	(pc) =	sbr.abs _section_cstart, $3  }
0xc3: {  	[dreg:$0x1] =	wrdreg $0xFFFFFFFF  }
0xc4: {  	_ =	task.clear_ibuf [dreg:s8], $0x2FFFF;
	_ =	strace $0x9FFFFFFF  }
0xc5: {  	(tm) =	ssettm $0x7FFFFFFF  }
tec
execute0_lowered:
.L_overlay_start_1:
0x0: {  	(tag) =	ssettag $0x1  }
0x1: {  	s23 =	rddreg [dreg:$0x0]  }
0x2: {  	s24 =	rddreg [dreg:$0x1]  }
0x3: {  	s0 =	rddreg [dreg:$0x2]  }
0x4: {  	s3 =	rddreg [dreg:$0x3];
	s5 =	simm.s32 $0x0;
	s1 =	srdreg.scid  }
0x5: {  	s12 =	stileid.u32;
	s28 =	simm.s32 $0x7;
	s31 =	simm.s32 $0x1  }
0x6: {  	[smem:$0x7FF] =	sst s5;
	s1 =	sand.u32 $0x1, s1;
	s4 =	smul.u32 $0x13880, s12  }
0x7: {  	s6 =	sadd.s32 $0x800, s0;
	s10 =	smul.u32 $0x271000, s12;
	s2 =	ssub.s32 $0x2, s1  }
0x8: {  	_ =	strace $0x80000047;
	s7 =	sshrl.u32 s2, $0x1;
	s8 =	sadd.s32 s4, s3  }
0x9: {  	s25 =	sadd.s32 $0x3E80, s4;
	s9 =	sadd.s32 $0x7D00, s4;
	s29 =	sadd.s32 $0xBB80, s4  }
0xa: {  	s30 =	sadd.s32 $0xFA00, s4;
	[dreg:$0x5] =	wrdreg s8;
	s11 =	sadd.s32 s25, s3  }
0xb: {  	s2 =	ssub.s32 s2, s7;
	s26 =	sadd.s32 s9, s3;
	[dreg:$0x6] =	wrdreg s11  }
0xc: {  	s7 =	smul.u32 $0x4E20, s12;
	s13 =	sadd.s32 s29, s3;
	[dreg:$0x7] =	wrdreg s26  }
0xd: {  	s12 =	smul.u32 $0x5000, s12;
	s15 =	sadd.s32 s30, s3;
	[dreg:$0x8] =	wrdreg s13  }
0xe: {  	s0 =	sadd.s32 $0xA800, s0;
	s11 =	sshll.u32 s1, $0x6;
	[dreg:$0x9] =	wrdreg s15  }
0xf: {  	s10 =	sor.u32 s11, s10;
	s17 =	sshrl.u32 s12, $0x3;
	s4 =	sor.u32 s11, s4  }
0x10: {  	s8 =	sor.u32 s11, s25;
	s22 =	sor.u32 s11, s9;
	s1 =	sor.u32 s11, s29  }
0x11: {  	s25 =	sor.u32 s11, s30;
	s29 =	smax.u32 s2, $0x1;
	s2 =	simm.s32 $0x0  }
0x12: {  	s14 =	sshrl.u32 s10, $0x3;
	s17 =	sadd.s32 s6, s17;
	s10 =	sadd.s32 $0x3E80, s10  }
0x13: {  	s4 =	sshrl.u32 s4, $0x3;
	s21 =	sshrl.u32 s8, $0x3;
	s1 =	sshrl.u32 s1, $0x3  }
0x14: {  	s26 =	sshrl.u32 s25, $0x3;
	[dreg:$0xb] =	wrdreg s29;
	s8 =	simm.s32 $0x3  }
0x15: {  	s15 =	sadd.s32 s23, s14;
	s16 =	sadd.s32 s24, s14;
	s10 =	sshrl.u32 s10, $0x3  }
0x16: {  	s18 =	sadd.s32 s0, s4;
	s19 =	sadd.s32 s0, s21;
	s4 =	sshrl.u32 s22, $0x3  }
0x17: {  	s21 =	sadd.s32 s0, s1;
	s22 =	sadd.s32 s0, s26;
	[dreg:$0xa] =	wrdreg s17  }
0x18: {  	s30 =	sadd.s32 $0x10, s17;
	s26 =	simm.s32 $0x2;
	s20 =	sadd.s32 s0, s4  }
0x19: {  	s23 =	sadd.s32 s23, s10;
	s24 =	sadd.s32 s24, s10;
	[dreg:$0xc] =	wrdreg s30  }
0x1a: {  	v0 =	vimm.f32 $0.0e+00;
	s0 =	simm.s32 $0x7D;
	s4 =	simm.s32 $0x4;
	s10 =	simm.s32 $0x5  }
.LBB2_1:
0x1b: {  	s9 =	simm.s32 $0x0;
	s13 =	simm.s32 $0x200  }
.LBB2_2:
0x1c: {  	p0 =	sne.s32 s13, $0xF800;
	[tilespmem:s9+$0x70] =	vst v0  }
0x1d: {  	[tilespmem:s9+$0x0] =	vst v0  }
0x1e: {  	[tilespmem:s9+$0x10] =	vst v0  }
.Ltmp0:
0x1f: {  	[tilespmem:s9+$0x20] =	vst v0;
	(pc) =	sbr.rel @p0 .LBB2_2-.Ltmp0, $4  }
0x20: {  	[tilespmem:s9+$0x30] =	vst v0  }
0x21: {  	[tilespmem:s9+$0x40] =	vst v0  }
0x22: {  	[tilespmem:s9+$0x50] =	vst v0  }
0x23: {  	[tilespmem:s9+$0x60] =	vst v0;
	s9 =	sshra.s32 s13, $0x2;
	s13 =	sadd.s32 $0x200, s13  }
0x24: {  	[tilespmem:s9+$0x70] =	vst v0  }
0x25: {  	[tilespmem:s9+$0x0] =	vst v0  }
0x26: {  	[tilespmem:s9+$0x10] =	vst v0  }
0x27: {  	[tilespmem:s9+$0x20] =	vst v0  }
0x28: {  	[tilespmem:s9+$0x30] =	vst v0  }
0x29: {  	[tilespmem:s9+$0x40] =	vst v0  }
0x2a: {  	[tilespmem:s9+$0x50] =	vst v0  }
0x2b: {  	[tilespmem:s9+$0x60] =	vst v0;
	s9 =	simm.s32 $0x0;
	s1 =	rddreg [dreg:$0x5]  }
0x2c: {  	[spmem:s1] =	stream.linear.scatter [tilespmem:s9], [sflag:$0x7], $0x3E80, $0x38;
	[tilespmem:$0x1F580] =	vst v63  }
0x2d: {  	_ =	swait.ge [sflag:s28], $0x3E80  }
0x2e: {  	[sflag:s28] =	ssyncset.done $0x0  }
0x2f: {  	s17 =	rddreg [dreg:$0x6];
	[sflag:s28] =	ssyncadd.s32 $0xFFFFC180  }
0x30: {  	[spmem:s17] =	stream.linear.scatter [tilespmem:s9], [sflag:$0x7], $0x3E80, $0x38;
	[tilespmem:$0x1F580] =	vst v63  }
0x31: {  	_ =	swait.ge [sflag:s28], $0x3E80  }
0x32: {  	[sflag:s28] =	ssyncset.done $0x0  }
0x33: {  	s25 =	rddreg [dreg:$0x7];
	[sflag:s28] =	ssyncadd.s32 $0xFFFFC180  }
0x34: {  	[spmem:s25] =	stream.linear.scatter [tilespmem:s9], [sflag:$0x7], $0x3E80, $0x38;
	[tilespmem:$0x1F580] =	vst v63  }
0x35: {  	_ =	swait.ge [sflag:s28], $0x3E80  }
0x36: {  	[sflag:s28] =	ssyncset.done $0x0  }
0x37: {  	s29 =	rddreg [dreg:$0x8];
	[sflag:s28] =	ssyncadd.s32 $0xFFFFC180  }
0x38: {  	[spmem:s29] =	stream.linear.scatter [tilespmem:s9], [sflag:$0x7], $0x3E80, $0x38;
	[tilespmem:$0x1F580] =	vst v63  }
0x39: {  	_ =	swait.ge [sflag:s28], $0x3E80  }
0x3a: {  	[sflag:s28] =	ssyncset.done $0x0  }
0x3b: {  	s30 =	rddreg [dreg:$0x9];
	[sflag:s28] =	ssyncadd.s32 $0xFFFFC180  }
0x3c: {  	[spmem:s30] =	stream.linear.scatter [tilespmem:s9], [sflag:$0x7], $0x3E80, $0x38;
	[tilespmem:$0x1F580] =	vst v63  }
0x3d: {  	_ =	swait.ge [sflag:s28], $0x3E80  }
0x3e: {  	[sflag:s28] =	ssyncset.done $0x0  }
0x3f: {  	s13 =	simm.s32 $0x10;
	[sflag:s28] =	ssyncadd.s32 $0xFFFFC180  }
0x40: {  	s14 =	simm.s32 $0x80;
	s1 =	sadd.s32 $0x0, s15;
	[bflag:$0x0] =	sbarrier.arrive $0xFFFF  }
.LBB2_4:
0x41: {  	[tilespmem:s9], [sflag:$0x1] =	stream.linear.gather [hbm4b:s1+s5], $0x40, $0x38;
	[tilespmem:$0x1F580] =	vst v63  }
0x42: {  	s1 =	smov.u32 s13;
	s9 =	smov.u32 s14;
	p0 =	sne.s32 s13, $0x7C0  }
.Ltmp1:
0x43: {  	s13 =	sadd.s32 $0x10, s13;
	(pc) =	sbr.rel @p0 .LBB2_4-.Ltmp1, $2  }
0x44: {  	_ =	sdelay $0x2  }
0x45: {  	s14 =	sadd.s32 $0x80, s14;
	s1 =	sadd.s32 s1, s15  }
0x46: {  	[tilespmem:s9], [sflag:$0x1] =	stream.linear.gather [hbm4b:s1+s5], $0x40, $0x38;
	[tilespmem:$0x1F580] =	vst v63  }
0x47: {  	[dreg:$0xd] =	wrdreg s2;
	s9 =	simm.s32 $0x40  }
0x48: {  	s13 =	simm.s32 $0x10;
	s1 =	sadd.s32 $0x0, s16;
	s14 =	simm.s32 $0xC0  }
.LBB2_6:
0x49: {  	[tilespmem:s9], [sflag:$0x1] =	stream.linear.gather [hbm4b:s1+s5], $0x40, $0x38;
	[tilespmem:$0x1F580] =	vst v63  }
0x4a: {  	s1 =	smov.u32 s13;
	s9 =	smov.u32 s14;
	p0 =	sne.s32 s13, $0x7C0  }
.Ltmp2:
0x4b: {  	s13 =	sadd.s32 $0x10, s13;
	(pc) =	sbr.rel @p0 .LBB2_6-.Ltmp2, $2  }
0x4c: {  	_ =	sdelay $0x2  }
0x4d: {  	s14 =	sadd.s32 $0x80, s14;
	s1 =	sadd.s32 s1, s16  }
0x4e: {  	[tilespmem:s9], [sflag:$0x1] =	stream.linear.gather [hbm4b:s1+s5], $0x40, $0x38;
	[tilespmem:$0x1F580] =	vst v63  }
0x4f: {  	s29 =	simm.s32 $0x0  }
0x50: {  	s2 =	rddreg [dreg:$0xa];
	s30 =	simm.s32 $0xBB80;
	s9 =	simm.s32 $0x3E80  }
0x51: {  	s13 =	simm.s32 $0x10;
	s1 =	sadd.s32 $0x0, s23;
	s14 =	simm.s32 $0x3F00  }
0x52: {  	[tilespmem:s30], [sflag:$0x1] =	stream.linear.gather [hbm4b:s2+s29], $0x80, $0x38;
	[tilespmem:$0x1F580] =	vst v63  }
.LBB2_8:
0x53: {  	[tilespmem:s9], [sflag:$0x2] =	stream.linear.gather [hbm4b:s1+s5], $0x40, $0x38;
	[tilespmem:$0x1F580] =	vst v63  }
0x54: {  	s1 =	smov.u32 s13;
	s9 =	smov.u32 s14;
	p0 =	sne.s32 s13, $0x7C0  }
.Ltmp3:
0x55: {  	s13 =	sadd.s32 $0x10, s13;
	(pc) =	sbr.rel @p0 .LBB2_8-.Ltmp3, $2  }
0x56: {  	_ =	sdelay $0x2  }
0x57: {  	s14 =	sadd.s32 $0x80, s14;
	s1 =	sadd.s32 s1, s23  }
0x58: {  	[tilespmem:s9], [sflag:$0x2] =	stream.linear.gather [hbm4b:s1+s5], $0x40, $0x38;
	[tilespmem:$0x1F580] =	vst v63  }
0x59: {  	s9 =	simm.s32 $0x3EC0  }
0x5a: {  	s13 =	simm.s32 $0x10;
	s1 =	sadd.s32 $0x0, s24;
	s14 =	simm.s32 $0x3F40  }
.LBB2_10:
0x5b: {  	[tilespmem:s9], [sflag:$0x2] =	stream.linear.gather [hbm4b:s1+s5], $0x40, $0x38;
	[tilespmem:$0x1F580] =	vst v63  }
0x5c: {  	s1 =	smov.u32 s13;
	s9 =	smov.u32 s14;
	p0 =	sne.s32 s13, $0x7C0  }
.Ltmp4:
0x5d: {  	s13 =	sadd.s32 $0x10, s13;
	(pc) =	sbr.rel @p0 .LBB2_10-.Ltmp4, $2  }
0x5e: {  	_ =	sdelay $0x2  }
0x5f: {  	s14 =	sadd.s32 $0x80, s14;
	s1 =	sadd.s32 s1, s24  }
.Ltmp5:
0x60: {  	(pc) =	sbr.rel .LBB2_12-.Ltmp5, $4  }
0x61: {  	_ = 	snop  }
0x62: {  	[tilespmem:s9], [sflag:$0x2] =	stream.linear.gather [hbm4b:s1+s5], $0x40, $0x38;
	[tilespmem:$0x1F580] =	vst v63  }
0x63: {  	s14 =	simm.s32 $0x0;
	s30 =	rddreg [dreg:$0xc];
	s2 =	simm.s32 $0xBC00  }
0x64: {  	[tilespmem:s2], [sflag:$0x2] =	stream.linear.gather [hbm4b:s30+s14], $0x80, $0x38;
	[tilespmem:$0x1F580] =	vst v63  }
.LBB2_33:
0x65: {  	s14 =	sadd.s32 $0x1, s14  }
0x66: {  	p0 =	sne.s32 s14, $0x36  }
.Ltmp6:
0x67: {  	_ = 	snop;
	(pc) =	sbr.rel @!p0 .LBB2_34-.Ltmp6, $1  }
0x68: {  	_ =	sdelay $0x3  }
.LBB2_12:
0x69: {  	_ =	swait.ge [sflag:s31], $0x1F40  }
0x6a: {  	[sflag:s31] =	ssyncset.done $0x0  }
0x6b: {  	[sflag:s31] =	ssyncadd.s32 $0xFFFFE0C0  }
0x6c: {  	_ =	swait.ge [sflag:s31], $0x1F40  }
0x6d: {  	[sflag:s31] =	ssyncset.done $0x0  }
0x6e: {  	[sflag:s31] =	ssyncadd.s32 $0xFFFFE0C0  }
0x6f: {  	_ =	swait.ge [sflag:s31], $0x80  }
0x70: {  	[sflag:s31] =	ssyncset.done $0x0  }
0x71: {  	s13 =	simm.s32 $0x140;
	[sflag:s31] =	ssyncadd.s32 $0xFFFFFF80  }
0x72: {  	v1 =	vld [tilespmem:s13+$0xF0]  }
0x73: {  	v2 =	vld [tilespmem:s13+$0xFFFFFED0]  }
0x74: {  	v3 =	vld [tilespmem:s13+$0xFFFFFEE0]  }
0x75: {  	v4 =	vld [tilespmem:s13+$0xFFFFFEF0]  }
0x76: {  	v5 =	vld [tilespmem:s13+$0xFFFFFF40]  }
0x77: {  	v6 =	vld [tilespmem:s13+$0xFFFFFF50];
	v1 =	vmul.f32 $1.442695020e+00, v1  }
0x78: {  	v7 =	vld [tilespmem:s13+$0xFFFFFF60];
	v2 =	vmul.f32 $1.442695020e+00, v2  }
0x79: {  	v8 =	vld [tilespmem:s13+$0xFFFFFF70];
	(erf) = vpow2.f32 v1  }
0x7a: {  	v9 =	vld [tilespmem:s13+$0xFFFFFFF0];
	v1 =	vmul.f32 $1.442695020e+00, v3;
	(erf) = vpow2.f32 v2  }
0x7b: {  	v11 =	vld [tilespmem:s13+$0xC0];
	v4 =	vmul.f32 $1.442695020e+00, v4  }
0x7c: {  	v5 =	vmul.f32 $1.442695020e+00, v5;
	v3 =	vld [tilespmem:s13+$0xFFFFFFC0];
	(erf) = vpow2.f32 v1  }
0x7d: {  	v6 =	vmul.f32 $1.442695020e+00, v6;
	v2 =	vld [tilespmem:s13+$0xFFFFFFD0];
	(erf) = vpow2.f32 v4  }
0x7e: {  	v7 =	vmul.f32 $1.442695020e+00, v7;
	v1 =	vld [tilespmem:s13+$0xFFFFFFE0];
	(erf) = vpow2.f32 v5  }
0x7f: {  	v4 =	vld [tilespmem:s13+$0x130];
	(erf) = vpow2.f32 v6  }
0x80: {  	v8 =	vmul.f32 $1.442695020e+00, v8;
	(erf) = vpow2.f32 v7;
	v7 =	vld [tilespmem:s13+$0x60]  }
0x81: {  	v11 =	vmul.f32 $1.442695020e+00, v11;
	v5 =	vld [tilespmem:s13+$0x40];
	v3 =	vmul.f32 $1.442695020e+00, v3  }
0x82: {  	v6 =	vld [tilespmem:s13+$0x50];
	v2 =	vmul.f32 $1.442695020e+00, v2;
	v10 =	vpop (erf);
	(erf) = vpow2.f32 v8  }
0x83: {  	v1 =	vmul.f32 $1.442695020e+00, v1;
	v8 =	vld [tilespmem:s13+$0x70];
	v12 =	vpop (erf);
	(erf) = vpow2.f32 v3  }
0x84: {  	v16 =	vld [tilespmem:s13+$0xFFFFFF30];
	v3 =	vmul.f32 $1.442695020e+00, v9;
	(erf) = vpow2.f32 v2  }
0x85: {  	[tilespmem:s13+$0xF0] =	vst v10;
	v9 =	vld [tilespmem:s13+$0xD0];
	v2 =	vmul.f32 v4, v10;
	v7 =	vmul.f32 $1.442695020e+00, v7  }
0x86: {  	[tilespmem:s13+$0xFFFFFED0] =	vst v12;
	v4 =	vpop (erf);
	(erf) = vpow2.f32 v1;
	v1 =	vmul.f32 $1.442695020e+00, v5;
	v5 =	vld [tilespmem:s13+$0xE0]  }
0x87: {  	v10 =	vld [tilespmem:s13+$0xFFFFFEC0];
	[tilespmem:s13+$0xFFFFFEE0] =	vst v4;
	(erf) = vpow2.f32 v3;
	v3 =	vmul.f32 $1.442695020e+00, v6  }
0x88: {  	v6 =	vpop (erf);
	[tilespmem:s13+$0x130] =	vst v2;
	(erf) = vpow2.f32 v1;
	v1 =	vmul.f32 $1.442695020e+00, v8  }
0x89: {  	v14 =	vpop (erf);
	[tilespmem:s13+$0xFFFFFEF0] =	vst v6;
	v6 =	vmul.f32 v16, v6;
	(erf) = vpow2.f32 v3;
	v3 =	vld [tilespmem:s13+$0xFFFFFF10]  }
0x8a: {  	v8 =	vpop (erf);
	[tilespmem:s13+$0xFFFFFF40] =	vst v14;
	v9 =	vmul.f32 $1.442695020e+00, v9;
	(erf) = vpow2.f32 v7;
	v7 =	vld [tilespmem:s13+$0xFFFFFF20]  }
0x8b: {  	v15 =	vpop (erf);
	[tilespmem:s13+$0xFFFFFF50] =	vst v8;
	(erf) = vpow2.f32 v1;
	v1 =	vmul.f32 $1.442695020e+00, v5;
	v5 =	vld [tilespmem:s13+$0xFFFFFF80]  }
0x8c: {  	v2 =	vmul.f32 $1.442695020e+00, v10;
	v10 =	vld [tilespmem:s13+$0xFFFFFF90];
	[tilespmem:s13+$0xFFFFFF30] =	vst v6;
	v17 =	vpop (erf);
	(erf) = vpow2.f32 v11  }
0x8d: {  	[tilespmem:s13+$0xFFFFFF60] =	vst v15;
	v11 =	vpop (erf);
	(erf) = vpow2.f32 v9  }
0x8e: {  	[tilespmem:s13+$0xFFFFFF70] =	vst v17;
	v9 =	vpop (erf);
	(erf) = vpow2.f32 v1;
	v3 =	vmul.f32 v3, v12;
	v12 =	vld [tilespmem:s13+$0xFFFFFFA0]  }
0x8f: {  	v13 =	vld [tilespmem:s13+$0xFFFFFF00];
	[tilespmem:s13+$0xFFFFFFC0] =	vst v11;
	v18 =	vpop (erf);
	(erf) = vpow2.f32 v2;
	v4 =	vmul.f32 v7, v4  }
0x90: {  	[tilespmem:s13+$0xFFFFFFD0] =	vst v9;
	v7 =	vld [tilespmem:s13+$0xFFFFFFB0];
	v1 =	vpop (erf);
	v5 =	vmul.f32 v5, v14  }
0x91: {  	v16 =	vld [tilespmem:s13+$0x0];
	v6 =	vmul.f32 v10, v8;
	[tilespmem:s13+$0xFFFFFFE0] =	vst v18;
	v2 =	vpop (erf)  }
0x92: {  	[tilespmem:s13+$0xFFFFFF10] =	vst v3;
	v14 =	vld [tilespmem:s13+$0x10];
	v3 =	vpop (erf)  }
0x93: {  	v19 =	vld [tilespmem:s13+$0x20];
	[tilespmem:s13+$0xFFFFFF20] =	vst v4;
	v4 =	vpop (erf);
	v8 =	vmul.f32 v12, v15  }
0x94: {  	v20 =	vld [tilespmem:s13+$0x90];
	[tilespmem:s13+$0xFFFFFF80] =	vst v5;
	v5 =	vpop (erf)  }
0x95: {  	[tilespmem:s13+$0xFFFFFF90] =	vst v6;
	v15 =	vld [tilespmem:s13+$0x30];
	v10 =	vmul.f32 v7, v17;
	v6 =	vpop (erf)  }
0x96: {  	v11 =	vmul.f32 v16, v11;
	v17 =	vld [tilespmem:s13+$0x80];
	[tilespmem:s13+$0xFFFFFFA0] =	vst v8;
	v7 =	vpop (erf)  }
0x97: {  	v12 =	vmul.f32 v14, v9;
	[tilespmem:s13+$0xFFFFFFB0] =	vst v10;
	v10 =	vld [tilespmem:s13+$0xA0];
	v8 =	vpop (erf)  }
0x98: {  	[tilespmem:s13+$0x0] =	vst v11;
	v11 =	vld [tilespmem:s13+$0xB0];
	v14 =	vmul.f32 v19, v18;
	v9 =	vpop (erf)  }
0x99: {  	[tilespmem:s13+$0x10] =	vst v12;
	v12 =	vld [tilespmem:s13+$0x100];
	v18 =	vmul.f32 v13, v9  }
0x9a: {  	[tilespmem:s13+$0x20] =	vst v14;
	v15 =	vmul.f32 v15, v1;
	v13 =	vld [tilespmem:s13+$0x110]  }
0x9b: {  	s17 =	simm.s32 $0x0;
	s9 =	simm.s32 $0x3C0;
	v14 =	vld [tilespmem:s13+$0x120];
	v16 =	vmul.f32 v17, v2;
	v17 =	vmul.f32 v20, v3;
	[tilespmem:s13+$0xFFFFFF00] =	vst v18  }
.LBB2_13:
0x9c: {  	v18 =	vld [tilespmem:s9+$0xF0];
	s17 =	sadd.s32 $0x5, s17;
	[tilespmem:s13+$0x30] =	vst v15;
	v10 =	vmul.f32 v10, v4  }
0x9d: {  	v15 =	vld [tilespmem:s9+$0xFFFFFED0];
	p0 =	slt.u32 s17, $0x78;
	[tilespmem:s13+$0x80] =	vst v16;
	v11 =	vmul.f32 v11, v5  }
0x9e: {  	v16 =	vld [tilespmem:s9+$0xFFFFFEE0];
	[tilespmem:s13+$0x90] =	vst v17;
	v12 =	vmul.f32 v12, v6  }
0x9f: {  	v17 =	vld [tilespmem:s9+$0xFFFFFEF0];
	[tilespmem:s13+$0xA0] =	vst v10;
	v10 =	vmul.f32 v13, v7  }
0xa0: {  	v13 =	vld [tilespmem:s9+$0xFFFFFF40];
	[tilespmem:s13+$0xB0] =	vst v11;
	v11 =	vmul.f32 v14, v8  }
0xa1: {  	v14 =	vld [tilespmem:s9+$0xFFFFFF50];
	v18 =	vmul.f32 $1.442695020e+00, v18;
	[tilespmem:s13+$0x100] =	vst v12  }
0xa2: {  	v12 =	vmul.f32 $1.442695020e+00, v15;
	v15 =	vld [tilespmem:s9+$0xFFFFFF60];
	[tilespmem:s13+$0x110] =	vst v10  }
0xa3: {  	v10 =	vmul.f32 $1.442695020e+00, v16;
	v16 =	vld [tilespmem:s9+$0xFFFFFF70];
	(erf) = vpow2.f32 v18;
	[tilespmem:s13+$0x120] =	vst v11  }
0xa4: {  	v11 =	vmul.f32 $1.442695020e+00, v17;
	v17 =	vld [tilespmem:s9+$0xFFFFFFC0];
	(erf) = vpow2.f32 v12;
	[tilespmem:s13+$0xFFFFFEC0] =	vst v9  }
0xa5: {  	v9 =	vmul.f32 $1.442695020e+00, v13;
	v12 =	vld [tilespmem:s9+$0xFFFFFFD0];
	(erf) = vpow2.f32 v10;
	[tilespmem:s13+$0xFFFFFFF0] =	vst v1  }
0xa6: {  	v1 =	vmul.f32 $1.442695020e+00, v14;
	v10 =	vld [tilespmem:s9+$0xFFFFFFE0];
	(erf) = vpow2.f32 v11;
	[tilespmem:s13+$0x40] =	vst v2  }
0xa7: {  	v2 =	vmul.f32 $1.442695020e+00, v15;
	v11 =	vld [tilespmem:s9+$0xFFFFFFF0];
	(erf) = vpow2.f32 v9;
	[tilespmem:s13+$0x50] =	vst v3  }
0xa8: {  	v3 =	vmul.f32 $1.442695020e+00, v16;
	v9 =	vld [tilespmem:s9+$0x130];
	(erf) = vpow2.f32 v1;
	[tilespmem:s13+$0x60] =	vst v4  }
0xa9: {  	v1 =	vmul.f32 $1.442695020e+00, v17;
	v4 =	vld [tilespmem:s9+$0x40];
	(erf) = vpow2.f32 v2;
	[tilespmem:s13+$0x70] =	vst v5  }
0xaa: {  	v12 =	vmul.f32 $1.442695020e+00, v12;
	v5 =	vld [tilespmem:s9+$0x50];
	(erf) = vpow2.f32 v3;
	[tilespmem:s13+$0xC0] =	vst v6  }
0xab: {  	v3 =	vmul.f32 $1.442695020e+00, v10;
	v6 =	vld [tilespmem:s9+$0x60];
	(erf) = vpow2.f32 v1;
	[tilespmem:s13+$0xD0] =	vst v7  }
0xac: {  	v1 =	vmul.f32 $1.442695020e+00, v11;
	v7 =	vld [tilespmem:s9+$0x70];
	(erf) = vpow2.f32 v12;
	v2 =	vpop (erf);
	[tilespmem:s13+$0xE0] =	vst v8;
	s13 =	smov.u32 s9  }
0xad: {  	v8 =	vld [tilespmem:s9+$0xC0];
	[tilespmem:s9+$0xF0] =	vst v2;
	v11 =	vmul.f32 v9, v2;
	v9 =	vpop (erf);
	(erf) = vpow2.f32 v3  }
0xae: {  	[tilespmem:s9+$0xFFFFFED0] =	vst v9;
	v3 =	vmul.f32 $1.442695020e+00, v4;
	v4 =	vld [tilespmem:s9+$0xD0];
	v10 =	vpop (erf);
	(erf) = vpow2.f32 v1  }
0xaf: {  	v1 =	vmul.f32 $1.442695020e+00, v5;
	v5 =	vld [tilespmem:s9+$0xE0];
	[tilespmem:s9+$0x130] =	vst v11;
	v2 =	vpop (erf)  }
0xb0: {  	v11 =	vld [tilespmem:s9+$0xFFFFFEC0];
	[tilespmem:s9+$0xFFFFFEE0] =	vst v10;
	v6 =	vmul.f32 $1.442695020e+00, v6;
	v12 =	vpop (erf);
	(erf) = vpow2.f32 v3  }
0xb1: {  	v13 =	vld [tilespmem:s9+$0xFFFFFF00];
	[tilespmem:s9+$0xFFFFFEF0] =	vst v2;
	v3 =	vmul.f32 $1.442695020e+00, v7;
	v7 =	vpop (erf);
	(erf) = vpow2.f32 v1  }
0xb2: {  	v1 =	vld [tilespmem:s9+$0xFFFFFF10];
	[tilespmem:s9+$0xFFFFFF40] =	vst v12;
	v8 =	vmul.f32 $1.442695020e+00, v8;
	v14 =	vpop (erf);
	(erf) = vpow2.f32 v6  }
0xb3: {  	v6 =	vld [tilespmem:s9+$0xFFFFFF20];
	[tilespmem:s9+$0xFFFFFF50] =	vst v7;
	v4 =	vmul.f32 $1.442695020e+00, v4;
	v15 =	vpop (erf);
	(erf) = vpow2.f32 v3  }
0xb4: {  	v3 =	vld [tilespmem:s9+$0xFFFFFF30];
	[tilespmem:s9+$0xFFFFFF60] =	vst v14;
	v5 =	vmul.f32 $1.442695020e+00, v5;
	v16 =	vpop (erf);
	(erf) = vpow2.f32 v8  }
0xb5: {  	v8 =	vmul.f32 $1.442695020e+00, v11;
	v11 =	vld [tilespmem:s9+$0xFFFFFF80];
	[tilespmem:s9+$0xFFFFFF70] =	vst v15;
	v17 =	vpop (erf);
	(erf) = vpow2.f32 v4  }
0xb6: {  	v4 =	vld [tilespmem:s9+$0xFFFFFF90];
	[tilespmem:s9+$0xFFFFFFC0] =	vst v16;
	v18 =	vpop (erf);
	(erf) = vpow2.f32 v5  }
0xb7: {  	v5 =	vmul.f32 v1, v9;
	v9 =	vld [tilespmem:s9+$0xFFFFFFA0];
	[tilespmem:s9+$0xFFFFFFD0] =	vst v17;
	(erf) = vpow2.f32 v8;
	v1 =	vpop (erf)  }
0xb8: {  	v6 =	vmul.f32 v6, v10;
	v8 =	vld [tilespmem:s9+$0xFFFFFFB0];
	[tilespmem:s9+$0xFFFFFFE0] =	vst v18  }
0xb9: {  	[tilespmem:s9+$0xFFFFFF10] =	vst v5;
	v19 =	vmul.f32 v3, v2;
	v10 =	vld [tilespmem:s9+$0x0];
	v2 =	vpop (erf)  }
0xba: {  	[tilespmem:s9+$0xFFFFFF20] =	vst v6;
	v20 =	vmul.f32 v11, v12;
	v11 =	vld [tilespmem:s9+$0x10];
	v3 =	vpop (erf)  }
0xbb: {  	[tilespmem:s9+$0xFFFFFF30] =	vst v19;
	v21 =	vmul.f32 v4, v7;
	v12 =	vld [tilespmem:s9+$0x20];
	v4 =	vpop (erf)  }
0xbc: {  	[tilespmem:s9+$0xFFFFFF80] =	vst v20;
	v9 =	vmul.f32 v9, v14;
	v14 =	vld [tilespmem:s9+$0x30];
	v5 =	vpop (erf)  }
0xbd: {  	[tilespmem:s9+$0xFFFFFF90] =	vst v21;
	v21 =	vmul.f32 v8, v15;
	v19 =	vld [tilespmem:s9+$0x80];
	v6 =	vpop (erf)  }
0xbe: {  	[tilespmem:s9+$0xFFFFFFA0] =	vst v9;
	v22 =	vmul.f32 v10, v16;
	v20 =	vld [tilespmem:s9+$0x90];
	v7 =	vpop (erf)  }
.Ltmp7:
0xbf: {  	[tilespmem:s9+$0xFFFFFFB0] =	vst v21;
	v15 =	vmul.f32 v11, v17;
	v10 =	vld [tilespmem:s9+$0xA0];
	v8 =	vpop (erf);
	(pc) =	sbr.rel @p0 .LBB2_13-.Ltmp7, $4  }
0xc0: {  	[tilespmem:s9+$0x0] =	vst v22;
	v16 =	vmul.f32 v12, v18;
	v11 =	vld [tilespmem:s9+$0xB0];
	v9 =	vpop (erf)  }
0xc1: {  	v17 =	vmul.f32 v13, v9;
	[tilespmem:s9+$0x10] =	vst v15;
	v15 =	vmul.f32 v14, v1;
	v12 =	vld [tilespmem:s9+$0x100]  }
0xc2: {  	[tilespmem:s9+$0x20] =	vst v16;
	v16 =	vmul.f32 v19, v2;
	v13 =	vld [tilespmem:s9+$0x110]  }
0xc3: {  	s9 =	sadd.s32 $0x280, s9;
	[tilespmem:s13+$0xFFFFFF00] =	vst v17;
	v17 =	vmul.f32 v20, v3;
	v14 =	vld [tilespmem:s13+$0x120]  }
0xc4: {  	[tilespmem:s13+$0x30] =	vst v15  }
0xc5: {  	[tilespmem:s13+$0x80] =	vst v16  }
0xc6: {  	[tilespmem:s13+$0xFFFFFEC0] =	vst v9  }
0xc7: {  	[tilespmem:s13+$0xFFFFFFF0] =	vst v1  }
0xc8: {  	[tilespmem:s13+$0x40] =	vst v2  }
0xc9: {  	[tilespmem:s13+$0x50] =	vst v3  }
0xca: {  	[tilespmem:s13+$0x60] =	vst v4  }
0xcb: {  	[tilespmem:s13+$0x70] =	vst v5  }
0xcc: {  	[tilespmem:s13+$0xC0] =	vst v6  }
0xcd: {  	[tilespmem:s13+$0xD0] =	vst v7  }
0xce: {  	v10 =	vmul.f32 v10, v4;
	[tilespmem:s13+$0xE0] =	vst v8  }
0xcf: {  	v11 =	vmul.f32 v11, v5;
	[tilespmem:s13+$0x90] =	vst v17  }
0xd0: {  	v12 =	vmul.f32 v12, v6;
	[tilespmem:s13+$0xA0] =	vst v10  }
0xd1: {  	v62 =	vmul.f32 v13, v7;
	[tilespmem:s13+$0xB0] =	vst v11  }
0xd2: {  	v63 =	vmul.f32 v14, v8;
	[tilespmem:s13+$0x100] =	vst v12  }
0xd3: {  	[tilespmem:s13+$0x110] =	vst v62  }
0xd4: {  	s1 =	simm.s32 $0xBB80;
	[tilespmem:s13+$0x120] =	vst v63;
	s13 =	smul.u32 $0x3, s14  }
0xd5: {  	[spmem:s3] =	stream.indirect.scatter.add.f32 [tilespmem:s5], [sflag:$0x4], $0x80, s1, s0, $0xb8;
	[tilespmem:$0x1F580] =	vst v63  }
0xd6: {  	p1 =	seq.s32 s14, $0x35;
	s30 =	sadd.s32 $0xFFFFFFFF, s13  }
.Ltmp8:
0xd7: {  	p0 =	sgt.u32 s30, $0x9F;
	(pc) =	sbr.rel @p1 .LBB2_56-.Ltmp8, $4  }
0xd8: {  	s1 =	simm.s32 @!p0 $0x6  }
0xd9: {  	_ =	swait.ge @!p0 [sflag:s1], $0x3E80  }
0xda: {  	[sflag:s1] =	ssyncset.done @!p0 $0x0  }
0xdb: {  	[sflag:s1] =	ssyncadd.s32 @!p0 $0xFFFFC180  }
0xdc: {  	s9 =	sadd.s32 $0x2, s13  }
0xdd: {  	s1 =	smul.u32 $0x7D, s9;
	_ =	sdelay $0x1  }
0xde: {  	s1 =	sadd.s32 s7, s1  }
0xdf: {  	s1 =	sshll.u32 s1, $0x7  }
0xe0: {  	s1 =	sor.u32 s11, s1  }
0xe1: {  	s25 =	rddreg [dreg:$0x0];
	s17 =	sshrl.u32 s1, $0x3  }
0xe2: {  	s29 =	simm.s32 $0x10;
	s30 =	sadd.s32 s25, s17  }
0xe3: {  	s1 =	simm.s32 $0x7D80;
	s25 =	simm.s32 $0x7D00;
	s2 =	sadd.s32 $0x0, s30  }
.LBB2_16:
0xe4: {  	[tilespmem:s25], [sflag:$0x3] =	stream.linear.gather [hbm4b:s2+s5], $0x40, $0x38;
	[tilespmem:$0x1F580] =	vst v63  }
0xe5: {  	s2 =	smov.u32 s29;
	s25 =	smov.u32 s1;
	p0 =	sne.s32 s29, $0x7C0  }
.Ltmp9:
0xe6: {  	s29 =	sadd.s32 $0x10, s29;
	(pc) =	sbr.rel @p0 .LBB2_16-.Ltmp9, $2  }
0xe7: {  	_ =	sdelay $0x2  }
0xe8: {  	s1 =	sadd.s32 $0x80, s1;
	s2 =	sadd.s32 s2, s30  }
0xe9: {  	[tilespmem:s25], [sflag:$0x3] =	stream.linear.gather [hbm4b:s2+s5], $0x40, $0x38;
	[tilespmem:$0x1F580] =	vst v63  }
0xea: {  	s1 =	rddreg [dreg:$0x1]  }
0xeb: {  	s25 =	simm.s32 $0x7D40;
	s17 =	sadd.s32 s1, s17  }
0xec: {  	s29 =	simm.s32 $0x10;
	s1 =	simm.s32 $0x7DC0;
	s2 =	sadd.s32 $0x0, s17  }
.LBB2_18:
0xed: {  	[tilespmem:s25], [sflag:$0x3] =	stream.linear.gather [hbm4b:s2+s5], $0x40, $0x38;
	[tilespmem:$0x1F580] =	vst v63  }
0xee: {  	s2 =	smov.u32 s29;
	s25 =	smov.u32 s1;
	p0 =	sne.s32 s29, $0x7C0  }
.Ltmp10:
0xef: {  	s29 =	sadd.s32 $0x10, s29;
	(pc) =	sbr.rel @p0 .LBB2_18-.Ltmp10, $2  }
0xf0: {  	_ =	sdelay $0x2  }
0xf1: {  	s1 =	sadd.s32 $0x80, s1;
	s2 =	sadd.s32 s2, s17  }
0xf2: {  	[tilespmem:s25], [sflag:$0x3] =	stream.linear.gather [hbm4b:s2+s5], $0x40, $0x38;
	[tilespmem:$0x1F580] =	vst v63  }
0xf3: {  	s1 =	sshll.u32 s9, $0x7  }
0xf4: {  	s1 =	sadd.s32 s12, s1  }
0xf5: {  	s1 =	sshrl.u32 s1, $0x3  }
0xf6: {  	s29 =	simm.s32 $0xBC80;
	s1 =	sadd.s32 s6, s1  }
0xf7: {  	[tilespmem:s29], [sflag:$0x3] =	stream.linear.gather [hbm4b:s1+s5], $0x80, $0x38;
	[tilespmem:$0x1F580] =	vst v63  }
0xf8: {  	_ =	swait.ge [sflag:s26], $0x1F40  }
0xf9: {  	[sflag:s26] =	ssyncset.done $0x0  }
0xfa: {  	[sflag:s26] =	ssyncadd.s32 $0xFFFFE0C0  }
0xfb: {  	_ =	swait.ge [sflag:s26], $0x1F40  }
0xfc: {  	[sflag:s26] =	ssyncset.done $0x0  }
0xfd: {  	[sflag:s26] =	ssyncadd.s32 $0xFFFFE0C0  }
0xfe: {  	_ =	swait.ge [sflag:s26], $0x80  }
0xff: {  	[sflag:s26] =	ssyncset.done $0x0  }
0x100: {  	s17 =	simm.s32 $0x3FC0;
	[sflag:s26] =	ssyncadd.s32 $0xFFFFFF80  }
0x101: {  	v1 =	vld [tilespmem:s17+$0xF0]  }
0x102: {  	v2 =	vld [tilespmem:s17+$0xFFFFFED0]  }
0x103: {  	v3 =	vld [tilespmem:s17+$0xFFFFFEE0]  }
0x104: {  	v4 =	vld [tilespmem:s17+$0xFFFFFEF0]  }
0x105: {  	v5 =	vld [tilespmem:s17+$0xFFFFFF40]  }
0x106: {  	v6 =	vld [tilespmem:s17+$0xFFFFFF50];
	v1 =	vmul.f32 $1.442695020e+00, v1  }
0x107: {  	v7 =	vld [tilespmem:s17+$0xFFFFFF60];
	v2 =	vmul.f32 $1.442695020e+00, v2  }
0x108: {  	v8 =	vld [tilespmem:s17+$0xFFFFFF70];
	(erf) = vpow2.f32 v1  }
0x109: {  	v9 =	vld [tilespmem:s17+$0xFFFFFFF0];
	v1 =	vmul.f32 $1.442695020e+00, v3;
	(erf) = vpow2.f32 v2  }
0x10a: {  	v11 =	vld [tilespmem:s17+$0xC0];
	v4 =	vmul.f32 $1.442695020e+00, v4  }
0x10b: {  	v5 =	vmul.f32 $1.442695020e+00, v5;
	v3 =	vld [tilespmem:s17+$0xFFFFFFC0];
	(erf) = vpow2.f32 v1  }
0x10c: {  	v6 =	vmul.f32 $1.442695020e+00, v6;
	v2 =	vld [tilespmem:s17+$0xFFFFFFD0];
	(erf) = vpow2.f32 v4  }
0x10d: {  	v7 =	vmul.f32 $1.442695020e+00, v7;
	v1 =	vld [tilespmem:s17+$0xFFFFFFE0];
	(erf) = vpow2.f32 v5  }
0x10e: {  	v4 =	vld [tilespmem:s17+$0x130];
	(erf) = vpow2.f32 v6  }
0x10f: {  	v8 =	vmul.f32 $1.442695020e+00, v8;
	(erf) = vpow2.f32 v7;
	v7 =	vld [tilespmem:s17+$0x60]  }
0x110: {  	v11 =	vmul.f32 $1.442695020e+00, v11;
	v5 =	vld [tilespmem:s17+$0x40];
	v3 =	vmul.f32 $1.442695020e+00, v3  }
0x111: {  	v6 =	vld [tilespmem:s17+$0x50];
	v2 =	vmul.f32 $1.442695020e+00, v2;
	v10 =	vpop (erf);
	(erf) = vpow2.f32 v8  }
0x112: {  	v1 =	vmul.f32 $1.442695020e+00, v1;
	v8 =	vld [tilespmem:s17+$0x70];
	v12 =	vpop (erf);
	(erf) = vpow2.f32 v3  }
0x113: {  	v16 =	vld [tilespmem:s17+$0xFFFFFF30];
	v3 =	vmul.f32 $1.442695020e+00, v9;
	(erf) = vpow2.f32 v2  }
0x114: {  	[tilespmem:s17+$0xF0] =	vst v10;
	v9 =	vld [tilespmem:s17+$0xD0];
	v2 =	vmul.f32 v4, v10;
	v7 =	vmul.f32 $1.442695020e+00, v7  }
0x115: {  	[tilespmem:s17+$0xFFFFFED0] =	vst v12;
	v4 =	vpop (erf);
	(erf) = vpow2.f32 v1;
	v1 =	vmul.f32 $1.442695020e+00, v5;
	v5 =	vld [tilespmem:s17+$0xE0]  }
0x116: {  	v10 =	vld [tilespmem:s17+$0xFFFFFEC0];
	[tilespmem:s17+$0xFFFFFEE0] =	vst v4;
	(erf) = vpow2.f32 v3;
	v3 =	vmul.f32 $1.442695020e+00, v6  }
0x117: {  	v6 =	vpop (erf);
	[tilespmem:s17+$0x130] =	vst v2;
	(erf) = vpow2.f32 v1;
	v1 =	vmul.f32 $1.442695020e+00, v8  }
0x118: {  	v14 =	vpop (erf);
	[tilespmem:s17+$0xFFFFFEF0] =	vst v6;
	v6 =	vmul.f32 v16, v6;
	(erf) = vpow2.f32 v3;
	v3 =	vld [tilespmem:s17+$0xFFFFFF10]  }
0x119: {  	v8 =	vpop (erf);
	[tilespmem:s17+$0xFFFFFF40] =	vst v14;
	v9 =	vmul.f32 $1.442695020e+00, v9;
	(erf) = vpow2.f32 v7;
	v7 =	vld [tilespmem:s17+$0xFFFFFF20]  }
0x11a: {  	v15 =	vpop (erf);
	[tilespmem:s17+$0xFFFFFF50] =	vst v8;
	(erf) = vpow2.f32 v1;
	v1 =	vmul.f32 $1.442695020e+00, v5;
	v5 =	vld [tilespmem:s17+$0xFFFFFF80]  }
0x11b: {  	v2 =	vmul.f32 $1.442695020e+00, v10;
	v10 =	vld [tilespmem:s17+$0xFFFFFF90];
	[tilespmem:s17+$0xFFFFFF30] =	vst v6;
	v17 =	vpop (erf);
	(erf) = vpow2.f32 v11  }
0x11c: {  	[tilespmem:s17+$0xFFFFFF60] =	vst v15;
	v11 =	vpop (erf);
	(erf) = vpow2.f32 v9  }
0x11d: {  	[tilespmem:s17+$0xFFFFFF70] =	vst v17;
	v9 =	vpop (erf);
	(erf) = vpow2.f32 v1;
	v3 =	vmul.f32 v3, v12;
	v12 =	vld [tilespmem:s17+$0xFFFFFFA0]  }
0x11e: {  	v13 =	vld [tilespmem:s17+$0xFFFFFF00];
	[tilespmem:s17+$0xFFFFFFC0] =	vst v11;
	v18 =	vpop (erf);
	(erf) = vpow2.f32 v2;
	v4 =	vmul.f32 v7, v4  }
0x11f: {  	[tilespmem:s17+$0xFFFFFFD0] =	vst v9;
	v7 =	vld [tilespmem:s17+$0xFFFFFFB0];
	v1 =	vpop (erf);
	v5 =	vmul.f32 v5, v14  }
0x120: {  	v16 =	vld [tilespmem:s17+$0x0];
	v6 =	vmul.f32 v10, v8;
	[tilespmem:s17+$0xFFFFFFE0] =	vst v18;
	v2 =	vpop (erf)  }
0x121: {  	[tilespmem:s17+$0xFFFFFF10] =	vst v3;
	v14 =	vld [tilespmem:s17+$0x10];
	v3 =	vpop (erf)  }
0x122: {  	v19 =	vld [tilespmem:s17+$0x20];
	[tilespmem:s17+$0xFFFFFF20] =	vst v4;
	v4 =	vpop (erf);
	v8 =	vmul.f32 v12, v15  }
0x123: {  	v20 =	vld [tilespmem:s17+$0x90];
	[tilespmem:s17+$0xFFFFFF80] =	vst v5;
	v5 =	vpop (erf)  }
0x124: {  	[tilespmem:s17+$0xFFFFFF90] =	vst v6;
	v15 =	vld [tilespmem:s17+$0x30];
	v10 =	vmul.f32 v7, v17;
	v6 =	vpop (erf)  }
0x125: {  	v11 =	vmul.f32 v16, v11;
	v17 =	vld [tilespmem:s17+$0x80];
	[tilespmem:s17+$0xFFFFFFA0] =	vst v8;
	v7 =	vpop (erf)  }
0x126: {  	v12 =	vmul.f32 v14, v9;
	[tilespmem:s17+$0xFFFFFFB0] =	vst v10;
	v10 =	vld [tilespmem:s17+$0xA0];
	v8 =	vpop (erf)  }
0x127: {  	[tilespmem:s17+$0x0] =	vst v11;
	v11 =	vld [tilespmem:s17+$0xB0];
	v14 =	vmul.f32 v19, v18;
	v9 =	vpop (erf)  }
0x128: {  	[tilespmem:s17+$0x10] =	vst v12;
	v12 =	vld [tilespmem:s17+$0x100];
	v18 =	vmul.f32 v13, v9  }
0x129: {  	[tilespmem:s17+$0x20] =	vst v14;
	v15 =	vmul.f32 v15, v1;
	v13 =	vld [tilespmem:s17+$0x110]  }
0x12a: {  	s9 =	simm.s32 $0x0;
	s30 =	simm.s32 $0x4240;
	v14 =	vld [tilespmem:s17+$0x120];
	v16 =	vmul.f32 v17, v2;
	v17 =	vmul.f32 v20, v3;
	[tilespmem:s17+$0xFFFFFF00] =	vst v18  }
.LBB2_20:
0x12b: {  	v18 =	vld [tilespmem:s30+$0xF0];
	s9 =	sadd.s32 $0x5, s9;
	[tilespmem:s17+$0x30] =	vst v15;
	v10 =	vmul.f32 v10, v4  }
0x12c: {  	v15 =	vld [tilespmem:s30+$0xFFFFFED0];
	p0 =	slt.u32 s9, $0x78;
	[tilespmem:s17+$0x80] =	vst v16;
	v11 =	vmul.f32 v11, v5  }
0x12d: {  	v16 =	vld [tilespmem:s30+$0xFFFFFEE0];
	[tilespmem:s17+$0x90] =	vst v17;
	v12 =	vmul.f32 v12, v6  }
0x12e: {  	v17 =	vld [tilespmem:s30+$0xFFFFFEF0];
	[tilespmem:s17+$0xA0] =	vst v10;
	v10 =	vmul.f32 v13, v7  }
0x12f: {  	v13 =	vld [tilespmem:s30+$0xFFFFFF40];
	[tilespmem:s17+$0xB0] =	vst v11;
	v11 =	vmul.f32 v14, v8  }
0x130: {  	v14 =	vld [tilespmem:s30+$0xFFFFFF50];
	v18 =	vmul.f32 $1.442695020e+00, v18;
	[tilespmem:s17+$0x100] =	vst v12  }
0x131: {  	v12 =	vmul.f32 $1.442695020e+00, v15;
	v15 =	vld [tilespmem:s30+$0xFFFFFF60];
	[tilespmem:s17+$0x110] =	vst v10  }
0x132: {  	v10 =	vmul.f32 $1.442695020e+00, v16;
	v16 =	vld [tilespmem:s30+$0xFFFFFF70];
	(erf) = vpow2.f32 v18;
	[tilespmem:s17+$0x120] =	vst v11  }
0x133: {  	v11 =	vmul.f32 $1.442695020e+00, v17;
	v17 =	vld [tilespmem:s30+$0xFFFFFFC0];
	(erf) = vpow2.f32 v12;
	[tilespmem:s17+$0xFFFFFEC0] =	vst v9  }
0x134: {  	v9 =	vmul.f32 $1.442695020e+00, v13;
	v12 =	vld [tilespmem:s30+$0xFFFFFFD0];
	(erf) = vpow2.f32 v10;
	[tilespmem:s17+$0xFFFFFFF0] =	vst v1  }
0x135: {  	v1 =	vmul.f32 $1.442695020e+00, v14;
	v10 =	vld [tilespmem:s30+$0xFFFFFFE0];
	(erf) = vpow2.f32 v11;
	[tilespmem:s17+$0x40] =	vst v2  }
0x136: {  	v2 =	vmul.f32 $1.442695020e+00, v15;
	v11 =	vld [tilespmem:s30+$0xFFFFFFF0];
	(erf) = vpow2.f32 v9;
	[tilespmem:s17+$0x50] =	vst v3  }
0x137: {  	v3 =	vmul.f32 $1.442695020e+00, v16;
	v9 =	vld [tilespmem:s30+$0x130];
	(erf) = vpow2.f32 v1;
	[tilespmem:s17+$0x60] =	vst v4  }
0x138: {  	v1 =	vmul.f32 $1.442695020e+00, v17;
	v4 =	vld [tilespmem:s30+$0x40];
	(erf) = vpow2.f32 v2;
	[tilespmem:s17+$0x70] =	vst v5  }
0x139: {  	v12 =	vmul.f32 $1.442695020e+00, v12;
	v5 =	vld [tilespmem:s30+$0x50];
	(erf) = vpow2.f32 v3;
	[tilespmem:s17+$0xC0] =	vst v6  }
0x13a: {  	v3 =	vmul.f32 $1.442695020e+00, v10;
	v6 =	vld [tilespmem:s30+$0x60];
	(erf) = vpow2.f32 v1;
	[tilespmem:s17+$0xD0] =	vst v7  }
0x13b: {  	v1 =	vmul.f32 $1.442695020e+00, v11;
	v7 =	vld [tilespmem:s30+$0x70];
	(erf) = vpow2.f32 v12;
	v2 =	vpop (erf);
	[tilespmem:s17+$0xE0] =	vst v8;
	s17 =	smov.u32 s30  }
0x13c: {  	v8 =	vld [tilespmem:s30+$0xC0];
	[tilespmem:s30+$0xF0] =	vst v2;
	v11 =	vmul.f32 v9, v2;
	v9 =	vpop (erf);
	(erf) = vpow2.f32 v3  }
0x13d: {  	[tilespmem:s30+$0xFFFFFED0] =	vst v9;
	v3 =	vmul.f32 $1.442695020e+00, v4;
	v4 =	vld [tilespmem:s30+$0xD0];
	v10 =	vpop (erf);
	(erf) = vpow2.f32 v1  }
0x13e: {  	v1 =	vmul.f32 $1.442695020e+00, v5;
	v5 =	vld [tilespmem:s30+$0xE0];
	[tilespmem:s30+$0x130] =	vst v11;
	v2 =	vpop (erf)  }
0x13f: {  	v11 =	vld [tilespmem:s30+$0xFFFFFEC0];
	[tilespmem:s30+$0xFFFFFEE0] =	vst v10;
	v6 =	vmul.f32 $1.442695020e+00, v6;
	v12 =	vpop (erf);
	(erf) = vpow2.f32 v3  }
0x140: {  	v13 =	vld [tilespmem:s30+$0xFFFFFF00];
	[tilespmem:s30+$0xFFFFFEF0] =	vst v2;
	v3 =	vmul.f32 $1.442695020e+00, v7;
	v7 =	vpop (erf);
	(erf) = vpow2.f32 v1  }
0x141: {  	v1 =	vld [tilespmem:s30+$0xFFFFFF10];
	[tilespmem:s30+$0xFFFFFF40] =	vst v12;
	v8 =	vmul.f32 $1.442695020e+00, v8;
	v14 =	vpop (erf);
	(erf) = vpow2.f32 v6  }
0x142: {  	v6 =	vld [tilespmem:s30+$0xFFFFFF20];
	[tilespmem:s30+$0xFFFFFF50] =	vst v7;
	v4 =	vmul.f32 $1.442695020e+00, v4;
	v15 =	vpop (erf);
	(erf) = vpow2.f32 v3  }
0x143: {  	v3 =	vld [tilespmem:s30+$0xFFFFFF30];
	[tilespmem:s30+$0xFFFFFF60] =	vst v14;
	v5 =	vmul.f32 $1.442695020e+00, v5;
	v16 =	vpop (erf);
	(erf) = vpow2.f32 v8  }
0x144: {  	v8 =	vmul.f32 $1.442695020e+00, v11;
	v11 =	vld [tilespmem:s30+$0xFFFFFF80];
	[tilespmem:s30+$0xFFFFFF70] =	vst v15;
	v17 =	vpop (erf);
	(erf) = vpow2.f32 v4  }
0x145: {  	v4 =	vld [tilespmem:s30+$0xFFFFFF90];
	[tilespmem:s30+$0xFFFFFFC0] =	vst v16;
	v18 =	vpop (erf);
	(erf) = vpow2.f32 v5  }
0x146: {  	v5 =	vmul.f32 v1, v9;
	v9 =	vld [tilespmem:s30+$0xFFFFFFA0];
	[tilespmem:s30+$0xFFFFFFD0] =	vst v17;
	(erf) = vpow2.f32 v8;
	v1 =	vpop (erf)  }
0x147: {  	v6 =	vmul.f32 v6, v10;
	v8 =	vld [tilespmem:s30+$0xFFFFFFB0];
	[tilespmem:s30+$0xFFFFFFE0] =	vst v18  }
0x148: {  	[tilespmem:s30+$0xFFFFFF10] =	vst v5;
	v19 =	vmul.f32 v3, v2;
	v10 =	vld [tilespmem:s30+$0x0];
	v2 =	vpop (erf)  }
0x149: {  	[tilespmem:s30+$0xFFFFFF20] =	vst v6;
	v20 =	vmul.f32 v11, v12;
	v11 =	vld [tilespmem:s30+$0x10];
	v3 =	vpop (erf)  }
0x14a: {  	[tilespmem:s30+$0xFFFFFF30] =	vst v19;
	v21 =	vmul.f32 v4, v7;
	v12 =	vld [tilespmem:s30+$0x20];
	v4 =	vpop (erf)  }
0x14b: {  	[tilespmem:s30+$0xFFFFFF80] =	vst v20;
	v9 =	vmul.f32 v9, v14;
	v14 =	vld [tilespmem:s30+$0x30];
	v5 =	vpop (erf)  }
0x14c: {  	[tilespmem:s30+$0xFFFFFF90] =	vst v21;
	v21 =	vmul.f32 v8, v15;
	v19 =	vld [tilespmem:s30+$0x80];
	v6 =	vpop (erf)  }
0x14d: {  	[tilespmem:s30+$0xFFFFFFA0] =	vst v9;
	v22 =	vmul.f32 v10, v16;
	v20 =	vld [tilespmem:s30+$0x90];
	v7 =	vpop (erf)  }
.Ltmp11:
0x14e: {  	[tilespmem:s30+$0xFFFFFFB0] =	vst v21;
	v15 =	vmul.f32 v11, v17;
	v10 =	vld [tilespmem:s30+$0xA0];
	v8 =	vpop (erf);
	(pc) =	sbr.rel @p0 .LBB2_20-.Ltmp11, $4  }
0x14f: {  	[tilespmem:s30+$0x0] =	vst v22;
	v16 =	vmul.f32 v12, v18;
	v11 =	vld [tilespmem:s30+$0xB0];
	v9 =	vpop (erf)  }
0x150: {  	v17 =	vmul.f32 v13, v9;
	[tilespmem:s30+$0x10] =	vst v15;
	v15 =	vmul.f32 v14, v1;
	v12 =	vld [tilespmem:s30+$0x100]  }
0x151: {  	[tilespmem:s30+$0x20] =	vst v16;
	v16 =	vmul.f32 v19, v2;
	v13 =	vld [tilespmem:s30+$0x110]  }
0x152: {  	s30 =	sadd.s32 $0x280, s30;
	[tilespmem:s17+$0xFFFFFF00] =	vst v17;
	v17 =	vmul.f32 v20, v3;
	v14 =	vld [tilespmem:s17+$0x120]  }
0x153: {  	[tilespmem:s17+$0x30] =	vst v15  }
0x154: {  	[tilespmem:s17+$0x80] =	vst v16  }
0x155: {  	[tilespmem:s17+$0xFFFFFEC0] =	vst v9  }
0x156: {  	[tilespmem:s17+$0xFFFFFFF0] =	vst v1  }
0x157: {  	[tilespmem:s17+$0x40] =	vst v2  }
0x158: {  	[tilespmem:s17+$0x50] =	vst v3  }
0x159: {  	[tilespmem:s17+$0x60] =	vst v4  }
0x15a: {  	[tilespmem:s17+$0x70] =	vst v5  }
0x15b: {  	[tilespmem:s17+$0xC0] =	vst v6  }
0x15c: {  	[tilespmem:s17+$0xD0] =	vst v7  }
0x15d: {  	v10 =	vmul.f32 v10, v4;
	[tilespmem:s17+$0xE0] =	vst v8  }
0x15e: {  	v11 =	vmul.f32 v11, v5;
	[tilespmem:s17+$0x90] =	vst v17  }
0x15f: {  	v12 =	vmul.f32 v12, v6;
	[tilespmem:s17+$0xA0] =	vst v10  }
0x160: {  	v62 =	vmul.f32 v13, v7;
	[tilespmem:s17+$0xB0] =	vst v11  }
0x161: {  	v63 =	vmul.f32 v14, v8;
	[tilespmem:s17+$0x100] =	vst v12  }
0x162: {  	s9 =	sadd.s32 $0x3, s13;
	[tilespmem:s17+$0x110] =	vst v62  }
0x163: {  	s2 =	simm.s32 $0xBC00;
	s25 =	simm.s32 $0x3E80;
	s1 =	smul.u32 $0x7D, s9;
	[tilespmem:s17+$0x120] =	vst v63  }
0x164: {  	[spmem:s3] =	stream.indirect.scatter.add.f32 [tilespmem:s25], [sflag:$0x5], $0x80, s2, s0, $0xb8;
	[tilespmem:$0x1F580] =	vst v63  }
0x165: {  	s1 =	sadd.s32 s7, s1;
	_ =	swait.ge [sflag:s4], $0x3E80  }
0x166: {  	s1 =	sshll.u32 s1, $0x7;
	[sflag:s4] =	ssyncset.done $0x0  }
0x167: {  	s1 =	sor.u32 s11, s1;
	[sflag:s4] =	ssyncadd.s32 $0xFFFFC180  }
0x168: {  	s17 =	sshrl.u32 s1, $0x3;
	s25 =	rddreg [dreg:$0x0]  }
0x169: {  	s29 =	simm.s32 $0x10;
	s30 =	sadd.s32 s25, s17  }
0x16a: {  	s1 =	simm.s32 $0x80;
	s25 =	simm.s32 $0x0;
	s2 =	sadd.s32 $0x0, s30  }
.LBB2_22:
0x16b: {  	[tilespmem:s25], [sflag:$0x1] =	stream.linear.gather [hbm4b:s2+s5], $0x40, $0x38;
	[tilespmem:$0x1F580] =	vst v63  }
0x16c: {  	s2 =	smov.u32 s29;
	s25 =	smov.u32 s1;
	p0 =	sne.s32 s29, $0x7C0  }
.Ltmp12:
0x16d: {  	s29 =	sadd.s32 $0x10, s29;
	(pc) =	sbr.rel @p0 .LBB2_22-.Ltmp12, $2  }
0x16e: {  	_ =	sdelay $0x2  }
0x16f: {  	s1 =	sadd.s32 $0x80, s1;
	s2 =	sadd.s32 s2, s30  }
0x170: {  	[tilespmem:s25], [sflag:$0x1] =	stream.linear.gather [hbm4b:s2+s5], $0x40, $0x38;
	[tilespmem:$0x1F580] =	vst v63  }
0x171: {  	s1 =	rddreg [dreg:$0x1]  }
0x172: {  	s25 =	simm.s32 $0x40;
	s17 =	sadd.s32 s1, s17  }
0x173: {  	s29 =	simm.s32 $0x10;
	s1 =	simm.s32 $0xC0;
	s2 =	sadd.s32 $0x0, s17  }
.LBB2_24:
0x174: {  	[tilespmem:s25], [sflag:$0x1] =	stream.linear.gather [hbm4b:s2+s5], $0x40, $0x38;
	[tilespmem:$0x1F580] =	vst v63  }
0x175: {  	s2 =	smov.u32 s29;
	s25 =	smov.u32 s1;
	p0 =	sne.s32 s29, $0x7C0  }
.Ltmp13:
0x176: {  	s29 =	sadd.s32 $0x10, s29;
	(pc) =	sbr.rel @p0 .LBB2_24-.Ltmp13, $2  }
0x177: {  	_ =	sdelay $0x2  }
0x178: {  	s1 =	sadd.s32 $0x80, s1;
	s2 =	sadd.s32 s2, s17  }
0x179: {  	[tilespmem:s25], [sflag:$0x1] =	stream.linear.gather [hbm4b:s2+s5], $0x40, $0x38;
	[tilespmem:$0x1F580] =	vst v63  }
0x17a: {  	s1 =	sshll.u32 s9, $0x7  }
0x17b: {  	s1 =	sadd.s32 s12, s1  }
0x17c: {  	s1 =	sshrl.u32 s1, $0x3  }
0x17d: {  	s29 =	simm.s32 $0xBB80;
	s1 =	sadd.s32 s6, s1  }
0x17e: {  	[tilespmem:s29], [sflag:$0x1] =	stream.linear.gather [hbm4b:s1+s5], $0x80, $0x38;
	[tilespmem:$0x1F580] =	vst v63  }
0x17f: {  	_ =	swait.ge [sflag:s8], $0x1F40  }
0x180: {  	[sflag:s8] =	ssyncset.done $0x0  }
0x181: {  	[sflag:s8] =	ssyncadd.s32 $0xFFFFE0C0  }
0x182: {  	_ =	swait.ge [sflag:s8], $0x1F40  }
0x183: {  	[sflag:s8] =	ssyncset.done $0x0  }
0x184: {  	[sflag:s8] =	ssyncadd.s32 $0xFFFFE0C0  }
0x185: {  	_ =	swait.ge [sflag:s8], $0x80  }
0x186: {  	[sflag:s8] =	ssyncset.done $0x0  }
0x187: {  	s17 =	simm.s32 $0x7E40;
	[sflag:s8] =	ssyncadd.s32 $0xFFFFFF80  }
0x188: {  	v1 =	vld [tilespmem:s17+$0xF0]  }
0x189: {  	v2 =	vld [tilespmem:s17+$0xFFFFFED0]  }
0x18a: {  	v3 =	vld [tilespmem:s17+$0xFFFFFEE0]  }
0x18b: {  	v4 =	vld [tilespmem:s17+$0xFFFFFEF0]  }
0x18c: {  	v5 =	vld [tilespmem:s17+$0xFFFFFF40]  }
0x18d: {  	v6 =	vld [tilespmem:s17+$0xFFFFFF50];
	v1 =	vmul.f32 $1.442695020e+00, v1  }
0x18e: {  	v7 =	vld [tilespmem:s17+$0xFFFFFF60];
	v2 =	vmul.f32 $1.442695020e+00, v2  }
0x18f: {  	v8 =	vld [tilespmem:s17+$0xFFFFFF70];
	(erf) = vpow2.f32 v1  }
0x190: {  	v9 =	vld [tilespmem:s17+$0xFFFFFFF0];
	v1 =	vmul.f32 $1.442695020e+00, v3;
	(erf) = vpow2.f32 v2  }
0x191: {  	v11 =	vld [tilespmem:s17+$0xC0];
	v4 =	vmul.f32 $1.442695020e+00, v4  }
0x192: {  	v5 =	vmul.f32 $1.442695020e+00, v5;
	v3 =	vld [tilespmem:s17+$0xFFFFFFC0];
	(erf) = vpow2.f32 v1  }
0x193: {  	v6 =	vmul.f32 $1.442695020e+00, v6;
	v2 =	vld [tilespmem:s17+$0xFFFFFFD0];
	(erf) = vpow2.f32 v4  }
0x194: {  	v7 =	vmul.f32 $1.442695020e+00, v7;
	v1 =	vld [tilespmem:s17+$0xFFFFFFE0];
	(erf) = vpow2.f32 v5  }
0x195: {  	v4 =	vld [tilespmem:s17+$0x130];
	(erf) = vpow2.f32 v6  }
0x196: {  	v8 =	vmul.f32 $1.442695020e+00, v8;
	(erf) = vpow2.f32 v7;
	v7 =	vld [tilespmem:s17+$0x60]  }
0x197: {  	v11 =	vmul.f32 $1.442695020e+00, v11;
	v5 =	vld [tilespmem:s17+$0x40];
	v3 =	vmul.f32 $1.442695020e+00, v3  }
0x198: {  	v6 =	vld [tilespmem:s17+$0x50];
	v2 =	vmul.f32 $1.442695020e+00, v2;
	v10 =	vpop (erf);
	(erf) = vpow2.f32 v8  }
0x199: {  	v1 =	vmul.f32 $1.442695020e+00, v1;
	v8 =	vld [tilespmem:s17+$0x70];
	v12 =	vpop (erf);
	(erf) = vpow2.f32 v3  }
0x19a: {  	v16 =	vld [tilespmem:s17+$0xFFFFFF30];
	v3 =	vmul.f32 $1.442695020e+00, v9;
	(erf) = vpow2.f32 v2  }
0x19b: {  	[tilespmem:s17+$0xF0] =	vst v10;
	v9 =	vld [tilespmem:s17+$0xD0];
	v2 =	vmul.f32 v4, v10;
	v7 =	vmul.f32 $1.442695020e+00, v7  }
0x19c: {  	[tilespmem:s17+$0xFFFFFED0] =	vst v12;
	v4 =	vpop (erf);
	(erf) = vpow2.f32 v1;
	v1 =	vmul.f32 $1.442695020e+00, v5;
	v5 =	vld [tilespmem:s17+$0xE0]  }
0x19d: {  	v10 =	vld [tilespmem:s17+$0xFFFFFEC0];
	[tilespmem:s17+$0xFFFFFEE0] =	vst v4;
	(erf) = vpow2.f32 v3;
	v3 =	vmul.f32 $1.442695020e+00, v6  }
0x19e: {  	v6 =	vpop (erf);
	[tilespmem:s17+$0x130] =	vst v2;
	(erf) = vpow2.f32 v1;
	v1 =	vmul.f32 $1.442695020e+00, v8  }
0x19f: {  	v14 =	vpop (erf);
	[tilespmem:s17+$0xFFFFFEF0] =	vst v6;
	v6 =	vmul.f32 v16, v6;
	(erf) = vpow2.f32 v3;
	v3 =	vld [tilespmem:s17+$0xFFFFFF10]  }
0x1a0: {  	v8 =	vpop (erf);
	[tilespmem:s17+$0xFFFFFF40] =	vst v14;
	v9 =	vmul.f32 $1.442695020e+00, v9;
	(erf) = vpow2.f32 v7;
	v7 =	vld [tilespmem:s17+$0xFFFFFF20]  }
0x1a1: {  	v15 =	vpop (erf);
	[tilespmem:s17+$0xFFFFFF50] =	vst v8;
	(erf) = vpow2.f32 v1;
	v1 =	vmul.f32 $1.442695020e+00, v5;
	v5 =	vld [tilespmem:s17+$0xFFFFFF80]  }
0x1a2: {  	v2 =	vmul.f32 $1.442695020e+00, v10;
	v10 =	vld [tilespmem:s17+$0xFFFFFF90];
	[tilespmem:s17+$0xFFFFFF30] =	vst v6;
	v17 =	vpop (erf);
	(erf) = vpow2.f32 v11  }
0x1a3: {  	[tilespmem:s17+$0xFFFFFF60] =	vst v15;
	v11 =	vpop (erf);
	(erf) = vpow2.f32 v9  }
0x1a4: {  	[tilespmem:s17+$0xFFFFFF70] =	vst v17;
	v9 =	vpop (erf);
	(erf) = vpow2.f32 v1;
	v3 =	vmul.f32 v3, v12;
	v12 =	vld [tilespmem:s17+$0xFFFFFFA0]  }
0x1a5: {  	v13 =	vld [tilespmem:s17+$0xFFFFFF00];
	[tilespmem:s17+$0xFFFFFFC0] =	vst v11;
	v18 =	vpop (erf);
	(erf) = vpow2.f32 v2;
	v4 =	vmul.f32 v7, v4  }
0x1a6: {  	[tilespmem:s17+$0xFFFFFFD0] =	vst v9;
	v7 =	vld [tilespmem:s17+$0xFFFFFFB0];
	v1 =	vpop (erf);
	v5 =	vmul.f32 v5, v14  }
0x1a7: {  	v16 =	vld [tilespmem:s17+$0x0];
	v6 =	vmul.f32 v10, v8;
	[tilespmem:s17+$0xFFFFFFE0] =	vst v18;
	v2 =	vpop (erf)  }
0x1a8: {  	[tilespmem:s17+$0xFFFFFF10] =	vst v3;
	v14 =	vld [tilespmem:s17+$0x10];
	v3 =	vpop (erf)  }
0x1a9: {  	v19 =	vld [tilespmem:s17+$0x20];
	[tilespmem:s17+$0xFFFFFF20] =	vst v4;
	v4 =	vpop (erf);
	v8 =	vmul.f32 v12, v15  }
0x1aa: {  	v20 =	vld [tilespmem:s17+$0x90];
	[tilespmem:s17+$0xFFFFFF80] =	vst v5;
	v5 =	vpop (erf)  }
0x1ab: {  	[tilespmem:s17+$0xFFFFFF90] =	vst v6;
	v15 =	vld [tilespmem:s17+$0x30];
	v10 =	vmul.f32 v7, v17;
	v6 =	vpop (erf)  }
0x1ac: {  	v11 =	vmul.f32 v16, v11;
	v17 =	vld [tilespmem:s17+$0x80];
	[tilespmem:s17+$0xFFFFFFA0] =	vst v8;
	v7 =	vpop (erf)  }
0x1ad: {  	v12 =	vmul.f32 v14, v9;
	[tilespmem:s17+$0xFFFFFFB0] =	vst v10;
	v10 =	vld [tilespmem:s17+$0xA0];
	v8 =	vpop (erf)  }
0x1ae: {  	[tilespmem:s17+$0x0] =	vst v11;
	v11 =	vld [tilespmem:s17+$0xB0];
	v14 =	vmul.f32 v19, v18;
	v9 =	vpop (erf)  }
0x1af: {  	[tilespmem:s17+$0x10] =	vst v12;
	v12 =	vld [tilespmem:s17+$0x100];
	v18 =	vmul.f32 v13, v9  }
0x1b0: {  	[tilespmem:s17+$0x20] =	vst v14;
	v15 =	vmul.f32 v15, v1;
	v13 =	vld [tilespmem:s17+$0x110]  }
0x1b1: {  	s9 =	simm.s32 $0x0;
	s30 =	simm.s32 $0x80C0;
	v14 =	vld [tilespmem:s17+$0x120];
	v16 =	vmul.f32 v17, v2;
	v17 =	vmul.f32 v20, v3;
	[tilespmem:s17+$0xFFFFFF00] =	vst v18  }
.LBB2_26:
0x1b2: {  	v18 =	vld [tilespmem:s30+$0xF0];
	s9 =	sadd.s32 $0x5, s9;
	[tilespmem:s17+$0x30] =	vst v15;
	v10 =	vmul.f32 v10, v4  }
0x1b3: {  	v15 =	vld [tilespmem:s30+$0xFFFFFED0];
	p0 =	slt.u32 s9, $0x78;
	[tilespmem:s17+$0x80] =	vst v16;
	v11 =	vmul.f32 v11, v5  }
0x1b4: {  	v16 =	vld [tilespmem:s30+$0xFFFFFEE0];
	[tilespmem:s17+$0x90] =	vst v17;
	v12 =	vmul.f32 v12, v6  }
0x1b5: {  	v17 =	vld [tilespmem:s30+$0xFFFFFEF0];
	[tilespmem:s17+$0xA0] =	vst v10;
	v10 =	vmul.f32 v13, v7  }
0x1b6: {  	v13 =	vld [tilespmem:s30+$0xFFFFFF40];
	[tilespmem:s17+$0xB0] =	vst v11;
	v11 =	vmul.f32 v14, v8  }
0x1b7: {  	v14 =	vld [tilespmem:s30+$0xFFFFFF50];
	v18 =	vmul.f32 $1.442695020e+00, v18;
	[tilespmem:s17+$0x100] =	vst v12  }
0x1b8: {  	v12 =	vmul.f32 $1.442695020e+00, v15;
	v15 =	vld [tilespmem:s30+$0xFFFFFF60];
	[tilespmem:s17+$0x110] =	vst v10  }
0x1b9: {  	v10 =	vmul.f32 $1.442695020e+00, v16;
	v16 =	vld [tilespmem:s30+$0xFFFFFF70];
	(erf) = vpow2.f32 v18;
	[tilespmem:s17+$0x120] =	vst v11  }
0x1ba: {  	v11 =	vmul.f32 $1.442695020e+00, v17;
	v17 =	vld [tilespmem:s30+$0xFFFFFFC0];
	(erf) = vpow2.f32 v12;
	[tilespmem:s17+$0xFFFFFEC0] =	vst v9  }
0x1bb: {  	v9 =	vmul.f32 $1.442695020e+00, v13;
	v12 =	vld [tilespmem:s30+$0xFFFFFFD0];
	(erf) = vpow2.f32 v10;
	[tilespmem:s17+$0xFFFFFFF0] =	vst v1  }
0x1bc: {  	v1 =	vmul.f32 $1.442695020e+00, v14;
	v10 =	vld [tilespmem:s30+$0xFFFFFFE0];
	(erf) = vpow2.f32 v11;
	[tilespmem:s17+$0x40] =	vst v2  }
0x1bd: {  	v2 =	vmul.f32 $1.442695020e+00, v15;
	v11 =	vld [tilespmem:s30+$0xFFFFFFF0];
	(erf) = vpow2.f32 v9;
	[tilespmem:s17+$0x50] =	vst v3  }
0x1be: {  	v3 =	vmul.f32 $1.442695020e+00, v16;
	v9 =	vld [tilespmem:s30+$0x130];
	(erf) = vpow2.f32 v1;
	[tilespmem:s17+$0x60] =	vst v4  }
0x1bf: {  	v1 =	vmul.f32 $1.442695020e+00, v17;
	v4 =	vld [tilespmem:s30+$0x40];
	(erf) = vpow2.f32 v2;
	[tilespmem:s17+$0x70] =	vst v5  }
0x1c0: {  	v12 =	vmul.f32 $1.442695020e+00, v12;
	v5 =	vld [tilespmem:s30+$0x50];
	(erf) = vpow2.f32 v3;
	[tilespmem:s17+$0xC0] =	vst v6  }
0x1c1: {  	v3 =	vmul.f32 $1.442695020e+00, v10;
	v6 =	vld [tilespmem:s30+$0x60];
	(erf) = vpow2.f32 v1;
	[tilespmem:s17+$0xD0] =	vst v7  }
0x1c2: {  	v1 =	vmul.f32 $1.442695020e+00, v11;
	v7 =	vld [tilespmem:s30+$0x70];
	(erf) = vpow2.f32 v12;
	v2 =	vpop (erf);
	[tilespmem:s17+$0xE0] =	vst v8;
	s17 =	smov.u32 s30  }
0x1c3: {  	v8 =	vld [tilespmem:s30+$0xC0];
	[tilespmem:s30+$0xF0] =	vst v2;
	v11 =	vmul.f32 v9, v2;
	v9 =	vpop (erf);
	(erf) = vpow2.f32 v3  }
0x1c4: {  	[tilespmem:s30+$0xFFFFFED0] =	vst v9;
	v3 =	vmul.f32 $1.442695020e+00, v4;
	v4 =	vld [tilespmem:s30+$0xD0];
	v10 =	vpop (erf);
	(erf) = vpow2.f32 v1  }
0x1c5: {  	v1 =	vmul.f32 $1.442695020e+00, v5;
	v5 =	vld [tilespmem:s30+$0xE0];
	[tilespmem:s30+$0x130] =	vst v11;
	v2 =	vpop (erf)  }
0x1c6: {  	v11 =	vld [tilespmem:s30+$0xFFFFFEC0];
	[tilespmem:s30+$0xFFFFFEE0] =	vst v10;
	v6 =	vmul.f32 $1.442695020e+00, v6;
	v12 =	vpop (erf);
	(erf) = vpow2.f32 v3  }
0x1c7: {  	v13 =	vld [tilespmem:s30+$0xFFFFFF00];
	[tilespmem:s30+$0xFFFFFEF0] =	vst v2;
	v3 =	vmul.f32 $1.442695020e+00, v7;
	v7 =	vpop (erf);
	(erf) = vpow2.f32 v1  }
0x1c8: {  	v1 =	vld [tilespmem:s30+$0xFFFFFF10];
	[tilespmem:s30+$0xFFFFFF40] =	vst v12;
	v8 =	vmul.f32 $1.442695020e+00, v8;
	v14 =	vpop (erf);
	(erf) = vpow2.f32 v6  }
0x1c9: {  	v6 =	vld [tilespmem:s30+$0xFFFFFF20];
	[tilespmem:s30+$0xFFFFFF50] =	vst v7;
	v4 =	vmul.f32 $1.442695020e+00, v4;
	v15 =	vpop (erf);
	(erf) = vpow2.f32 v3  }
0x1ca: {  	v3 =	vld [tilespmem:s30+$0xFFFFFF30];
	[tilespmem:s30+$0xFFFFFF60] =	vst v14;
	v5 =	vmul.f32 $1.442695020e+00, v5;
	v16 =	vpop (erf);
	(erf) = vpow2.f32 v8  }
0x1cb: {  	v8 =	vmul.f32 $1.442695020e+00, v11;
	v11 =	vld [tilespmem:s30+$0xFFFFFF80];
	[tilespmem:s30+$0xFFFFFF70] =	vst v15;
	v17 =	vpop (erf);
	(erf) = vpow2.f32 v4  }
0x1cc: {  	v4 =	vld [tilespmem:s30+$0xFFFFFF90];
	[tilespmem:s30+$0xFFFFFFC0] =	vst v16;
	v18 =	vpop (erf);
	(erf) = vpow2.f32 v5  }
0x1cd: {  	v5 =	vmul.f32 v1, v9;
	v9 =	vld [tilespmem:s30+$0xFFFFFFA0];
	[tilespmem:s30+$0xFFFFFFD0] =	vst v17;
	(erf) = vpow2.f32 v8;
	v1 =	vpop (erf)  }
0x1ce: {  	v6 =	vmul.f32 v6, v10;
	v8 =	vld [tilespmem:s30+$0xFFFFFFB0];
	[tilespmem:s30+$0xFFFFFFE0] =	vst v18  }
0x1cf: {  	[tilespmem:s30+$0xFFFFFF10] =	vst v5;
	v19 =	vmul.f32 v3, v2;
	v10 =	vld [tilespmem:s30+$0x0];
	v2 =	vpop (erf)  }
0x1d0: {  	[tilespmem:s30+$0xFFFFFF20] =	vst v6;
	v20 =	vmul.f32 v11, v12;
	v11 =	vld [tilespmem:s30+$0x10];
	v3 =	vpop (erf)  }
0x1d1: {  	[tilespmem:s30+$0xFFFFFF30] =	vst v19;
	v21 =	vmul.f32 v4, v7;
	v12 =	vld [tilespmem:s30+$0x20];
	v4 =	vpop (erf)  }
0x1d2: {  	[tilespmem:s30+$0xFFFFFF80] =	vst v20;
	v9 =	vmul.f32 v9, v14;
	v14 =	vld [tilespmem:s30+$0x30];
	v5 =	vpop (erf)  }
0x1d3: {  	[tilespmem:s30+$0xFFFFFF90] =	vst v21;
	v21 =	vmul.f32 v8, v15;
	v19 =	vld [tilespmem:s30+$0x80];
	v6 =	vpop (erf)  }
0x1d4: {  	[tilespmem:s30+$0xFFFFFFA0] =	vst v9;
	v22 =	vmul.f32 v10, v16;
	v20 =	vld [tilespmem:s30+$0x90];
	v7 =	vpop (erf)  }
.Ltmp14:
0x1d5: {  	[tilespmem:s30+$0xFFFFFFB0] =	vst v21;
	v15 =	vmul.f32 v11, v17;
	v10 =	vld [tilespmem:s30+$0xA0];
	v8 =	vpop (erf);
	(pc) =	sbr.rel @p0 .LBB2_26-.Ltmp14, $4  }
0x1d6: {  	[tilespmem:s30+$0x0] =	vst v22;
	v16 =	vmul.f32 v12, v18;
	v11 =	vld [tilespmem:s30+$0xB0];
	v9 =	vpop (erf)  }
0x1d7: {  	v17 =	vmul.f32 v13, v9;
	[tilespmem:s30+$0x10] =	vst v15;
	v15 =	vmul.f32 v14, v1;
	v12 =	vld [tilespmem:s30+$0x100]  }
0x1d8: {  	[tilespmem:s30+$0x20] =	vst v16;
	v16 =	vmul.f32 v19, v2;
	v13 =	vld [tilespmem:s30+$0x110]  }
0x1d9: {  	s30 =	sadd.s32 $0x280, s30;
	[tilespmem:s17+$0xFFFFFF00] =	vst v17;
	v17 =	vmul.f32 v20, v3;
	v14 =	vld [tilespmem:s17+$0x120]  }
0x1da: {  	[tilespmem:s17+$0x30] =	vst v15  }
0x1db: {  	[tilespmem:s17+$0x80] =	vst v16  }
0x1dc: {  	[tilespmem:s17+$0xFFFFFEC0] =	vst v9  }
0x1dd: {  	[tilespmem:s17+$0xFFFFFFF0] =	vst v1  }
0x1de: {  	[tilespmem:s17+$0x40] =	vst v2  }
0x1df: {  	[tilespmem:s17+$0x50] =	vst v3  }
0x1e0: {  	[tilespmem:s17+$0x60] =	vst v4  }
0x1e1: {  	[tilespmem:s17+$0x70] =	vst v5  }
0x1e2: {  	[tilespmem:s17+$0xC0] =	vst v6  }
0x1e3: {  	[tilespmem:s17+$0xD0] =	vst v7  }
0x1e4: {  	v10 =	vmul.f32 v10, v4;
	[tilespmem:s17+$0xE0] =	vst v8  }
0x1e5: {  	v11 =	vmul.f32 v11, v5;
	[tilespmem:s17+$0x90] =	vst v17  }
0x1e6: {  	v12 =	vmul.f32 v12, v6;
	[tilespmem:s17+$0xA0] =	vst v10  }
0x1e7: {  	v62 =	vmul.f32 v13, v7;
	[tilespmem:s17+$0xB0] =	vst v11  }
0x1e8: {  	v63 =	vmul.f32 v14, v8;
	[tilespmem:s17+$0x100] =	vst v12  }
0x1e9: {  	p0 =	sgt.u32 s14, $0x33;
	[tilespmem:s17+$0x110] =	vst v62  }
.Ltmp15:
0x1ea: {  	s1 =	simm.s32 $0xBC80;
	s2 =	simm.s32 $0x7D00;
	[tilespmem:s17+$0x120] =	vst v63;
	(pc) =	sbr.rel @p0 .LBB2_33-.Ltmp15, $4  }
0x1eb: {  	[spmem:s3] =	stream.indirect.scatter.add.f32 [tilespmem:s2], [sflag:$0x6], $0x80, s1, s0, $0xb8;
	[tilespmem:$0x1F580] =	vst v63  }
0x1ec: {  	_ =	swait.ge [sflag:s10], $0x3E80  }
0x1ed: {  	[sflag:s10] =	ssyncset.done $0x0  }
0x1ee: {  	[sflag:s10] =	ssyncadd.s32 $0xFFFFC180  }
0x1ef: {  	s9 =	sadd.s32 $0x4, s13  }
0x1f0: {  	s1 =	smul.u32 $0x7D, s9;
	_ =	sdelay $0x1  }
0x1f1: {  	s1 =	sadd.s32 s7, s1  }
0x1f2: {  	s1 =	sshll.u32 s1, $0x7  }
0x1f3: {  	s1 =	sor.u32 s11, s1  }
0x1f4: {  	s30 =	rddreg [dreg:$0x0];
	s13 =	sshrl.u32 s1, $0x3  }
0x1f5: {  	s25 =	simm.s32 $0x3E80;
	s17 =	sadd.s32 s30, s13  }
0x1f6: {  	s29 =	simm.s32 $0x10;
	s1 =	simm.s32 $0x3F00;
	s2 =	sadd.s32 $0x0, s17  }
.LBB2_29:
0x1f7: {  	[tilespmem:s25], [sflag:$0x2] =	stream.linear.gather [hbm4b:s2+s5], $0x40, $0x38;
	[tilespmem:$0x1F580] =	vst v63  }
0x1f8: {  	s2 =	smov.u32 s29;
	s25 =	smov.u32 s1;
	p0 =	sne.s32 s29, $0x7C0  }
.Ltmp16:
0x1f9: {  	s29 =	sadd.s32 $0x10, s29;
	(pc) =	sbr.rel @p0 .LBB2_29-.Ltmp16, $2  }
0x1fa: {  	_ =	sdelay $0x2  }
0x1fb: {  	s1 =	sadd.s32 $0x80, s1;
	s2 =	sadd.s32 s2, s17  }
0x1fc: {  	[tilespmem:s25], [sflag:$0x2] =	stream.linear.gather [hbm4b:s2+s5], $0x40, $0x38;
	[tilespmem:$0x1F580] =	vst v63  }
0x1fd: {  	s1 =	rddreg [dreg:$0x1]  }
0x1fe: {  	s17 =	simm.s32 $0x3EC0;
	s13 =	sadd.s32 s1, s13  }
0x1ff: {  	s25 =	simm.s32 $0x10;
	s1 =	simm.s32 $0x3F40;
	s2 =	sadd.s32 $0x0, s13  }
.LBB2_31:
0x200: {  	[tilespmem:s17], [sflag:$0x2] =	stream.linear.gather [hbm4b:s2+s5], $0x40, $0x38;
	[tilespmem:$0x1F580] =	vst v63  }
0x201: {  	s2 =	smov.u32 s25;
	s17 =	smov.u32 s1;
	p0 =	sne.s32 s25, $0x7C0  }
.Ltmp17:
0x202: {  	s25 =	sadd.s32 $0x10, s25;
	(pc) =	sbr.rel @p0 .LBB2_31-.Ltmp17, $2  }
0x203: {  	_ =	sdelay $0x2  }
0x204: {  	s1 =	sadd.s32 $0x80, s1;
	s2 =	sadd.s32 s2, s13  }
0x205: {  	[tilespmem:s17], [sflag:$0x2] =	stream.linear.gather [hbm4b:s2+s5], $0x40, $0x38;
	[tilespmem:$0x1F580] =	vst v63  }
.Ltmp18:
0x206: {  	s1 =	sshll.u32 s9, $0x7;
	(pc) =	sbr.rel .LBB2_33-.Ltmp18, $4  }
0x207: {  	s1 =	sadd.s32 s12, s1  }
0x208: {  	s1 =	sshrl.u32 s1, $0x3  }
0x209: {  	s30 =	simm.s32 $0xBC00;
	s1 =	sadd.s32 s6, s1  }
0x20a: {  	[tilespmem:s30], [sflag:$0x2] =	stream.linear.gather [hbm4b:s1+s5], $0x80, $0x38;
	[tilespmem:$0x1F580] =	vst v63  }
.LBB2_56:
0x20b: {  	_ =	swait.ge [sflag:s4], $0x3E80  }
0x20c: {  	[sflag:s4] =	ssyncset.done $0x0  }
0x20d: {  	[sflag:s4] =	ssyncadd.s32 $0xFFFFC180  }
.LBB2_34:
0x20e: {  	[bflag:$0x0] =	sbarrier.arrive $0xFFFF  }
0x20f: {  	s1 =	rddreg [dreg:$0x5]  }
0x210: {  	[tilespmem:s5], [sflag:$0x7] =	stream.linear.gather [spmem:s1], $0x3E80, $0x38;
	[tilespmem:$0x1F580] =	vst v63  }
0x211: {  	_ =	swait.ge [sflag:s28], $0x3E80  }
0x212: {  	[sflag:s28] =	ssyncset.done $0x0  }
0x213: {  	s13 =	simm.s32 $0x140;
	[sflag:s28] =	ssyncadd.s32 $0xFFFFC180  }
0x214: {  	v1 =	vld [tilespmem:s13+$0xF0]  }
0x215: {  	v2 =	vld [tilespmem:s13+$0xFFFFFED0]  }
0x216: {  	v3 =	vld [tilespmem:s13+$0xFFFFFEE0]  }
0x217: {  	v4 =	vld [tilespmem:s13+$0xFFFFFEF0]  }
0x218: {  	v5 =	vld [tilespmem:s13+$0xFFFFFF40]  }
0x219: {  	v6 =	vld [tilespmem:s13+$0xFFFFFF50]  }
0x21a: {  	v7 =	vld [tilespmem:s13+$0xFFFFFF60];
	(erf) = vrcp.f32 v1  }
0x21b: {  	v8 =	vld [tilespmem:s13+$0xFFFFFF70]  }
0x21c: {  	v9 =	vld [tilespmem:s13+$0xFFFFFFC0]  }
0x21d: {  	v10 =	vld [tilespmem:s13+$0xFFFFFFD0];
	(erf) = vrcp.f32 v2  }
0x21e: {  	v11 =	vld [tilespmem:s13+$0x130];
	(erf) = vrcp.f32 v3  }
0x21f: {  	v12 =	vld [tilespmem:s13+$0xFFFFFFE0];
	(erf) = vrcp.f32 v4  }
0x220: {  	v13 =	vld [tilespmem:s13+$0xFFFFFFF0];
	(erf) = vrcp.f32 v5  }
0x221: {  	v14 =	vld [tilespmem:s13+$0x40];
	(erf) = vrcp.f32 v6  }
0x222: {  	v15 =	vld [tilespmem:s13+$0x50];
	(erf) = vrcp.f32 v7  }
0x223: {  	v17 =	vld [tilespmem:s13+$0x60];
	(erf) = vrcp.f32 v8;
	v16 =	vpop (erf)  }
0x224: {  	v59 =	vld [tilespmem:s13+$0x70];
	(erf) = vrcp.f32 v9;
	v11 =	vmul.f32 v16, v11  }
0x225: {  	v19 =	vld [tilespmem:s13+$0xC0];
	vm0 =	vgt.f32 v1, $0.0e+00;
	(erf) = vrcp.f32 v10  }
0x226: {  	v20 =	vld [tilespmem:s13+$0xD0];
	v18 =	vpop (erf);
	(erf) = vrcp.f32 v12;
	v11 =	vnsel vm0, $0x0, v11  }
0x227: {  	v22 =	vld [tilespmem:s13+$0xE0];
	v1 =	vpop (erf);
	(erf) = vrcp.f32 v13  }
0x228: {  	v24 =	vld [tilespmem:s13+$0xFFFFFEC0];
	v21 =	vpop (erf);
	(erf) = vrcp.f32 v14  }
0x229: {  	v26 =	vld [tilespmem:s13+$0xFFFFFF00];
	[tilespmem:s13+$0xF0] =	vst v11;
	v11 =	vpop (erf);
	(erf) = vrcp.f32 v15  }
0x22a: {  	v28 =	vld [tilespmem:s13+$0xFFFFFF10];
	v23 =	vpop (erf);
	(erf) = vrcp.f32 v17  }
0x22b: {  	v32 =	vld [tilespmem:s13+$0xFFFFFF30];
	v25 =	vpop (erf);
	(erf) = vrcp.f32 v59  }
0x22c: {  	v30 =	vld [tilespmem:s13+$0xFFFFFF20];
	v27 =	vpop (erf);
	(erf) = vrcp.f32 v19  }
0x22d: {  	v33 =	vld [tilespmem:s13+$0xFFFFFF80];
	vm1 =	vgt.f32 v3, $0.0e+00;
	vm4 =	vgt.f32 v4, $0.0e+00;
	v29 =	vpop (erf);
	(erf) = vrcp.f32 v20  }
0x22e: {  	vm5 =	vgt.f32 v5, $0.0e+00;
	vm7 =	vgt.f32 v6, $0.0e+00;
	v3 =	vld [tilespmem:s13+$0xFFFFFF90];
	v31 =	vpop (erf);
	(erf) = vrcp.f32 v22  }
0x22f: {  	vm8 =	vgt.f32 v7, $0.0e+00;
	vm2 =	vgt.f32 v8, $0.0e+00;
	v4 =	vld [tilespmem:s13+$0xFFFFFFA0];
	(erf) = vrcp.f32 v24;
	v34 =	vpop (erf)  }
0x230: {  	v6 =	vld [tilespmem:s13+$0xFFFFFFB0];
	vm0 =	vgt.f32 v2, $0.0e+00;
	v2 =	vmul.f32 v18, v28;
	v8 =	vmul.f32 v21, v32;
	v35 =	vpop (erf)  }
0x231: {  	vm3 =	vgt.f32 v9, $0.0e+00;
	vm6 =	vgt.f32 v13, $0.0e+00;
	v9 =	vld [tilespmem:s13+$0x0];
	v5 =	vmul.f32 v1, v30;
	v60 =	vpop (erf)  }
0x232: {  	v7 =	vnsel vm0, $0x0, v2;
	v8 =	vnsel vm4, $0x0, v8;
	vm4 =	vgt.f32 v12, $0.0e+00;
	v12 =	vld [tilespmem:s13+$0x20];
	v61 =	vpop (erf)  }
0x233: {  	v5 =	vnsel vm1, $0x0, v5;
	vm0 =	vgt.f32 v10, $0.0e+00;
	[tilespmem:s13+$0xFFFFFED0] =	vst v7;
	v10 =	vmul.f32 v11, v33;
	v11 =	vld [tilespmem:s13+$0x10];
	v1 =	vpop (erf)  }
0x234: {  	v62 =	vld [tilespmem:s13+$0x30];
	vm9 =	vgt.f32 v14, $0.0e+00;
	[tilespmem:s13+$0xFFFFFEE0] =	vst v5;
	v7 =	vmul.f32 v23, v3;
	v13 =	vmul.f32 v25, v4;
	v2 =	vpop (erf)  }
0x235: {  	vm1 =	vgt.f32 v15, $0.0e+00;
	[tilespmem:s13+$0xFFFFFEF0] =	vst v8;
	v10 =	vnsel vm5, $0x0, v10;
	v6 =	vmul.f32 v27, v6;
	v3 =	vpop (erf)  }
0x236: {  	vm5 =	vgt.f32 v59, $0.0e+00;
	v7 =	vnsel vm7, $0x0, v7;
	[tilespmem:s13+$0xFFFFFF40] =	vst v10;
	v10 =	vld [tilespmem:s13+$0x80];
	v9 =	vmul.f32 v29, v9;
	v4 =	vpop (erf)  }
0x237: {  	v15 =	vld [tilespmem:s13+$0x90];
	v8 =	vnsel vm8, $0x0, v13;
	[tilespmem:s13+$0xFFFFFF50] =	vst v7;
	v14 =	vnsel vm2, $0x0, v6;
	vm2 =	vgt.f32 v17, $0.0e+00;
	v5 =	vpop (erf)  }
0x238: {  	v7 =	vld [tilespmem:s13+$0xB0];
	[tilespmem:s13+$0xFFFFFF60] =	vst v8;
	v8 =	vmul.f32 v31, v11;
	v9 =	vnsel vm3, $0x0, v9;
	v11 =	vmul.f32 v34, v12;
	v13 =	vpop (erf)  }
0x239: {  	v6 =	vld [tilespmem:s13+$0xA0];
	vm3 =	vgt.f32 v24, $0.0e+00;
	[tilespmem:s13+$0xFFFFFF70] =	vst v14;
	v12 =	vmul.f32 v35, v62;
	v13 =	vmul.f32 v13, v26  }
0x23a: {  	v63 =	vnsel vm0, $0x0, v8;
	[tilespmem:s13+$0xFFFFFFC0] =	vst v9;
	v8 =	vld [tilespmem:s13+$0x100];
	v11 =	vnsel vm4, $0x0, v11;
	vm4 =	vgt.f32 v20, $0.0e+00  }
0x23b: {  	v9 =	vld [tilespmem:s13+$0x110];
	v14 =	vmul.f32 v60, v10;
	[tilespmem:s13+$0xFFFFFFD0] =	vst v63;
	v12 =	vnsel vm6, $0x0, v12;
	v13 =	vnsel vm3, $0x0, v13  }
0x23c: {  	s14 =	simm.s32 $0x0;
	s9 =	simm.s32 $0x3C0;
	v10 =	vld [tilespmem:s13+$0x120];
	vm6 =	vgt.f32 v22, $0.0e+00;
	vm3 =	vgt.f32 v19, $0.0e+00;
	[tilespmem:s13+$0xFFFFFEC0] =	vst v13;
	v13 =	vmul.f32 v61, v15  }
.LBB2_35:
0x23d: {  	v15 =	vld [tilespmem:s9+$0xF0]  }
0x23e: {  	v1 =	vmul.f32 v1, v6;
	v6 =	vld [tilespmem:s9+$0xFFFFFED0]  }
0x23f: {  	v2 =	vmul.f32 v2, v7;
	v7 =	vld [tilespmem:s9+$0xFFFFFEE0]  }
0x240: {  	v3 =	vmul.f32 v3, v8;
	v8 =	vld [tilespmem:s9+$0xFFFFFEF0]  }
0x241: {  	[tilespmem:s13+$0xFFFFFFE0] =	vst v11;
	v4 =	vmul.f32 v4, v9;
	v9 =	vld [tilespmem:s9+$0xFFFFFF40];
	v1 =	vnsel vm2, $0x0, v1  }
0x242: {  	v2 =	vnsel vm5, $0x0, v2;
	[tilespmem:s13+$0x60] =	vst v1;
	v1 =	vnsel vm3, $0x0, v3;
	v3 =	vmul.f32 v5, v10;
	v5 =	vld [tilespmem:s9+$0xFFFFFF50]  }
0x243: {  	(erf) = vrcp.f32 v15;
	[tilespmem:s13+$0x70] =	vst v2;
	v2 =	vnsel vm4, $0x0, v4;
	v4 =	vld [tilespmem:s9+$0xFFFFFF60]  }
0x244: {  	[tilespmem:s13+$0xC0] =	vst v1;
	(erf) = vrcp.f32 v6;
	v1 =	vnsel vm6, $0x0, v3;
	v3 =	vld [tilespmem:s9+$0xFFFFFF70]  }
0x245: {  	[tilespmem:s13+$0xFFFFFFF0] =	vst v12;
	(erf) = vrcp.f32 v7  }
0x246: {  	[tilespmem:s13+$0xD0] =	vst v2;
	v2 =	vld [tilespmem:s9+$0xFFFFFFC0];
	(erf) = vrcp.f32 v8  }
0x247: {  	(erf) = vrcp.f32 v9  }
0x248: {  	v11 =	vnsel vm9, $0x0, v14;
	[tilespmem:s13+$0xE0] =	vst v1;
	v1 =	vld [tilespmem:s9+$0xFFFFFFD0];
	vm12 =	vgt.f32 v4, $0.0e+00;
	(erf) = vrcp.f32 v5  }
0x249: {  	(erf) = vrcp.f32 v4;
	vm0 =	vgt.f32 v3, $0.0e+00;
	v4 =	vimm.s32 $0x0  }
0x24a: {  	v12 =	vnsel vm1, $0x0, v13;
	vm7 =	vgt.f32 v6, $0.0e+00;
	v4 =	vsel vm0, $0xFFFFFFFF, v4  }
0x24b: {  	[tilespmem:s13+$0x40] =	vst v11;
	v6 =	vld [tilespmem:s9+$0x130];
	(erf) = vrcp.f32 v3;
	vm0 =	vgt.f32 v2, $0.0e+00;
	v3 =	vimm.s32 $0x0  }
0x24c: {  	[tilespmem:s13+$0x50] =	vst v12;
	vm13 =	vgt.f32 v5, $0.0e+00;
	v5 =	vld [tilespmem:s9+$0xFFFFFFE0];
	v3 =	vsel vm0, $0xFFFFFFFF, v3  }
0x24d: {  	[tilespmem:$0x1FFD0] =	vst v4;
	v4 =	vld [tilespmem:s9+$0xFFFFFFF0];
	(erf) = vrcp.f32 v2;
	vm0 =	vgt.f32 v1, $0.0e+00;
	v2 =	vimm.s32 $0x0  }
0x24e: {  	[tilespmem:$0x1FFE0] =	vst v3;
	v3 =	vld [tilespmem:s9+$0x40];
	v2 =	vsel vm0, $0xFFFFFFFF, v2  }
0x24f: {  	(erf) = vrcp.f32 v1;
	v1 =	vpop (erf);
	[tilespmem:$0x1FFF0] =	vst v2;
	v2 =	vld [tilespmem:s9+$0x50]  }
0x250: {  	vm8 =	vgt.f32 v7, $0.0e+00;
	v7 =	vld [tilespmem:s9+$0x60];
	v1 =	vmul.f32 v1, v6;
	v6 =	vpop (erf)  }
0x251: {  	vm14 =	vgt.f32 v8, $0.0e+00;
	vm15 =	vgt.f32 v9, $0.0e+00;
	v8 =	vld [tilespmem:s9+$0x70];
	v9 =	vpop (erf);
	(erf) = vrcp.f32 v5  }
0x252: {  	v10 =	vpop (erf);
	(erf) = vrcp.f32 v4  }
0x253: {  	v11 =	vpop (erf);
	(erf) = vrcp.f32 v3  }
0x254: {  	vm9 =	vgt.f32 v3, $0.0e+00;
	v3 =	vpop (erf);
	(erf) = vrcp.f32 v2  }
0x255: {  	v12 =	vpop (erf);
	(erf) = vrcp.f32 v7  }
0x256: {  	vm5 =	vgt.f32 v8, $0.0e+00;
	v13 =	vpop (erf);
	(erf) = vrcp.f32 v8;
	v8 =	vld [tilespmem:s9+$0xFFFFFF10]  }
0x257: {  	vm0 =	vgt.f32 v15, $0.0e+00;
	vm10 =	vgt.f32 v5, $0.0e+00;
	v5 =	vld [tilespmem:s9+$0xC0]  }
0x258: {  	v1 =	vnsel vm0, $0x0, v1;
	vm11 =	vgt.f32 v4, $0.0e+00;
	v4 =	vld [tilespmem:s9+$0xD0]  }
0x259: {  	[tilespmem:s9+$0xF0] =	vst v1;
	v1 =	vld [tilespmem:s9+$0xE0]  }
0x25a: {  	vm1 =	vgt.f32 v2, $0.0e+00;
	v2 =	vld [tilespmem:s9+$0xFFFFFEC0]  }
0x25b: {  	v22 =	vmul.f32 v6, v8;
	v6 =	vld [tilespmem:s9+$0xFFFFFFA0]  }
0x25c: {  	vm3 =	vgt.f32 v5, $0.0e+00;
	v14 =	vpop (erf);
	(erf) = vrcp.f32 v5;
	v5 =	vld [tilespmem:s9+$0xFFFFFF20]  }
0x25d: {  	v15 =	vpop (erf);
	(erf) = vrcp.f32 v4  }
0x25e: {  	v16 =	vld [tilespmem:s9+$0xFFFFFF80];
	(erf) = vrcp.f32 v1  }
0x25f: {  	vm4 =	vgt.f32 v4, $0.0e+00;
	v4 =	vld [tilespmem:s9+$0xFFFFFF30];
	v17 =	vpop (erf);
	(erf) = vrcp.f32 v2  }
0x260: {  	v18 =	vld [tilespmem:s9+$0xFFFFFF90];
	v19 =	vpop (erf);
	v6 =	vmul.f32 v12, v6  }
0x261: {  	v20 =	vpop (erf);
	v23 =	vmul.f32 v9, v5;
	v5 =	vld [tilespmem:s9+$0xFFFFFFB0]  }
0x262: {  	vm2 =	vgt.f32 v7, $0.0e+00;
	v9 =	vld [tilespmem:s9+$0x0];
	v21 =	vpop (erf);
	v6 =	vnsel vm12, $0x0, v6  }
0x263: {  	vm6 =	vgt.f32 v1, $0.0e+00;
	vm0 =	vgt.f32 v2, $0.0e+00;
	v8 =	vnsel vm7, $0x0, v22;
	v1 =	vpop (erf);
	[tilespmem:s9+$0xFFFFFF60] =	vst v6;
	v6 =	vld [tilespmem:$0x1FFD0]  }
0x264: {  	v7 =	vld [tilespmem:s9+$0xFFFFFF00];
	v24 =	vmul.f32 v10, v4;
	v10 =	vmul.f32 v11, v16;
	[tilespmem:s9+$0xFFFFFED0] =	vst v8;
	v8 =	vnsel vm8, $0x0, v23;
	v2 =	vpop (erf)  }
0x265: {  	[tilespmem:s9+$0xFFFFFEE0] =	vst v8;
	v8 =	vmul.f32 v3, v18;
	v3 =	vpop (erf)  }
0x266: {  	v10 =	vnsel vm15, $0x0, v10;
	v4 =	vpop (erf)  }
0x267: {  	[tilespmem:s9+$0xFFFFFF40] =	vst v10;
	v8 =	vnsel vm13, $0x0, v8;
	v10 =	vmul.f32 v13, v5;
	v5 =	vpop (erf)  }
0x268: {  	[tilespmem:s9+$0xFFFFFF50] =	vst v8;
	v8 =	vmul.f32 v14, v9;
	v9 =	vpop (erf);
	vm7 =	vnez.u8 v6  }
0x269: {  	v9 =	vmul.f32 v9, v7;
	v7 =	vnsel vm7, $0x0, v10  }
0x26a: {  	[tilespmem:s9+$0xFFFFFF70] =	vst v7;
	v7 =	vld [tilespmem:$0x1FFE0];
	_ =	sdelay $0x3  }
0x26b: {  	v62 =	vld [tilespmem:s9+$0x20]  }
0x26c: {  	v11 =	vld [tilespmem:s9+$0x10];
	vm7 =	vnez.u8 v7  }
0x26d: {  	v12 =	vld [tilespmem:s9+$0x30];
	v8 =	vnsel vm7, $0x0, v8  }
0x26e: {  	[tilespmem:s9+$0xFFFFFFC0] =	vst v8;
	v8 =	vld [tilespmem:$0x1FFF0]  }
0x26f: {  	s14 =	sadd.s32 $0x5, s14;
	v13 =	vld [tilespmem:s9+$0x80]  }
0x270: {  	p0 =	slt.u32 s14, $0x78;
	v63 =	vld [tilespmem:s9+$0x90];
	v9 =	vnsel vm0, $0x0, v9  }
.Ltmp19:
0x271: {  	[tilespmem:s9+$0xFFFFFEC0] =	vst v9;
	v9 =	vld [tilespmem:s9+$0x110];
	(pc) =	sbr.rel @p0 .LBB2_35-.Ltmp19, $4  }
0x272: {  	v61 =	vnsel vm14, $0x0, v24;
	v6 =	vld [tilespmem:s9+$0xA0];
	v10 =	vmul.f32 v15, v11  }
0x273: {  	v12 =	vmul.f32 v19, v12;
	v11 =	vmul.f32 v17, v62;
	v7 =	vld [tilespmem:s9+$0xB0];
	vm0 =	vnez.u8 v8  }
0x274: {  	s13 =	smov.u32 s9;
	[tilespmem:s9+$0xFFFFFEF0] =	vst v61;
	v14 =	vmul.f32 v20, v13;
	v8 =	vld [tilespmem:s9+$0x100];
	v10 =	vnsel vm0, $0x0, v10  }
0x275: {  	v13 =	vmul.f32 v21, v63;
	v12 =	vnsel vm11, $0x0, v12;
	v11 =	vnsel vm10, $0x0, v11;
	s9 =	sadd.s32 $0x280, s9;
	[tilespmem:s13+$0xFFFFFFD0] =	vst v10;
	v10 =	vld [tilespmem:s13+$0x120]  }
0x276: {  	[tilespmem:s13+$0xFFFFFFE0] =	vst v11  }
0x277: {  	v62 =	vnsel vm9, $0x0, v14;
	[tilespmem:s13+$0xFFFFFFF0] =	vst v12;
	v1 =	vmul.f32 v1, v6  }
0x278: {  	v63 =	vnsel vm1, $0x0, v13;
	[tilespmem:s13+$0x40] =	vst v62;
	v2 =	vmul.f32 v2, v7  }
0x279: {  	[tilespmem:s13+$0x50] =	vst v63;
	v1 =	vnsel vm2, $0x0, v1;
	v3 =	vmul.f32 v3, v8  }
0x27a: {  	v4 =	vmul.f32 v4, v9;
	v2 =	vnsel vm5, $0x0, v2;
	[tilespmem:s13+$0x60] =	vst v1  }
0x27b: {  	v1 =	vnsel vm3, $0x0, v3;
	v3 =	vmul.f32 v5, v10;
	[tilespmem:s13+$0x70] =	vst v2  }
0x27c: {  	v2 =	vnsel vm4, $0x0, v4;
	[tilespmem:s13+$0xC0] =	vst v1  }
0x27d: {  	s9 =	simm.s32 $0x0;
	[tilespmem:s13+$0xD0] =	vst v2;
	v1 =	vnsel vm6, $0x0, v3  }
0x27e: {  	s2 =	sadd.s32 $0x0, s18;
	s1 =	simm.s32 $0x80;
	[tilespmem:s13+$0xE0] =	vst v1;
	s13 =	simm.s32 $0x10  }
.LBB2_37:
0x27f: {  	[hbm4b:s2+s5] =	stream.linear.scatter [tilespmem:s9], [sflag:$0x7], $0x40, $0x38;
	[tilespmem:$0x1F580] =	vst v63  }
0x280: {  	s2 =	smov.u32 s13;
	s9 =	smov.u32 s1;
	p0 =	sne.s32 s13, $0x7C0  }
.Ltmp20:
0x281: {  	s13 =	sadd.s32 $0x10, s13;
	(pc) =	sbr.rel @p0 .LBB2_37-.Ltmp20, $2  }
0x282: {  	_ =	sdelay $0x2  }
0x283: {  	s1 =	sadd.s32 $0x80, s1;
	s2 =	sadd.s32 s2, s18  }
0x284: {  	[hbm4b:s2+s5] =	stream.linear.scatter [tilespmem:s9], [sflag:$0x7], $0x40, $0x38;
	[tilespmem:$0x1F580] =	vst v63  }
0x285: {  	_ =	swait.ge [sflag:s28], $0x1F40  }
0x286: {  	[sflag:s28] =	ssyncset.done $0x0  }
0x287: {  	s1 =	rddreg [dreg:$0x6];
	[sflag:s28] =	ssyncadd.s32 $0xFFFFE0C0  }
0x288: {  	[tilespmem:s5], [sflag:$0x7] =	stream.linear.gather [spmem:s1], $0x3E80, $0x38;
	[tilespmem:$0x1F580] =	vst v63  }
0x289: {  	_ =	swait.ge [sflag:s28], $0x3E80  }
0x28a: {  	[sflag:s28] =	ssyncset.done $0x0  }
0x28b: {  	s13 =	simm.s32 $0x140;
	[sflag:s28] =	ssyncadd.s32 $0xFFFFC180  }
0x28c: {  	v1 =	vld [tilespmem:s13+$0xF0]  }
0x28d: {  	v2 =	vld [tilespmem:s13+$0xFFFFFED0]  }
0x28e: {  	v3 =	vld [tilespmem:s13+$0xFFFFFEE0]  }
0x28f: {  	v4 =	vld [tilespmem:s13+$0xFFFFFEF0]  }
0x290: {  	v5 =	vld [tilespmem:s13+$0xFFFFFF40]  }
0x291: {  	v6 =	vld [tilespmem:s13+$0xFFFFFF50]  }
0x292: {  	v7 =	vld [tilespmem:s13+$0xFFFFFF60];
	(erf) = vrcp.f32 v1  }
0x293: {  	v8 =	vld [tilespmem:s13+$0xFFFFFF70]  }
0x294: {  	v9 =	vld [tilespmem:s13+$0xFFFFFFC0]  }
0x295: {  	v10 =	vld [tilespmem:s13+$0xFFFFFFD0];
	(erf) = vrcp.f32 v2  }
0x296: {  	v11 =	vld [tilespmem:s13+$0x130];
	(erf) = vrcp.f32 v3  }
0x297: {  	v12 =	vld [tilespmem:s13+$0xFFFFFFE0];
	(erf) = vrcp.f32 v4  }
0x298: {  	v13 =	vld [tilespmem:s13+$0xFFFFFFF0];
	(erf) = vrcp.f32 v5  }
0x299: {  	v14 =	vld [tilespmem:s13+$0x40];
	(erf) = vrcp.f32 v6  }
0x29a: {  	v15 =	vld [tilespmem:s13+$0x50];
	(erf) = vrcp.f32 v7  }
0x29b: {  	v17 =	vld [tilespmem:s13+$0x60];
	(erf) = vrcp.f32 v8;
	v16 =	vpop (erf)  }
0x29c: {  	v59 =	vld [tilespmem:s13+$0x70];
	(erf) = vrcp.f32 v9;
	v11 =	vmul.f32 v16, v11  }
0x29d: {  	v19 =	vld [tilespmem:s13+$0xC0];
	vm0 =	vgt.f32 v1, $0.0e+00;
	(erf) = vrcp.f32 v10  }
0x29e: {  	v20 =	vld [tilespmem:s13+$0xD0];
	v18 =	vpop (erf);
	(erf) = vrcp.f32 v12;
	v11 =	vnsel vm0, $0x0, v11  }
0x29f: {  	v22 =	vld [tilespmem:s13+$0xE0];
	v1 =	vpop (erf);
	(erf) = vrcp.f32 v13  }
0x2a0: {  	v24 =	vld [tilespmem:s13+$0xFFFFFEC0];
	v21 =	vpop (erf);
	(erf) = vrcp.f32 v14  }
0x2a1: {  	v26 =	vld [tilespmem:s13+$0xFFFFFF00];
	[tilespmem:s13+$0xF0] =	vst v11;
	v11 =	vpop (erf);
	(erf) = vrcp.f32 v15  }
0x2a2: {  	v28 =	vld [tilespmem:s13+$0xFFFFFF10];
	v23 =	vpop (erf);
	(erf) = vrcp.f32 v17  }
0x2a3: {  	v32 =	vld [tilespmem:s13+$0xFFFFFF30];
	v25 =	vpop (erf);
	(erf) = vrcp.f32 v59  }
0x2a4: {  	v30 =	vld [tilespmem:s13+$0xFFFFFF20];
	v27 =	vpop (erf);
	(erf) = vrcp.f32 v19  }
0x2a5: {  	v33 =	vld [tilespmem:s13+$0xFFFFFF80];
	vm1 =	vgt.f32 v3, $0.0e+00;
	vm4 =	vgt.f32 v4, $0.0e+00;
	v29 =	vpop (erf);
	(erf) = vrcp.f32 v20  }
0x2a6: {  	vm5 =	vgt.f32 v5, $0.0e+00;
	vm7 =	vgt.f32 v6, $0.0e+00;
	v3 =	vld [tilespmem:s13+$0xFFFFFF90];
	v31 =	vpop (erf);
	(erf) = vrcp.f32 v22  }
0x2a7: {  	vm8 =	vgt.f32 v7, $0.0e+00;
	vm2 =	vgt.f32 v8, $0.0e+00;
	v4 =	vld [tilespmem:s13+$0xFFFFFFA0];
	(erf) = vrcp.f32 v24;
	v34 =	vpop (erf)  }
0x2a8: {  	v6 =	vld [tilespmem:s13+$0xFFFFFFB0];
	vm0 =	vgt.f32 v2, $0.0e+00;
	v2 =	vmul.f32 v18, v28;
	v8 =	vmul.f32 v21, v32;
	v35 =	vpop (erf)  }
0x2a9: {  	vm3 =	vgt.f32 v9, $0.0e+00;
	vm6 =	vgt.f32 v13, $0.0e+00;
	v9 =	vld [tilespmem:s13+$0x0];
	v5 =	vmul.f32 v1, v30;
	v60 =	vpop (erf)  }
0x2aa: {  	v7 =	vnsel vm0, $0x0, v2;
	v8 =	vnsel vm4, $0x0, v8;
	vm4 =	vgt.f32 v12, $0.0e+00;
	v12 =	vld [tilespmem:s13+$0x20];
	v61 =	vpop (erf)  }
0x2ab: {  	v5 =	vnsel vm1, $0x0, v5;
	vm0 =	vgt.f32 v10, $0.0e+00;
	[tilespmem:s13+$0xFFFFFED0] =	vst v7;
	v10 =	vmul.f32 v11, v33;
	v11 =	vld [tilespmem:s13+$0x10];
	v1 =	vpop (erf)  }
0x2ac: {  	v62 =	vld [tilespmem:s13+$0x30];
	vm9 =	vgt.f32 v14, $0.0e+00;
	[tilespmem:s13+$0xFFFFFEE0] =	vst v5;
	v7 =	vmul.f32 v23, v3;
	v13 =	vmul.f32 v25, v4;
	v2 =	vpop (erf)  }
0x2ad: {  	vm1 =	vgt.f32 v15, $0.0e+00;
	[tilespmem:s13+$0xFFFFFEF0] =	vst v8;
	v10 =	vnsel vm5, $0x0, v10;
	v6 =	vmul.f32 v27, v6;
	v3 =	vpop (erf)  }
0x2ae: {  	vm5 =	vgt.f32 v59, $0.0e+00;
	v7 =	vnsel vm7, $0x0, v7;
	[tilespmem:s13+$0xFFFFFF40] =	vst v10;
	v10 =	vld [tilespmem:s13+$0x80];
	v9 =	vmul.f32 v29, v9;
	v4 =	vpop (erf)  }
0x2af: {  	v15 =	vld [tilespmem:s13+$0x90];
	v8 =	vnsel vm8, $0x0, v13;
	[tilespmem:s13+$0xFFFFFF50] =	vst v7;
	v14 =	vnsel vm2, $0x0, v6;
	vm2 =	vgt.f32 v17, $0.0e+00;
	v5 =	vpop (erf)  }
0x2b0: {  	v7 =	vld [tilespmem:s13+$0xB0];
	[tilespmem:s13+$0xFFFFFF60] =	vst v8;
	v8 =	vmul.f32 v31, v11;
	v9 =	vnsel vm3, $0x0, v9;
	v11 =	vmul.f32 v34, v12;
	v13 =	vpop (erf)  }
0x2b1: {  	v6 =	vld [tilespmem:s13+$0xA0];
	vm3 =	vgt.f32 v24, $0.0e+00;
	[tilespmem:s13+$0xFFFFFF70] =	vst v14;
	v12 =	vmul.f32 v35, v62;
	v13 =	vmul.f32 v13, v26  }
0x2b2: {  	v63 =	vnsel vm0, $0x0, v8;
	[tilespmem:s13+$0xFFFFFFC0] =	vst v9;
	v8 =	vld [tilespmem:s13+$0x100];
	v11 =	vnsel vm4, $0x0, v11;
	vm4 =	vgt.f32 v20, $0.0e+00  }
0x2b3: {  	v9 =	vld [tilespmem:s13+$0x110];
	v14 =	vmul.f32 v60, v10;
	[tilespmem:s13+$0xFFFFFFD0] =	vst v63;
	v12 =	vnsel vm6, $0x0, v12;
	v13 =	vnsel vm3, $0x0, v13  }
0x2b4: {  	s14 =	simm.s32 $0x0;
	s9 =	simm.s32 $0x3C0;
	v10 =	vld [tilespmem:s13+$0x120];
	vm6 =	vgt.f32 v22, $0.0e+00;
	vm3 =	vgt.f32 v19, $0.0e+00;
	[tilespmem:s13+$0xFFFFFEC0] =	vst v13;
	v13 =	vmul.f32 v61, v15  }
.LBB2_39:
0x2b5: {  	v15 =	vld [tilespmem:s9+$0xF0]  }
0x2b6: {  	v1 =	vmul.f32 v1, v6;
	v6 =	vld [tilespmem:s9+$0xFFFFFED0]  }
0x2b7: {  	v2 =	vmul.f32 v2, v7;
	v7 =	vld [tilespmem:s9+$0xFFFFFEE0]  }
0x2b8: {  	v3 =	vmul.f32 v3, v8;
	v8 =	vld [tilespmem:s9+$0xFFFFFEF0]  }
0x2b9: {  	[tilespmem:s13+$0xFFFFFFE0] =	vst v11;
	v4 =	vmul.f32 v4, v9;
	v9 =	vld [tilespmem:s9+$0xFFFFFF40];
	v1 =	vnsel vm2, $0x0, v1  }
0x2ba: {  	v2 =	vnsel vm5, $0x0, v2;
	[tilespmem:s13+$0x60] =	vst v1;
	v1 =	vnsel vm3, $0x0, v3;
	v3 =	vmul.f32 v5, v10;
	v5 =	vld [tilespmem:s9+$0xFFFFFF50]  }
0x2bb: {  	(erf) = vrcp.f32 v15;
	[tilespmem:s13+$0x70] =	vst v2;
	v2 =	vnsel vm4, $0x0, v4;
	v4 =	vld [tilespmem:s9+$0xFFFFFF60]  }
0x2bc: {  	[tilespmem:s13+$0xC0] =	vst v1;
	(erf) = vrcp.f32 v6;
	v1 =	vnsel vm6, $0x0, v3;
	v3 =	vld [tilespmem:s9+$0xFFFFFF70]  }
0x2bd: {  	[tilespmem:s13+$0xFFFFFFF0] =	vst v12;
	(erf) = vrcp.f32 v7  }
0x2be: {  	[tilespmem:s13+$0xD0] =	vst v2;
	v2 =	vld [tilespmem:s9+$0xFFFFFFC0];
	(erf) = vrcp.f32 v8  }
0x2bf: {  	(erf) = vrcp.f32 v9  }
0x2c0: {  	v11 =	vnsel vm9, $0x0, v14;
	[tilespmem:s13+$0xE0] =	vst v1;
	v1 =	vld [tilespmem:s9+$0xFFFFFFD0];
	vm12 =	vgt.f32 v4, $0.0e+00;
	(erf) = vrcp.f32 v5  }
0x2c1: {  	(erf) = vrcp.f32 v4;
	vm0 =	vgt.f32 v3, $0.0e+00;
	v4 =	vimm.s32 $0x0  }
0x2c2: {  	v12 =	vnsel vm1, $0x0, v13;
	vm7 =	vgt.f32 v6, $0.0e+00;
	v4 =	vsel vm0, $0xFFFFFFFF, v4  }
0x2c3: {  	[tilespmem:s13+$0x40] =	vst v11;
	v6 =	vld [tilespmem:s9+$0x130];
	(erf) = vrcp.f32 v3;
	vm0 =	vgt.f32 v2, $0.0e+00;
	v3 =	vimm.s32 $0x0  }
0x2c4: {  	[tilespmem:s13+$0x50] =	vst v12;
	vm13 =	vgt.f32 v5, $0.0e+00;
	v5 =	vld [tilespmem:s9+$0xFFFFFFE0];
	v3 =	vsel vm0, $0xFFFFFFFF, v3  }
0x2c5: {  	[tilespmem:$0x1FFA0] =	vst v4;
	v4 =	vld [tilespmem:s9+$0xFFFFFFF0];
	(erf) = vrcp.f32 v2;
	vm0 =	vgt.f32 v1, $0.0e+00;
	v2 =	vimm.s32 $0x0  }
0x2c6: {  	[tilespmem:$0x1FFB0] =	vst v3;
	v3 =	vld [tilespmem:s9+$0x40];
	v2 =	vsel vm0, $0xFFFFFFFF, v2  }
0x2c7: {  	(erf) = vrcp.f32 v1;
	v1 =	vpop (erf);
	[tilespmem:$0x1FFC0] =	vst v2;
	v2 =	vld [tilespmem:s9+$0x50]  }
0x2c8: {  	vm8 =	vgt.f32 v7, $0.0e+00;
	v7 =	vld [tilespmem:s9+$0x60];
	v1 =	vmul.f32 v1, v6;
	v6 =	vpop (erf)  }
0x2c9: {  	vm14 =	vgt.f32 v8, $0.0e+00;
	vm15 =	vgt.f32 v9, $0.0e+00;
	v8 =	vld [tilespmem:s9+$0x70];
	v9 =	vpop (erf);
	(erf) = vrcp.f32 v5  }
0x2ca: {  	v10 =	vpop (erf);
	(erf) = vrcp.f32 v4  }
0x2cb: {  	v11 =	vpop (erf);
	(erf) = vrcp.f32 v3  }
0x2cc: {  	vm9 =	vgt.f32 v3, $0.0e+00;
	v3 =	vpop (erf);
	(erf) = vrcp.f32 v2  }
0x2cd: {  	v12 =	vpop (erf);
	(erf) = vrcp.f32 v7  }
0x2ce: {  	vm5 =	vgt.f32 v8, $0.0e+00;
	v13 =	vpop (erf);
	(erf) = vrcp.f32 v8;
	v8 =	vld [tilespmem:s9+$0xFFFFFF10]  }
0x2cf: {  	vm0 =	vgt.f32 v15, $0.0e+00;
	vm10 =	vgt.f32 v5, $0.0e+00;
	v5 =	vld [tilespmem:s9+$0xC0]  }
0x2d0: {  	v1 =	vnsel vm0, $0x0, v1;
	vm11 =	vgt.f32 v4, $0.0e+00;
	v4 =	vld [tilespmem:s9+$0xD0]  }
0x2d1: {  	[tilespmem:s9+$0xF0] =	vst v1;
	v1 =	vld [tilespmem:s9+$0xE0]  }
0x2d2: {  	vm1 =	vgt.f32 v2, $0.0e+00;
	v2 =	vld [tilespmem:s9+$0xFFFFFEC0]  }
0x2d3: {  	v22 =	vmul.f32 v6, v8;
	v6 =	vld [tilespmem:s9+$0xFFFFFFA0]  }
0x2d4: {  	vm3 =	vgt.f32 v5, $0.0e+00;
	v14 =	vpop (erf);
	(erf) = vrcp.f32 v5;
	v5 =	vld [tilespmem:s9+$0xFFFFFF20]  }
0x2d5: {  	v15 =	vpop (erf);
	(erf) = vrcp.f32 v4  }
0x2d6: {  	v16 =	vld [tilespmem:s9+$0xFFFFFF80];
	(erf) = vrcp.f32 v1  }
0x2d7: {  	vm4 =	vgt.f32 v4, $0.0e+00;
	v4 =	vld [tilespmem:s9+$0xFFFFFF30];
	v17 =	vpop (erf);
	(erf) = vrcp.f32 v2  }
0x2d8: {  	v18 =	vld [tilespmem:s9+$0xFFFFFF90];
	v19 =	vpop (erf);
	v6 =	vmul.f32 v12, v6  }
0x2d9: {  	v20 =	vpop (erf);
	v23 =	vmul.f32 v9, v5;
	v5 =	vld [tilespmem:s9+$0xFFFFFFB0]  }
0x2da: {  	vm2 =	vgt.f32 v7, $0.0e+00;
	v9 =	vld [tilespmem:s9+$0x0];
	v21 =	vpop (erf);
	v6 =	vnsel vm12, $0x0, v6  }
0x2db: {  	vm6 =	vgt.f32 v1, $0.0e+00;
	vm0 =	vgt.f32 v2, $0.0e+00;
	v8 =	vnsel vm7, $0x0, v22;
	v1 =	vpop (erf);
	[tilespmem:s9+$0xFFFFFF60] =	vst v6;
	v6 =	vld [tilespmem:$0x1FFA0]  }
0x2dc: {  	v7 =	vld [tilespmem:s9+$0xFFFFFF00];
	v24 =	vmul.f32 v10, v4;
	v10 =	vmul.f32 v11, v16;
	[tilespmem:s9+$0xFFFFFED0] =	vst v8;
	v8 =	vnsel vm8, $0x0, v23;
	v2 =	vpop (erf)  }
0x2dd: {  	[tilespmem:s9+$0xFFFFFEE0] =	vst v8;
	v8 =	vmul.f32 v3, v18;
	v3 =	vpop (erf)  }
0x2de: {  	v10 =	vnsel vm15, $0x0, v10;
	v4 =	vpop (erf)  }
0x2df: {  	[tilespmem:s9+$0xFFFFFF40] =	vst v10;
	v8 =	vnsel vm13, $0x0, v8;
	v10 =	vmul.f32 v13, v5;
	v5 =	vpop (erf)  }
0x2e0: {  	[tilespmem:s9+$0xFFFFFF50] =	vst v8;
	v8 =	vmul.f32 v14, v9;
	v9 =	vpop (erf);
	vm7 =	vnez.u8 v6  }
0x2e1: {  	v9 =	vmul.f32 v9, v7;
	v7 =	vnsel vm7, $0x0, v10  }
0x2e2: {  	[tilespmem:s9+$0xFFFFFF70] =	vst v7;
	v7 =	vld [tilespmem:$0x1FFB0];
	_ =	sdelay $0x3  }
0x2e3: {  	v62 =	vld [tilespmem:s9+$0x20]  }
0x2e4: {  	v11 =	vld [tilespmem:s9+$0x10];
	vm7 =	vnez.u8 v7  }
0x2e5: {  	v12 =	vld [tilespmem:s9+$0x30];
	v8 =	vnsel vm7, $0x0, v8  }
0x2e6: {  	[tilespmem:s9+$0xFFFFFFC0] =	vst v8;
	v8 =	vld [tilespmem:$0x1FFC0]  }
0x2e7: {  	s14 =	sadd.s32 $0x5, s14;
	v13 =	vld [tilespmem:s9+$0x80]  }
0x2e8: {  	p0 =	slt.u32 s14, $0x78;
	v63 =	vld [tilespmem:s9+$0x90];
	v9 =	vnsel vm0, $0x0, v9  }
.Ltmp21:
0x2e9: {  	[tilespmem:s9+$0xFFFFFEC0] =	vst v9;
	v9 =	vld [tilespmem:s9+$0x110];
	(pc) =	sbr.rel @p0 .LBB2_39-.Ltmp21, $4  }
0x2ea: {  	v61 =	vnsel vm14, $0x0, v24;
	v6 =	vld [tilespmem:s9+$0xA0];
	v10 =	vmul.f32 v15, v11  }
0x2eb: {  	v12 =	vmul.f32 v19, v12;
	v11 =	vmul.f32 v17, v62;
	v7 =	vld [tilespmem:s9+$0xB0];
	vm0 =	vnez.u8 v8  }
0x2ec: {  	s13 =	smov.u32 s9;
	[tilespmem:s9+$0xFFFFFEF0] =	vst v61;
	v14 =	vmul.f32 v20, v13;
	v8 =	vld [tilespmem:s9+$0x100];
	v10 =	vnsel vm0, $0x0, v10  }
0x2ed: {  	v13 =	vmul.f32 v21, v63;
	v12 =	vnsel vm11, $0x0, v12;
	v11 =	vnsel vm10, $0x0, v11;
	s9 =	sadd.s32 $0x280, s9;
	[tilespmem:s13+$0xFFFFFFD0] =	vst v10;
	v10 =	vld [tilespmem:s13+$0x120]  }
0x2ee: {  	[tilespmem:s13+$0xFFFFFFE0] =	vst v11  }
0x2ef: {  	v62 =	vnsel vm9, $0x0, v14;
	[tilespmem:s13+$0xFFFFFFF0] =	vst v12;
	v1 =	vmul.f32 v1, v6  }
0x2f0: {  	v63 =	vnsel vm1, $0x0, v13;
	[tilespmem:s13+$0x40] =	vst v62;
	v2 =	vmul.f32 v2, v7  }
0x2f1: {  	[tilespmem:s13+$0x50] =	vst v63;
	v1 =	vnsel vm2, $0x0, v1;
	v3 =	vmul.f32 v3, v8  }
0x2f2: {  	v4 =	vmul.f32 v4, v9;
	v2 =	vnsel vm5, $0x0, v2;
	[tilespmem:s13+$0x60] =	vst v1  }
0x2f3: {  	v1 =	vnsel vm3, $0x0, v3;
	v3 =	vmul.f32 v5, v10;
	[tilespmem:s13+$0x70] =	vst v2  }
0x2f4: {  	v2 =	vnsel vm4, $0x0, v4;
	[tilespmem:s13+$0xC0] =	vst v1  }
0x2f5: {  	s9 =	simm.s32 $0x0;
	[tilespmem:s13+$0xD0] =	vst v2;
	v1 =	vnsel vm6, $0x0, v3  }
0x2f6: {  	s2 =	sadd.s32 $0x0, s19;
	s1 =	simm.s32 $0x80;
	[tilespmem:s13+$0xE0] =	vst v1;
	s13 =	simm.s32 $0x10  }
.LBB2_41:
0x2f7: {  	[hbm4b:s2+s5] =	stream.linear.scatter [tilespmem:s9], [sflag:$0x7], $0x40, $0x38;
	[tilespmem:$0x1F580] =	vst v63  }
0x2f8: {  	s2 =	smov.u32 s13;
	s9 =	smov.u32 s1;
	p0 =	sne.s32 s13, $0x7C0  }
.Ltmp22:
0x2f9: {  	s13 =	sadd.s32 $0x10, s13;
	(pc) =	sbr.rel @p0 .LBB2_41-.Ltmp22, $2  }
0x2fa: {  	_ =	sdelay $0x2  }
0x2fb: {  	s1 =	sadd.s32 $0x80, s1;
	s2 =	sadd.s32 s2, s19  }
0x2fc: {  	[hbm4b:s2+s5] =	stream.linear.scatter [tilespmem:s9], [sflag:$0x7], $0x40, $0x38;
	[tilespmem:$0x1F580] =	vst v63  }
0x2fd: {  	_ =	swait.ge [sflag:s28], $0x1F40  }
0x2fe: {  	[sflag:s28] =	ssyncset.done $0x0  }
0x2ff: {  	s1 =	rddreg [dreg:$0x7];
	[sflag:s28] =	ssyncadd.s32 $0xFFFFE0C0  }
0x300: {  	[tilespmem:s5], [sflag:$0x7] =	stream.linear.gather [spmem:s1], $0x3E80, $0x38;
	[tilespmem:$0x1F580] =	vst v63  }
0x301: {  	_ =	swait.ge [sflag:s28], $0x3E80  }
0x302: {  	[sflag:s28] =	ssyncset.done $0x0  }
0x303: {  	s13 =	simm.s32 $0x140;
	[sflag:s28] =	ssyncadd.s32 $0xFFFFC180  }
0x304: {  	v1 =	vld [tilespmem:s13+$0xF0]  }
0x305: {  	v2 =	vld [tilespmem:s13+$0xFFFFFED0]  }
0x306: {  	v3 =	vld [tilespmem:s13+$0xFFFFFEE0]  }
0x307: {  	v4 =	vld [tilespmem:s13+$0xFFFFFEF0]  }
0x308: {  	v5 =	vld [tilespmem:s13+$0xFFFFFF40]  }
0x309: {  	v6 =	vld [tilespmem:s13+$0xFFFFFF50]  }
0x30a: {  	v7 =	vld [tilespmem:s13+$0xFFFFFF60];
	(erf) = vrcp.f32 v1  }
0x30b: {  	v8 =	vld [tilespmem:s13+$0xFFFFFF70]  }
0x30c: {  	v9 =	vld [tilespmem:s13+$0xFFFFFFC0]  }
0x30d: {  	v10 =	vld [tilespmem:s13+$0xFFFFFFD0];
	(erf) = vrcp.f32 v2  }
0x30e: {  	v11 =	vld [tilespmem:s13+$0x130];
	(erf) = vrcp.f32 v3  }
0x30f: {  	v12 =	vld [tilespmem:s13+$0xFFFFFFE0];
	(erf) = vrcp.f32 v4  }
0x310: {  	v13 =	vld [tilespmem:s13+$0xFFFFFFF0];
	(erf) = vrcp.f32 v5  }
0x311: {  	v14 =	vld [tilespmem:s13+$0x40];
	(erf) = vrcp.f32 v6  }
0x312: {  	v15 =	vld [tilespmem:s13+$0x50];
	(erf) = vrcp.f32 v7  }
0x313: {  	v17 =	vld [tilespmem:s13+$0x60];
	(erf) = vrcp.f32 v8;
	v16 =	vpop (erf)  }
0x314: {  	v59 =	vld [tilespmem:s13+$0x70];
	(erf) = vrcp.f32 v9;
	v11 =	vmul.f32 v16, v11  }
0x315: {  	v19 =	vld [tilespmem:s13+$0xC0];
	vm0 =	vgt.f32 v1, $0.0e+00;
	(erf) = vrcp.f32 v10  }
0x316: {  	v20 =	vld [tilespmem:s13+$0xD0];
	v18 =	vpop (erf);
	(erf) = vrcp.f32 v12;
	v11 =	vnsel vm0, $0x0, v11  }
0x317: {  	v22 =	vld [tilespmem:s13+$0xE0];
	v1 =	vpop (erf);
	(erf) = vrcp.f32 v13  }
0x318: {  	v24 =	vld [tilespmem:s13+$0xFFFFFEC0];
	v21 =	vpop (erf);
	(erf) = vrcp.f32 v14  }
0x319: {  	v26 =	vld [tilespmem:s13+$0xFFFFFF00];
	[tilespmem:s13+$0xF0] =	vst v11;
	v11 =	vpop (erf);
	(erf) = vrcp.f32 v15  }
0x31a: {  	v28 =	vld [tilespmem:s13+$0xFFFFFF10];
	v23 =	vpop (erf);
	(erf) = vrcp.f32 v17  }
0x31b: {  	v32 =	vld [tilespmem:s13+$0xFFFFFF30];
	v25 =	vpop (erf);
	(erf) = vrcp.f32 v59  }
0x31c: {  	v30 =	vld [tilespmem:s13+$0xFFFFFF20];
	v27 =	vpop (erf);
	(erf) = vrcp.f32 v19  }
0x31d: {  	v33 =	vld [tilespmem:s13+$0xFFFFFF80];
	vm1 =	vgt.f32 v3, $0.0e+00;
	vm4 =	vgt.f32 v4, $0.0e+00;
	v29 =	vpop (erf);
	(erf) = vrcp.f32 v20  }
0x31e: {  	vm5 =	vgt.f32 v5, $0.0e+00;
	vm7 =	vgt.f32 v6, $0.0e+00;
	v3 =	vld [tilespmem:s13+$0xFFFFFF90];
	v31 =	vpop (erf);
	(erf) = vrcp.f32 v22  }
0x31f: {  	vm8 =	vgt.f32 v7, $0.0e+00;
	vm2 =	vgt.f32 v8, $0.0e+00;
	v4 =	vld [tilespmem:s13+$0xFFFFFFA0];
	(erf) = vrcp.f32 v24;
	v34 =	vpop (erf)  }
0x320: {  	v6 =	vld [tilespmem:s13+$0xFFFFFFB0];
	vm0 =	vgt.f32 v2, $0.0e+00;
	v2 =	vmul.f32 v18, v28;
	v8 =	vmul.f32 v21, v32;
	v35 =	vpop (erf)  }
0x321: {  	vm3 =	vgt.f32 v9, $0.0e+00;
	vm6 =	vgt.f32 v13, $0.0e+00;
	v9 =	vld [tilespmem:s13+$0x0];
	v5 =	vmul.f32 v1, v30;
	v60 =	vpop (erf)  }
0x322: {  	v7 =	vnsel vm0, $0x0, v2;
	v8 =	vnsel vm4, $0x0, v8;
	vm4 =	vgt.f32 v12, $0.0e+00;
	v12 =	vld [tilespmem:s13+$0x20];
	v61 =	vpop (erf)  }
0x323: {  	v5 =	vnsel vm1, $0x0, v5;
	vm0 =	vgt.f32 v10, $0.0e+00;
	[tilespmem:s13+$0xFFFFFED0] =	vst v7;
	v10 =	vmul.f32 v11, v33;
	v11 =	vld [tilespmem:s13+$0x10];
	v1 =	vpop (erf)  }
0x324: {  	v62 =	vld [tilespmem:s13+$0x30];
	vm9 =	vgt.f32 v14, $0.0e+00;
	[tilespmem:s13+$0xFFFFFEE0] =	vst v5;
	v7 =	vmul.f32 v23, v3;
	v13 =	vmul.f32 v25, v4;
	v2 =	vpop (erf)  }
0x325: {  	vm1 =	vgt.f32 v15, $0.0e+00;
	[tilespmem:s13+$0xFFFFFEF0] =	vst v8;
	v10 =	vnsel vm5, $0x0, v10;
	v6 =	vmul.f32 v27, v6;
	v3 =	vpop (erf)  }
0x326: {  	vm5 =	vgt.f32 v59, $0.0e+00;
	v7 =	vnsel vm7, $0x0, v7;
	[tilespmem:s13+$0xFFFFFF40] =	vst v10;
	v10 =	vld [tilespmem:s13+$0x80];
	v9 =	vmul.f32 v29, v9;
	v4 =	vpop (erf)  }
0x327: {  	v15 =	vld [tilespmem:s13+$0x90];
	v8 =	vnsel vm8, $0x0, v13;
	[tilespmem:s13+$0xFFFFFF50] =	vst v7;
	v14 =	vnsel vm2, $0x0, v6;
	vm2 =	vgt.f32 v17, $0.0e+00;
	v5 =	vpop (erf)  }
0x328: {  	v7 =	vld [tilespmem:s13+$0xB0];
	[tilespmem:s13+$0xFFFFFF60] =	vst v8;
	v8 =	vmul.f32 v31, v11;
	v9 =	vnsel vm3, $0x0, v9;
	v11 =	vmul.f32 v34, v12;
	v13 =	vpop (erf)  }
0x329: {  	v6 =	vld [tilespmem:s13+$0xA0];
	vm3 =	vgt.f32 v24, $0.0e+00;
	[tilespmem:s13+$0xFFFFFF70] =	vst v14;
	v12 =	vmul.f32 v35, v62;
	v13 =	vmul.f32 v13, v26  }
0x32a: {  	v63 =	vnsel vm0, $0x0, v8;
	[tilespmem:s13+$0xFFFFFFC0] =	vst v9;
	v8 =	vld [tilespmem:s13+$0x100];
	v11 =	vnsel vm4, $0x0, v11;
	vm4 =	vgt.f32 v20, $0.0e+00  }
0x32b: {  	v9 =	vld [tilespmem:s13+$0x110];
	v14 =	vmul.f32 v60, v10;
	[tilespmem:s13+$0xFFFFFFD0] =	vst v63;
	v12 =	vnsel vm6, $0x0, v12;
	v13 =	vnsel vm3, $0x0, v13  }
0x32c: {  	s14 =	simm.s32 $0x0;
	s9 =	simm.s32 $0x3C0;
	v10 =	vld [tilespmem:s13+$0x120];
	vm6 =	vgt.f32 v22, $0.0e+00;
	vm3 =	vgt.f32 v19, $0.0e+00;
	[tilespmem:s13+$0xFFFFFEC0] =	vst v13;
	v13 =	vmul.f32 v61, v15  }
.LBB2_43:
0x32d: {  	v15 =	vld [tilespmem:s9+$0xF0]  }
0x32e: {  	v1 =	vmul.f32 v1, v6;
	v6 =	vld [tilespmem:s9+$0xFFFFFED0]  }
0x32f: {  	v2 =	vmul.f32 v2, v7;
	v7 =	vld [tilespmem:s9+$0xFFFFFEE0]  }
0x330: {  	v3 =	vmul.f32 v3, v8;
	v8 =	vld [tilespmem:s9+$0xFFFFFEF0]  }
0x331: {  	[tilespmem:s13+$0xFFFFFFE0] =	vst v11;
	v4 =	vmul.f32 v4, v9;
	v9 =	vld [tilespmem:s9+$0xFFFFFF40];
	v1 =	vnsel vm2, $0x0, v1  }
0x332: {  	v2 =	vnsel vm5, $0x0, v2;
	[tilespmem:s13+$0x60] =	vst v1;
	v1 =	vnsel vm3, $0x0, v3;
	v3 =	vmul.f32 v5, v10;
	v5 =	vld [tilespmem:s9+$0xFFFFFF50]  }
0x333: {  	(erf) = vrcp.f32 v15;
	[tilespmem:s13+$0x70] =	vst v2;
	v2 =	vnsel vm4, $0x0, v4;
	v4 =	vld [tilespmem:s9+$0xFFFFFF60]  }
0x334: {  	[tilespmem:s13+$0xC0] =	vst v1;
	(erf) = vrcp.f32 v6;
	v1 =	vnsel vm6, $0x0, v3;
	v3 =	vld [tilespmem:s9+$0xFFFFFF70]  }
0x335: {  	[tilespmem:s13+$0xFFFFFFF0] =	vst v12;
	(erf) = vrcp.f32 v7  }
0x336: {  	[tilespmem:s13+$0xD0] =	vst v2;
	v2 =	vld [tilespmem:s9+$0xFFFFFFC0];
	(erf) = vrcp.f32 v8  }
0x337: {  	(erf) = vrcp.f32 v9  }
0x338: {  	v11 =	vnsel vm9, $0x0, v14;
	[tilespmem:s13+$0xE0] =	vst v1;
	v1 =	vld [tilespmem:s9+$0xFFFFFFD0];
	vm12 =	vgt.f32 v4, $0.0e+00;
	(erf) = vrcp.f32 v5  }
0x339: {  	(erf) = vrcp.f32 v4;
	vm0 =	vgt.f32 v3, $0.0e+00;
	v4 =	vimm.s32 $0x0  }
0x33a: {  	v12 =	vnsel vm1, $0x0, v13;
	vm7 =	vgt.f32 v6, $0.0e+00;
	v4 =	vsel vm0, $0xFFFFFFFF, v4  }
0x33b: {  	[tilespmem:s13+$0x40] =	vst v11;
	v6 =	vld [tilespmem:s9+$0x130];
	(erf) = vrcp.f32 v3;
	vm0 =	vgt.f32 v2, $0.0e+00;
	v3 =	vimm.s32 $0x0  }
0x33c: {  	[tilespmem:s13+$0x50] =	vst v12;
	vm13 =	vgt.f32 v5, $0.0e+00;
	v5 =	vld [tilespmem:s9+$0xFFFFFFE0];
	v3 =	vsel vm0, $0xFFFFFFFF, v3  }
0x33d: {  	[tilespmem:$0x1FF70] =	vst v4;
	v4 =	vld [tilespmem:s9+$0xFFFFFFF0];
	(erf) = vrcp.f32 v2;
	vm0 =	vgt.f32 v1, $0.0e+00;
	v2 =	vimm.s32 $0x0  }
0x33e: {  	[tilespmem:$0x1FF80] =	vst v3;
	v3 =	vld [tilespmem:s9+$0x40];
	v2 =	vsel vm0, $0xFFFFFFFF, v2  }
0x33f: {  	(erf) = vrcp.f32 v1;
	v1 =	vpop (erf);
	[tilespmem:$0x1FF90] =	vst v2;
	v2 =	vld [tilespmem:s9+$0x50]  }
0x340: {  	vm8 =	vgt.f32 v7, $0.0e+00;
	v7 =	vld [tilespmem:s9+$0x60];
	v1 =	vmul.f32 v1, v6;
	v6 =	vpop (erf)  }
0x341: {  	vm14 =	vgt.f32 v8, $0.0e+00;
	vm15 =	vgt.f32 v9, $0.0e+00;
	v8 =	vld [tilespmem:s9+$0x70];
	v9 =	vpop (erf);
	(erf) = vrcp.f32 v5  }
0x342: {  	v10 =	vpop (erf);
	(erf) = vrcp.f32 v4  }
0x343: {  	v11 =	vpop (erf);
	(erf) = vrcp.f32 v3  }
0x344: {  	vm9 =	vgt.f32 v3, $0.0e+00;
	v3 =	vpop (erf);
	(erf) = vrcp.f32 v2  }
0x345: {  	v12 =	vpop (erf);
	(erf) = vrcp.f32 v7  }
0x346: {  	vm5 =	vgt.f32 v8, $0.0e+00;
	v13 =	vpop (erf);
	(erf) = vrcp.f32 v8;
	v8 =	vld [tilespmem:s9+$0xFFFFFF10]  }
0x347: {  	vm0 =	vgt.f32 v15, $0.0e+00;
	vm10 =	vgt.f32 v5, $0.0e+00;
	v5 =	vld [tilespmem:s9+$0xC0]  }
0x348: {  	v1 =	vnsel vm0, $0x0, v1;
	vm11 =	vgt.f32 v4, $0.0e+00;
	v4 =	vld [tilespmem:s9+$0xD0]  }
0x349: {  	[tilespmem:s9+$0xF0] =	vst v1;
	v1 =	vld [tilespmem:s9+$0xE0]  }
0x34a: {  	vm1 =	vgt.f32 v2, $0.0e+00;
	v2 =	vld [tilespmem:s9+$0xFFFFFEC0]  }
0x34b: {  	v22 =	vmul.f32 v6, v8;
	v6 =	vld [tilespmem:s9+$0xFFFFFFA0]  }
0x34c: {  	vm3 =	vgt.f32 v5, $0.0e+00;
	v14 =	vpop (erf);
	(erf) = vrcp.f32 v5;
	v5 =	vld [tilespmem:s9+$0xFFFFFF20]  }
0x34d: {  	v15 =	vpop (erf);
	(erf) = vrcp.f32 v4  }
0x34e: {  	v16 =	vld [tilespmem:s9+$0xFFFFFF80];
	(erf) = vrcp.f32 v1  }
0x34f: {  	vm4 =	vgt.f32 v4, $0.0e+00;
	v4 =	vld [tilespmem:s9+$0xFFFFFF30];
	v17 =	vpop (erf);
	(erf) = vrcp.f32 v2  }
0x350: {  	v18 =	vld [tilespmem:s9+$0xFFFFFF90];
	v19 =	vpop (erf);
	v6 =	vmul.f32 v12, v6  }
0x351: {  	v20 =	vpop (erf);
	v23 =	vmul.f32 v9, v5;
	v5 =	vld [tilespmem:s9+$0xFFFFFFB0]  }
0x352: {  	vm2 =	vgt.f32 v7, $0.0e+00;
	v9 =	vld [tilespmem:s9+$0x0];
	v21 =	vpop (erf);
	v6 =	vnsel vm12, $0x0, v6  }
0x353: {  	vm6 =	vgt.f32 v1, $0.0e+00;
	vm0 =	vgt.f32 v2, $0.0e+00;
	v8 =	vnsel vm7, $0x0, v22;
	v1 =	vpop (erf);
	[tilespmem:s9+$0xFFFFFF60] =	vst v6;
	v6 =	vld [tilespmem:$0x1FF70]  }
0x354: {  	v7 =	vld [tilespmem:s9+$0xFFFFFF00];
	v24 =	vmul.f32 v10, v4;
	v10 =	vmul.f32 v11, v16;
	[tilespmem:s9+$0xFFFFFED0] =	vst v8;
	v8 =	vnsel vm8, $0x0, v23;
	v2 =	vpop (erf)  }
0x355: {  	[tilespmem:s9+$0xFFFFFEE0] =	vst v8;
	v8 =	vmul.f32 v3, v18;
	v3 =	vpop (erf)  }
0x356: {  	v10 =	vnsel vm15, $0x0, v10;
	v4 =	vpop (erf)  }
0x357: {  	[tilespmem:s9+$0xFFFFFF40] =	vst v10;
	v8 =	vnsel vm13, $0x0, v8;
	v10 =	vmul.f32 v13, v5;
	v5 =	vpop (erf)  }
0x358: {  	[tilespmem:s9+$0xFFFFFF50] =	vst v8;
	v8 =	vmul.f32 v14, v9;
	v9 =	vpop (erf);
	vm7 =	vnez.u8 v6  }
0x359: {  	v9 =	vmul.f32 v9, v7;
	v7 =	vnsel vm7, $0x0, v10  }
0x35a: {  	[tilespmem:s9+$0xFFFFFF70] =	vst v7;
	v7 =	vld [tilespmem:$0x1FF80];
	_ =	sdelay $0x3  }
0x35b: {  	v62 =	vld [tilespmem:s9+$0x20]  }
0x35c: {  	v11 =	vld [tilespmem:s9+$0x10];
	vm7 =	vnez.u8 v7  }
0x35d: {  	v12 =	vld [tilespmem:s9+$0x30];
	v8 =	vnsel vm7, $0x0, v8  }
0x35e: {  	[tilespmem:s9+$0xFFFFFFC0] =	vst v8;
	v8 =	vld [tilespmem:$0x1FF90]  }
0x35f: {  	s14 =	sadd.s32 $0x5, s14;
	v13 =	vld [tilespmem:s9+$0x80]  }
0x360: {  	p0 =	slt.u32 s14, $0x78;
	v63 =	vld [tilespmem:s9+$0x90];
	v9 =	vnsel vm0, $0x0, v9  }
.Ltmp23:
0x361: {  	[tilespmem:s9+$0xFFFFFEC0] =	vst v9;
	v9 =	vld [tilespmem:s9+$0x110];
	(pc) =	sbr.rel @p0 .LBB2_43-.Ltmp23, $4  }
0x362: {  	v61 =	vnsel vm14, $0x0, v24;
	v6 =	vld [tilespmem:s9+$0xA0];
	v10 =	vmul.f32 v15, v11  }
0x363: {  	v12 =	vmul.f32 v19, v12;
	v11 =	vmul.f32 v17, v62;
	v7 =	vld [tilespmem:s9+$0xB0];
	vm0 =	vnez.u8 v8  }
0x364: {  	s13 =	smov.u32 s9;
	[tilespmem:s9+$0xFFFFFEF0] =	vst v61;
	v14 =	vmul.f32 v20, v13;
	v8 =	vld [tilespmem:s9+$0x100];
	v10 =	vnsel vm0, $0x0, v10  }
0x365: {  	v13 =	vmul.f32 v21, v63;
	v12 =	vnsel vm11, $0x0, v12;
	v11 =	vnsel vm10, $0x0, v11;
	s9 =	sadd.s32 $0x280, s9;
	[tilespmem:s13+$0xFFFFFFD0] =	vst v10;
	v10 =	vld [tilespmem:s13+$0x120]  }
0x366: {  	[tilespmem:s13+$0xFFFFFFE0] =	vst v11  }
0x367: {  	v62 =	vnsel vm9, $0x0, v14;
	[tilespmem:s13+$0xFFFFFFF0] =	vst v12;
	v1 =	vmul.f32 v1, v6  }
0x368: {  	v63 =	vnsel vm1, $0x0, v13;
	[tilespmem:s13+$0x40] =	vst v62;
	v2 =	vmul.f32 v2, v7  }
0x369: {  	[tilespmem:s13+$0x50] =	vst v63;
	v1 =	vnsel vm2, $0x0, v1;
	v3 =	vmul.f32 v3, v8  }
0x36a: {  	v4 =	vmul.f32 v4, v9;
	v2 =	vnsel vm5, $0x0, v2;
	[tilespmem:s13+$0x60] =	vst v1  }
0x36b: {  	v1 =	vnsel vm3, $0x0, v3;
	v3 =	vmul.f32 v5, v10;
	[tilespmem:s13+$0x70] =	vst v2  }
0x36c: {  	v2 =	vnsel vm4, $0x0, v4;
	[tilespmem:s13+$0xC0] =	vst v1  }
0x36d: {  	s9 =	simm.s32 $0x0;
	[tilespmem:s13+$0xD0] =	vst v2;
	v1 =	vnsel vm6, $0x0, v3  }
0x36e: {  	s2 =	sadd.s32 $0x0, s20;
	s1 =	simm.s32 $0x80;
	[tilespmem:s13+$0xE0] =	vst v1;
	s13 =	simm.s32 $0x10  }
.LBB2_45:
0x36f: {  	[hbm4b:s2+s5] =	stream.linear.scatter [tilespmem:s9], [sflag:$0x7], $0x40, $0x38;
	[tilespmem:$0x1F580] =	vst v63  }
0x370: {  	s2 =	smov.u32 s13;
	s9 =	smov.u32 s1;
	p0 =	sne.s32 s13, $0x7C0  }
.Ltmp24:
0x371: {  	s13 =	sadd.s32 $0x10, s13;
	(pc) =	sbr.rel @p0 .LBB2_45-.Ltmp24, $2  }
0x372: {  	_ =	sdelay $0x2  }
0x373: {  	s1 =	sadd.s32 $0x80, s1;
	s2 =	sadd.s32 s2, s20  }
0x374: {  	[hbm4b:s2+s5] =	stream.linear.scatter [tilespmem:s9], [sflag:$0x7], $0x40, $0x38;
	[tilespmem:$0x1F580] =	vst v63  }
0x375: {  	_ =	swait.ge [sflag:s28], $0x1F40  }
0x376: {  	[sflag:s28] =	ssyncset.done $0x0  }
0x377: {  	s1 =	rddreg [dreg:$0x8];
	[sflag:s28] =	ssyncadd.s32 $0xFFFFE0C0  }
0x378: {  	[tilespmem:s5], [sflag:$0x7] =	stream.linear.gather [spmem:s1], $0x3E80, $0x38;
	[tilespmem:$0x1F580] =	vst v63  }
0x379: {  	_ =	swait.ge [sflag:s28], $0x3E80  }
0x37a: {  	[sflag:s28] =	ssyncset.done $0x0  }
0x37b: {  	s13 =	simm.s32 $0x140;
	[sflag:s28] =	ssyncadd.s32 $0xFFFFC180  }
0x37c: {  	v1 =	vld [tilespmem:s13+$0xF0]  }
0x37d: {  	v2 =	vld [tilespmem:s13+$0xFFFFFED0]  }
0x37e: {  	v3 =	vld [tilespmem:s13+$0xFFFFFEE0]  }
0x37f: {  	v4 =	vld [tilespmem:s13+$0xFFFFFEF0]  }
0x380: {  	v5 =	vld [tilespmem:s13+$0xFFFFFF40]  }
0x381: {  	v6 =	vld [tilespmem:s13+$0xFFFFFF50]  }
0x382: {  	v7 =	vld [tilespmem:s13+$0xFFFFFF60];
	(erf) = vrcp.f32 v1  }
0x383: {  	v8 =	vld [tilespmem:s13+$0xFFFFFF70]  }
0x384: {  	v9 =	vld [tilespmem:s13+$0xFFFFFFC0]  }
0x385: {  	v10 =	vld [tilespmem:s13+$0xFFFFFFD0];
	(erf) = vrcp.f32 v2  }
0x386: {  	v11 =	vld [tilespmem:s13+$0x130];
	(erf) = vrcp.f32 v3  }
0x387: {  	v12 =	vld [tilespmem:s13+$0xFFFFFFE0];
	(erf) = vrcp.f32 v4  }
0x388: {  	v13 =	vld [tilespmem:s13+$0xFFFFFFF0];
	(erf) = vrcp.f32 v5  }
0x389: {  	v14 =	vld [tilespmem:s13+$0x40];
	(erf) = vrcp.f32 v6  }
0x38a: {  	v15 =	vld [tilespmem:s13+$0x50];
	(erf) = vrcp.f32 v7  }
0x38b: {  	v17 =	vld [tilespmem:s13+$0x60];
	(erf) = vrcp.f32 v8;
	v16 =	vpop (erf)  }
0x38c: {  	v59 =	vld [tilespmem:s13+$0x70];
	(erf) = vrcp.f32 v9;
	v11 =	vmul.f32 v16, v11  }
0x38d: {  	v19 =	vld [tilespmem:s13+$0xC0];
	vm0 =	vgt.f32 v1, $0.0e+00;
	(erf) = vrcp.f32 v10  }
0x38e: {  	v20 =	vld [tilespmem:s13+$0xD0];
	v18 =	vpop (erf);
	(erf) = vrcp.f32 v12;
	v11 =	vnsel vm0, $0x0, v11  }
0x38f: {  	v22 =	vld [tilespmem:s13+$0xE0];
	v1 =	vpop (erf);
	(erf) = vrcp.f32 v13  }
0x390: {  	v24 =	vld [tilespmem:s13+$0xFFFFFEC0];
	v21 =	vpop (erf);
	(erf) = vrcp.f32 v14  }
0x391: {  	v26 =	vld [tilespmem:s13+$0xFFFFFF00];
	[tilespmem:s13+$0xF0] =	vst v11;
	v11 =	vpop (erf);
	(erf) = vrcp.f32 v15  }
0x392: {  	v28 =	vld [tilespmem:s13+$0xFFFFFF10];
	v23 =	vpop (erf);
	(erf) = vrcp.f32 v17  }
0x393: {  	v32 =	vld [tilespmem:s13+$0xFFFFFF30];
	v25 =	vpop (erf);
	(erf) = vrcp.f32 v59  }
0x394: {  	v30 =	vld [tilespmem:s13+$0xFFFFFF20];
	v27 =	vpop (erf);
	(erf) = vrcp.f32 v19  }
0x395: {  	v33 =	vld [tilespmem:s13+$0xFFFFFF80];
	vm1 =	vgt.f32 v3, $0.0e+00;
	vm4 =	vgt.f32 v4, $0.0e+00;
	v29 =	vpop (erf);
	(erf) = vrcp.f32 v20  }
0x396: {  	vm5 =	vgt.f32 v5, $0.0e+00;
	vm7 =	vgt.f32 v6, $0.0e+00;
	v3 =	vld [tilespmem:s13+$0xFFFFFF90];
	v31 =	vpop (erf);
	(erf) = vrcp.f32 v22  }
0x397: {  	vm8 =	vgt.f32 v7, $0.0e+00;
	vm2 =	vgt.f32 v8, $0.0e+00;
	v4 =	vld [tilespmem:s13+$0xFFFFFFA0];
	(erf) = vrcp.f32 v24;
	v34 =	vpop (erf)  }
0x398: {  	v6 =	vld [tilespmem:s13+$0xFFFFFFB0];
	vm0 =	vgt.f32 v2, $0.0e+00;
	v2 =	vmul.f32 v18, v28;
	v8 =	vmul.f32 v21, v32;
	v35 =	vpop (erf)  }
0x399: {  	vm3 =	vgt.f32 v9, $0.0e+00;
	vm6 =	vgt.f32 v13, $0.0e+00;
	v9 =	vld [tilespmem:s13+$0x0];
	v5 =	vmul.f32 v1, v30;
	v60 =	vpop (erf)  }
0x39a: {  	v7 =	vnsel vm0, $0x0, v2;
	v8 =	vnsel vm4, $0x0, v8;
	vm4 =	vgt.f32 v12, $0.0e+00;
	v12 =	vld [tilespmem:s13+$0x20];
	v61 =	vpop (erf)  }
0x39b: {  	v5 =	vnsel vm1, $0x0, v5;
	vm0 =	vgt.f32 v10, $0.0e+00;
	[tilespmem:s13+$0xFFFFFED0] =	vst v7;
	v10 =	vmul.f32 v11, v33;
	v11 =	vld [tilespmem:s13+$0x10];
	v1 =	vpop (erf)  }
0x39c: {  	v62 =	vld [tilespmem:s13+$0x30];
	vm9 =	vgt.f32 v14, $0.0e+00;
	[tilespmem:s13+$0xFFFFFEE0] =	vst v5;
	v7 =	vmul.f32 v23, v3;
	v13 =	vmul.f32 v25, v4;
	v2 =	vpop (erf)  }
0x39d: {  	vm1 =	vgt.f32 v15, $0.0e+00;
	[tilespmem:s13+$0xFFFFFEF0] =	vst v8;
	v10 =	vnsel vm5, $0x0, v10;
	v6 =	vmul.f32 v27, v6;
	v3 =	vpop (erf)  }
0x39e: {  	vm5 =	vgt.f32 v59, $0.0e+00;
	v7 =	vnsel vm7, $0x0, v7;
	[tilespmem:s13+$0xFFFFFF40] =	vst v10;
	v10 =	vld [tilespmem:s13+$0x80];
	v9 =	vmul.f32 v29, v9;
	v4 =	vpop (erf)  }
0x39f: {  	v15 =	vld [tilespmem:s13+$0x90];
	v8 =	vnsel vm8, $0x0, v13;
	[tilespmem:s13+$0xFFFFFF50] =	vst v7;
	v14 =	vnsel vm2, $0x0, v6;
	vm2 =	vgt.f32 v17, $0.0e+00;
	v5 =	vpop (erf)  }
0x3a0: {  	v7 =	vld [tilespmem:s13+$0xB0];
	[tilespmem:s13+$0xFFFFFF60] =	vst v8;
	v8 =	vmul.f32 v31, v11;
	v9 =	vnsel vm3, $0x0, v9;
	v11 =	vmul.f32 v34, v12;
	v13 =	vpop (erf)  }
0x3a1: {  	v6 =	vld [tilespmem:s13+$0xA0];
	vm3 =	vgt.f32 v24, $0.0e+00;
	[tilespmem:s13+$0xFFFFFF70] =	vst v14;
	v12 =	vmul.f32 v35, v62;
	v13 =	vmul.f32 v13, v26  }
0x3a2: {  	v63 =	vnsel vm0, $0x0, v8;
	[tilespmem:s13+$0xFFFFFFC0] =	vst v9;
	v8 =	vld [tilespmem:s13+$0x100];
	v11 =	vnsel vm4, $0x0, v11;
	vm4 =	vgt.f32 v20, $0.0e+00  }
0x3a3: {  	v9 =	vld [tilespmem:s13+$0x110];
	v14 =	vmul.f32 v60, v10;
	[tilespmem:s13+$0xFFFFFFD0] =	vst v63;
	v12 =	vnsel vm6, $0x0, v12;
	v13 =	vnsel vm3, $0x0, v13  }
0x3a4: {  	s14 =	simm.s32 $0x0;
	s9 =	simm.s32 $0x3C0;
	v10 =	vld [tilespmem:s13+$0x120];
	vm6 =	vgt.f32 v22, $0.0e+00;
	vm3 =	vgt.f32 v19, $0.0e+00;
	[tilespmem:s13+$0xFFFFFEC0] =	vst v13;
	v13 =	vmul.f32 v61, v15  }
.LBB2_47:
0x3a5: {  	v15 =	vld [tilespmem:s9+$0xF0]  }
0x3a6: {  	v1 =	vmul.f32 v1, v6;
	v6 =	vld [tilespmem:s9+$0xFFFFFED0]  }
0x3a7: {  	v2 =	vmul.f32 v2, v7;
	v7 =	vld [tilespmem:s9+$0xFFFFFEE0]  }
0x3a8: {  	v3 =	vmul.f32 v3, v8;
	v8 =	vld [tilespmem:s9+$0xFFFFFEF0]  }
0x3a9: {  	[tilespmem:s13+$0xFFFFFFE0] =	vst v11;
	v4 =	vmul.f32 v4, v9;
	v9 =	vld [tilespmem:s9+$0xFFFFFF40];
	v1 =	vnsel vm2, $0x0, v1  }
0x3aa: {  	v2 =	vnsel vm5, $0x0, v2;
	[tilespmem:s13+$0x60] =	vst v1;
	v1 =	vnsel vm3, $0x0, v3;
	v3 =	vmul.f32 v5, v10;
	v5 =	vld [tilespmem:s9+$0xFFFFFF50]  }
0x3ab: {  	(erf) = vrcp.f32 v15;
	[tilespmem:s13+$0x70] =	vst v2;
	v2 =	vnsel vm4, $0x0, v4;
	v4 =	vld [tilespmem:s9+$0xFFFFFF60]  }
0x3ac: {  	[tilespmem:s13+$0xC0] =	vst v1;
	(erf) = vrcp.f32 v6;
	v1 =	vnsel vm6, $0x0, v3;
	v3 =	vld [tilespmem:s9+$0xFFFFFF70]  }
0x3ad: {  	[tilespmem:s13+$0xFFFFFFF0] =	vst v12;
	(erf) = vrcp.f32 v7  }
0x3ae: {  	[tilespmem:s13+$0xD0] =	vst v2;
	v2 =	vld [tilespmem:s9+$0xFFFFFFC0];
	(erf) = vrcp.f32 v8  }
0x3af: {  	(erf) = vrcp.f32 v9  }
0x3b0: {  	v11 =	vnsel vm9, $0x0, v14;
	[tilespmem:s13+$0xE0] =	vst v1;
	v1 =	vld [tilespmem:s9+$0xFFFFFFD0];
	vm12 =	vgt.f32 v4, $0.0e+00;
	(erf) = vrcp.f32 v5  }
0x3b1: {  	(erf) = vrcp.f32 v4;
	vm0 =	vgt.f32 v3, $0.0e+00;
	v4 =	vimm.s32 $0x0  }
0x3b2: {  	v12 =	vnsel vm1, $0x0, v13;
	vm7 =	vgt.f32 v6, $0.0e+00;
	v4 =	vsel vm0, $0xFFFFFFFF, v4  }
0x3b3: {  	[tilespmem:s13+$0x40] =	vst v11;
	v6 =	vld [tilespmem:s9+$0x130];
	(erf) = vrcp.f32 v3;
	vm0 =	vgt.f32 v2, $0.0e+00;
	v3 =	vimm.s32 $0x0  }
0x3b4: {  	[tilespmem:s13+$0x50] =	vst v12;
	vm13 =	vgt.f32 v5, $0.0e+00;
	v5 =	vld [tilespmem:s9+$0xFFFFFFE0];
	v3 =	vsel vm0, $0xFFFFFFFF, v3  }
0x3b5: {  	[tilespmem:$0x1FF40] =	vst v4;
	v4 =	vld [tilespmem:s9+$0xFFFFFFF0];
	(erf) = vrcp.f32 v2;
	vm0 =	vgt.f32 v1, $0.0e+00;
	v2 =	vimm.s32 $0x0  }
0x3b6: {  	[tilespmem:$0x1FF50] =	vst v3;
	v3 =	vld [tilespmem:s9+$0x40];
	v2 =	vsel vm0, $0xFFFFFFFF, v2  }
0x3b7: {  	(erf) = vrcp.f32 v1;
	v1 =	vpop (erf);
	[tilespmem:$0x1FF60] =	vst v2;
	v2 =	vld [tilespmem:s9+$0x50]  }
0x3b8: {  	vm8 =	vgt.f32 v7, $0.0e+00;
	v7 =	vld [tilespmem:s9+$0x60];
	v1 =	vmul.f32 v1, v6;
	v6 =	vpop (erf)  }
0x3b9: {  	vm14 =	vgt.f32 v8, $0.0e+00;
	vm15 =	vgt.f32 v9, $0.0e+00;
	v8 =	vld [tilespmem:s9+$0x70];
	v9 =	vpop (erf);
	(erf) = vrcp.f32 v5  }
0x3ba: {  	v10 =	vpop (erf);
	(erf) = vrcp.f32 v4  }
0x3bb: {  	v11 =	vpop (erf);
	(erf) = vrcp.f32 v3  }
0x3bc: {  	vm9 =	vgt.f32 v3, $0.0e+00;
	v3 =	vpop (erf);
	(erf) = vrcp.f32 v2  }
0x3bd: {  	v12 =	vpop (erf);
	(erf) = vrcp.f32 v7  }
0x3be: {  	vm5 =	vgt.f32 v8, $0.0e+00;
	v13 =	vpop (erf);
	(erf) = vrcp.f32 v8;
	v8 =	vld [tilespmem:s9+$0xFFFFFF10]  }
0x3bf: {  	vm0 =	vgt.f32 v15, $0.0e+00;
	vm10 =	vgt.f32 v5, $0.0e+00;
	v5 =	vld [tilespmem:s9+$0xC0]  }
0x3c0: {  	v1 =	vnsel vm0, $0x0, v1;
	vm11 =	vgt.f32 v4, $0.0e+00;
	v4 =	vld [tilespmem:s9+$0xD0]  }
0x3c1: {  	[tilespmem:s9+$0xF0] =	vst v1;
	v1 =	vld [tilespmem:s9+$0xE0]  }
0x3c2: {  	vm1 =	vgt.f32 v2, $0.0e+00;
	v2 =	vld [tilespmem:s9+$0xFFFFFEC0]  }
0x3c3: {  	v22 =	vmul.f32 v6, v8;
	v6 =	vld [tilespmem:s9+$0xFFFFFFA0]  }
0x3c4: {  	vm3 =	vgt.f32 v5, $0.0e+00;
	v14 =	vpop (erf);
	(erf) = vrcp.f32 v5;
	v5 =	vld [tilespmem:s9+$0xFFFFFF20]  }
0x3c5: {  	v15 =	vpop (erf);
	(erf) = vrcp.f32 v4  }
0x3c6: {  	v16 =	vld [tilespmem:s9+$0xFFFFFF80];
	(erf) = vrcp.f32 v1  }
0x3c7: {  	vm4 =	vgt.f32 v4, $0.0e+00;
	v4 =	vld [tilespmem:s9+$0xFFFFFF30];
	v17 =	vpop (erf);
	(erf) = vrcp.f32 v2  }
0x3c8: {  	v18 =	vld [tilespmem:s9+$0xFFFFFF90];
	v19 =	vpop (erf);
	v6 =	vmul.f32 v12, v6  }
0x3c9: {  	v20 =	vpop (erf);
	v23 =	vmul.f32 v9, v5;
	v5 =	vld [tilespmem:s9+$0xFFFFFFB0]  }
0x3ca: {  	vm2 =	vgt.f32 v7, $0.0e+00;
	v9 =	vld [tilespmem:s9+$0x0];
	v21 =	vpop (erf);
	v6 =	vnsel vm12, $0x0, v6  }
0x3cb: {  	vm6 =	vgt.f32 v1, $0.0e+00;
	vm0 =	vgt.f32 v2, $0.0e+00;
	v8 =	vnsel vm7, $0x0, v22;
	v1 =	vpop (erf);
	[tilespmem:s9+$0xFFFFFF60] =	vst v6;
	v6 =	vld [tilespmem:$0x1FF40]  }
0x3cc: {  	v7 =	vld [tilespmem:s9+$0xFFFFFF00];
	v24 =	vmul.f32 v10, v4;
	v10 =	vmul.f32 v11, v16;
	[tilespmem:s9+$0xFFFFFED0] =	vst v8;
	v8 =	vnsel vm8, $0x0, v23;
	v2 =	vpop (erf)  }
0x3cd: {  	[tilespmem:s9+$0xFFFFFEE0] =	vst v8;
	v8 =	vmul.f32 v3, v18;
	v3 =	vpop (erf)  }
0x3ce: {  	v10 =	vnsel vm15, $0x0, v10;
	v4 =	vpop (erf)  }
0x3cf: {  	[tilespmem:s9+$0xFFFFFF40] =	vst v10;
	v8 =	vnsel vm13, $0x0, v8;
	v10 =	vmul.f32 v13, v5;
	v5 =	vpop (erf)  }
0x3d0: {  	[tilespmem:s9+$0xFFFFFF50] =	vst v8;
	v8 =	vmul.f32 v14, v9;
	v9 =	vpop (erf);
	vm7 =	vnez.u8 v6  }
0x3d1: {  	v9 =	vmul.f32 v9, v7;
	v7 =	vnsel vm7, $0x0, v10  }
0x3d2: {  	[tilespmem:s9+$0xFFFFFF70] =	vst v7;
	v7 =	vld [tilespmem:$0x1FF50];
	_ =	sdelay $0x3  }
0x3d3: {  	v62 =	vld [tilespmem:s9+$0x20]  }
0x3d4: {  	v11 =	vld [tilespmem:s9+$0x10];
	vm7 =	vnez.u8 v7  }
0x3d5: {  	v12 =	vld [tilespmem:s9+$0x30];
	v8 =	vnsel vm7, $0x0, v8  }
0x3d6: {  	[tilespmem:s9+$0xFFFFFFC0] =	vst v8;
	v8 =	vld [tilespmem:$0x1FF60]  }
0x3d7: {  	s14 =	sadd.s32 $0x5, s14;
	v13 =	vld [tilespmem:s9+$0x80]  }
0x3d8: {  	p0 =	slt.u32 s14, $0x78;
	v63 =	vld [tilespmem:s9+$0x90];
	v9 =	vnsel vm0, $0x0, v9  }
.Ltmp25:
0x3d9: {  	[tilespmem:s9+$0xFFFFFEC0] =	vst v9;
	v9 =	vld [tilespmem:s9+$0x110];
	(pc) =	sbr.rel @p0 .LBB2_47-.Ltmp25, $4  }
0x3da: {  	v61 =	vnsel vm14, $0x0, v24;
	v6 =	vld [tilespmem:s9+$0xA0];
	v10 =	vmul.f32 v15, v11  }
0x3db: {  	v12 =	vmul.f32 v19, v12;
	v11 =	vmul.f32 v17, v62;
	v7 =	vld [tilespmem:s9+$0xB0];
	vm0 =	vnez.u8 v8  }
0x3dc: {  	s13 =	smov.u32 s9;
	[tilespmem:s9+$0xFFFFFEF0] =	vst v61;
	v14 =	vmul.f32 v20, v13;
	v8 =	vld [tilespmem:s9+$0x100];
	v10 =	vnsel vm0, $0x0, v10  }
0x3dd: {  	v13 =	vmul.f32 v21, v63;
	v12 =	vnsel vm11, $0x0, v12;
	v11 =	vnsel vm10, $0x0, v11;
	s9 =	sadd.s32 $0x280, s9;
	[tilespmem:s13+$0xFFFFFFD0] =	vst v10;
	v10 =	vld [tilespmem:s13+$0x120]  }
0x3de: {  	[tilespmem:s13+$0xFFFFFFE0] =	vst v11  }
0x3df: {  	v62 =	vnsel vm9, $0x0, v14;
	[tilespmem:s13+$0xFFFFFFF0] =	vst v12;
	v1 =	vmul.f32 v1, v6  }
0x3e0: {  	v63 =	vnsel vm1, $0x0, v13;
	[tilespmem:s13+$0x40] =	vst v62;
	v2 =	vmul.f32 v2, v7  }
0x3e1: {  	[tilespmem:s13+$0x50] =	vst v63;
	v1 =	vnsel vm2, $0x0, v1;
	v3 =	vmul.f32 v3, v8  }
0x3e2: {  	v4 =	vmul.f32 v4, v9;
	v2 =	vnsel vm5, $0x0, v2;
	[tilespmem:s13+$0x60] =	vst v1  }
0x3e3: {  	v1 =	vnsel vm3, $0x0, v3;
	v3 =	vmul.f32 v5, v10;
	[tilespmem:s13+$0x70] =	vst v2  }
0x3e4: {  	v2 =	vnsel vm4, $0x0, v4;
	[tilespmem:s13+$0xC0] =	vst v1  }
0x3e5: {  	s9 =	simm.s32 $0x0;
	[tilespmem:s13+$0xD0] =	vst v2;
	v1 =	vnsel vm6, $0x0, v3  }
0x3e6: {  	s2 =	sadd.s32 $0x0, s21;
	s1 =	simm.s32 $0x80;
	[tilespmem:s13+$0xE0] =	vst v1;
	s13 =	simm.s32 $0x10  }
.LBB2_49:
0x3e7: {  	[hbm4b:s2+s5] =	stream.linear.scatter [tilespmem:s9], [sflag:$0x7], $0x40, $0x38;
	[tilespmem:$0x1F580] =	vst v63  }
0x3e8: {  	s2 =	smov.u32 s13;
	s9 =	smov.u32 s1;
	p0 =	sne.s32 s13, $0x7C0  }
.Ltmp26:
0x3e9: {  	s13 =	sadd.s32 $0x10, s13;
	(pc) =	sbr.rel @p0 .LBB2_49-.Ltmp26, $2  }
0x3ea: {  	_ =	sdelay $0x2  }
0x3eb: {  	s1 =	sadd.s32 $0x80, s1;
	s2 =	sadd.s32 s2, s21  }
0x3ec: {  	[hbm4b:s2+s5] =	stream.linear.scatter [tilespmem:s9], [sflag:$0x7], $0x40, $0x38;
	[tilespmem:$0x1F580] =	vst v63  }
0x3ed: {  	_ =	swait.ge [sflag:s28], $0x1F40  }
0x3ee: {  	[sflag:s28] =	ssyncset.done $0x0  }
0x3ef: {  	s1 =	rddreg [dreg:$0x9];
	[sflag:s28] =	ssyncadd.s32 $0xFFFFE0C0  }
0x3f0: {  	[tilespmem:s5], [sflag:$0x7] =	stream.linear.gather [spmem:s1], $0x3E80, $0x38;
	[tilespmem:$0x1F580] =	vst v63  }
0x3f1: {  	_ =	swait.ge [sflag:s28], $0x3E80  }
0x3f2: {  	[sflag:s28] =	ssyncset.done $0x0  }
0x3f3: {  	s13 =	simm.s32 $0x140;
	[sflag:s28] =	ssyncadd.s32 $0xFFFFC180  }
0x3f4: {  	v1 =	vld [tilespmem:s13+$0xF0]  }
0x3f5: {  	v2 =	vld [tilespmem:s13+$0xFFFFFED0]  }
0x3f6: {  	v3 =	vld [tilespmem:s13+$0xFFFFFEE0]  }
0x3f7: {  	v4 =	vld [tilespmem:s13+$0xFFFFFEF0]  }
0x3f8: {  	v5 =	vld [tilespmem:s13+$0xFFFFFF40]  }
0x3f9: {  	v6 =	vld [tilespmem:s13+$0xFFFFFF50]  }
0x3fa: {  	v7 =	vld [tilespmem:s13+$0xFFFFFF60];
	(erf) = vrcp.f32 v1  }
0x3fb: {  	v8 =	vld [tilespmem:s13+$0xFFFFFF70]  }
0x3fc: {  	v9 =	vld [tilespmem:s13+$0xFFFFFFC0]  }
0x3fd: {  	v10 =	vld [tilespmem:s13+$0xFFFFFFD0];
	(erf) = vrcp.f32 v2  }
0x3fe: {  	v11 =	vld [tilespmem:s13+$0x130];
	(erf) = vrcp.f32 v3  }
0x3ff: {  	v12 =	vld [tilespmem:s13+$0xFFFFFFE0];
	(erf) = vrcp.f32 v4  }
0x400: {  	v13 =	vld [tilespmem:s13+$0xFFFFFFF0];
	(erf) = vrcp.f32 v5  }
0x401: {  	v14 =	vld [tilespmem:s13+$0x40];
	(erf) = vrcp.f32 v6  }
0x402: {  	v15 =	vld [tilespmem:s13+$0x50];
	(erf) = vrcp.f32 v7  }
0x403: {  	v17 =	vld [tilespmem:s13+$0x60];
	(erf) = vrcp.f32 v8;
	v16 =	vpop (erf)  }
0x404: {  	v59 =	vld [tilespmem:s13+$0x70];
	(erf) = vrcp.f32 v9;
	v11 =	vmul.f32 v16, v11  }
0x405: {  	v19 =	vld [tilespmem:s13+$0xC0];
	vm0 =	vgt.f32 v1, $0.0e+00;
	(erf) = vrcp.f32 v10  }
0x406: {  	v20 =	vld [tilespmem:s13+$0xD0];
	v18 =	vpop (erf);
	(erf) = vrcp.f32 v12;
	v11 =	vnsel vm0, $0x0, v11  }
0x407: {  	v22 =	vld [tilespmem:s13+$0xE0];
	v1 =	vpop (erf);
	(erf) = vrcp.f32 v13  }
0x408: {  	v24 =	vld [tilespmem:s13+$0xFFFFFEC0];
	v21 =	vpop (erf);
	(erf) = vrcp.f32 v14  }
0x409: {  	v26 =	vld [tilespmem:s13+$0xFFFFFF00];
	[tilespmem:s13+$0xF0] =	vst v11;
	v11 =	vpop (erf);
	(erf) = vrcp.f32 v15  }
0x40a: {  	v28 =	vld [tilespmem:s13+$0xFFFFFF10];
	v23 =	vpop (erf);
	(erf) = vrcp.f32 v17  }
0x40b: {  	v32 =	vld [tilespmem:s13+$0xFFFFFF30];
	v25 =	vpop (erf);
	(erf) = vrcp.f32 v59  }
0x40c: {  	v30 =	vld [tilespmem:s13+$0xFFFFFF20];
	v27 =	vpop (erf);
	(erf) = vrcp.f32 v19  }
0x40d: {  	v33 =	vld [tilespmem:s13+$0xFFFFFF80];
	vm1 =	vgt.f32 v3, $0.0e+00;
	vm4 =	vgt.f32 v4, $0.0e+00;
	v29 =	vpop (erf);
	(erf) = vrcp.f32 v20  }
0x40e: {  	vm5 =	vgt.f32 v5, $0.0e+00;
	vm7 =	vgt.f32 v6, $0.0e+00;
	v3 =	vld [tilespmem:s13+$0xFFFFFF90];
	v31 =	vpop (erf);
	(erf) = vrcp.f32 v22  }
0x40f: {  	vm8 =	vgt.f32 v7, $0.0e+00;
	vm2 =	vgt.f32 v8, $0.0e+00;
	v4 =	vld [tilespmem:s13+$0xFFFFFFA0];
	(erf) = vrcp.f32 v24;
	v34 =	vpop (erf)  }
0x410: {  	v6 =	vld [tilespmem:s13+$0xFFFFFFB0];
	vm0 =	vgt.f32 v2, $0.0e+00;
	v2 =	vmul.f32 v18, v28;
	v8 =	vmul.f32 v21, v32;
	v35 =	vpop (erf)  }
0x411: {  	vm3 =	vgt.f32 v9, $0.0e+00;
	vm6 =	vgt.f32 v13, $0.0e+00;
	v9 =	vld [tilespmem:s13+$0x0];
	v5 =	vmul.f32 v1, v30;
	v60 =	vpop (erf)  }
0x412: {  	v7 =	vnsel vm0, $0x0, v2;
	v8 =	vnsel vm4, $0x0, v8;
	vm4 =	vgt.f32 v12, $0.0e+00;
	v12 =	vld [tilespmem:s13+$0x20];
	v61 =	vpop (erf)  }
0x413: {  	v5 =	vnsel vm1, $0x0, v5;
	vm0 =	vgt.f32 v10, $0.0e+00;
	[tilespmem:s13+$0xFFFFFED0] =	vst v7;
	v10 =	vmul.f32 v11, v33;
	v11 =	vld [tilespmem:s13+$0x10];
	v1 =	vpop (erf)  }
0x414: {  	v62 =	vld [tilespmem:s13+$0x30];
	vm9 =	vgt.f32 v14, $0.0e+00;
	[tilespmem:s13+$0xFFFFFEE0] =	vst v5;
	v7 =	vmul.f32 v23, v3;
	v13 =	vmul.f32 v25, v4;
	v2 =	vpop (erf)  }
0x415: {  	vm1 =	vgt.f32 v15, $0.0e+00;
	[tilespmem:s13+$0xFFFFFEF0] =	vst v8;
	v10 =	vnsel vm5, $0x0, v10;
	v6 =	vmul.f32 v27, v6;
	v3 =	vpop (erf)  }
0x416: {  	vm5 =	vgt.f32 v59, $0.0e+00;
	v7 =	vnsel vm7, $0x0, v7;
	[tilespmem:s13+$0xFFFFFF40] =	vst v10;
	v10 =	vld [tilespmem:s13+$0x80];
	v9 =	vmul.f32 v29, v9;
	v4 =	vpop (erf)  }
0x417: {  	v15 =	vld [tilespmem:s13+$0x90];
	v8 =	vnsel vm8, $0x0, v13;
	[tilespmem:s13+$0xFFFFFF50] =	vst v7;
	v14 =	vnsel vm2, $0x0, v6;
	vm2 =	vgt.f32 v17, $0.0e+00;
	v5 =	vpop (erf)  }
0x418: {  	v7 =	vld [tilespmem:s13+$0xB0];
	[tilespmem:s13+$0xFFFFFF60] =	vst v8;
	v8 =	vmul.f32 v31, v11;
	v9 =	vnsel vm3, $0x0, v9;
	v11 =	vmul.f32 v34, v12;
	v13 =	vpop (erf)  }
0x419: {  	v6 =	vld [tilespmem:s13+$0xA0];
	vm3 =	vgt.f32 v24, $0.0e+00;
	[tilespmem:s13+$0xFFFFFF70] =	vst v14;
	v12 =	vmul.f32 v35, v62;
	v13 =	vmul.f32 v13, v26  }
0x41a: {  	v63 =	vnsel vm0, $0x0, v8;
	[tilespmem:s13+$0xFFFFFFC0] =	vst v9;
	v8 =	vld [tilespmem:s13+$0x100];
	v11 =	vnsel vm4, $0x0, v11;
	vm4 =	vgt.f32 v20, $0.0e+00  }
0x41b: {  	v9 =	vld [tilespmem:s13+$0x110];
	v14 =	vmul.f32 v60, v10;
	[tilespmem:s13+$0xFFFFFFD0] =	vst v63;
	v12 =	vnsel vm6, $0x0, v12;
	v13 =	vnsel vm3, $0x0, v13  }
0x41c: {  	s14 =	simm.s32 $0x0;
	s9 =	simm.s32 $0x3C0;
	v10 =	vld [tilespmem:s13+$0x120];
	vm6 =	vgt.f32 v22, $0.0e+00;
	vm3 =	vgt.f32 v19, $0.0e+00;
	[tilespmem:s13+$0xFFFFFEC0] =	vst v13;
	v13 =	vmul.f32 v61, v15  }
.LBB2_51:
0x41d: {  	v15 =	vld [tilespmem:s9+$0xF0]  }
0x41e: {  	v1 =	vmul.f32 v1, v6;
	v6 =	vld [tilespmem:s9+$0xFFFFFED0]  }
0x41f: {  	v2 =	vmul.f32 v2, v7;
	v7 =	vld [tilespmem:s9+$0xFFFFFEE0]  }
0x420: {  	v3 =	vmul.f32 v3, v8;
	v8 =	vld [tilespmem:s9+$0xFFFFFEF0]  }
0x421: {  	[tilespmem:s13+$0xFFFFFFE0] =	vst v11;
	v4 =	vmul.f32 v4, v9;
	v9 =	vld [tilespmem:s9+$0xFFFFFF40];
	v1 =	vnsel vm2, $0x0, v1  }
0x422: {  	v2 =	vnsel vm5, $0x0, v2;
	[tilespmem:s13+$0x60] =	vst v1;
	v1 =	vnsel vm3, $0x0, v3;
	v3 =	vmul.f32 v5, v10;
	v5 =	vld [tilespmem:s9+$0xFFFFFF50]  }
0x423: {  	(erf) = vrcp.f32 v15;
	[tilespmem:s13+$0x70] =	vst v2;
	v2 =	vnsel vm4, $0x0, v4;
	v4 =	vld [tilespmem:s9+$0xFFFFFF60]  }
0x424: {  	[tilespmem:s13+$0xC0] =	vst v1;
	(erf) = vrcp.f32 v6;
	v1 =	vnsel vm6, $0x0, v3;
	v3 =	vld [tilespmem:s9+$0xFFFFFF70]  }
0x425: {  	[tilespmem:s13+$0xFFFFFFF0] =	vst v12;
	(erf) = vrcp.f32 v7  }
0x426: {  	[tilespmem:s13+$0xD0] =	vst v2;
	v2 =	vld [tilespmem:s9+$0xFFFFFFC0];
	(erf) = vrcp.f32 v8  }
0x427: {  	(erf) = vrcp.f32 v9  }
0x428: {  	v11 =	vnsel vm9, $0x0, v14;
	[tilespmem:s13+$0xE0] =	vst v1;
	v1 =	vld [tilespmem:s9+$0xFFFFFFD0];
	vm12 =	vgt.f32 v4, $0.0e+00;
	(erf) = vrcp.f32 v5  }
0x429: {  	(erf) = vrcp.f32 v4;
	vm0 =	vgt.f32 v3, $0.0e+00;
	v4 =	vimm.s32 $0x0  }
0x42a: {  	v12 =	vnsel vm1, $0x0, v13;
	vm7 =	vgt.f32 v6, $0.0e+00;
	v4 =	vsel vm0, $0xFFFFFFFF, v4  }
0x42b: {  	[tilespmem:s13+$0x40] =	vst v11;
	v6 =	vld [tilespmem:s9+$0x130];
	(erf) = vrcp.f32 v3;
	vm0 =	vgt.f32 v2, $0.0e+00;
	v3 =	vimm.s32 $0x0  }
0x42c: {  	[tilespmem:s13+$0x50] =	vst v12;
	vm13 =	vgt.f32 v5, $0.0e+00;
	v5 =	vld [tilespmem:s9+$0xFFFFFFE0];
	v3 =	vsel vm0, $0xFFFFFFFF, v3  }
0x42d: {  	[tilespmem:$0x1FF10] =	vst v4;
	v4 =	vld [tilespmem:s9+$0xFFFFFFF0];
	(erf) = vrcp.f32 v2;
	vm0 =	vgt.f32 v1, $0.0e+00;
	v2 =	vimm.s32 $0x0  }
0x42e: {  	[tilespmem:$0x1FF20] =	vst v3;
	v3 =	vld [tilespmem:s9+$0x40];
	v2 =	vsel vm0, $0xFFFFFFFF, v2  }
0x42f: {  	(erf) = vrcp.f32 v1;
	v1 =	vpop (erf);
	[tilespmem:$0x1FF30] =	vst v2;
	v2 =	vld [tilespmem:s9+$0x50]  }
0x430: {  	vm8 =	vgt.f32 v7, $0.0e+00;
	v7 =	vld [tilespmem:s9+$0x60];
	v1 =	vmul.f32 v1, v6;
	v6 =	vpop (erf)  }
0x431: {  	vm14 =	vgt.f32 v8, $0.0e+00;
	vm15 =	vgt.f32 v9, $0.0e+00;
	v8 =	vld [tilespmem:s9+$0x70];
	v9 =	vpop (erf);
	(erf) = vrcp.f32 v5  }
0x432: {  	v10 =	vpop (erf);
	(erf) = vrcp.f32 v4  }
0x433: {  	v11 =	vpop (erf);
	(erf) = vrcp.f32 v3  }
0x434: {  	vm9 =	vgt.f32 v3, $0.0e+00;
	v3 =	vpop (erf);
	(erf) = vrcp.f32 v2  }
0x435: {  	v12 =	vpop (erf);
	(erf) = vrcp.f32 v7  }
0x436: {  	vm5 =	vgt.f32 v8, $0.0e+00;
	v13 =	vpop (erf);
	(erf) = vrcp.f32 v8;
	v8 =	vld [tilespmem:s9+$0xFFFFFF10]  }
0x437: {  	vm0 =	vgt.f32 v15, $0.0e+00;
	vm10 =	vgt.f32 v5, $0.0e+00;
	v5 =	vld [tilespmem:s9+$0xC0]  }
0x438: {  	v1 =	vnsel vm0, $0x0, v1;
	vm11 =	vgt.f32 v4, $0.0e+00;
	v4 =	vld [tilespmem:s9+$0xD0]  }
0x439: {  	[tilespmem:s9+$0xF0] =	vst v1;
	v1 =	vld [tilespmem:s9+$0xE0]  }
0x43a: {  	vm1 =	vgt.f32 v2, $0.0e+00;
	v2 =	vld [tilespmem:s9+$0xFFFFFEC0]  }
0x43b: {  	v22 =	vmul.f32 v6, v8;
	v6 =	vld [tilespmem:s9+$0xFFFFFFA0]  }
0x43c: {  	vm3 =	vgt.f32 v5, $0.0e+00;
	v14 =	vpop (erf);
	(erf) = vrcp.f32 v5;
	v5 =	vld [tilespmem:s9+$0xFFFFFF20]  }
0x43d: {  	v15 =	vpop (erf);
	(erf) = vrcp.f32 v4  }
0x43e: {  	v16 =	vld [tilespmem:s9+$0xFFFFFF80];
	(erf) = vrcp.f32 v1  }
0x43f: {  	vm4 =	vgt.f32 v4, $0.0e+00;
	v4 =	vld [tilespmem:s9+$0xFFFFFF30];
	v17 =	vpop (erf);
	(erf) = vrcp.f32 v2  }
0x440: {  	v18 =	vld [tilespmem:s9+$0xFFFFFF90];
	v19 =	vpop (erf);
	v6 =	vmul.f32 v12, v6  }
0x441: {  	v20 =	vpop (erf);
	v23 =	vmul.f32 v9, v5;
	v5 =	vld [tilespmem:s9+$0xFFFFFFB0]  }
0x442: {  	vm2 =	vgt.f32 v7, $0.0e+00;
	v9 =	vld [tilespmem:s9+$0x0];
	v21 =	vpop (erf);
	v6 =	vnsel vm12, $0x0, v6  }
0x443: {  	vm6 =	vgt.f32 v1, $0.0e+00;
	vm0 =	vgt.f32 v2, $0.0e+00;
	v8 =	vnsel vm7, $0x0, v22;
	v1 =	vpop (erf);
	[tilespmem:s9+$0xFFFFFF60] =	vst v6;
	v6 =	vld [tilespmem:$0x1FF10]  }
0x444: {  	v7 =	vld [tilespmem:s9+$0xFFFFFF00];
	v24 =	vmul.f32 v10, v4;
	v10 =	vmul.f32 v11, v16;
	[tilespmem:s9+$0xFFFFFED0] =	vst v8;
	v8 =	vnsel vm8, $0x0, v23;
	v2 =	vpop (erf)  }
0x445: {  	[tilespmem:s9+$0xFFFFFEE0] =	vst v8;
	v8 =	vmul.f32 v3, v18;
	v3 =	vpop (erf)  }
0x446: {  	v10 =	vnsel vm15, $0x0, v10;
	v4 =	vpop (erf)  }
0x447: {  	[tilespmem:s9+$0xFFFFFF40] =	vst v10;
	v8 =	vnsel vm13, $0x0, v8;
	v10 =	vmul.f32 v13, v5;
	v5 =	vpop (erf)  }
0x448: {  	[tilespmem:s9+$0xFFFFFF50] =	vst v8;
	v8 =	vmul.f32 v14, v9;
	v9 =	vpop (erf);
	vm7 =	vnez.u8 v6  }
0x449: {  	v9 =	vmul.f32 v9, v7;
	v7 =	vnsel vm7, $0x0, v10  }
0x44a: {  	[tilespmem:s9+$0xFFFFFF70] =	vst v7;
	v7 =	vld [tilespmem:$0x1FF20];
	_ =	sdelay $0x3  }
0x44b: {  	v62 =	vld [tilespmem:s9+$0x20]  }
0x44c: {  	v11 =	vld [tilespmem:s9+$0x10];
	vm7 =	vnez.u8 v7  }
0x44d: {  	v12 =	vld [tilespmem:s9+$0x30];
	v8 =	vnsel vm7, $0x0, v8  }
0x44e: {  	[tilespmem:s9+$0xFFFFFFC0] =	vst v8;
	v8 =	vld [tilespmem:$0x1FF30]  }
0x44f: {  	s14 =	sadd.s32 $0x5, s14;
	v13 =	vld [tilespmem:s9+$0x80]  }
0x450: {  	p0 =	slt.u32 s14, $0x78;
	v63 =	vld [tilespmem:s9+$0x90];
	v9 =	vnsel vm0, $0x0, v9  }
.Ltmp27:
0x451: {  	[tilespmem:s9+$0xFFFFFEC0] =	vst v9;
	v9 =	vld [tilespmem:s9+$0x110];
	(pc) =	sbr.rel @p0 .LBB2_51-.Ltmp27, $4  }
0x452: {  	v61 =	vnsel vm14, $0x0, v24;
	v6 =	vld [tilespmem:s9+$0xA0];
	v10 =	vmul.f32 v15, v11  }
0x453: {  	v12 =	vmul.f32 v19, v12;
	v11 =	vmul.f32 v17, v62;
	v7 =	vld [tilespmem:s9+$0xB0];
	vm0 =	vnez.u8 v8  }
0x454: {  	s13 =	smov.u32 s9;
	[tilespmem:s9+$0xFFFFFEF0] =	vst v61;
	v14 =	vmul.f32 v20, v13;
	v8 =	vld [tilespmem:s9+$0x100];
	v10 =	vnsel vm0, $0x0, v10  }
0x455: {  	v13 =	vmul.f32 v21, v63;
	v12 =	vnsel vm11, $0x0, v12;
	v11 =	vnsel vm10, $0x0, v11;
	s9 =	sadd.s32 $0x280, s9;
	[tilespmem:s13+$0xFFFFFFD0] =	vst v10;
	v10 =	vld [tilespmem:s13+$0x120]  }
0x456: {  	[tilespmem:s13+$0xFFFFFFE0] =	vst v11  }
0x457: {  	v62 =	vnsel vm9, $0x0, v14;
	[tilespmem:s13+$0xFFFFFFF0] =	vst v12;
	v1 =	vmul.f32 v1, v6  }
0x458: {  	v63 =	vnsel vm1, $0x0, v13;
	[tilespmem:s13+$0x40] =	vst v62;
	v2 =	vmul.f32 v2, v7  }
0x459: {  	[tilespmem:s13+$0x50] =	vst v63;
	v1 =	vnsel vm2, $0x0, v1;
	v3 =	vmul.f32 v3, v8  }
0x45a: {  	v4 =	vmul.f32 v4, v9;
	v2 =	vnsel vm5, $0x0, v2;
	[tilespmem:s13+$0x60] =	vst v1  }
0x45b: {  	v1 =	vnsel vm3, $0x0, v3;
	v3 =	vmul.f32 v5, v10;
	[tilespmem:s13+$0x70] =	vst v2  }
0x45c: {  	v2 =	vnsel vm4, $0x0, v4;
	[tilespmem:s13+$0xC0] =	vst v1  }
0x45d: {  	s9 =	simm.s32 $0x0;
	[tilespmem:s13+$0xD0] =	vst v2;
	v1 =	vnsel vm6, $0x0, v3  }
0x45e: {  	s2 =	sadd.s32 $0x0, s22;
	s1 =	simm.s32 $0x80;
	[tilespmem:s13+$0xE0] =	vst v1;
	s13 =	simm.s32 $0x10  }
.LBB2_53:
0x45f: {  	[hbm4b:s2+s5] =	stream.linear.scatter [tilespmem:s9], [sflag:$0x7], $0x40, $0x38;
	[tilespmem:$0x1F580] =	vst v63  }
0x460: {  	s2 =	smov.u32 s13;
	s9 =	smov.u32 s1;
	p0 =	sne.s32 s13, $0x7C0  }
.Ltmp28:
0x461: {  	s13 =	sadd.s32 $0x10, s13;
	(pc) =	sbr.rel @p0 .LBB2_53-.Ltmp28, $2  }
0x462: {  	_ =	sdelay $0x2  }
0x463: {  	s1 =	sadd.s32 $0x80, s1;
	s2 =	sadd.s32 s2, s22  }
0x464: {  	[hbm4b:s2+s5] =	stream.linear.scatter [tilespmem:s9], [sflag:$0x7], $0x40, $0x38;
	[tilespmem:$0x1F580] =	vst v63  }
0x465: {  	_ =	swait.ge [sflag:s28], $0x1F40  }
0x466: {  	s30 =	rddreg [dreg:$0xd]  }
0x467: {  	s1 =	rddreg [dreg:$0xb];
	s2 =	sadd.s32 $0x1, s30  }
0x468: {  	p0 =	sne.s32 s2, s1  }
.Ltmp29:
0x469: {  	_ = 	snop;
	(pc) =	sbr.rel @p0 .LBB2_1-.Ltmp29, $3  }
0x46a: {  	_ =	sdelay $0x1  }
0x46b: {  	[sflag:s28] =	ssyncset.done $0x0  }
0x46c: {  	[sflag:s28] =	ssyncadd.s32 $0xFFFFE0C0  }
0x46d: {  	_ =	sfence.sel $0x180000  }
0x46e: {  	[bflag:$0x0] =	sbarrier.arrive $0xFFFF  }
0x46f: {  	_ =	strace $0x90000047  }
0x470: {  	s0 =	stileid.u32;
	[bflag:$0x2] =	sbarrier.arrive $0xFFFF  }
0x471: {  	p0 =	sne.s32 s0, $0x0;
	s0 =	rddreg [dreg:$0x4]  }
0x472: {  	s0 =	sadd.s32 @!p0 $0x100000, s0  }
0x473: {  	[sflag:s0] =	ssyncadd.tile.s32 @!p0 $0x1;
	_ =	shalt  }
.Lfunc_end2:
_tile_overlayer_lowered:
.L_overlay_start_2:
0x474: {  	(tag) =	ssettag $0x2  }
0x475: {  	s0 =	rddreg [dreg:$0x0];
	s2 =	stileid.u32  }
0x476: {  	s1 =	rddreg [dreg:$0x1];
	p0 =	sne.s32 s2, $0x0  }
0x477: {  	s3 =	rddreg [dreg:$0x2];
	[bflag:$0x3] =	sbarrier.arrive $0xFFFF;
	s2 =	simm.s32 @!p0 $0x1C07  }
0x478: {  	[timem:s3], [sflag:s2] =	dma.local @!p0 [hbm:s0], s1  }
0x479: {  	s0 =	simm.s32 @!p0 $0x7  }
0x47a: {  	_ =	swait.ge @!p0 [sflag:s0], s1  }
0x47b: {  	s1 =	ssub.s32 @!p0 $0x0, s1;
	[sflag:s0] =	ssyncset.done @!p0 $0x0  }
0x47c: {  	[sflag:s0] =	ssyncadd.s32 @!p0 s1  }
0x47d: {  	[bflag:$0x3] =	sbarrier.arrive $0xFFFF  }
0x47e: {  	_ =	shalt  }

</sc_bundles>
